<compile_context>
chip_gen: v7x
topology: tpu7x:2x2x1
jax: 0.10.2.dev20260603
libtpu: 0.0.44.dev20260713+nightly
codegen_flags: <defaults>
</compile_context>

<pallas_src>
import functools

import jax
import jax.numpy as jnp
from jax import lax
from jax.experimental import pallas as pl
from jax.experimental.pallas import tpu as pltpu
from jax.experimental.pallas import tpu_sc as plsc

NC = 2
NS = 16
NW = NC * NS
L = 16
CH = 2048
CB = 131072


def _iota():
    return lax.iota(jnp.int32, L)


def _idx(i):
    return jnp.full((L,), i, dtype=jnp.int32)


def _sload(ref, i):
    return plsc.load_gather(ref, [_idx(i)])[0]


def _swrite(ref, i, val):
    v = jnp.broadcast_to(val, (L,)).astype(ref.dtype)
    plsc.store_scatter(ref, [_idx(i)], v, mask=_iota() == 0)


def _bc(v, i):
    return lax.broadcast_in_dim(v[i], (L,), ())



def _tc_body(var_ref, dirs_ref, grads_ref, sdf_ref, dt_ref,
             alpha_ref, lom_ref, invs_ref):
    inv_s = jnp.clip(jnp.exp(var_ref[0] * 10.0), 1e-6, 1e6)
    invs_ref[0] = inv_s
    tc = (dirs_ref[0, :] * grads_ref[0, :]
          + dirs_ref[1, :] * grads_ref[1, :]
          + dirs_ref[2, :] * grads_ref[2, :])
    ic = -(jnp.maximum(0.5 - tc * 0.5, 0.0) * 0.5 + jnp.maximum(-tc, 0.0) * 0.5)
    half = ic * dt_ref[:] * 0.5
    s = sdf_ref[:]
    pc = jax.nn.sigmoid((s - half) * inv_s)
    nc = jax.nn.sigmoid((s + half) * inv_s)
    alpha = jnp.clip((pc - nc + 1e-5) / (pc + 1e-5), 0.0, 1.0)
    alpha_ref[:] = alpha
    lom_ref[:] = jnp.log(1.0 - alpha + 1e-7)


def _tc_pass(var2, dirsT, gradsT, sdf_f, dt, n):
    grid = n // CB
    return pl.pallas_call(
        _tc_body,
        grid=(grid,),
        in_specs=[
            pl.BlockSpec(memory_space=pltpu.SMEM),
            pl.BlockSpec((3, CB), lambda i: (0, i)),
            pl.BlockSpec((3, CB), lambda i: (0, i)),
            pl.BlockSpec((CB,), lambda i: (i,)),
            pl.BlockSpec((CB,), lambda i: (i,)),
        ],
        out_specs=[
            pl.BlockSpec((CB,), lambda i: (i,)),
            pl.BlockSpec((CB,), lambda i: (i,)),
            pl.BlockSpec(memory_space=pltpu.SMEM),
        ],
        out_shape=[
            jax.ShapeDtypeStruct((n,), jnp.float32),
            jax.ShapeDtypeStruct((n,), jnp.float32),
            jax.ShapeDtypeStruct((1,), jnp.float32),
        ],
    )(var2, dirsT, gradsT, sdf_f, dt)



def _phase_a(n, b, bp):
    k_per = n // NW
    nch = k_per // CH
    mesh = plsc.VectorSubcoreMesh(core_axis_name="c", subcore_axis_name="s", num_cores=NC, num_subcores=NS)

    def body(alpha_hbm, lom_hbm, rr_hbm, gg_hbm, bb_hbm, cu_hbm, rbeg_hbm,
             w_out, ws_out, bg_out, pr_out, pg_out, pb_out, recs_out,
             cu_v, rbeg_v, a_v, l_v, r_v, g_v, b_v, w_v,
             a_v2, l_v2, r_v2, g_v2, b_v2, w_v2,
             acw, acr, acg, acb, lt_v,
             ws_s, bg_s, pr_s, pg_s, pb_s, idx_s, rec_v,
             sti, sem_in, sem_in1, sem_fl, sem_o0, sem_o1):
        wid = lax.axis_index("s") * NC + lax.axis_index("c")
        s0 = wid * k_per
        s1 = s0 + k_per
        pltpu.sync_copy(cu_hbm, cu_v)
        pltpu.sync_copy(rbeg_hbm, rbeg_v)
        r0 = _sload(rbeg_v, wid)
        sti[0] = r0
        sti[1] = 0
        z = jnp.zeros((L,), jnp.float32)
        acw[...] = z
        acr[...] = z
        acg[...] = z
        acb[...] = z
        lt_v[...] = z
        rec_v[...] = z
        idx_s[...] = _idx(b) + _iota()

        def append(ray, wsum, bgv, prv, pgv, pbv):
            fc = sti[1]
            _swrite(ws_s, fc, wsum)
            _swrite(bg_s, fc, bgv)
            _swrite(pr_s, fc, prv)
            _swrite(pg_s, fc, pgv)
            _swrite(pb_s, fc, pbv)
            _swrite(idx_s, fc, ray)
            sti[1] = fc + 1

            @pl.when(fc + 1 == L)
            def _():
                c1 = pltpu.async_copy(ws_s, ws_out.at[idx_s], sem_fl)
                c2 = pltpu.async_copy(bg_s, bg_out.at[idx_s], sem_fl)
                c3 = pltpu.async_copy(pr_s, pr_out.at[idx_s], sem_fl)
                c4 = pltpu.async_copy(pg_s, pg_out.at[idx_s], sem_fl)
                c5 = pltpu.async_copy(pb_s, pb_out.at[idx_s], sem_fl)
                c1.wait()
                c2.wait()
                c3.wait()
                c4.wait()
                c5.wait()
                idx_s[...] = _idx(b) + _iota()
                sti[1] = 0

        def reduce_accs():
            wsum = jnp.sum(acw[...])
            bgv = jnp.exp(lt_v[...])[0]
            prv = jnp.sum(acr[...])
            pgv = jnp.sum(acg[...])
            pbv = jnp.sum(acb[...])
            return wsum, bgv, prv, pgv, pbv

        def reset_accs():
            z2 = jnp.zeros((L,), jnp.float32)
            acw[...] = z2
            acr[...] = z2
            acg[...] = z2
            acb[...] = z2
            lt_v[...] = z2

        def write_head_rec(closed):
            wsum, _, prv, pgv, pbv = reduce_accs()
            i = _iota()
            rec = (jnp.where(i == 0, 1.0, 0.0)
                   + jnp.where(i == 1, jnp.where(closed, 1.0, 0.0), 0.0)
                   + jnp.where(i == 2, wsum, 0.0)
                   + jnp.where(i == 3, prv, 0.0)
                   + jnp.where(i == 4, pgv, 0.0)
                   + jnp.where(i == 5, pbv, 0.0)
                   + jnp.where(i == 6, lt_v[...][0], 0.0))
            rec_v[...] = rec_v[...] + rec

        def write_tail_rec(ray):
            wsum, _, prv, pgv, pbv = reduce_accs()
            i = _iota()
            rec = (jnp.where(i == 7, 1.0, 0.0)
                   + jnp.where(i == 8, ray.astype(jnp.float32), 0.0)
                   + jnp.where(i == 9, wsum, 0.0)
                   + jnp.where(i == 10, prv, 0.0)
                   + jnp.where(i == 11, pgv, 0.0)
                   + jnp.where(i == 12, pbv, 0.0)
                   + jnp.where(i == 13, lt_v[...][0], 0.0))
            rec_v[...] = rec_v[...] + rec

        bufs = ((a_v, l_v, r_v, g_v, b_v, w_v, sem_o0, sem_in),
                (a_v2, l_v2, r_v2, g_v2, b_v2, w_v2, sem_o1, sem_in1))
        ins = (alpha_hbm, lom_hbm, rr_hbm, gg_hbm, bb_hbm)

        def issue_in(cidx, bs):
            w0 = s0 + cidx * CH
            for hbm, dst in zip(ins, bs[:5]):
                pltpu.async_copy(hbm.at[pl.ds(w0, CH)], dst, bs[7])

        def drain_in(bs):
            for dst in bs[:5]:
                pltpu.make_async_copy(alpha_hbm.at[pl.ds(0, CH)], dst,
                                      bs[7]).wait()

        def process(cidx, bs):
            w0 = s0 + cidx * CH
            a_b, l_b, r_b, g_b, b_b, w_b = bs[:6]

            def piece(pos):
                r = sti[0]
                e_ray = _sload(cu_v, r + 1)
                e = jnp.minimum(e_ray, w0 + CH)
                q0 = pos - lax.rem(pos, L)

                def vbody(carry):
                    q, aw, ar, ag, ab2, ltv = carry
                    off = q - w0
                    gidx = q + _iota()
                    m = (gidx >= pos) & (gidx < e)
                    lo = l_b[pl.ds(off, L)]
                    lom = jnp.where(m, lo, 0.0)
                    cs = plsc.cumsum(lom)
                    excl = cs - lom
                    tv = jnp.exp(excl + ltv)
                    al = a_b[pl.ds(off, L)]
                    wv = jnp.where(m, al * tv, 0.0)
                    plsc.store_scatter(w_b, [off + _iota()], wv, mask=m)
                    return (q + L, aw + wv, ar + wv * r_b[pl.ds(off, L)],
                            ag + wv * g_b[pl.ds(off, L)],
                            ab2 + wv * b_b[pl.ds(off, L)],
                            ltv + _bc(cs, L - 1))

                qf, aw, ar, ag, ab2, ltv = lax.while_loop(
                    lambda cr: cr[0] < e, vbody,
                    (q0, acw[...], acr[...], acg[...], acb[...], lt_v[...]))
                acw[...] = aw
                acr[...] = ar
                acg[...] = ag
                acb[...] = ab2
                lt_v[...] = ltv

                closed = e == e_ray

                @pl.when(closed)
                def _():
                    cu_r = _sload(cu_v, r)
                    head = cu_r < s0

                    @pl.when(head)
                    def _():
                        write_head_rec(jnp.bool_(True))

                    @pl.when(jnp.logical_not(head))
                    def _():
                        wsum, bgv, prv, pgv, pbv = reduce_accs()
                        append(r, wsum, bgv, prv, pgv, pbv)

                    reset_accs()
                    sti[0] = r + 1

                return e

            lax.while_loop(lambda p: p < w0 + CH, piece, w0)

        nch2 = nch // 2
        issue_in(0, bufs[0])
        issue_in(1, bufs[1])

        def chunk_pair(i, _):
            for par in range(2):
                bs = bufs[par]
                cidx = 2 * i + par
                drain_in(bs)

                @pl.when(i >= 1)
                def _():
                    pltpu.make_async_copy(alpha_hbm.at[pl.ds(0, CH)],
                                          bs[5], bs[6]).wait()

                process(cidx, bs)
                pltpu.async_copy(
                    bs[5], w_out.at[pl.ds(s0 + cidx * CH, CH)], bs[6])

                @pl.when(i < nch2 - 1)
                def _():
                    issue_in(cidx + 2, bs)
            return 0

        lax.fori_loop(0, nch2, chunk_pair, 0)
        for par in range(2):
            pltpu.make_async_copy(alpha_hbm.at[pl.ds(0, CH)],
                                  bufs[par][5], bufs[par][6]).wait()

        r_end = sti[0]
        cu_r = _sload(cu_v, r_end)
        cu_r1 = _sload(cu_v, r_end + 1)
        opened = (cu_r < s1) & (cu_r1 > s1)

        @pl.when(opened & (cu_r >= s0))
        def _():
            write_tail_rec(r_end)

        @pl.when(opened & (cu_r < s0))
        def _():
            write_head_rec(jnp.bool_(False))

        @pl.when(wid == NW - 1)
        def _():
            def emp(rr):
                append(rr, jnp.float32(0.0), jnp.float32(1.0),
                       jnp.float32(0.0), jnp.float32(0.0), jnp.float32(0.0))
                return rr + 1

            lax.while_loop(lambda rr: rr < b, emp, r_end)

        @pl.when(sti[1] > 0)
        def _():
            c1 = pltpu.async_copy(ws_s, ws_out.at[idx_s], sem_fl)
            c2 = pltpu.async_copy(bg_s, bg_out.at[idx_s], sem_fl)
            c3 = pltpu.async_copy(pr_s, pr_out.at[idx_s], sem_fl)
            c4 = pltpu.async_copy(pg_s, pg_out.at[idx_s], sem_fl)
            c5 = pltpu.async_copy(pb_s, pb_out.at[idx_s], sem_fl)
            c1.wait()
            c2.wait()
            c3.wait()
            c4.wait()
            c5.wait()

        pltpu.sync_copy(rec_v, recs_out.at[wid])

    return pl.kernel(
        body,
        out_type=[
            jax.ShapeDtypeStruct((n,), jnp.float32),
            jax.ShapeDtypeStruct((bp,), jnp.float32),
            jax.ShapeDtypeStruct((bp,), jnp.float32),
            jax.ShapeDtypeStruct((bp,), jnp.float32),
            jax.ShapeDtypeStruct((bp,), jnp.float32),
            jax.ShapeDtypeStruct((bp,), jnp.float32),
            jax.ShapeDtypeStruct((NW, L), jnp.float32),
        ],
        mesh=mesh,
        compiler_params=pltpu.CompilerParams(needs_layout_passes=False),
        scratch_types=[
            pltpu.VMEM((b + 8,), jnp.int32),
            pltpu.VMEM((NW + 8,), jnp.int32),
            pltpu.VMEM((CH,), jnp.float32),
            pltpu.VMEM((CH,), jnp.float32),
            pltpu.VMEM((CH,), jnp.float32),
            pltpu.VMEM((CH,), jnp.float32),
            pltpu.VMEM((CH,), jnp.float32),
            pltpu.VMEM((CH,), jnp.float32),
            pltpu.VMEM((CH,), jnp.float32),
            pltpu.VMEM((CH,), jnp.float32),
            pltpu.VMEM((CH,), jnp.float32),
            pltpu.VMEM((CH,), jnp.float32),
            pltpu.VMEM((CH,), jnp.float32),
            pltpu.VMEM((CH,), jnp.float32),
            pltpu.VMEM((L,), jnp.float32),
            pltpu.VMEM((L,), jnp.float32),
            pltpu.VMEM((L,), jnp.float32),
            pltpu.VMEM((L,), jnp.float32),
            pltpu.VMEM((L,), jnp.float32),
            pltpu.VMEM((L,), jnp.float32),
            pltpu.VMEM((L,), jnp.float32),
            pltpu.VMEM((L,), jnp.float32),
            pltpu.VMEM((L,), jnp.float32),
            pltpu.VMEM((L,), jnp.float32),
            pltpu.VMEM((L,), jnp.int32),
            pltpu.VMEM((L,), jnp.float32),
            pltpu.SMEM((8,), jnp.int32),
            pltpu.SemaphoreType.DMA,
            pltpu.SemaphoreType.DMA,
            pltpu.SemaphoreType.DMA,
            pltpu.SemaphoreType.DMA,
            pltpu.SemaphoreType.DMA,
        ],
    )



def _phase_b(b, bp):
    mesh = plsc.VectorSubcoreMesh(core_axis_name="c", subcore_axis_name="s", num_cores=NC, num_subcores=NS)

    def body(recs_hbm, wsa, bga, pra, pga, pba,
             wsb, bgb, prb, pgb, pbb, cso,
             wsv, bgv, prv, pgv, pbv, recv, csv, sti):
        wid = lax.axis_index("s") * NC + lax.axis_index("c")

        @pl.when(wid == 0)
        def _():
            pltpu.sync_copy(wsa, wsv)
            pltpu.sync_copy(bga, bgv)
            pltpu.sync_copy(pra, prv)
            pltpu.sync_copy(pga, pgv)
            pltpu.sync_copy(pba, pbv)
            pltpu.sync_copy(recs_hbm, recv)

            def wbody(w, carry):
                ro, sv, pov = carry
                row = plsc.load_gather(recv, [_idx(w), _iota()])
                erow = jnp.exp(row)
                hsm = _bc(row, 0) > 0.5
                hclm = _bc(row, 1) > 0.5
                topm = _bc(row, 7) > 0.5
                ih = jnp.where(_iota() < 4, _iota() + 2, 0)
                it = jnp.where(_iota() < 4, _iota() + 9, 0)
                hv = plsc.load_gather(recv, [_idx(w), ih])
                tv = plsc.load_gather(recv, [_idx(w), it])
                _swrite(csv, w, jnp.where(hsm, pov, 1.0)[0])
                svn = sv + jnp.where(hsm, pov * hv, 0.0)
                bgf = pov * _bc(erow, 6)
                closed = hsm & hclm
                onehot = _iota() == 0
                _swrite_m = lambda ref, val: plsc.store_scatter(
                    ref, [_idx(ro)], val, mask=onehot & closed)
                _swrite_m(wsv, _bc(svn, 0))
                _swrite_m(bgv, bgf)
                _swrite_m(prv, _bc(svn, 1))
                _swrite_m(pgv, _bc(svn, 2))
                _swrite_m(pbv, _bc(svn, 3))
                pov2 = jnp.where(hsm & jnp.logical_not(hclm),
                                 pov * _bc(erow, 6), pov)
                sv2 = jnp.where(topm, tv,
                                jnp.where(closed, jnp.zeros((L,), jnp.float32),
                                          svn))
                pov3 = jnp.where(topm, _bc(erow, 13), pov2)
                tray = row.astype(jnp.int32)[8]
                top_s = row.astype(jnp.int32)[7] == 1
                ro2 = jnp.where(top_s, tray, ro)
                return ro2, sv2, pov3

            lax.fori_loop(0, NW, wbody,
                          (jnp.int32(0), jnp.zeros((L,), jnp.float32),
                           jnp.ones((L,), jnp.float32)))

            pltpu.sync_copy(wsv, wsb)
            pltpu.sync_copy(bgv, bgb)
            pltpu.sync_copy(prv, prb)
            pltpu.sync_copy(pgv, pgb)
            pltpu.sync_copy(pbv, pbb)
            pltpu.sync_copy(csv, cso)

    return pl.kernel(
        body,
        out_type=[
            jax.ShapeDtypeStruct((bp,), jnp.float32),
            jax.ShapeDtypeStruct((bp,), jnp.float32),
            jax.ShapeDtypeStruct((bp,), jnp.float32),
            jax.ShapeDtypeStruct((bp,), jnp.float32),
            jax.ShapeDtypeStruct((bp,), jnp.float32),
            jax.ShapeDtypeStruct((NW,), jnp.float32),
        ],
        mesh=mesh,
        compiler_params=pltpu.CompilerParams(needs_layout_passes=False),
        scratch_types=[
            pltpu.VMEM((bp,), jnp.float32),
            pltpu.VMEM((bp,), jnp.float32),
            pltpu.VMEM((bp,), jnp.float32),
            pltpu.VMEM((bp,), jnp.float32),
            pltpu.VMEM((bp,), jnp.float32),
            pltpu.VMEM((NW, L), jnp.float32),
            pltpu.VMEM((NW,), jnp.float32),
            pltpu.SMEM((8,), jnp.int32),
        ],
    )



def _phase_c(n, b, bp):
    k_per = n // NW
    nch = k_per // CH
    mesh = plsc.VectorSubcoreMesh(core_axis_name="c", subcore_axis_name="s", num_cores=NC, num_subcores=NS)

    def body(wa_hbm, cu_hbm, rbeg_hbm, ws_hbm, cs_hbm,
             wfin_out, wsps_out,
             cu_v, rbeg_v, ws_v, cs_v,
             win_i0, win_i1, win_o0, win_o1, sps_v0, sps_v1,
             sti, sem_i0, sem_i1, sem_o0, sem_o1):
        wid = lax.axis_index("s") * NC + lax.axis_index("c")
        s0 = wid * k_per
        s1 = s0 + k_per
        pltpu.sync_copy(cu_hbm, cu_v)
        pltpu.sync_copy(rbeg_hbm, rbeg_v)
        pltpu.sync_copy(ws_hbm, ws_v)
        pltpu.sync_copy(cs_hbm, cs_v)
        r0 = _sload(rbeg_v, wid)
        sti[0] = r0
        cwv = plsc.load_gather(cs_v, [_idx(wid)])
        cu_r0 = _sload(cu_v, r0)
        cu_r1 = _sload(cu_v, r0 + 1)
        head_act = cu_r0 < s0
        scale_end = jnp.where(head_act, jnp.minimum(cu_r1, s1), s0)

        bufs = ((win_i0, win_o0, sps_v0, sem_i0, sem_o0),
                (win_i1, win_o1, sps_v1, sem_i1, sem_o1))

        def issue_in(cidx, bs):
            pltpu.async_copy(wa_hbm.at[pl.ds(s0 + cidx * CH, CH)],
                             bs[0], bs[3])

        def process(cidx, bs):
            w0 = s0 + cidx * CH
            w_in, w_o, sps_b = bs[0], bs[1], bs[2]

            def sc_step(v, _2):
                off = v * L
                gidx = w0 + off + _iota()
                x = w_in[pl.ds(off, L)]
                w_o[pl.ds(off, L)] = jnp.where(gidx < scale_end, x * cwv, x)
                return 0

            lax.fori_loop(0, CH // L, sc_step, 0)

            def piece(pos):
                r = sti[0]
                e_ray = _sload(cu_v, r + 1)
                e = jnp.minimum(e_ray, w0 + CH)
                wsval = plsc.load_gather(ws_v, [_idx(r)])
                q0 = pos - lax.rem(pos, L)

                def vbody(q):
                    oi = (q - w0) + _iota()
                    gidx = q + _iota()
                    m = (gidx >= pos) & (gidx < e)
                    plsc.store_scatter(sps_b, [oi], wsval, mask=m)
                    return q + L

                lax.while_loop(lambda q: q < e, vbody, q0)

                @pl.when(e == e_ray)
                def _():
                    sti[0] = r + 1

                return e

            lax.while_loop(lambda p: p < w0 + CH, piece, w0)

        nch2 = nch // 2
        issue_in(0, bufs[0])
        issue_in(1, bufs[1])

        def chunk_pair(i, _):
            for par in range(2):
                bs = bufs[par]
                cidx = 2 * i + par
                pltpu.make_async_copy(wa_hbm.at[pl.ds(0, CH)], bs[0],
                                      bs[3]).wait()

                @pl.when(i >= 1)
                def _():
                    pltpu.make_async_copy(wa_hbm.at[pl.ds(0, CH)], bs[1],
                                          bs[4]).wait()
                    pltpu.make_async_copy(wa_hbm.at[pl.ds(0, CH)], bs[2],
                                          bs[4]).wait()

                process(cidx, bs)
                w0 = s0 + cidx * CH
                pltpu.async_copy(bs[1], wfin_out.at[pl.ds(w0, CH)], bs[4])
                pltpu.async_copy(bs[2], wsps_out.at[pl.ds(w0, CH)], bs[4])

                @pl.when(i < nch2 - 1)
                def _():
                    issue_in(cidx + 2, bs)
            return 0

        lax.fori_loop(0, nch2, chunk_pair, 0)
        for par in range(2):
            pltpu.make_async_copy(wa_hbm.at[pl.ds(0, CH)], bufs[par][1],
                                  bufs[par][4]).wait()
            pltpu.make_async_copy(wa_hbm.at[pl.ds(0, CH)], bufs[par][2],
                                  bufs[par][4]).wait()

    return pl.kernel(
        body,
        out_type=[
            jax.ShapeDtypeStruct((n,), jnp.float32),
            jax.ShapeDtypeStruct((n,), jnp.float32),
        ],
        mesh=mesh,
        compiler_params=pltpu.CompilerParams(needs_layout_passes=False),
        scratch_types=[
            pltpu.VMEM((b + 8,), jnp.int32),
            pltpu.VMEM((NW + 8,), jnp.int32),
            pltpu.VMEM((bp,), jnp.float32),
            pltpu.VMEM((NW,), jnp.float32),
            pltpu.VMEM((CH,), jnp.float32),
            pltpu.VMEM((CH,), jnp.float32),
            pltpu.VMEM((CH,), jnp.float32),
            pltpu.VMEM((CH,), jnp.float32),
            pltpu.VMEM((CH,), jnp.float32),
            pltpu.VMEM((CH,), jnp.float32),
            pltpu.SMEM((8,), jnp.int32),
            pltpu.SemaphoreType.DMA,
            pltpu.SemaphoreType.DMA,
            pltpu.SemaphoreType.DMA,
            pltpu.SemaphoreType.DMA,
        ],
    )



def kernel(samples_dirs, samples_dt, sdf, gradients, rgb_samples, cu_seqlens,
           variance):
    n = samples_dirs.shape[0]
    b = cu_seqlens.shape[0] - 1
    bp = b + L

    dirsT = samples_dirs.T
    gradsT = gradients.T
    rgbT = rgb_samples.T
    sdf_f = sdf.reshape(n)
    var2 = jnp.asarray(variance, jnp.float32).reshape(1)

    alpha, lom, invs = _tc_pass(var2, dirsT, gradsT, sdf_f, samples_dt, n)

    cu = cu_seqlens.astype(jnp.int32)
    cu_pad = jnp.concatenate([cu, jnp.full((7,), n, jnp.int32)])
    starts = jnp.arange(NW, dtype=jnp.int32) * (n // NW)
    lb = jnp.searchsorted(cu, starts, side='left').astype(jnp.int32)
    ub = jnp.searchsorted(cu, starts, side='right').astype(jnp.int32)
    rbeg = jnp.concatenate([jnp.minimum(lb, ub - 1),
                            jnp.zeros((8,), jnp.int32)])

    w_a, ws_a, bg_a, pr_a, pg_a, pb_a, recs = _phase_a(n, b, bp)(
        alpha, lom, rgbT[0], rgbT[1], rgbT[2], cu_pad, rbeg)
    ws_b, bg_b, pr_b, pg_b, pb_b, cs = _phase_b(b, bp)(
        recs, ws_a, bg_a, pr_a, pg_a, pb_a)
    weights, wsps = _phase_c(n, b, bp)(w_a, cu_pad, rbeg, ws_b, cs)

    pred_rgb = jnp.stack([pr_b[:b], pg_b[:b], pb_b[:b]], axis=1)
    return (pred_rgb,
            weights.reshape(n, 1),
            ws_b[:b].reshape(b, 1),
            wsps.reshape(n, 1),
            bg_b[:b],
            invs[0])

# --- scband reference (transcript-rebuilt; emitter-appended) ---
"""Pipeline reference for scband-volume-rendering-neus-51780125721343 (READ-ONLY COPY).

The authoritative reference and input builder live on the scoring server;
editing this copy changes nothing except your own understanding.
"""

import jax, jax.numpy as jnp
import numpy as np

N = 2097152
B = 16384


def setup_inputs(seed: int = 0) -> dict:
    key = jax.random.key(seed)
    k = jax.random.split(key, 6)
    samples_dirs = jax.random.normal(k[0], (N, 3), dtype=jnp.float32)
    samples_dirs = samples_dirs / (jnp.linalg.norm(samples_dirs, axis=-1, keepdims=True) + 1e-8)
    samples_dt = jax.random.uniform(k[1], (N,), dtype=jnp.float32) * 0.01
    sdf = jax.random.normal(k[2], (N, 1), dtype=jnp.float32) * 0.1
    gradients = jax.random.normal(k[3], (N, 3), dtype=jnp.float32)
    rgb_samples = jax.random.uniform(k[4], (N, 3), dtype=jnp.float32)
    cu = jnp.sort(jax.random.randint(k[5], (B + 1,), 0, N)).astype(jnp.int32)
    cu = cu.at[0].set(0).at[-1].set(N)
    variance = jnp.asarray(0.3, dtype=jnp.float32)  # learned SingleVarianceNetwork param
    return {
        'samples_dirs': samples_dirs,
        'samples_dt': samples_dt,
        'sdf': sdf,
        'gradients': gradients,
        'rgb_samples': rgb_samples,
        'cu_seqlens': cu,
        'variance': variance,
    }


def reference(samples_dirs, samples_dt, sdf, gradients, rgb_samples, cu_seqlens, variance):
    cos_anneal_ratio = 0.5
    n = samples_dirs.shape[0]
    b = cu_seqlens.shape[0] - 1
    # map each packed sample to its ray id
    seg_ids = jnp.clip(jnp.searchsorted(cu_seqlens, jnp.arange(n, dtype=cu_seqlens.dtype), side='right') - 1, 0, b - 1)

    # SingleVarianceNetwork forward
    inv_s = jnp.clip(jnp.exp(variance * 10.0), 1e-06, 1000000.0)

    true_cos = jnp.sum(samples_dirs * gradients, axis=-1, keepdims=True)
    iter_cos = -(jax.nn.relu(-true_cos * 0.5 + 0.5) * (1.0 - cos_anneal_ratio) + jax.nn.relu(-true_cos) * cos_anneal_ratio)
    dists = samples_dt.reshape(-1, 1)
    estimated_next_sdf = sdf + iter_cos * dists * 0.5
    estimated_prev_sdf = sdf - iter_cos * dists * 0.5
    prev_cdf = jax.nn.sigmoid(estimated_prev_sdf * inv_s)
    next_cdf = jax.nn.sigmoid(estimated_next_sdf * inv_s)
    p = prev_cdf - next_cdf
    c = prev_cdf
    alpha = jnp.clip((p + 1e-05) / (c + 1e-05), 0.0, 1.0)

    # CumprodAlpha2Transmittance: per-ray EXCLUSIVE cumprod of (1 - alpha + 1e-7)
    one_minus = (1.0 - alpha + 1e-07).squeeze(-1)
    log_om = jnp.log(one_minus)
    csum = jnp.cumsum(log_om)
    excl = jnp.concatenate([jnp.zeros((1,), dtype=log_om.dtype), csum[:-1]])
    seg_start = excl[cu_seqlens[:-1]]
    transmittance = jnp.exp(excl - seg_start[seg_ids]).reshape(-1, 1)
    bg_transmittance = jnp.exp(jax.ops.segment_sum(log_om, seg_ids, num_segments=b))

    weights = (alpha * transmittance).reshape(-1, 1)

    # SumOverRay
    weights_sum = jax.ops.segment_sum(weights.squeeze(-1), seg_ids, num_segments=b).reshape(-1, 1)
    weight_sum_per_sample = weights_sum[seg_ids.reshape(-1), :]

    # IntegrateWithWeights
    pred_rgb = jax.ops.segment_sum(rgb_samples * weights, seg_ids, num_segments=b)

    return (pred_rgb, weights, weights_sum, weight_sum_per_sample, bg_transmittance, inv_s)

if __name__ == "__main__":
    import jax
    _d = setup_inputs()
    print(jax.jit(kernel)(*tuple(_d.values())))

</pallas_src>

<mosaic_0001>
#map = affine_map<(d0, d1) -> (0)>
#map1 = affine_map<(d0, d1) -> (0, 0)>
module attributes {stable_mosaic.version = 14 : i64} {
  func.func @body(%arg0: i32, %arg1: i32, %arg2: memref<2097152xf32, #tpu.memory_space<hbm>>, %arg3: memref<2097152xf32, #tpu.memory_space<hbm>>, %arg4: memref<2097152xf32, #tpu.memory_space<hbm>>, %arg5: memref<2097152xf32, #tpu.memory_space<hbm>>, %arg6: memref<2097152xf32, #tpu.memory_space<hbm>>, %arg7: memref<16392xi32, #tpu.memory_space<hbm>>, %arg8: memref<40xi32, #tpu.memory_space<hbm>>, %arg9: memref<2097152xf32, #tpu.memory_space<hbm>>, %arg10: memref<16400xf32, #tpu.memory_space<hbm>>, %arg11: memref<16400xf32, #tpu.memory_space<hbm>>, %arg12: memref<16400xf32, #tpu.memory_space<hbm>>, %arg13: memref<16400xf32, #tpu.memory_space<hbm>>, %arg14: memref<16400xf32, #tpu.memory_space<hbm>>, %arg15: memref<32x16xf32, #tpu.memory_space<hbm>>, %arg16: memref<16392xi32, #tpu.memory_space<vmem>>, %arg17: memref<40xi32, #tpu.memory_space<vmem>>, %arg18: memref<2048xf32, #tpu.memory_space<vmem>>, %arg19: memref<2048xf32, #tpu.memory_space<vmem>>, %arg20: memref<2048xf32, #tpu.memory_space<vmem>>, %arg21: memref<2048xf32, #tpu.memory_space<vmem>>, %arg22: memref<2048xf32, #tpu.memory_space<vmem>>, %arg23: memref<2048xf32, #tpu.memory_space<vmem>>, %arg24: memref<2048xf32, #tpu.memory_space<vmem>>, %arg25: memref<2048xf32, #tpu.memory_space<vmem>>, %arg26: memref<2048xf32, #tpu.memory_space<vmem>>, %arg27: memref<2048xf32, #tpu.memory_space<vmem>>, %arg28: memref<2048xf32, #tpu.memory_space<vmem>>, %arg29: memref<2048xf32, #tpu.memory_space<vmem>>, %arg30: memref<16xf32, #tpu.memory_space<vmem>>, %arg31: memref<16xf32, #tpu.memory_space<vmem>>, %arg32: memref<16xf32, #tpu.memory_space<vmem>>, %arg33: memref<16xf32, #tpu.memory_space<vmem>>, %arg34: memref<16xf32, #tpu.memory_space<vmem>>, %arg35: memref<16xf32, #tpu.memory_space<vmem>>, %arg36: memref<16xf32, #tpu.memory_space<vmem>>, %arg37: memref<16xf32, #tpu.memory_space<vmem>>, %arg38: memref<16xf32, #tpu.memory_space<vmem>>, %arg39: memref<16xf32, #tpu.memory_space<vmem>>, %arg40: memref<16xi32, #tpu.memory_space<vmem>>, %arg41: memref<16xf32, #tpu.memory_space<vmem>>, %arg42: memref<8xi32, #tpu.memory_space<smem>>, %arg43: memref<!tpu.dma_semaphore, #tpu.memory_space<semaphore_mem>>, %arg44: memref<!tpu.dma_semaphore, #tpu.memory_space<semaphore_mem>>, %arg45: memref<!tpu.dma_semaphore, #tpu.memory_space<semaphore_mem>>, %arg46: memref<!tpu.dma_semaphore, #tpu.memory_space<semaphore_mem>>, %arg47: memref<!tpu.dma_semaphore, #tpu.memory_space<semaphore_mem>>) attributes {dimension_semantics = [#tpu.dimension_semantics<core_parallel>, #tpu.dimension_semantics<subcore_parallel>], iteration_bounds = array<i64: 2, 16>, scalar_prefetch = 0 : i64, scratch_operands = 32 : i64, tpu.core_type = #tpu.core_type<sc_vector_subcore>, window_params = [{transform_indices = #map}, {transform_indices = #map}, {transform_indices = #map}, {transform_indices = #map}, {transform_indices = #map}, {transform_indices = #map}, {transform_indices = #map}, {transform_indices = #map}, {transform_indices = #map}, {transform_indices = #map}, {transform_indices = #map}, {transform_indices = #map}, {transform_indices = #map}, {transform_indices = #map1}]} {
    %mul3A = arith.constant 2 : i32
    %mul3A_0 = arith.muli %arg1, %mul3A : i32
    %add3A = arith.addi %mul3A_0, %arg0 : i32
    %mul3A_1 = arith.constant 65536 : i32
    %mul3A_2 = arith.muli %add3A, %mul3A_1 : i32
    %add3A_3 = arith.constant 65536 : i32
    %add3A_4 = arith.addi %mul3A_2, %add3A_3 : i32
    "tpu.region"() ({
      %run_scoped3A = tpu.sem_alloc : memref<!tpu.dma_semaphore, #tpu.memory_space<semaphore_mem>>
      tpu.enqueue_dma source(%arg7 : memref<16392xi32, #tpu.memory_space<hbm>>) target(%arg16 : memref<16392xi32, #tpu.memory_space<vmem>>) target_semaphore(%run_scoped3A : memref<!tpu.dma_semaphore, #tpu.memory_space<semaphore_mem>>)
      tpu.wait_dma2 semaphore(%run_scoped3A : memref<!tpu.dma_semaphore, #tpu.memory_space<semaphore_mem>>) src(%arg7 : memref<16392xi32, #tpu.memory_space<hbm>>) dst(%arg16 : memref<16392xi32, #tpu.memory_space<vmem>>)
      tpu.yield
    }) : () -> ()
    "tpu.region"() ({
      %run_scoped3A = tpu.sem_alloc : memref<!tpu.dma_semaphore, #tpu.memory_space<semaphore_mem>>
      tpu.enqueue_dma source(%arg8 : memref<40xi32, #tpu.memory_space<hbm>>) target(%arg17 : memref<40xi32, #tpu.memory_space<vmem>>) target_semaphore(%run_scoped3A : memref<!tpu.dma_semaphore, #tpu.memory_space<semaphore_mem>>)
      tpu.wait_dma2 semaphore(%run_scoped3A : memref<!tpu.dma_semaphore, #tpu.memory_space<semaphore_mem>>) src(%arg8 : memref<40xi32, #tpu.memory_space<hbm>>) dst(%arg17 : memref<40xi32, #tpu.memory_space<vmem>>)
      tpu.yield
    }) : () -> ()
    %broadcast_in_dim3A = vector.broadcast %add3A : i32 to vector<16xi32>
    %gather3A = tpu.vector_load_idx %arg17[%broadcast_in_dim3A] : memref<40xi32, #tpu.memory_space<vmem>>[vector<16xi32>], vector<16xi32>,
    %slice3A = vector.extract_strided_slice %gather3A {offsets = [0], sizes = [1], strides = [1]} : vector<16xi32> to vector<1xi32>
    %squeeze3A = vector.extract %slice3A[0] : i32 from vector<1xi32>
    %swap3A = arith.constant 0 : i32
    %swap3A_5 = arith.index_cast %swap3A : i32 to index
    %swap3A_6 = memref.load %arg42[%swap3A_5] : memref<8xi32, #tpu.memory_space<smem>>
    memref.store %squeeze3A, %arg42[%swap3A_5] : memref<8xi32, #tpu.memory_space<smem>>
    %swap3A_7 = arith.constant 0 : i32
    %swap3A_8 = arith.constant 1 : i32
    %swap3A_9 = arith.index_cast %swap3A_8 : i32 to index
    %swap3A_10 = memref.load %arg42[%swap3A_9] : memref<8xi32, #tpu.memory_space<smem>>
    memref.store %swap3A_7, %arg42[%swap3A_9] : memref<8xi32, #tpu.memory_space<smem>>
    %broadcast_in_dim3A_11 = arith.constant 0.000000e+00 : f32
    %broadcast_in_dim3A_12 = vector.broadcast %broadcast_in_dim3A_11 : f32 to vector<16xf32>
    %swap3A_13 = arith.constant 0 : index
    %swap3A_14 = tpu.vector_load %arg30[%swap3A_13] {strides = array<i32>} : memref<16xf32, #tpu.memory_space<vmem>>, vector<16xf32>,
    tpu.vector_store %arg30[%swap3A_13], %broadcast_in_dim3A_12 {strides = array<i32>} : memref<16xf32, #tpu.memory_space<vmem>>, vector<16xf32>,
    %swap3A_15 = arith.constant 0 : index
    %swap3A_16 = tpu.vector_load %arg31[%swap3A_15] {strides = array<i32>} : memref<16xf32, #tpu.memory_space<vmem>>, vector<16xf32>,
    tpu.vector_store %arg31[%swap3A_15], %broadcast_in_dim3A_12 {strides = array<i32>} : memref<16xf32, #tpu.memory_space<vmem>>, vector<16xf32>,
    %swap3A_17 = arith.constant 0 : index
    %swap3A_18 = tpu.vector_load %arg32[%swap3A_17] {strides = array<i32>} : memref<16xf32, #tpu.memory_space<vmem>>, vector<16xf32>,
    tpu.vector_store %arg32[%swap3A_17], %broadcast_in_dim3A_12 {strides = array<i32>} : memref<16xf32, #tpu.memory_space<vmem>>, vector<16xf32>,
    %swap3A_19 = arith.constant 0 : index
    %swap3A_20 = tpu.vector_load %arg33[%swap3A_19] {strides = array<i32>} : memref<16xf32, #tpu.memory_space<vmem>>, vector<16xf32>,
    tpu.vector_store %arg33[%swap3A_19], %broadcast_in_dim3A_12 {strides = array<i32>} : memref<16xf32, #tpu.memory_space<vmem>>, vector<16xf32>,
    %swap3A_21 = arith.constant 0 : index
    %swap3A_22 = tpu.vector_load %arg34[%swap3A_21] {strides = array<i32>} : memref<16xf32, #tpu.memory_space<vmem>>, vector<16xf32>,
    tpu.vector_store %arg34[%swap3A_21], %broadcast_in_dim3A_12 {strides = array<i32>} : memref<16xf32, #tpu.memory_space<vmem>>, vector<16xf32>,
    %swap3A_23 = arith.constant 0 : index
    %swap3A_24 = tpu.vector_load %arg41[%swap3A_23] {strides = array<i32>} : memref<16xf32, #tpu.memory_space<vmem>>, vector<16xf32>,
    tpu.vector_store %arg41[%swap3A_23], %broadcast_in_dim3A_12 {strides = array<i32>} : memref<16xf32, #tpu.memory_space<vmem>>, vector<16xf32>,
    %broadcast_in_dim3A_25 = arith.constant 16384 : i32
    %broadcast_in_dim3A_26 = vector.broadcast %broadcast_in_dim3A_25 : i32 to vector<16xi32>
    %iota3A = tpu.iota {dimensions = array<i32: 0>} : vector<16xi32>
    %add3A_27 = arith.addi %broadcast_in_dim3A_26, %iota3A : vector<16xi32>
    %swap3A_28 = arith.constant 0 : index
    %swap3A_29 = tpu.vector_load %arg40[%swap3A_28] {strides = array<i32>} : memref<16xi32, #tpu.memory_space<vmem>>, vector<16xi32>,
    tpu.vector_store %arg40[%swap3A_28], %add3A_27 {strides = array<i32>} : memref<16xi32, #tpu.memory_space<vmem>>, vector<16xi32>,
    %add3A_30 = arith.constant 0 : i32
    %add3A_31 = arith.addi %mul3A_2, %add3A_30 : i32
    %dma_start3A = tpu.memref_slice %arg2[%add3A_31] : memref<2097152xf32, #tpu.memory_space<hbm>> -> memref<2048xf32, #tpu.memory_space<hbm>>
    %dma_start3A_32 = tpu.memref_slice %arg2[%add3A_31] : memref<2097152xf32, #tpu.memory_space<hbm>> -> memref<2048xf32, #tpu.memory_space<hbm>>
    tpu.enqueue_dma source(%dma_start3A_32 : memref<2048xf32, #tpu.memory_space<hbm>>) target(%arg18 : memref<2048xf32, #tpu.memory_space<vmem>>) target_semaphore(%arg43 : memref<!tpu.dma_semaphore, #tpu.memory_space<semaphore_mem>>)
    %dma_start3A_33 = tpu.memref_slice %arg3[%add3A_31] : memref<2097152xf32, #tpu.memory_space<hbm>> -> memref<2048xf32, #tpu.memory_space<hbm>>
    %dma_start3A_34 = tpu.memref_slice %arg3[%add3A_31] : memref<2097152xf32, #tpu.memory_space<hbm>> -> memref<2048xf32, #tpu.memory_space<hbm>>
    tpu.enqueue_dma source(%dma_start3A_34 : memref<2048xf32, #tpu.memory_space<hbm>>) target(%arg19 : memref<2048xf32, #tpu.memory_space<vmem>>) target_semaphore(%arg43 : memref<!tpu.dma_semaphore, #tpu.memory_space<semaphore_mem>>)
    %dma_start3A_35 = tpu.memref_slice %arg4[%add3A_31] : memref<2097152xf32, #tpu.memory_space<hbm>> -> memref<2048xf32, #tpu.memory_space<hbm>>
    %dma_start3A_36 = tpu.memref_slice %arg4[%add3A_31] : memref<2097152xf32, #tpu.memory_space<hbm>> -> memref<2048xf32, #tpu.memory_space<hbm>>
    tpu.enqueue_dma source(%dma_start3A_36 : memref<2048xf32, #tpu.memory_space<hbm>>) target(%arg20 : memref<2048xf32, #tpu.memory_space<vmem>>) target_semaphore(%arg43 : memref<!tpu.dma_semaphore, #tpu.memory_space<semaphore_mem>>)
    %dma_start3A_37 = tpu.memref_slice %arg5[%add3A_31] : memref<2097152xf32, #tpu.memory_space<hbm>> -> memref<2048xf32, #tpu.memory_space<hbm>>
    %dma_start3A_38 = tpu.memref_slice %arg5[%add3A_31] : memref<2097152xf32, #tpu.memory_space<hbm>> -> memref<2048xf32, #tpu.memory_space<hbm>>
    tpu.enqueue_dma source(%dma_start3A_38 : memref<2048xf32, #tpu.memory_space<hbm>>) target(%arg21 : memref<2048xf32, #tpu.memory_space<vmem>>) target_semaphore(%arg43 : memref<!tpu.dma_semaphore, #tpu.memory_space<semaphore_mem>>)
    %dma_start3A_39 = tpu.memref_slice %arg6[%add3A_31] : memref<2097152xf32, #tpu.memory_space<hbm>> -> memref<2048xf32, #tpu.memory_space<hbm>>
    %dma_start3A_40 = tpu.memref_slice %arg6[%add3A_31] : memref<2097152xf32, #tpu.memory_space<hbm>> -> memref<2048xf32, #tpu.memory_space<hbm>>
    tpu.enqueue_dma source(%dma_start3A_40 : memref<2048xf32, #tpu.memory_space<hbm>>) target(%arg22 : memref<2048xf32, #tpu.memory_space<vmem>>) target_semaphore(%arg43 : memref<!tpu.dma_semaphore, #tpu.memory_space<semaphore_mem>>)
    %add3A_41 = arith.constant 2048 : i32
    %add3A_42 = arith.addi %mul3A_2, %add3A_41 : i32
    %dma_start3A_43 = tpu.memref_slice %arg2[%add3A_42] : memref<2097152xf32, #tpu.memory_space<hbm>> -> memref<2048xf32, #tpu.memory_space<hbm>>
    %dma_start3A_44 = tpu.memref_slice %arg2[%add3A_42] : memref<2097152xf32, #tpu.memory_space<hbm>> -> memref<2048xf32, #tpu.memory_space<hbm>>
    tpu.enqueue_dma source(%dma_start3A_44 : memref<2048xf32, #tpu.memory_space<hbm>>) target(%arg24 : memref<2048xf32, #tpu.memory_space<vmem>>) target_semaphore(%arg44 : memref<!tpu.dma_semaphore, #tpu.memory_space<semaphore_mem>>)
    %dma_start3A_45 = tpu.memref_slice %arg3[%add3A_42] : memref<2097152xf32, #tpu.memory_space<hbm>> -> memref<2048xf32, #tpu.memory_space<hbm>>
    %dma_start3A_46 = tpu.memref_slice %arg3[%add3A_42] : memref<2097152xf32, #tpu.memory_space<hbm>> -> memref<2048xf32, #tpu.memory_space<hbm>>
    tpu.enqueue_dma source(%dma_start3A_46 : memref<2048xf32, #tpu.memory_space<hbm>>) target(%arg25 : memref<2048xf32, #tpu.memory_space<vmem>>) target_semaphore(%arg44 : memref<!tpu.dma_semaphore, #tpu.memory_space<semaphore_mem>>)
    %dma_start3A_47 = tpu.memref_slice %arg4[%add3A_42] : memref<2097152xf32, #tpu.memory_space<hbm>> -> memref<2048xf32, #tpu.memory_space<hbm>>
    %dma_start3A_48 = tpu.memref_slice %arg4[%add3A_42] : memref<2097152xf32, #tpu.memory_space<hbm>> -> memref<2048xf32, #tpu.memory_space<hbm>>
    tpu.enqueue_dma source(%dma_start3A_48 : memref<2048xf32, #tpu.memory_space<hbm>>) target(%arg26 : memref<2048xf32, #tpu.memory_space<vmem>>) target_semaphore(%arg44 : memref<!tpu.dma_semaphore, #tpu.memory_space<semaphore_mem>>)
    %dma_start3A_49 = tpu.memref_slice %arg5[%add3A_42] : memref<2097152xf32, #tpu.memory_space<hbm>> -> memref<2048xf32, #tpu.memory_space<hbm>>
    %dma_start3A_50 = tpu.memref_slice %arg5[%add3A_42] : memref<2097152xf32, #tpu.memory_space<hbm>> -> memref<2048xf32, #tpu.memory_space<hbm>>
    tpu.enqueue_dma source(%dma_start3A_50 : memref<2048xf32, #tpu.memory_space<hbm>>) target(%arg27 : memref<2048xf32, #tpu.memory_space<vmem>>) target_semaphore(%arg44 : memref<!tpu.dma_semaphore, #tpu.memory_space<semaphore_mem>>)
    %dma_start3A_51 = tpu.memref_slice %arg6[%add3A_42] : memref<2097152xf32, #tpu.memory_space<hbm>> -> memref<2048xf32, #tpu.memory_space<hbm>>
    %dma_start3A_52 = tpu.memref_slice %arg6[%add3A_42] : memref<2097152xf32, #tpu.memory_space<hbm>> -> memref<2048xf32, #tpu.memory_space<hbm>>
    tpu.enqueue_dma source(%dma_start3A_52 : memref<2048xf32, #tpu.memory_space<hbm>>) target(%arg28 : memref<2048xf32, #tpu.memory_space<vmem>>) target_semaphore(%arg44 : memref<!tpu.dma_semaphore, #tpu.memory_space<semaphore_mem>>)
    %scan3A = arith.constant 0 : i32
    %scan3A_53 = arith.constant 0 : i32
    %scan3A_54 = arith.constant 16 : i32
    %scan3A_55 = arith.addi %scan3A_53, %scan3A_54 : i32
    %scan3A_56 = arith.constant 1 : i32
    %scan3A_57 = scf.for %scan3A_97 = %scan3A_53 to %scan3A_55 step %scan3A_56 iter_args(%scan3A_98 = %scan3A) -> (i32)  : i32 {
      %mul3A_99 = arith.constant 2 : i32
      %mul3A_100 = arith.muli %mul3A_99, %scan3A_97 : i32
      %add3A_101 = arith.constant 0 : i32
      %add3A_102 = arith.addi %mul3A_100, %add3A_101 : i32
      %dma_wait3A_103 = arith.constant 0 : i32
      %dma_wait3A_104 = tpu.memref_slice %arg2[%dma_wait3A_103] : memref<2097152xf32, #tpu.memory_space<hbm>> -> memref<2048xf32, #tpu.memory_space<hbm>>
      %dma_wait3A_105 = arith.constant 0 : i32
      %dma_wait3A_106 = tpu.memref_slice %arg2[%dma_wait3A_105] : memref<2097152xf32, #tpu.memory_space<hbm>> -> memref<2048xf32, #tpu.memory_space<hbm>>
      tpu.wait_dma2 semaphore(%arg43 : memref<!tpu.dma_semaphore, #tpu.memory_space<semaphore_mem>>) src(%dma_wait3A_106 : memref<2048xf32, #tpu.memory_space<hbm>>) dst(%arg18 : memref<2048xf32, #tpu.memory_space<vmem>>)
      %dma_wait3A_107 = arith.constant 0 : i32
      %dma_wait3A_108 = tpu.memref_slice %arg2[%dma_wait3A_107] : memref<2097152xf32, #tpu.memory_space<hbm>> -> memref<2048xf32, #tpu.memory_space<hbm>>
      %dma_wait3A_109 = arith.constant 0 : i32
      %dma_wait3A_110 = tpu.memref_slice %arg2[%dma_wait3A_109] : memref<2097152xf32, #tpu.memory_space<hbm>> -> memref<2048xf32, #tpu.memory_space<hbm>>
      tpu.wait_dma2 semaphore(%arg43 : memref<!tpu.dma_semaphore, #tpu.memory_space<semaphore_mem>>) src(%dma_wait3A_110 : memref<2048xf32, #tpu.memory_space<hbm>>) dst(%arg19 : memref<2048xf32, #tpu.memory_space<vmem>>)
      %dma_wait3A_111 = arith.constant 0 : i32
      %dma_wait3A_112 = tpu.memref_slice %arg2[%dma_wait3A_111] : memref<2097152xf32, #tpu.memory_space<hbm>> -> memref<2048xf32, #tpu.memory_space<hbm>>
      %dma_wait3A_113 = arith.constant 0 : i32
      %dma_wait3A_114 = tpu.memref_slice %arg2[%dma_wait3A_113] : memref<2097152xf32, #tpu.memory_space<hbm>> -> memref<2048xf32, #tpu.memory_space<hbm>>
      tpu.wait_dma2 semaphore(%arg43 : memref<!tpu.dma_semaphore, #tpu.memory_space<semaphore_mem>>) src(%dma_wait3A_114 : memref<2048xf32, #tpu.memory_space<hbm>>) dst(%arg20 : memref<2048xf32, #tpu.memory_space<vmem>>)
      %dma_wait3A_115 = arith.constant 0 : i32
      %dma_wait3A_116 = tpu.memref_slice %arg2[%dma_wait3A_115] : memref<2097152xf32, #tpu.memory_space<hbm>> -> memref<2048xf32, #tpu.memory_space<hbm>>
      %dma_wait3A_117 = arith.constant 0 : i32
      %dma_wait3A_118 = tpu.memref_slice %arg2[%dma_wait3A_117] : memref<2097152xf32, #tpu.memory_space<hbm>> -> memref<2048xf32, #tpu.memory_space<hbm>>
      tpu.wait_dma2 semaphore(%arg43 : memref<!tpu.dma_semaphore, #tpu.memory_space<semaphore_mem>>) src(%dma_wait3A_118 : memref<2048xf32, #tpu.memory_space<hbm>>) dst(%arg21 : memref<2048xf32, #tpu.memory_space<vmem>>)
      %dma_wait3A_119 = arith.constant 0 : i32
      %dma_wait3A_120 = tpu.memref_slice %arg2[%dma_wait3A_119] : memref<2097152xf32, #tpu.memory_space<hbm>> -> memref<2048xf32, #tpu.memory_space<hbm>>
      %dma_wait3A_121 = arith.constant 0 : i32
      %dma_wait3A_122 = tpu.memref_slice %arg2[%dma_wait3A_121] : memref<2097152xf32, #tpu.memory_space<hbm>> -> memref<2048xf32, #tpu.memory_space<hbm>>
      tpu.wait_dma2 semaphore(%arg43 : memref<!tpu.dma_semaphore, #tpu.memory_space<semaphore_mem>>) src(%dma_wait3A_122 : memref<2048xf32, #tpu.memory_space<hbm>>) dst(%arg22 : memref<2048xf32, #tpu.memory_space<vmem>>)
      %ge3A_123 = arith.constant 1 : i32
      %ge3A_124 = arith.cmpi sge, %scan3A_97, %ge3A_123 : i32
      %convert_element_type3A_125 = arith.extui %ge3A_124 : i1 to i32
      %cond3A_126 = arith.constant 0 : i32
      %cond3A_127 = arith.cmpi ne, %convert_element_type3A_125, %cond3A_126 : i32
      scf.if %cond3A_127 {
        %dma_wait3A_185 = arith.constant 0 : i32
        %dma_wait3A_186 = tpu.memref_slice %arg2[%dma_wait3A_185] : memref<2097152xf32, #tpu.memory_space<hbm>> -> memref<2048xf32, #tpu.memory_space<hbm>>
        %dma_wait3A_187 = arith.constant 0 : i32
        %dma_wait3A_188 = tpu.memref_slice %arg2[%dma_wait3A_187] : memref<2097152xf32, #tpu.memory_space<hbm>> -> memref<2048xf32, #tpu.memory_space<hbm>>
        tpu.wait_dma2 semaphore(%arg46 : memref<!tpu.dma_semaphore, #tpu.memory_space<semaphore_mem>>) src(%dma_wait3A_188 : memref<2048xf32, #tpu.memory_space<hbm>>) dst(%arg23 : memref<2048xf32, #tpu.memory_space<vmem>>)
      } else {
      }
      %mul3A_128 = arith.constant 2048 : i32
      %mul3A_129 = arith.muli %add3A_102, %mul3A_128 : i32
      %add3A_130 = arith.addi %mul3A_2, %mul3A_129 : i32
      %while3A = scf.while (%while3A_185 = %add3A_130) : (i32) -> i32 {
        %add3A_186 = arith.constant 2048 : i32
        %add3A_187 = arith.addi %add3A_130, %add3A_186 : i32
        %lt3A_188 = arith.cmpi slt, %while3A_185, %add3A_187 : i32
        scf.condition(%lt3A_188) %while3A_185 : i32
      } do {
      ^bb0(%while3A_185: i32):
        %get3A_186 = arith.constant 0 : i32
        %get3A_187 = arith.index_cast %get3A_186 : i32 to index
        %get3A_188 = memref.load %arg42[%get3A_187] : memref<8xi32, #tpu.memory_space<smem>>
        %add3A_189 = arith.constant 1 : i32
        %add3A_190 = arith.addi %get3A_188, %add3A_189 : i32
        %broadcast_in_dim3A_191 = vector.broadcast %add3A_190 : i32 to vector<16xi32>
        %gather3A_192 = tpu.vector_load_idx %arg16[%broadcast_in_dim3A_191] : memref<16392xi32, #tpu.memory_space<vmem>>[vector<16xi32>], vector<16xi32>,
        %slice3A_193 = vector.extract_strided_slice %gather3A_192 {offsets = [0], sizes = [1], strides = [1]} : vector<16xi32> to vector<1xi32>
        %squeeze3A_194 = vector.extract %slice3A_193[0] : i32 from vector<1xi32>
        %add3A_195 = arith.constant 2048 : i32
        %add3A_196 = arith.addi %add3A_130, %add3A_195 : i32
        %min3A = arith.minsi %squeeze3A_194, %add3A_196 : i32
        %rem3A = arith.constant 16 : i32
        %rem3A_197 = arith.remsi %while3A_185, %rem3A : i32
        %sub3A = arith.subi %while3A_185, %rem3A_197 : i32
        %get3A_198 = arith.constant 0 : index
        %get3A_199 = tpu.vector_load %arg30[%get3A_198] {strides = array<i32>} : memref<16xf32, #tpu.memory_space<vmem>>, vector<16xf32>,
        %get3A_200 = arith.constant 0 : index
        %get3A_201 = tpu.vector_load %arg31[%get3A_200] {strides = array<i32>} : memref<16xf32, #tpu.memory_space<vmem>>, vector<16xf32>,
        %get3A_202 = arith.constant 0 : index
        %get3A_203 = tpu.vector_load %arg32[%get3A_202] {strides = array<i32>} : memref<16xf32, #tpu.memory_space<vmem>>, vector<16xf32>,
        %get3A_204 = arith.constant 0 : index
        %get3A_205 = tpu.vector_load %arg33[%get3A_204] {strides = array<i32>} : memref<16xf32, #tpu.memory_space<vmem>>, vector<16xf32>,
        %get3A_206 = arith.constant 0 : index
        %get3A_207 = tpu.vector_load %arg34[%get3A_206] {strides = array<i32>} : memref<16xf32, #tpu.memory_space<vmem>>, vector<16xf32>,
        %while3A_208:6 = scf.while (%while3A_223 = %sub3A, %while3A_224 = %get3A_199, %while3A_225 = %get3A_201, %while3A_226 = %get3A_203, %while3A_227 = %get3A_205, %while3A_228 = %get3A_207) : (i32, vector<16xf32>, vector<16xf32>, vector<16xf32>, vector<16xf32>, vector<16xf32>) -> (i32, vector<16xf32>, vector<16xf32>, vector<16xf32>, vector<16xf32>, vector<16xf32>) {
          %lt3A_229 = arith.cmpi slt, %while3A_223, %min3A : i32
          scf.condition(%lt3A_229) %while3A_223, %while3A_224, %while3A_225, %while3A_226, %while3A_227, %while3A_228 : i32, vector<16xf32>, vector<16xf32>, vector<16xf32>, vector<16xf32>, vector<16xf32>
        } do {
        ^bb0(%while3A_223: i32, %while3A_224: vector<16xf32>, %while3A_225: vector<16xf32>, %while3A_226: vector<16xf32>, %while3A_227: vector<16xf32>, %while3A_228: vector<16xf32>):
          %sub3A_229 = arith.subi %while3A_223, %add3A_130 : i32
          %iota3A_230 = tpu.iota {dimensions = array<i32: 0>} : vector<16xi32>
          %add3A_231 = vector.broadcast %while3A_223 : i32 to vector<16xi32>
          %add3A_232 = arith.addi %add3A_231, %iota3A_230 : vector<16xi32>
          %ge3A_233 = vector.broadcast %while3A_185 : i32 to vector<16xi32>
          %ge3A_234 = arith.cmpi sge, %add3A_232, %ge3A_233 : vector<16xi32>
          %lt3A_235 = vector.broadcast %min3A : i32 to vector<16xi32>
          %lt3A_236 = arith.cmpi slt, %add3A_232, %lt3A_235 : vector<16xi32>
          %and3A_237 = arith.andi %ge3A_234, %lt3A_236 : vector<16xi1>
          %get3A_238 = arith.index_cast %sub3A_229 : i32 to index
          %get3A_239 = tpu.vector_load %arg19[%get3A_238] {strides = array<i32>} : memref<2048xf32, #tpu.memory_space<vmem>>, vector<16xf32>,
          %jit3A = arith.constant 0.000000e+00 : f32
          %broadcast_in_dim3A_240 = vector.broadcast %jit3A : f32 to vector<16xf32>
          %select_n3A = arith.select %and3A_237, %get3A_239, %broadcast_in_dim3A_240 : vector<16xi1>, vector<16xf32>
          %broadcast_in_dim3A_241 = arith.constant true
          %broadcast_in_dim3A_242 = vector.broadcast %broadcast_in_dim3A_241 : i1 to vector<16xi1>
          %masked_cumsum3A = tpu.scan <sum>, %select_n3A masked %broadcast_in_dim3A_242 : vector<16xf32>, vector<16xi1> -> vector<16xf32>
          %sub3A_243 = arith.subf %masked_cumsum3A, %select_n3A : vector<16xf32>
          %add3A_244 = arith.addf %sub3A_243, %while3A_228 : vector<16xf32>
          %exp3A = math.exp %add3A_244 : vector<16xf32>
          %get3A_245 = arith.index_cast %sub3A_229 : i32 to index
          %get3A_246 = tpu.vector_load %arg18[%get3A_245] {strides = array<i32>} : memref<2048xf32, #tpu.memory_space<vmem>>, vector<16xf32>,
          %mul3A_247 = arith.mulf %get3A_246, %exp3A : vector<16xf32>
          %jit3A_248 = arith.constant 0.000000e+00 : f32
          %broadcast_in_dim3A_249 = vector.broadcast %jit3A_248 : f32 to vector<16xf32>
          %select_n3A_250 = arith.select %and3A_237, %mul3A_247, %broadcast_in_dim3A_249 : vector<16xi1>, vector<16xf32>
          %iota3A_251 = tpu.iota {dimensions = array<i32: 0>} : vector<16xi32>
          %add3A_252 = vector.broadcast %sub3A_229 : i32 to vector<16xi32>
          %add3A_253 = arith.addi %add3A_252, %iota3A_251 : vector<16xi32>
          tpu.vector_store_idx %arg23[%add3A_253], %select_n3A_250 masked %and3A_237 : memref<2048xf32, #tpu.memory_space<vmem>>[vector<16xi32>], vector<16xf32>, vector<16xi1>
          %add3A_254 = arith.constant 16 : i32
          %add3A_255 = arith.addi %while3A_223, %add3A_254 : i32
          %add3A_256 = arith.addf %while3A_224, %select_n3A_250 : vector<16xf32>
          %get3A_257 = arith.index_cast %sub3A_229 : i32 to index
          %get3A_258 = tpu.vector_load %arg20[%get3A_257] {strides = array<i32>} : memref<2048xf32, #tpu.memory_space<vmem>>, vector<16xf32>,
          %mul3A_259 = arith.mulf %select_n3A_250, %get3A_258 : vector<16xf32>
          %add3A_260 = arith.addf %while3A_225, %mul3A_259 : vector<16xf32>
          %get3A_261 = arith.index_cast %sub3A_229 : i32 to index
          %get3A_262 = tpu.vector_load %arg21[%get3A_261] {strides = array<i32>} : memref<2048xf32, #tpu.memory_space<vmem>>, vector<16xf32>,
          %mul3A_263 = arith.mulf %select_n3A_250, %get3A_262 : vector<16xf32>
          %add3A_264 = arith.addf %while3A_226, %mul3A_263 : vector<16xf32>
          %get3A_265 = arith.index_cast %sub3A_229 : i32 to index
          %get3A_266 = tpu.vector_load %arg22[%get3A_265] {strides = array<i32>} : memref<2048xf32, #tpu.memory_space<vmem>>, vector<16xf32>,
          %mul3A_267 = arith.mulf %select_n3A_250, %get3A_266 : vector<16xf32>
          %add3A_268 = arith.addf %while3A_227, %mul3A_267 : vector<16xf32>
          %slice3A_269 = vector.extract_strided_slice %masked_cumsum3A {offsets = [15], sizes = [1], strides = [1]} : vector<16xf32> to vector<1xf32>
          %squeeze3A_270 = vector.extract %slice3A_269[0] : f32 from vector<1xf32>
          %broadcast_in_dim3A_271 = vector.broadcast %squeeze3A_270 : f32 to vector<16xf32>
          %add3A_272 = arith.addf %while3A_228, %broadcast_in_dim3A_271 : vector<16xf32>
          scf.yield %add3A_255, %add3A_256, %add3A_260, %add3A_264, %add3A_268, %add3A_272 : i32, vector<16xf32>, vector<16xf32>, vector<16xf32>, vector<16xf32>, vector<16xf32>
        }
        %swap3A_209 = arith.constant 0 : index
        %swap3A_210 = tpu.vector_load %arg30[%swap3A_209] {strides = array<i32>} : memref<16xf32, #tpu.memory_space<vmem>>, vector<16xf32>,
        tpu.vector_store %arg30[%swap3A_209], %while3A_208#1 {strides = array<i32>} : memref<16xf32, #tpu.memory_space<vmem>>, vector<16xf32>,
        %swap3A_211 = arith.constant 0 : index
        %swap3A_212 = tpu.vector_load %arg31[%swap3A_211] {strides = array<i32>} : memref<16xf32, #tpu.memory_space<vmem>>, vector<16xf32>,
        tpu.vector_store %arg31[%swap3A_211], %while3A_208#2 {strides = array<i32>} : memref<16xf32, #tpu.memory_space<vmem>>, vector<16xf32>,
        %swap3A_213 = arith.constant 0 : index
        %swap3A_214 = tpu.vector_load %arg32[%swap3A_213] {strides = array<i32>} : memref<16xf32, #tpu.memory_space<vmem>>, vector<16xf32>,
        tpu.vector_store %arg32[%swap3A_213], %while3A_208#3 {strides = array<i32>} : memref<16xf32, #tpu.memory_space<vmem>>, vector<16xf32>,
        %swap3A_215 = arith.constant 0 : index
        %swap3A_216 = tpu.vector_load %arg33[%swap3A_215] {strides = array<i32>} : memref<16xf32, #tpu.memory_space<vmem>>, vector<16xf32>,
        tpu.vector_store %arg33[%swap3A_215], %while3A_208#4 {strides = array<i32>} : memref<16xf32, #tpu.memory_space<vmem>>, vector<16xf32>,
        %swap3A_217 = arith.constant 0 : index
        %swap3A_218 = tpu.vector_load %arg34[%swap3A_217] {strides = array<i32>} : memref<16xf32, #tpu.memory_space<vmem>>, vector<16xf32>,
        tpu.vector_store %arg34[%swap3A_217], %while3A_208#5 {strides = array<i32>} : memref<16xf32, #tpu.memory_space<vmem>>, vector<16xf32>,
        %eq3A_219 = arith.cmpi eq, %min3A, %squeeze3A_194 : i32
        %convert_element_type3A_220 = arith.extui %eq3A_219 : i1 to i32
        %cond3A_221 = arith.constant 0 : i32
        %cond3A_222 = arith.cmpi ne, %convert_element_type3A_220, %cond3A_221 : i32
        scf.if %cond3A_222 {
          %broadcast_in_dim3A_223 = vector.broadcast %get3A_188 : i32 to vector<16xi32>
          %gather3A_224 = tpu.vector_load_idx %arg16[%broadcast_in_dim3A_223] : memref<16392xi32, #tpu.memory_space<vmem>>[vector<16xi32>], vector<16xi32>,
          %slice3A_225 = vector.extract_strided_slice %gather3A_224 {offsets = [0], sizes = [1], strides = [1]} : vector<16xi32> to vector<1xi32>
          %squeeze3A_226 = vector.extract %slice3A_225[0] : i32 from vector<1xi32>
          %lt3A_227 = arith.cmpi slt, %squeeze3A_226, %mul3A_2 : i32
          %convert_element_type3A_228 = arith.extui %lt3A_227 : i1 to i32
          %cond3A_229 = arith.constant 0 : i32
          %cond3A_230 = arith.cmpi ne, %convert_element_type3A_228, %cond3A_229 : i32
          scf.if %cond3A_230 {
            %get3A_252 = arith.constant 0 : index
            %get3A_253 = tpu.vector_load %arg30[%get3A_252] {strides = array<i32>} : memref<16xf32, #tpu.memory_space<vmem>>, vector<16xf32>,
            %reduce_sum3A = arith.constant true
            %reduce_sum3A_254 = vector.broadcast %reduce_sum3A : i1 to vector<16xi1>
            %reduce_sum3A_255 = tpu.scan <sum>, %get3A_253 masked %reduce_sum3A_254 : vector<16xf32>, vector<16xi1> -> vector<16xf32>
            %reduce_sum3A_256 = vector.extract %reduce_sum3A_255[15] : f32 from vector<16xf32>
            %get3A_257 = arith.constant 0 : index
            %get3A_258 = tpu.vector_load %arg34[%get3A_257] {strides = array<i32>} : memref<16xf32, #tpu.memory_space<vmem>>, vector<16xf32>,
            %exp3A = math.exp %get3A_258 : vector<16xf32>
            %slice3A_259 = vector.extract_strided_slice %exp3A {offsets = [0], sizes = [1], strides = [1]} : vector<16xf32> to vector<1xf32>
            %squeeze3A_260 = vector.extract %slice3A_259[0] : f32 from vector<1xf32>
            %get3A_261 = arith.constant 0 : index
            %get3A_262 = tpu.vector_load %arg31[%get3A_261] {strides = array<i32>} : memref<16xf32, #tpu.memory_space<vmem>>, vector<16xf32>,
            %reduce_sum3A_263 = arith.constant true
            %reduce_sum3A_264 = vector.broadcast %reduce_sum3A_263 : i1 to vector<16xi1>
            %reduce_sum3A_265 = tpu.scan <sum>, %get3A_262 masked %reduce_sum3A_264 : vector<16xf32>, vector<16xi1> -> vector<16xf32>
            %reduce_sum3A_266 = vector.extract %reduce_sum3A_265[15] : f32 from vector<16xf32>
            %get3A_267 = arith.constant 0 : index
            %get3A_268 = tpu.vector_load %arg32[%get3A_267] {strides = array<i32>} : memref<16xf32, #tpu.memory_space<vmem>>, vector<16xf32>,
            %reduce_sum3A_269 = arith.constant true
            %reduce_sum3A_270 = vector.broadcast %reduce_sum3A_269 : i1 to vector<16xi1>
            %reduce_sum3A_271 = tpu.scan <sum>, %get3A_268 masked %reduce_sum3A_270 : vector<16xf32>, vector<16xi1> -> vector<16xf32>
            %reduce_sum3A_272 = vector.extract %reduce_sum3A_271[15] : f32 from vector<16xf32>
            %get3A_273 = arith.constant 0 : index
            %get3A_274 = tpu.vector_load %arg33[%get3A_273] {strides = array<i32>} : memref<16xf32, #tpu.memory_space<vmem>>, vector<16xf32>,
            %reduce_sum3A_275 = arith.constant true
            %reduce_sum3A_276 = vector.broadcast %reduce_sum3A_275 : i1 to vector<16xi1>
            %reduce_sum3A_277 = tpu.scan <sum>, %get3A_274 masked %reduce_sum3A_276 : vector<16xf32>, vector<16xi1> -> vector<16xf32>
            %reduce_sum3A_278 = vector.extract %reduce_sum3A_277[15] : f32 from vector<16xf32>
            %iota3A_279 = tpu.iota {dimensions = array<i32: 0>} : vector<16xi32>
            %eq3A_280 = arith.constant 0 : i32
            %eq3A_281 = vector.broadcast %eq3A_280 : i32 to vector<16xi32>
            %eq3A_282 = arith.cmpi eq, %iota3A_279, %eq3A_281 : vector<16xi32>
            %jit3A = arith.constant 1.000000e+00 : f32
            %jit3A_283 = arith.constant 0.000000e+00 : f32
            %broadcast_in_dim3A_284 = vector.broadcast %jit3A : f32 to vector<16xf32>
            %broadcast_in_dim3A_285 = vector.broadcast %jit3A_283 : f32 to vector<16xf32>
            %select_n3A = arith.select %eq3A_282, %broadcast_in_dim3A_284, %broadcast_in_dim3A_285 : vector<16xi1>, vector<16xf32>
            %eq3A_286 = arith.constant 1 : i32
            %eq3A_287 = vector.broadcast %eq3A_286 : i32 to vector<16xi32>
            %eq3A_288 = arith.cmpi eq, %iota3A_279, %eq3A_287 : vector<16xi32>
            %jit3A_289 = arith.constant true
            %jit3A_290 = arith.constant 1.000000e+00 : f32
            %jit3A_291 = arith.constant 0.000000e+00 : f32
            %select_n3A_292 = arith.select %jit3A_289, %jit3A_290, %jit3A_291 : f32
            %jit3A_293 = arith.constant 0.000000e+00 : f32
            %broadcast_in_dim3A_294 = vector.broadcast %select_n3A_292 : f32 to vector<16xf32>
            %broadcast_in_dim3A_295 = vector.broadcast %jit3A_293 : f32 to vector<16xf32>
            %select_n3A_296 = arith.select %eq3A_288, %broadcast_in_dim3A_294, %broadcast_in_dim3A_295 : vector<16xi1>, vector<16xf32>
            %add3A_297 = arith.addf %select_n3A, %select_n3A_296 : vector<16xf32>
            %eq3A_298 = arith.constant 2 : i32
            %eq3A_299 = vector.broadcast %eq3A_298 : i32 to vector<16xi32>
            %eq3A_300 = arith.cmpi eq, %iota3A_279, %eq3A_299 : vector<16xi32>
            %jit3A_301 = arith.constant 0.000000e+00 : f32
            %broadcast_in_dim3A_302 = vector.broadcast %reduce_sum3A_256 : f32 to vector<16xf32>
            %broadcast_in_dim3A_303 = vector.broadcast %jit3A_301 : f32 to vector<16xf32>
            %select_n3A_304 = arith.select %eq3A_300, %broadcast_in_dim3A_302, %broadcast_in_dim3A_303 : vector<16xi1>, vector<16xf32>
            %add3A_305 = arith.addf %add3A_297, %select_n3A_304 : vector<16xf32>
            %eq3A_306 = arith.constant 3 : i32
            %eq3A_307 = vector.broadcast %eq3A_306 : i32 to vector<16xi32>
            %eq3A_308 = arith.cmpi eq, %iota3A_279, %eq3A_307 : vector<16xi32>
            %jit3A_309 = arith.constant 0.000000e+00 : f32
            %broadcast_in_dim3A_310 = vector.broadcast %reduce_sum3A_266 : f32 to vector<16xf32>
            %broadcast_in_dim3A_311 = vector.broadcast %jit3A_309 : f32 to vector<16xf32>
            %select_n3A_312 = arith.select %eq3A_308, %broadcast_in_dim3A_310, %broadcast_in_dim3A_311 : vector<16xi1>, vector<16xf32>
            %add3A_313 = arith.addf %add3A_305, %select_n3A_312 : vector<16xf32>
            %eq3A_314 = arith.constant 4 : i32
            %eq3A_315 = vector.broadcast %eq3A_314 : i32 to vector<16xi32>
            %eq3A_316 = arith.cmpi eq, %iota3A_279, %eq3A_315 : vector<16xi32>
            %jit3A_317 = arith.constant 0.000000e+00 : f32
            %broadcast_in_dim3A_318 = vector.broadcast %reduce_sum3A_272 : f32 to vector<16xf32>
            %broadcast_in_dim3A_319 = vector.broadcast %jit3A_317 : f32 to vector<16xf32>
            %select_n3A_320 = arith.select %eq3A_316, %broadcast_in_dim3A_318, %broadcast_in_dim3A_319 : vector<16xi1>, vector<16xf32>
            %add3A_321 = arith.addf %add3A_313, %select_n3A_320 : vector<16xf32>
            %eq3A_322 = arith.constant 5 : i32
            %eq3A_323 = vector.broadcast %eq3A_322 : i32 to vector<16xi32>
            %eq3A_324 = arith.cmpi eq, %iota3A_279, %eq3A_323 : vector<16xi32>
            %jit3A_325 = arith.constant 0.000000e+00 : f32
            %broadcast_in_dim3A_326 = vector.broadcast %reduce_sum3A_278 : f32 to vector<16xf32>
            %broadcast_in_dim3A_327 = vector.broadcast %jit3A_325 : f32 to vector<16xf32>
            %select_n3A_328 = arith.select %eq3A_324, %broadcast_in_dim3A_326, %broadcast_in_dim3A_327 : vector<16xi1>, vector<16xf32>
            %add3A_329 = arith.addf %add3A_321, %select_n3A_328 : vector<16xf32>
            %eq3A_330 = arith.constant 6 : i32
            %eq3A_331 = vector.broadcast %eq3A_330 : i32 to vector<16xi32>
            %eq3A_332 = arith.cmpi eq, %iota3A_279, %eq3A_331 : vector<16xi32>
            %get3A_333 = arith.constant 0 : index
            %get3A_334 = tpu.vector_load %arg34[%get3A_333] {strides = array<i32>} : memref<16xf32, #tpu.memory_space<vmem>>, vector<16xf32>,
            %slice3A_335 = vector.extract_strided_slice %get3A_334 {offsets = [0], sizes = [1], strides = [1]} : vector<16xf32> to vector<1xf32>
            %squeeze3A_336 = vector.extract %slice3A_335[0] : f32 from vector<1xf32>
            %jit3A_337 = arith.constant 0.000000e+00 : f32
            %broadcast_in_dim3A_338 = vector.broadcast %squeeze3A_336 : f32 to vector<16xf32>
            %broadcast_in_dim3A_339 = vector.broadcast %jit3A_337 : f32 to vector<16xf32>
            %select_n3A_340 = arith.select %eq3A_332, %broadcast_in_dim3A_338, %broadcast_in_dim3A_339 : vector<16xi1>, vector<16xf32>
            %add3A_341 = arith.addf %add3A_329, %select_n3A_340 : vector<16xf32>
            %get3A_342 = arith.constant 0 : index
            %get3A_343 = tpu.vector_load %arg41[%get3A_342] {strides = array<i32>} : memref<16xf32, #tpu.memory_space<vmem>>, vector<16xf32>,
            %add3A_344 = arith.addf %get3A_343, %add3A_341 : vector<16xf32>
            %swap3A_345 = arith.constant 0 : index
            %swap3A_346 = tpu.vector_load %arg41[%swap3A_345] {strides = array<i32>} : memref<16xf32, #tpu.memory_space<vmem>>, vector<16xf32>,
            tpu.vector_store %arg41[%swap3A_345], %add3A_344 {strides = array<i32>} : memref<16xf32, #tpu.memory_space<vmem>>, vector<16xf32>,
          } else {
          }
          %not3A = arith.constant true
          %not3A_231 = arith.xori %lt3A_227, %not3A : i1
          %convert_element_type3A_232 = arith.extui %not3A_231 : i1 to i32
          %cond3A_233 = arith.constant 0 : i32
          %cond3A_234 = arith.cmpi ne, %convert_element_type3A_232, %cond3A_233 : i32
          scf.if %cond3A_234 {
            %get3A_252 = arith.constant 0 : index
            %get3A_253 = tpu.vector_load %arg30[%get3A_252] {strides = array<i32>} : memref<16xf32, #tpu.memory_space<vmem>>, vector<16xf32>,
            %reduce_sum3A = arith.constant true
            %reduce_sum3A_254 = vector.broadcast %reduce_sum3A : i1 to vector<16xi1>
            %reduce_sum3A_255 = tpu.scan <sum>, %get3A_253 masked %reduce_sum3A_254 : vector<16xf32>, vector<16xi1> -> vector<16xf32>
            %reduce_sum3A_256 = vector.extract %reduce_sum3A_255[15] : f32 from vector<16xf32>
            %get3A_257 = arith.constant 0 : index
            %get3A_258 = tpu.vector_load %arg34[%get3A_257] {strides = array<i32>} : memref<16xf32, #tpu.memory_space<vmem>>, vector<16xf32>,
            %exp3A = math.exp %get3A_258 : vector<16xf32>
            %slice3A_259 = vector.extract_strided_slice %exp3A {offsets = [0], sizes = [1], strides = [1]} : vector<16xf32> to vector<1xf32>
            %squeeze3A_260 = vector.extract %slice3A_259[0] : f32 from vector<1xf32>
            %get3A_261 = arith.constant 0 : index
            %get3A_262 = tpu.vector_load %arg31[%get3A_261] {strides = array<i32>} : memref<16xf32, #tpu.memory_space<vmem>>, vector<16xf32>,
            %reduce_sum3A_263 = arith.constant true
            %reduce_sum3A_264 = vector.broadcast %reduce_sum3A_263 : i1 to vector<16xi1>
            %reduce_sum3A_265 = tpu.scan <sum>, %get3A_262 masked %reduce_sum3A_264 : vector<16xf32>, vector<16xi1> -> vector<16xf32>
            %reduce_sum3A_266 = vector.extract %reduce_sum3A_265[15] : f32 from vector<16xf32>
            %get3A_267 = arith.constant 0 : index
            %get3A_268 = tpu.vector_load %arg32[%get3A_267] {strides = array<i32>} : memref<16xf32, #tpu.memory_space<vmem>>, vector<16xf32>,
            %reduce_sum3A_269 = arith.constant true
            %reduce_sum3A_270 = vector.broadcast %reduce_sum3A_269 : i1 to vector<16xi1>
            %reduce_sum3A_271 = tpu.scan <sum>, %get3A_268 masked %reduce_sum3A_270 : vector<16xf32>, vector<16xi1> -> vector<16xf32>
            %reduce_sum3A_272 = vector.extract %reduce_sum3A_271[15] : f32 from vector<16xf32>
            %get3A_273 = arith.constant 0 : index
            %get3A_274 = tpu.vector_load %arg33[%get3A_273] {strides = array<i32>} : memref<16xf32, #tpu.memory_space<vmem>>, vector<16xf32>,
            %reduce_sum3A_275 = arith.constant true
            %reduce_sum3A_276 = vector.broadcast %reduce_sum3A_275 : i1 to vector<16xi1>
            %reduce_sum3A_277 = tpu.scan <sum>, %get3A_274 masked %reduce_sum3A_276 : vector<16xf32>, vector<16xi1> -> vector<16xf32>
            %reduce_sum3A_278 = vector.extract %reduce_sum3A_277[15] : f32 from vector<16xf32>
            %get3A_279 = arith.constant 1 : i32
            %get3A_280 = arith.index_cast %get3A_279 : i32 to index
            %get3A_281 = memref.load %arg42[%get3A_280] : memref<8xi32, #tpu.memory_space<smem>>
            %broadcast_in_dim3A_282 = vector.broadcast %reduce_sum3A_256 : f32 to vector<16xf32>
            %broadcast_in_dim3A_283 = vector.broadcast %get3A_281 : i32 to vector<16xi32>
            %iota3A_284 = tpu.iota {dimensions = array<i32: 0>} : vector<16xi32>
            %eq3A_285 = arith.constant 0 : i32
            %eq3A_286 = vector.broadcast %eq3A_285 : i32 to vector<16xi32>
            %eq3A_287 = arith.cmpi eq, %iota3A_284, %eq3A_286 : vector<16xi32>
            tpu.vector_store_idx %arg35[%broadcast_in_dim3A_283], %broadcast_in_dim3A_282 masked %eq3A_287 : memref<16xf32, #tpu.memory_space<vmem>>[vector<16xi32>], vector<16xf32>, vector<16xi1>
            %broadcast_in_dim3A_288 = vector.broadcast %squeeze3A_260 : f32 to vector<16xf32>
            %broadcast_in_dim3A_289 = vector.broadcast %get3A_281 : i32 to vector<16xi32>
            %iota3A_290 = tpu.iota {dimensions = array<i32: 0>} : vector<16xi32>
            %eq3A_291 = arith.constant 0 : i32
            %eq3A_292 = vector.broadcast %eq3A_291 : i32 to vector<16xi32>
            %eq3A_293 = arith.cmpi eq, %iota3A_290, %eq3A_292 : vector<16xi32>
            tpu.vector_store_idx %arg36[%broadcast_in_dim3A_289], %broadcast_in_dim3A_288 masked %eq3A_293 : memref<16xf32, #tpu.memory_space<vmem>>[vector<16xi32>], vector<16xf32>, vector<16xi1>
            %broadcast_in_dim3A_294 = vector.broadcast %reduce_sum3A_266 : f32 to vector<16xf32>
            %broadcast_in_dim3A_295 = vector.broadcast %get3A_281 : i32 to vector<16xi32>
            %iota3A_296 = tpu.iota {dimensions = array<i32: 0>} : vector<16xi32>
            %eq3A_297 = arith.constant 0 : i32
            %eq3A_298 = vector.broadcast %eq3A_297 : i32 to vector<16xi32>
            %eq3A_299 = arith.cmpi eq, %iota3A_296, %eq3A_298 : vector<16xi32>
            tpu.vector_store_idx %arg37[%broadcast_in_dim3A_295], %broadcast_in_dim3A_294 masked %eq3A_299 : memref<16xf32, #tpu.memory_space<vmem>>[vector<16xi32>], vector<16xf32>, vector<16xi1>
            %broadcast_in_dim3A_300 = vector.broadcast %reduce_sum3A_272 : f32 to vector<16xf32>
            %broadcast_in_dim3A_301 = vector.broadcast %get3A_281 : i32 to vector<16xi32>
            %iota3A_302 = tpu.iota {dimensions = array<i32: 0>} : vector<16xi32>
            %eq3A_303 = arith.constant 0 : i32
            %eq3A_304 = vector.broadcast %eq3A_303 : i32 to vector<16xi32>
            %eq3A_305 = arith.cmpi eq, %iota3A_302, %eq3A_304 : vector<16xi32>
            tpu.vector_store_idx %arg38[%broadcast_in_dim3A_301], %broadcast_in_dim3A_300 masked %eq3A_305 : memref<16xf32, #tpu.memory_space<vmem>>[vector<16xi32>], vector<16xf32>, vector<16xi1>
            %broadcast_in_dim3A_306 = vector.broadcast %reduce_sum3A_278 : f32 to vector<16xf32>
            %broadcast_in_dim3A_307 = vector.broadcast %get3A_281 : i32 to vector<16xi32>
            %iota3A_308 = tpu.iota {dimensions = array<i32: 0>} : vector<16xi32>
            %eq3A_309 = arith.constant 0 : i32
            %eq3A_310 = vector.broadcast %eq3A_309 : i32 to vector<16xi32>
            %eq3A_311 = arith.cmpi eq, %iota3A_308, %eq3A_310 : vector<16xi32>
            tpu.vector_store_idx %arg39[%broadcast_in_dim3A_307], %broadcast_in_dim3A_306 masked %eq3A_311 : memref<16xf32, #tpu.memory_space<vmem>>[vector<16xi32>], vector<16xf32>, vector<16xi1>
            %broadcast_in_dim3A_312 = vector.broadcast %get3A_188 : i32 to vector<16xi32>
            %broadcast_in_dim3A_313 = vector.broadcast %get3A_281 : i32 to vector<16xi32>
            %iota3A_314 = tpu.iota {dimensions = array<i32: 0>} : vector<16xi32>
            %eq3A_315 = arith.constant 0 : i32
            %eq3A_316 = vector.broadcast %eq3A_315 : i32 to vector<16xi32>
            %eq3A_317 = arith.cmpi eq, %iota3A_314, %eq3A_316 : vector<16xi32>
            tpu.vector_store_idx %arg40[%broadcast_in_dim3A_313], %broadcast_in_dim3A_312 masked %eq3A_317 : memref<16xi32, #tpu.memory_space<vmem>>[vector<16xi32>], vector<16xi32>, vector<16xi1>
            %add3A_318 = arith.constant 1 : i32
            %add3A_319 = arith.addi %get3A_281, %add3A_318 : i32
            %swap3A_320 = arith.constant 1 : i32
            %swap3A_321 = arith.index_cast %swap3A_320 : i32 to index
            %swap3A_322 = memref.load %arg42[%swap3A_321] : memref<8xi32, #tpu.memory_space<smem>>
            memref.store %add3A_319, %arg42[%swap3A_321] : memref<8xi32, #tpu.memory_space<smem>>
            %add3A_323 = arith.constant 1 : i32
            %add3A_324 = arith.addi %get3A_281, %add3A_323 : i32
            %eq3A_325 = arith.constant 16 : i32
            %eq3A_326 = arith.cmpi eq, %add3A_324, %eq3A_325 : i32
            %convert_element_type3A_327 = arith.extui %eq3A_326 : i1 to i32
            %cond3A_328 = arith.constant 0 : i32
            %cond3A_329 = arith.cmpi ne, %convert_element_type3A_327, %cond3A_328 : i32
            scf.if %cond3A_329 {
              %dma_start3A_330 = arith.constant 0 : i32
              %dma_start3A_331 = tpu.memref_slice %arg10[%dma_start3A_330] : memref<16400xf32, #tpu.memory_space<hbm>> -> memref<16400xf32, #tpu.memory_space<hbm>>
              tpu.enqueue_indirect_dma source(%arg35 : memref<16xf32, #tpu.memory_space<vmem>>) target(%dma_start3A_331 : memref<16400xf32, #tpu.memory_space<hbm>>) offsets(%arg40 : memref<16xi32, #tpu.memory_space<vmem>>) semaphore(%arg45 : memref<!tpu.dma_semaphore, #tpu.memory_space<semaphore_mem>>)
              %dma_start3A_332 = arith.constant 0 : i32
              %dma_start3A_333 = tpu.memref_slice %arg11[%dma_start3A_332] : memref<16400xf32, #tpu.memory_space<hbm>> -> memref<16400xf32, #tpu.memory_space<hbm>>
              tpu.enqueue_indirect_dma source(%arg36 : memref<16xf32, #tpu.memory_space<vmem>>) target(%dma_start3A_333 : memref<16400xf32, #tpu.memory_space<hbm>>) offsets(%arg40 : memref<16xi32, #tpu.memory_space<vmem>>) semaphore(%arg45 : memref<!tpu.dma_semaphore, #tpu.memory_space<semaphore_mem>>)
              %dma_start3A_334 = arith.constant 0 : i32
              %dma_start3A_335 = tpu.memref_slice %arg12[%dma_start3A_334] : memref<16400xf32, #tpu.memory_space<hbm>> -> memref<16400xf32, #tpu.memory_space<hbm>>
              tpu.enqueue_indirect_dma source(%arg37 : memref<16xf32, #tpu.memory_space<vmem>>) target(%dma_start3A_335 : memref<16400xf32, #tpu.memory_space<hbm>>) offsets(%arg40 : memref<16xi32, #tpu.memory_space<vmem>>) semaphore(%arg45 : memref<!tpu.dma_semaphore, #tpu.memory_space<semaphore_mem>>)
              %dma_start3A_336 = arith.constant 0 : i32
              %dma_start3A_337 = tpu.memref_slice %arg13[%dma_start3A_336] : memref<16400xf32, #tpu.memory_space<hbm>> -> memref<16400xf32, #tpu.memory_space<hbm>>
              tpu.enqueue_indirect_dma source(%arg38 : memref<16xf32, #tpu.memory_space<vmem>>) target(%dma_start3A_337 : memref<16400xf32, #tpu.memory_space<hbm>>) offsets(%arg40 : memref<16xi32, #tpu.memory_space<vmem>>) semaphore(%arg45 : memref<!tpu.dma_semaphore, #tpu.memory_space<semaphore_mem>>)
              %dma_start3A_338 = arith.constant 0 : i32
              %dma_start3A_339 = tpu.memref_slice %arg14[%dma_start3A_338] : memref<16400xf32, #tpu.memory_space<hbm>> -> memref<16400xf32, #tpu.memory_space<hbm>>
              tpu.enqueue_indirect_dma source(%arg39 : memref<16xf32, #tpu.memory_space<vmem>>) target(%dma_start3A_339 : memref<16400xf32, #tpu.memory_space<hbm>>) offsets(%arg40 : memref<16xi32, #tpu.memory_space<vmem>>) semaphore(%arg45 : memref<!tpu.dma_semaphore, #tpu.memory_space<semaphore_mem>>)
              %dma_wait3A_340 = arith.constant 0 : i32
              %dma_wait3A_341 = tpu.memref_slice %arg10[%dma_wait3A_340] : memref<16400xf32, #tpu.memory_space<hbm>> -> memref<16400xf32, #tpu.memory_space<hbm>>
              tpu.wait_indirect_dma semaphore(%arg45 : memref<!tpu.dma_semaphore, #tpu.memory_space<semaphore_mem>>) src(%arg35 : memref<16xf32, #tpu.memory_space<vmem>>) dst(%dma_wait3A_341 : memref<16400xf32, #tpu.memory_space<hbm>>)
              %dma_wait3A_342 = arith.constant 0 : i32
              %dma_wait3A_343 = tpu.memref_slice %arg11[%dma_wait3A_342] : memref<16400xf32, #tpu.memory_space<hbm>> -> memref<16400xf32, #tpu.memory_space<hbm>>
              tpu.wait_indirect_dma semaphore(%arg45 : memref<!tpu.dma_semaphore, #tpu.memory_space<semaphore_mem>>) src(%arg36 : memref<16xf32, #tpu.memory_space<vmem>>) dst(%dma_wait3A_343 : memref<16400xf32, #tpu.memory_space<hbm>>)
              %dma_wait3A_344 = arith.constant 0 : i32
              %dma_wait3A_345 = tpu.memref_slice %arg12[%dma_wait3A_344] : memref<16400xf32, #tpu.memory_space<hbm>> -> memref<16400xf32, #tpu.memory_space<hbm>>
              tpu.wait_indirect_dma semaphore(%arg45 : memref<!tpu.dma_semaphore, #tpu.memory_space<semaphore_mem>>) src(%arg37 : memref<16xf32, #tpu.memory_space<vmem>>) dst(%dma_wait3A_345 : memref<16400xf32, #tpu.memory_space<hbm>>)
              %dma_wait3A_346 = arith.constant 0 : i32
              %dma_wait3A_347 = tpu.memref_slice %arg13[%dma_wait3A_346] : memref<16400xf32, #tpu.memory_space<hbm>> -> memref<16400xf32, #tpu.memory_space<hbm>>
              tpu.wait_indirect_dma semaphore(%arg45 : memref<!tpu.dma_semaphore, #tpu.memory_space<semaphore_mem>>) src(%arg38 : memref<16xf32, #tpu.memory_space<vmem>>) dst(%dma_wait3A_347 : memref<16400xf32, #tpu.memory_space<hbm>>)
              %dma_wait3A_348 = arith.constant 0 : i32
              %dma_wait3A_349 = tpu.memref_slice %arg14[%dma_wait3A_348] : memref<16400xf32, #tpu.memory_space<hbm>> -> memref<16400xf32, #tpu.memory_space<hbm>>
              tpu.wait_indirect_dma semaphore(%arg45 : memref<!tpu.dma_semaphore, #tpu.memory_space<semaphore_mem>>) src(%arg39 : memref<16xf32, #tpu.memory_space<vmem>>) dst(%dma_wait3A_349 : memref<16400xf32, #tpu.memory_space<hbm>>)
              %broadcast_in_dim3A_350 = arith.constant 16384 : i32
              %broadcast_in_dim3A_351 = vector.broadcast %broadcast_in_dim3A_350 : i32 to vector<16xi32>
              %iota3A_352 = tpu.iota {dimensions = array<i32: 0>} : vector<16xi32>
              %add3A_353 = arith.addi %broadcast_in_dim3A_351, %iota3A_352 : vector<16xi32>
              %swap3A_354 = arith.constant 0 : index
              %swap3A_355 = tpu.vector_load %arg40[%swap3A_354] {strides = array<i32>} : memref<16xi32, #tpu.memory_space<vmem>>, vector<16xi32>,
              tpu.vector_store %arg40[%swap3A_354], %add3A_353 {strides = array<i32>} : memref<16xi32, #tpu.memory_space<vmem>>, vector<16xi32>,
              %swap3A_356 = arith.constant 0 : i32
              %swap3A_357 = arith.constant 1 : i32
              %swap3A_358 = arith.index_cast %swap3A_357 : i32 to index
              %swap3A_359 = memref.load %arg42[%swap3A_358] : memref<8xi32, #tpu.memory_space<smem>>
              memref.store %swap3A_356, %arg42[%swap3A_358] : memref<8xi32, #tpu.memory_space<smem>>
            } else {
            }
          } else {
          }
          %broadcast_in_dim3A_235 = arith.constant 0.000000e+00 : f32
          %broadcast_in_dim3A_236 = vector.broadcast %broadcast_in_dim3A_235 : f32 to vector<16xf32>
          %swap3A_237 = arith.constant 0 : index
          %swap3A_238 = tpu.vector_load %arg30[%swap3A_237] {strides = array<i32>} : memref<16xf32, #tpu.memory_space<vmem>>, vector<16xf32>,
          tpu.vector_store %arg30[%swap3A_237], %broadcast_in_dim3A_236 {strides = array<i32>} : memref<16xf32, #tpu.memory_space<vmem>>, vector<16xf32>,
          %swap3A_239 = arith.constant 0 : index
          %swap3A_240 = tpu.vector_load %arg31[%swap3A_239] {strides = array<i32>} : memref<16xf32, #tpu.memory_space<vmem>>, vector<16xf32>,
          tpu.vector_store %arg31[%swap3A_239], %broadcast_in_dim3A_236 {strides = array<i32>} : memref<16xf32, #tpu.memory_space<vmem>>, vector<16xf32>,
          %swap3A_241 = arith.constant 0 : index
          %swap3A_242 = tpu.vector_load %arg32[%swap3A_241] {strides = array<i32>} : memref<16xf32, #tpu.memory_space<vmem>>, vector<16xf32>,
          tpu.vector_store %arg32[%swap3A_241], %broadcast_in_dim3A_236 {strides = array<i32>} : memref<16xf32, #tpu.memory_space<vmem>>, vector<16xf32>,
          %swap3A_243 = arith.constant 0 : index
          %swap3A_244 = tpu.vector_load %arg33[%swap3A_243] {strides = array<i32>} : memref<16xf32, #tpu.memory_space<vmem>>, vector<16xf32>,
          tpu.vector_store %arg33[%swap3A_243], %broadcast_in_dim3A_236 {strides = array<i32>} : memref<16xf32, #tpu.memory_space<vmem>>, vector<16xf32>,
          %swap3A_245 = arith.constant 0 : index
          %swap3A_246 = tpu.vector_load %arg34[%swap3A_245] {strides = array<i32>} : memref<16xf32, #tpu.memory_space<vmem>>, vector<16xf32>,
          tpu.vector_store %arg34[%swap3A_245], %broadcast_in_dim3A_236 {strides = array<i32>} : memref<16xf32, #tpu.memory_space<vmem>>, vector<16xf32>,
          %add3A_247 = arith.constant 1 : i32
          %add3A_248 = arith.addi %get3A_188, %add3A_247 : i32
          %swap3A_249 = arith.constant 0 : i32
          %swap3A_250 = arith.index_cast %swap3A_249 : i32 to index
          %swap3A_251 = memref.load %arg42[%swap3A_250] : memref<8xi32, #tpu.memory_space<smem>>
          memref.store %add3A_248, %arg42[%swap3A_250] : memref<8xi32, #tpu.memory_space<smem>>
        } else {
        }
        scf.yield %min3A : i32
      }
      %mul3A_131 = arith.constant 2048 : i32
      %mul3A_132 = arith.muli %add3A_102, %mul3A_131 : i32
      %add3A_133 = arith.addi %mul3A_2, %mul3A_132 : i32
      %dma_start3A_134 = tpu.memref_slice %arg9[%add3A_133] : memref<2097152xf32, #tpu.memory_space<hbm>> -> memref<2048xf32, #tpu.memory_space<hbm>>
      %dma_start3A_135 = tpu.memref_slice %arg9[%add3A_133] : memref<2097152xf32, #tpu.memory_space<hbm>> -> memref<2048xf32, #tpu.memory_space<hbm>>
      tpu.enqueue_dma source(%arg23 : memref<2048xf32, #tpu.memory_space<vmem>>) target(%dma_start3A_135 : memref<2048xf32, #tpu.memory_space<hbm>>) target_semaphore(%arg46 : memref<!tpu.dma_semaphore, #tpu.memory_space<semaphore_mem>>)
      %lt3A_136 = arith.constant 15 : i32
      %lt3A_137 = arith.cmpi slt, %scan3A_97, %lt3A_136 : i32
      %convert_element_type3A_138 = arith.extui %lt3A_137 : i1 to i32
      %cond3A_139 = arith.constant 0 : i32
      %cond3A_140 = arith.cmpi ne, %convert_element_type3A_138, %cond3A_139 : i32
      scf.if %cond3A_140 {
        %add3A_185 = arith.constant 2 : i32
        %add3A_186 = arith.addi %add3A_102, %add3A_185 : i32
        %mul3A_187 = arith.constant 2048 : i32
        %mul3A_188 = arith.muli %add3A_186, %mul3A_187 : i32
        %add3A_189 = arith.addi %mul3A_2, %mul3A_188 : i32
        %dma_start3A_190 = tpu.memref_slice %arg2[%add3A_189] : memref<2097152xf32, #tpu.memory_space<hbm>> -> memref<2048xf32, #tpu.memory_space<hbm>>
        %dma_start3A_191 = tpu.memref_slice %arg2[%add3A_189] : memref<2097152xf32, #tpu.memory_space<hbm>> -> memref<2048xf32, #tpu.memory_space<hbm>>
        tpu.enqueue_dma source(%dma_start3A_191 : memref<2048xf32, #tpu.memory_space<hbm>>) target(%arg18 : memref<2048xf32, #tpu.memory_space<vmem>>) target_semaphore(%arg43 : memref<!tpu.dma_semaphore, #tpu.memory_space<semaphore_mem>>)
        %dma_start3A_192 = tpu.memref_slice %arg3[%add3A_189] : memref<2097152xf32, #tpu.memory_space<hbm>> -> memref<2048xf32, #tpu.memory_space<hbm>>
        %dma_start3A_193 = tpu.memref_slice %arg3[%add3A_189] : memref<2097152xf32, #tpu.memory_space<hbm>> -> memref<2048xf32, #tpu.memory_space<hbm>>
        tpu.enqueue_dma source(%dma_start3A_193 : memref<2048xf32, #tpu.memory_space<hbm>>) target(%arg19 : memref<2048xf32, #tpu.memory_space<vmem>>) target_semaphore(%arg43 : memref<!tpu.dma_semaphore, #tpu.memory_space<semaphore_mem>>)
        %dma_start3A_194 = tpu.memref_slice %arg4[%add3A_189] : memref<2097152xf32, #tpu.memory_space<hbm>> -> memref<2048xf32, #tpu.memory_space<hbm>>
        %dma_start3A_195 = tpu.memref_slice %arg4[%add3A_189] : memref<2097152xf32, #tpu.memory_space<hbm>> -> memref<2048xf32, #tpu.memory_space<hbm>>
        tpu.enqueue_dma source(%dma_start3A_195 : memref<2048xf32, #tpu.memory_space<hbm>>) target(%arg20 : memref<2048xf32, #tpu.memory_space<vmem>>) target_semaphore(%arg43 : memref<!tpu.dma_semaphore, #tpu.memory_space<semaphore_mem>>)
        %dma_start3A_196 = tpu.memref_slice %arg5[%add3A_189] : memref<2097152xf32, #tpu.memory_space<hbm>> -> memref<2048xf32, #tpu.memory_space<hbm>>
        %dma_start3A_197 = tpu.memref_slice %arg5[%add3A_189] : memref<2097152xf32, #tpu.memory_space<hbm>> -> memref<2048xf32, #tpu.memory_space<hbm>>
        tpu.enqueue_dma source(%dma_start3A_197 : memref<2048xf32, #tpu.memory_space<hbm>>) target(%arg21 : memref<2048xf32, #tpu.memory_space<vmem>>) target_semaphore(%arg43 : memref<!tpu.dma_semaphore, #tpu.memory_space<semaphore_mem>>)
        %dma_start3A_198 = tpu.memref_slice %arg6[%add3A_189] : memref<2097152xf32, #tpu.memory_space<hbm>> -> memref<2048xf32, #tpu.memory_space<hbm>>
        %dma_start3A_199 = tpu.memref_slice %arg6[%add3A_189] : memref<2097152xf32, #tpu.memory_space<hbm>> -> memref<2048xf32, #tpu.memory_space<hbm>>
        tpu.enqueue_dma source(%dma_start3A_199 : memref<2048xf32, #tpu.memory_space<hbm>>) target(%arg22 : memref<2048xf32, #tpu.memory_space<vmem>>) target_semaphore(%arg43 : memref<!tpu.dma_semaphore, #tpu.memory_space<semaphore_mem>>)
      } else {
      }
      %mul3A_141 = arith.constant 2 : i32
      %mul3A_142 = arith.muli %mul3A_141, %scan3A_97 : i32
      %add3A_143 = arith.constant 1 : i32
      %add3A_144 = arith.addi %mul3A_142, %add3A_143 : i32
      %dma_wait3A_145 = arith.constant 0 : i32
      %dma_wait3A_146 = tpu.memref_slice %arg2[%dma_wait3A_145] : memref<2097152xf32, #tpu.memory_space<hbm>> -> memref<2048xf32, #tpu.memory_space<hbm>>
      %dma_wait3A_147 = arith.constant 0 : i32
      %dma_wait3A_148 = tpu.memref_slice %arg2[%dma_wait3A_147] : memref<2097152xf32, #tpu.memory_space<hbm>> -> memref<2048xf32, #tpu.memory_space<hbm>>
      tpu.wait_dma2 semaphore(%arg44 : memref<!tpu.dma_semaphore, #tpu.memory_space<semaphore_mem>>) src(%dma_wait3A_148 : memref<2048xf32, #tpu.memory_space<hbm>>) dst(%arg24 : memref<2048xf32, #tpu.memory_space<vmem>>)
      %dma_wait3A_149 = arith.constant 0 : i32
      %dma_wait3A_150 = tpu.memref_slice %arg2[%dma_wait3A_149] : memref<2097152xf32, #tpu.memory_space<hbm>> -> memref<2048xf32, #tpu.memory_space<hbm>>
      %dma_wait3A_151 = arith.constant 0 : i32
      %dma_wait3A_152 = tpu.memref_slice %arg2[%dma_wait3A_151] : memref<2097152xf32, #tpu.memory_space<hbm>> -> memref<2048xf32, #tpu.memory_space<hbm>>
      tpu.wait_dma2 semaphore(%arg44 : memref<!tpu.dma_semaphore, #tpu.memory_space<semaphore_mem>>) src(%dma_wait3A_152 : memref<2048xf32, #tpu.memory_space<hbm>>) dst(%arg25 : memref<2048xf32, #tpu.memory_space<vmem>>)
      %dma_wait3A_153 = arith.constant 0 : i32
      %dma_wait3A_154 = tpu.memref_slice %arg2[%dma_wait3A_153] : memref<2097152xf32, #tpu.memory_space<hbm>> -> memref<2048xf32, #tpu.memory_space<hbm>>
      %dma_wait3A_155 = arith.constant 0 : i32
      %dma_wait3A_156 = tpu.memref_slice %arg2[%dma_wait3A_155] : memref<2097152xf32, #tpu.memory_space<hbm>> -> memref<2048xf32, #tpu.memory_space<hbm>>
      tpu.wait_dma2 semaphore(%arg44 : memref<!tpu.dma_semaphore, #tpu.memory_space<semaphore_mem>>) src(%dma_wait3A_156 : memref<2048xf32, #tpu.memory_space<hbm>>) dst(%arg26 : memref<2048xf32, #tpu.memory_space<vmem>>)
      %dma_wait3A_157 = arith.constant 0 : i32
      %dma_wait3A_158 = tpu.memref_slice %arg2[%dma_wait3A_157] : memref<2097152xf32, #tpu.memory_space<hbm>> -> memref<2048xf32, #tpu.memory_space<hbm>>
      %dma_wait3A_159 = arith.constant 0 : i32
      %dma_wait3A_160 = tpu.memref_slice %arg2[%dma_wait3A_159] : memref<2097152xf32, #tpu.memory_space<hbm>> -> memref<2048xf32, #tpu.memory_space<hbm>>
      tpu.wait_dma2 semaphore(%arg44 : memref<!tpu.dma_semaphore, #tpu.memory_space<semaphore_mem>>) src(%dma_wait3A_160 : memref<2048xf32, #tpu.memory_space<hbm>>) dst(%arg27 : memref<2048xf32, #tpu.memory_space<vmem>>)
      %dma_wait3A_161 = arith.constant 0 : i32
      %dma_wait3A_162 = tpu.memref_slice %arg2[%dma_wait3A_161] : memref<2097152xf32, #tpu.memory_space<hbm>> -> memref<2048xf32, #tpu.memory_space<hbm>>
      %dma_wait3A_163 = arith.constant 0 : i32
      %dma_wait3A_164 = tpu.memref_slice %arg2[%dma_wait3A_163] : memref<2097152xf32, #tpu.memory_space<hbm>> -> memref<2048xf32, #tpu.memory_space<hbm>>
      tpu.wait_dma2 semaphore(%arg44 : memref<!tpu.dma_semaphore, #tpu.memory_space<semaphore_mem>>) src(%dma_wait3A_164 : memref<2048xf32, #tpu.memory_space<hbm>>) dst(%arg28 : memref<2048xf32, #tpu.memory_space<vmem>>)
      %ge3A_165 = arith.constant 1 : i32
      %ge3A_166 = arith.cmpi sge, %scan3A_97, %ge3A_165 : i32
      %convert_element_type3A_167 = arith.extui %ge3A_166 : i1 to i32
      %cond3A_168 = arith.constant 0 : i32
      %cond3A_169 = arith.cmpi ne, %convert_element_type3A_167, %cond3A_168 : i32
      scf.if %cond3A_169 {
        %dma_wait3A_185 = arith.constant 0 : i32
        %dma_wait3A_186 = tpu.memref_slice %arg2[%dma_wait3A_185] : memref<2097152xf32, #tpu.memory_space<hbm>> -> memref<2048xf32, #tpu.memory_space<hbm>>
        %dma_wait3A_187 = arith.constant 0 : i32
        %dma_wait3A_188 = tpu.memref_slice %arg2[%dma_wait3A_187] : memref<2097152xf32, #tpu.memory_space<hbm>> -> memref<2048xf32, #tpu.memory_space<hbm>>
        tpu.wait_dma2 semaphore(%arg47 : memref<!tpu.dma_semaphore, #tpu.memory_space<semaphore_mem>>) src(%dma_wait3A_188 : memref<2048xf32, #tpu.memory_space<hbm>>) dst(%arg29 : memref<2048xf32, #tpu.memory_space<vmem>>)
      } else {
      }
      %mul3A_170 = arith.constant 2048 : i32
      %mul3A_171 = arith.muli %add3A_144, %mul3A_170 : i32
      %add3A_172 = arith.addi %mul3A_2, %mul3A_171 : i32
      %while3A_173 = scf.while (%while3A_185 = %add3A_172) : (i32) -> i32 {
        %add3A_186 = arith.constant 2048 : i32
        %add3A_187 = arith.addi %add3A_172, %add3A_186 : i32
        %lt3A_188 = arith.cmpi slt, %while3A_185, %add3A_187 : i32
        scf.condition(%lt3A_188) %while3A_185 : i32
      } do {
      ^bb0(%while3A_185: i32):
        %get3A_186 = arith.constant 0 : i32
        %get3A_187 = arith.index_cast %get3A_186 : i32 to index
        %get3A_188 = memref.load %arg42[%get3A_187] : memref<8xi32, #tpu.memory_space<smem>>
        %add3A_189 = arith.constant 1 : i32
        %add3A_190 = arith.addi %get3A_188, %add3A_189 : i32
        %broadcast_in_dim3A_191 = vector.broadcast %add3A_190 : i32 to vector<16xi32>
        %gather3A_192 = tpu.vector_load_idx %arg16[%broadcast_in_dim3A_191] : memref<16392xi32, #tpu.memory_space<vmem>>[vector<16xi32>], vector<16xi32>,
        %slice3A_193 = vector.extract_strided_slice %gather3A_192 {offsets = [0], sizes = [1], strides = [1]} : vector<16xi32> to vector<1xi32>
        %squeeze3A_194 = vector.extract %slice3A_193[0] : i32 from vector<1xi32>
        %add3A_195 = arith.constant 2048 : i32
        %add3A_196 = arith.addi %add3A_172, %add3A_195 : i32
        %min3A = arith.minsi %squeeze3A_194, %add3A_196 : i32
        %rem3A = arith.constant 16 : i32
        %rem3A_197 = arith.remsi %while3A_185, %rem3A : i32
        %sub3A = arith.subi %while3A_185, %rem3A_197 : i32
        %get3A_198 = arith.constant 0 : index
        %get3A_199 = tpu.vector_load %arg30[%get3A_198] {strides = array<i32>} : memref<16xf32, #tpu.memory_space<vmem>>, vector<16xf32>,
        %get3A_200 = arith.constant 0 : index
        %get3A_201 = tpu.vector_load %arg31[%get3A_200] {strides = array<i32>} : memref<16xf32, #tpu.memory_space<vmem>>, vector<16xf32>,
        %get3A_202 = arith.constant 0 : index
        %get3A_203 = tpu.vector_load %arg32[%get3A_202] {strides = array<i32>} : memref<16xf32, #tpu.memory_space<vmem>>, vector<16xf32>,
        %get3A_204 = arith.constant 0 : index
        %get3A_205 = tpu.vector_load %arg33[%get3A_204] {strides = array<i32>} : memref<16xf32, #tpu.memory_space<vmem>>, vector<16xf32>,
        %get3A_206 = arith.constant 0 : index
        %get3A_207 = tpu.vector_load %arg34[%get3A_206] {strides = array<i32>} : memref<16xf32, #tpu.memory_space<vmem>>, vector<16xf32>,
        %while3A_208:6 = scf.while (%while3A_223 = %sub3A, %while3A_224 = %get3A_199, %while3A_225 = %get3A_201, %while3A_226 = %get3A_203, %while3A_227 = %get3A_205, %while3A_228 = %get3A_207) : (i32, vector<16xf32>, vector<16xf32>, vector<16xf32>, vector<16xf32>, vector<16xf32>) -> (i32, vector<16xf32>, vector<16xf32>, vector<16xf32>, vector<16xf32>, vector<16xf32>) {
          %lt3A_229 = arith.cmpi slt, %while3A_223, %min3A : i32
          scf.condition(%lt3A_229) %while3A_223, %while3A_224, %while3A_225, %while3A_226, %while3A_227, %while3A_228 : i32, vector<16xf32>, vector<16xf32>, vector<16xf32>, vector<16xf32>, vector<16xf32>
        } do {
        ^bb0(%while3A_223: i32, %while3A_224: vector<16xf32>, %while3A_225: vector<16xf32>, %while3A_226: vector<16xf32>, %while3A_227: vector<16xf32>, %while3A_228: vector<16xf32>):
          %sub3A_229 = arith.subi %while3A_223, %add3A_172 : i32
          %iota3A_230 = tpu.iota {dimensions = array<i32: 0>} : vector<16xi32>
          %add3A_231 = vector.broadcast %while3A_223 : i32 to vector<16xi32>
          %add3A_232 = arith.addi %add3A_231, %iota3A_230 : vector<16xi32>
          %ge3A_233 = vector.broadcast %while3A_185 : i32 to vector<16xi32>
          %ge3A_234 = arith.cmpi sge, %add3A_232, %ge3A_233 : vector<16xi32>
          %lt3A_235 = vector.broadcast %min3A : i32 to vector<16xi32>
          %lt3A_236 = arith.cmpi slt, %add3A_232, %lt3A_235 : vector<16xi32>
          %and3A_237 = arith.andi %ge3A_234, %lt3A_236 : vector<16xi1>
          %get3A_238 = arith.index_cast %sub3A_229 : i32 to index
          %get3A_239 = tpu.vector_load %arg25[%get3A_238] {strides = array<i32>} : memref<2048xf32, #tpu.memory_space<vmem>>, vector<16xf32>,
          %jit3A = arith.constant 0.000000e+00 : f32
          %broadcast_in_dim3A_240 = vector.broadcast %jit3A : f32 to vector<16xf32>
          %select_n3A = arith.select %and3A_237, %get3A_239, %broadcast_in_dim3A_240 : vector<16xi1>, vector<16xf32>
          %broadcast_in_dim3A_241 = arith.constant true
          %broadcast_in_dim3A_242 = vector.broadcast %broadcast_in_dim3A_241 : i1 to vector<16xi1>
          %masked_cumsum3A = tpu.scan <sum>, %select_n3A masked %broadcast_in_dim3A_242 : vector<16xf32>, vector<16xi1> -> vector<16xf32>
          %sub3A_243 = arith.subf %masked_cumsum3A, %select_n3A : vector<16xf32>
          %add3A_244 = arith.addf %sub3A_243, %while3A_228 : vector<16xf32>
          %exp3A = math.exp %add3A_244 : vector<16xf32>
          %get3A_245 = arith.index_cast %sub3A_229 : i32 to index
          %get3A_246 = tpu.vector_load %arg24[%get3A_245] {strides = array<i32>} : memref<2048xf32, #tpu.memory_space<vmem>>, vector<16xf32>,
          %mul3A_247 = arith.mulf %get3A_246, %exp3A : vector<16xf32>
          %jit3A_248 = arith.constant 0.000000e+00 : f32
          %broadcast_in_dim3A_249 = vector.broadcast %jit3A_248 : f32 to vector<16xf32>
          %select_n3A_250 = arith.select %and3A_237, %mul3A_247, %broadcast_in_dim3A_249 : vector<16xi1>, vector<16xf32>
          %iota3A_251 = tpu.iota {dimensions = array<i32: 0>} : vector<16xi32>
          %add3A_252 = vector.broadcast %sub3A_229 : i32 to vector<16xi32>
          %add3A_253 = arith.addi %add3A_252, %iota3A_251 : vector<16xi32>
          tpu.vector_store_idx %arg29[%add3A_253], %select_n3A_250 masked %and3A_237 : memref<2048xf32, #tpu.memory_space<vmem>>[vector<16xi32>], vector<16xf32>, vector<16xi1>
          %add3A_254 = arith.constant 16 : i32
          %add3A_255 = arith.addi %while3A_223, %add3A_254 : i32
          %add3A_256 = arith.addf %while3A_224, %select_n3A_250 : vector<16xf32>
          %get3A_257 = arith.index_cast %sub3A_229 : i32 to index
          %get3A_258 = tpu.vector_load %arg26[%get3A_257] {strides = array<i32>} : memref<2048xf32, #tpu.memory_space<vmem>>, vector<16xf32>,
          %mul3A_259 = arith.mulf %select_n3A_250, %get3A_258 : vector<16xf32>
          %add3A_260 = arith.addf %while3A_225, %mul3A_259 : vector<16xf32>
          %get3A_261 = arith.index_cast %sub3A_229 : i32 to index
          %get3A_262 = tpu.vector_load %arg27[%get3A_261] {strides = array<i32>} : memref<2048xf32, #tpu.memory_space<vmem>>, vector<16xf32>,
          %mul3A_263 = arith.mulf %select_n3A_250, %get3A_262 : vector<16xf32>
          %add3A_264 = arith.addf %while3A_226, %mul3A_263 : vector<16xf32>
          %get3A_265 = arith.index_cast %sub3A_229 : i32 to index
          %get3A_266 = tpu.vector_load %arg28[%get3A_265] {strides = array<i32>} : memref<2048xf32, #tpu.memory_space<vmem>>, vector<16xf32>,
          %mul3A_267 = arith.mulf %select_n3A_250, %get3A_266 : vector<16xf32>
          %add3A_268 = arith.addf %while3A_227, %mul3A_267 : vector<16xf32>
          %slice3A_269 = vector.extract_strided_slice %masked_cumsum3A {offsets = [15], sizes = [1], strides = [1]} : vector<16xf32> to vector<1xf32>
          %squeeze3A_270 = vector.extract %slice3A_269[0] : f32 from vector<1xf32>
          %broadcast_in_dim3A_271 = vector.broadcast %squeeze3A_270 : f32 to vector<16xf32>
          %add3A_272 = arith.addf %while3A_228, %broadcast_in_dim3A_271 : vector<16xf32>
          scf.yield %add3A_255, %add3A_256, %add3A_260, %add3A_264, %add3A_268, %add3A_272 : i32, vector<16xf32>, vector<16xf32>, vector<16xf32>, vector<16xf32>, vector<16xf32>
        }
        %swap3A_209 = arith.constant 0 : index
        %swap3A_210 = tpu.vector_load %arg30[%swap3A_209] {strides = array<i32>} : memref<16xf32, #tpu.memory_space<vmem>>, vector<16xf32>,
        tpu.vector_store %arg30[%swap3A_209], %while3A_208#1 {strides = array<i32>} : memref<16xf32, #tpu.memory_space<vmem>>, vector<16xf32>,
        %swap3A_211 = arith.constant 0 : index
        %swap3A_212 = tpu.vector_load %arg31[%swap3A_211] {strides = array<i32>} : memref<16xf32, #tpu.memory_space<vmem>>, vector<16xf32>,
        tpu.vector_store %arg31[%swap3A_211], %while3A_208#2 {strides = array<i32>} : memref<16xf32, #tpu.memory_space<vmem>>, vector<16xf32>,
        %swap3A_213 = arith.constant 0 : index
        %swap3A_214 = tpu.vector_load %arg32[%swap3A_213] {strides = array<i32>} : memref<16xf32, #tpu.memory_space<vmem>>, vector<16xf32>,
        tpu.vector_store %arg32[%swap3A_213], %while3A_208#3 {strides = array<i32>} : memref<16xf32, #tpu.memory_space<vmem>>, vector<16xf32>,
        %swap3A_215 = arith.constant 0 : index
        %swap3A_216 = tpu.vector_load %arg33[%swap3A_215] {strides = array<i32>} : memref<16xf32, #tpu.memory_space<vmem>>, vector<16xf32>,
        tpu.vector_store %arg33[%swap3A_215], %while3A_208#4 {strides = array<i32>} : memref<16xf32, #tpu.memory_space<vmem>>, vector<16xf32>,
        %swap3A_217 = arith.constant 0 : index
        %swap3A_218 = tpu.vector_load %arg34[%swap3A_217] {strides = array<i32>} : memref<16xf32, #tpu.memory_space<vmem>>, vector<16xf32>,
        tpu.vector_store %arg34[%swap3A_217], %while3A_208#5 {strides = array<i32>} : memref<16xf32, #tpu.memory_space<vmem>>, vector<16xf32>,
        %eq3A_219 = arith.cmpi eq, %min3A, %squeeze3A_194 : i32
        %convert_element_type3A_220 = arith.extui %eq3A_219 : i1 to i32
        %cond3A_221 = arith.constant 0 : i32
        %cond3A_222 = arith.cmpi ne, %convert_element_type3A_220, %cond3A_221 : i32
        scf.if %cond3A_222 {
          %broadcast_in_dim3A_223 = vector.broadcast %get3A_188 : i32 to vector<16xi32>
          %gather3A_224 = tpu.vector_load_idx %arg16[%broadcast_in_dim3A_223] : memref<16392xi32, #tpu.memory_space<vmem>>[vector<16xi32>], vector<16xi32>,
          %slice3A_225 = vector.extract_strided_slice %gather3A_224 {offsets = [0], sizes = [1], strides = [1]} : vector<16xi32> to vector<1xi32>
          %squeeze3A_226 = vector.extract %slice3A_225[0] : i32 from vector<1xi32>
          %lt3A_227 = arith.cmpi slt, %squeeze3A_226, %mul3A_2 : i32
          %convert_element_type3A_228 = arith.extui %lt3A_227 : i1 to i32
          %cond3A_229 = arith.constant 0 : i32
          %cond3A_230 = arith.cmpi ne, %convert_element_type3A_228, %cond3A_229 : i32
          scf.if %cond3A_230 {
            %get3A_252 = arith.constant 0 : index
            %get3A_253 = tpu.vector_load %arg30[%get3A_252] {strides = array<i32>} : memref<16xf32, #tpu.memory_space<vmem>>, vector<16xf32>,
            %reduce_sum3A = arith.constant true
            %reduce_sum3A_254 = vector.broadcast %reduce_sum3A : i1 to vector<16xi1>
            %reduce_sum3A_255 = tpu.scan <sum>, %get3A_253 masked %reduce_sum3A_254 : vector<16xf32>, vector<16xi1> -> vector<16xf32>
            %reduce_sum3A_256 = vector.extract %reduce_sum3A_255[15] : f32 from vector<16xf32>
            %get3A_257 = arith.constant 0 : index
            %get3A_258 = tpu.vector_load %arg34[%get3A_257] {strides = array<i32>} : memref<16xf32, #tpu.memory_space<vmem>>, vector<16xf32>,
            %exp3A = math.exp %get3A_258 : vector<16xf32>
            %slice3A_259 = vector.extract_strided_slice %exp3A {offsets = [0], sizes = [1], strides = [1]} : vector<16xf32> to vector<1xf32>
            %squeeze3A_260 = vector.extract %slice3A_259[0] : f32 from vector<1xf32>
            %get3A_261 = arith.constant 0 : index
            %get3A_262 = tpu.vector_load %arg31[%get3A_261] {strides = array<i32>} : memref<16xf32, #tpu.memory_space<vmem>>, vector<16xf32>,
            %reduce_sum3A_263 = arith.constant true
            %reduce_sum3A_264 = vector.broadcast %reduce_sum3A_263 : i1 to vector<16xi1>
            %reduce_sum3A_265 = tpu.scan <sum>, %get3A_262 masked %reduce_sum3A_264 : vector<16xf32>, vector<16xi1> -> vector<16xf32>
            %reduce_sum3A_266 = vector.extract %reduce_sum3A_265[15] : f32 from vector<16xf32>
            %get3A_267 = arith.constant 0 : index
            %get3A_268 = tpu.vector_load %arg32[%get3A_267] {strides = array<i32>} : memref<16xf32, #tpu.memory_space<vmem>>, vector<16xf32>,
            %reduce_sum3A_269 = arith.constant true
            %reduce_sum3A_270 = vector.broadcast %reduce_sum3A_269 : i1 to vector<16xi1>
            %reduce_sum3A_271 = tpu.scan <sum>, %get3A_268 masked %reduce_sum3A_270 : vector<16xf32>, vector<16xi1> -> vector<16xf32>
            %reduce_sum3A_272 = vector.extract %reduce_sum3A_271[15] : f32 from vector<16xf32>
            %get3A_273 = arith.constant 0 : index
            %get3A_274 = tpu.vector_load %arg33[%get3A_273] {strides = array<i32>} : memref<16xf32, #tpu.memory_space<vmem>>, vector<16xf32>,
            %reduce_sum3A_275 = arith.constant true
            %reduce_sum3A_276 = vector.broadcast %reduce_sum3A_275 : i1 to vector<16xi1>
            %reduce_sum3A_277 = tpu.scan <sum>, %get3A_274 masked %reduce_sum3A_276 : vector<16xf32>, vector<16xi1> -> vector<16xf32>
            %reduce_sum3A_278 = vector.extract %reduce_sum3A_277[15] : f32 from vector<16xf32>
            %iota3A_279 = tpu.iota {dimensions = array<i32: 0>} : vector<16xi32>
            %eq3A_280 = arith.constant 0 : i32
            %eq3A_281 = vector.broadcast %eq3A_280 : i32 to vector<16xi32>
            %eq3A_282 = arith.cmpi eq, %iota3A_279, %eq3A_281 : vector<16xi32>
            %jit3A = arith.constant 1.000000e+00 : f32
            %jit3A_283 = arith.constant 0.000000e+00 : f32
            %broadcast_in_dim3A_284 = vector.broadcast %jit3A : f32 to vector<16xf32>
            %broadcast_in_dim3A_285 = vector.broadcast %jit3A_283 : f32 to vector<16xf32>
            %select_n3A = arith.select %eq3A_282, %broadcast_in_dim3A_284, %broadcast_in_dim3A_285 : vector<16xi1>, vector<16xf32>
            %eq3A_286 = arith.constant 1 : i32
            %eq3A_287 = vector.broadcast %eq3A_286 : i32 to vector<16xi32>
            %eq3A_288 = arith.cmpi eq, %iota3A_279, %eq3A_287 : vector<16xi32>
            %jit3A_289 = arith.constant true
            %jit3A_290 = arith.constant 1.000000e+00 : f32
            %jit3A_291 = arith.constant 0.000000e+00 : f32
            %select_n3A_292 = arith.select %jit3A_289, %jit3A_290, %jit3A_291 : f32
            %jit3A_293 = arith.constant 0.000000e+00 : f32
            %broadcast_in_dim3A_294 = vector.broadcast %select_n3A_292 : f32 to vector<16xf32>
            %broadcast_in_dim3A_295 = vector.broadcast %jit3A_293 : f32 to vector<16xf32>
            %select_n3A_296 = arith.select %eq3A_288, %broadcast_in_dim3A_294, %broadcast_in_dim3A_295 : vector<16xi1>, vector<16xf32>
            %add3A_297 = arith.addf %select_n3A, %select_n3A_296 : vector<16xf32>
            %eq3A_298 = arith.constant 2 : i32
            %eq3A_299 = vector.broadcast %eq3A_298 : i32 to vector<16xi32>
            %eq3A_300 = arith.cmpi eq, %iota3A_279, %eq3A_299 : vector<16xi32>
            %jit3A_301 = arith.constant 0.000000e+00 : f32
            %broadcast_in_dim3A_302 = vector.broadcast %reduce_sum3A_256 : f32 to vector<16xf32>
            %broadcast_in_dim3A_303 = vector.broadcast %jit3A_301 : f32 to vector<16xf32>
            %select_n3A_304 = arith.select %eq3A_300, %broadcast_in_dim3A_302, %broadcast_in_dim3A_303 : vector<16xi1>, vector<16xf32>
            %add3A_305 = arith.addf %add3A_297, %select_n3A_304 : vector<16xf32>
            %eq3A_306 = arith.constant 3 : i32
            %eq3A_307 = vector.broadcast %eq3A_306 : i32 to vector<16xi32>
            %eq3A_308 = arith.cmpi eq, %iota3A_279, %eq3A_307 : vector<16xi32>
            %jit3A_309 = arith.constant 0.000000e+00 : f32
            %broadcast_in_dim3A_310 = vector.broadcast %reduce_sum3A_266 : f32 to vector<16xf32>
            %broadcast_in_dim3A_311 = vector.broadcast %jit3A_309 : f32 to vector<16xf32>
            %select_n3A_312 = arith.select %eq3A_308, %broadcast_in_dim3A_310, %broadcast_in_dim3A_311 : vector<16xi1>, vector<16xf32>
            %add3A_313 = arith.addf %add3A_305, %select_n3A_312 : vector<16xf32>
            %eq3A_314 = arith.constant 4 : i32
            %eq3A_315 = vector.broadcast %eq3A_314 : i32 to vector<16xi32>
            %eq3A_316 = arith.cmpi eq, %iota3A_279, %eq3A_315 : vector<16xi32>
            %jit3A_317 = arith.constant 0.000000e+00 : f32
            %broadcast_in_dim3A_318 = vector.broadcast %reduce_sum3A_272 : f32 to vector<16xf32>
            %broadcast_in_dim3A_319 = vector.broadcast %jit3A_317 : f32 to vector<16xf32>
            %select_n3A_320 = arith.select %eq3A_316, %broadcast_in_dim3A_318, %broadcast_in_dim3A_319 : vector<16xi1>, vector<16xf32>
            %add3A_321 = arith.addf %add3A_313, %select_n3A_320 : vector<16xf32>
            %eq3A_322 = arith.constant 5 : i32
            %eq3A_323 = vector.broadcast %eq3A_322 : i32 to vector<16xi32>
            %eq3A_324 = arith.cmpi eq, %iota3A_279, %eq3A_323 : vector<16xi32>
            %jit3A_325 = arith.constant 0.000000e+00 : f32
            %broadcast_in_dim3A_326 = vector.broadcast %reduce_sum3A_278 : f32 to vector<16xf32>
            %broadcast_in_dim3A_327 = vector.broadcast %jit3A_325 : f32 to vector<16xf32>
            %select_n3A_328 = arith.select %eq3A_324, %broadcast_in_dim3A_326, %broadcast_in_dim3A_327 : vector<16xi1>, vector<16xf32>
            %add3A_329 = arith.addf %add3A_321, %select_n3A_328 : vector<16xf32>
            %eq3A_330 = arith.constant 6 : i32
            %eq3A_331 = vector.broadcast %eq3A_330 : i32 to vector<16xi32>
            %eq3A_332 = arith.cmpi eq, %iota3A_279, %eq3A_331 : vector<16xi32>
            %get3A_333 = arith.constant 0 : index
            %get3A_334 = tpu.vector_load %arg34[%get3A_333] {strides = array<i32>} : memref<16xf32, #tpu.memory_space<vmem>>, vector<16xf32>,
            %slice3A_335 = vector.extract_strided_slice %get3A_334 {offsets = [0], sizes = [1], strides = [1]} : vector<16xf32> to vector<1xf32>
            %squeeze3A_336 = vector.extract %slice3A_335[0] : f32 from vector<1xf32>
            %jit3A_337 = arith.constant 0.000000e+00 : f32
            %broadcast_in_dim3A_338 = vector.broadcast %squeeze3A_336 : f32 to vector<16xf32>
            %broadcast_in_dim3A_339 = vector.broadcast %jit3A_337 : f32 to vector<16xf32>
            %select_n3A_340 = arith.select %eq3A_332, %broadcast_in_dim3A_338, %broadcast_in_dim3A_339 : vector<16xi1>, vector<16xf32>
            %add3A_341 = arith.addf %add3A_329, %select_n3A_340 : vector<16xf32>
            %get3A_342 = arith.constant 0 : index
            %get3A_343 = tpu.vector_load %arg41[%get3A_342] {strides = array<i32>} : memref<16xf32, #tpu.memory_space<vmem>>, vector<16xf32>,
            %add3A_344 = arith.addf %get3A_343, %add3A_341 : vector<16xf32>
            %swap3A_345 = arith.constant 0 : index
            %swap3A_346 = tpu.vector_load %arg41[%swap3A_345] {strides = array<i32>} : memref<16xf32, #tpu.memory_space<vmem>>, vector<16xf32>,
            tpu.vector_store %arg41[%swap3A_345], %add3A_344 {strides = array<i32>} : memref<16xf32, #tpu.memory_space<vmem>>, vector<16xf32>,
          } else {
          }
          %not3A = arith.constant true
          %not3A_231 = arith.xori %lt3A_227, %not3A : i1
          %convert_element_type3A_232 = arith.extui %not3A_231 : i1 to i32
          %cond3A_233 = arith.constant 0 : i32
          %cond3A_234 = arith.cmpi ne, %convert_element_type3A_232, %cond3A_233 : i32
          scf.if %cond3A_234 {
            %get3A_252 = arith.constant 0 : index
            %get3A_253 = tpu.vector_load %arg30[%get3A_252] {strides = array<i32>} : memref<16xf32, #tpu.memory_space<vmem>>, vector<16xf32>,
            %reduce_sum3A = arith.constant true
            %reduce_sum3A_254 = vector.broadcast %reduce_sum3A : i1 to vector<16xi1>
            %reduce_sum3A_255 = tpu.scan <sum>, %get3A_253 masked %reduce_sum3A_254 : vector<16xf32>, vector<16xi1> -> vector<16xf32>
            %reduce_sum3A_256 = vector.extract %reduce_sum3A_255[15] : f32 from vector<16xf32>
            %get3A_257 = arith.constant 0 : index
            %get3A_258 = tpu.vector_load %arg34[%get3A_257] {strides = array<i32>} : memref<16xf32, #tpu.memory_space<vmem>>, vector<16xf32>,
            %exp3A = math.exp %get3A_258 : vector<16xf32>
            %slice3A_259 = vector.extract_strided_slice %exp3A {offsets = [0], sizes = [1], strides = [1]} : vector<16xf32> to vector<1xf32>
            %squeeze3A_260 = vector.extract %slice3A_259[0] : f32 from vector<1xf32>
            %get3A_261 = arith.constant 0 : index
            %get3A_262 = tpu.vector_load %arg31[%get3A_261] {strides = array<i32>} : memref<16xf32, #tpu.memory_space<vmem>>, vector<16xf32>,
            %reduce_sum3A_263 = arith.constant true
            %reduce_sum3A_264 = vector.broadcast %reduce_sum3A_263 : i1 to vector<16xi1>
            %reduce_sum3A_265 = tpu.scan <sum>, %get3A_262 masked %reduce_sum3A_264 : vector<16xf32>, vector<16xi1> -> vector<16xf32>
            %reduce_sum3A_266 = vector.extract %reduce_sum3A_265[15] : f32 from vector<16xf32>
            %get3A_267 = arith.constant 0 : index
            %get3A_268 = tpu.vector_load %arg32[%get3A_267] {strides = array<i32>} : memref<16xf32, #tpu.memory_space<vmem>>, vector<16xf32>,
            %reduce_sum3A_269 = arith.constant true
            %reduce_sum3A_270 = vector.broadcast %reduce_sum3A_269 : i1 to vector<16xi1>
            %reduce_sum3A_271 = tpu.scan <sum>, %get3A_268 masked %reduce_sum3A_270 : vector<16xf32>, vector<16xi1> -> vector<16xf32>
            %reduce_sum3A_272 = vector.extract %reduce_sum3A_271[15] : f32 from vector<16xf32>
            %get3A_273 = arith.constant 0 : index
            %get3A_274 = tpu.vector_load %arg33[%get3A_273] {strides = array<i32>} : memref<16xf32, #tpu.memory_space<vmem>>, vector<16xf32>,
            %reduce_sum3A_275 = arith.constant true
            %reduce_sum3A_276 = vector.broadcast %reduce_sum3A_275 : i1 to vector<16xi1>
            %reduce_sum3A_277 = tpu.scan <sum>, %get3A_274 masked %reduce_sum3A_276 : vector<16xf32>, vector<16xi1> -> vector<16xf32>
            %reduce_sum3A_278 = vector.extract %reduce_sum3A_277[15] : f32 from vector<16xf32>
            %get3A_279 = arith.constant 1 : i32
            %get3A_280 = arith.index_cast %get3A_279 : i32 to index
            %get3A_281 = memref.load %arg42[%get3A_280] : memref<8xi32, #tpu.memory_space<smem>>
            %broadcast_in_dim3A_282 = vector.broadcast %reduce_sum3A_256 : f32 to vector<16xf32>
            %broadcast_in_dim3A_283 = vector.broadcast %get3A_281 : i32 to vector<16xi32>
            %iota3A_284 = tpu.iota {dimensions = array<i32: 0>} : vector<16xi32>
            %eq3A_285 = arith.constant 0 : i32
            %eq3A_286 = vector.broadcast %eq3A_285 : i32 to vector<16xi32>
            %eq3A_287 = arith.cmpi eq, %iota3A_284, %eq3A_286 : vector<16xi32>
            tpu.vector_store_idx %arg35[%broadcast_in_dim3A_283], %broadcast_in_dim3A_282 masked %eq3A_287 : memref<16xf32, #tpu.memory_space<vmem>>[vector<16xi32>], vector<16xf32>, vector<16xi1>
            %broadcast_in_dim3A_288 = vector.broadcast %squeeze3A_260 : f32 to vector<16xf32>
            %broadcast_in_dim3A_289 = vector.broadcast %get3A_281 : i32 to vector<16xi32>
            %iota3A_290 = tpu.iota {dimensions = array<i32: 0>} : vector<16xi32>
            %eq3A_291 = arith.constant 0 : i32
            %eq3A_292 = vector.broadcast %eq3A_291 : i32 to vector<16xi32>
            %eq3A_293 = arith.cmpi eq, %iota3A_290, %eq3A_292 : vector<16xi32>
            tpu.vector_store_idx %arg36[%broadcast_in_dim3A_289], %broadcast_in_dim3A_288 masked %eq3A_293 : memref<16xf32, #tpu.memory_space<vmem>>[vector<16xi32>], vector<16xf32>, vector<16xi1>
            %broadcast_in_dim3A_294 = vector.broadcast %reduce_sum3A_266 : f32 to vector<16xf32>
            %broadcast_in_dim3A_295 = vector.broadcast %get3A_281 : i32 to vector<16xi32>
            %iota3A_296 = tpu.iota {dimensions = array<i32: 0>} : vector<16xi32>
            %eq3A_297 = arith.constant 0 : i32
            %eq3A_298 = vector.broadcast %eq3A_297 : i32 to vector<16xi32>
            %eq3A_299 = arith.cmpi eq, %iota3A_296, %eq3A_298 : vector<16xi32>
            tpu.vector_store_idx %arg37[%broadcast_in_dim3A_295], %broadcast_in_dim3A_294 masked %eq3A_299 : memref<16xf32, #tpu.memory_space<vmem>>[vector<16xi32>], vector<16xf32>, vector<16xi1>
            %broadcast_in_dim3A_300 = vector.broadcast %reduce_sum3A_272 : f32 to vector<16xf32>
            %broadcast_in_dim3A_301 = vector.broadcast %get3A_281 : i32 to vector<16xi32>
            %iota3A_302 = tpu.iota {dimensions = array<i32: 0>} : vector<16xi32>
            %eq3A_303 = arith.constant 0 : i32
            %eq3A_304 = vector.broadcast %eq3A_303 : i32 to vector<16xi32>
            %eq3A_305 = arith.cmpi eq, %iota3A_302, %eq3A_304 : vector<16xi32>
            tpu.vector_store_idx %arg38[%broadcast_in_dim3A_301], %broadcast_in_dim3A_300 masked %eq3A_305 : memref<16xf32, #tpu.memory_space<vmem>>[vector<16xi32>], vector<16xf32>, vector<16xi1>
            %broadcast_in_dim3A_306 = vector.broadcast %reduce_sum3A_278 : f32 to vector<16xf32>
            %broadcast_in_dim3A_307 = vector.broadcast %get3A_281 : i32 to vector<16xi32>
            %iota3A_308 = tpu.iota {dimensions = array<i32: 0>} : vector<16xi32>
            %eq3A_309 = arith.constant 0 : i32
            %eq3A_310 = vector.broadcast %eq3A_309 : i32 to vector<16xi32>
            %eq3A_311 = arith.cmpi eq, %iota3A_308, %eq3A_310 : vector<16xi32>
            tpu.vector_store_idx %arg39[%broadcast_in_dim3A_307], %broadcast_in_dim3A_306 masked %eq3A_311 : memref<16xf32, #tpu.memory_space<vmem>>[vector<16xi32>], vector<16xf32>, vector<16xi1>
            %broadcast_in_dim3A_312 = vector.broadcast %get3A_188 : i32 to vector<16xi32>
            %broadcast_in_dim3A_313 = vector.broadcast %get3A_281 : i32 to vector<16xi32>
            %iota3A_314 = tpu.iota {dimensions = array<i32: 0>} : vector<16xi32>
            %eq3A_315 = arith.constant 0 : i32
            %eq3A_316 = vector.broadcast %eq3A_315 : i32 to vector<16xi32>
            %eq3A_317 = arith.cmpi eq, %iota3A_314, %eq3A_316 : vector<16xi32>
            tpu.vector_store_idx %arg40[%broadcast_in_dim3A_313], %broadcast_in_dim3A_312 masked %eq3A_317 : memref<16xi32, #tpu.memory_space<vmem>>[vector<16xi32>], vector<16xi32>, vector<16xi1>
            %add3A_318 = arith.constant 1 : i32
            %add3A_319 = arith.addi %get3A_281, %add3A_318 : i32
            %swap3A_320 = arith.constant 1 : i32
            %swap3A_321 = arith.index_cast %swap3A_320 : i32 to index
            %swap3A_322 = memref.load %arg42[%swap3A_321] : memref<8xi32, #tpu.memory_space<smem>>
            memref.store %add3A_319, %arg42[%swap3A_321] : memref<8xi32, #tpu.memory_space<smem>>
            %add3A_323 = arith.constant 1 : i32
            %add3A_324 = arith.addi %get3A_281, %add3A_323 : i32
            %eq3A_325 = arith.constant 16 : i32
            %eq3A_326 = arith.cmpi eq, %add3A_324, %eq3A_325 : i32
            %convert_element_type3A_327 = arith.extui %eq3A_326 : i1 to i32
            %cond3A_328 = arith.constant 0 : i32
            %cond3A_329 = arith.cmpi ne, %convert_element_type3A_327, %cond3A_328 : i32
            scf.if %cond3A_329 {
              %dma_start3A_330 = arith.constant 0 : i32
              %dma_start3A_331 = tpu.memref_slice %arg10[%dma_start3A_330] : memref<16400xf32, #tpu.memory_space<hbm>> -> memref<16400xf32, #tpu.memory_space<hbm>>
              tpu.enqueue_indirect_dma source(%arg35 : memref<16xf32, #tpu.memory_space<vmem>>) target(%dma_start3A_331 : memref<16400xf32, #tpu.memory_space<hbm>>) offsets(%arg40 : memref<16xi32, #tpu.memory_space<vmem>>) semaphore(%arg45 : memref<!tpu.dma_semaphore, #tpu.memory_space<semaphore_mem>>)
              %dma_start3A_332 = arith.constant 0 : i32
              %dma_start3A_333 = tpu.memref_slice %arg11[%dma_start3A_332] : memref<16400xf32, #tpu.memory_space<hbm>> -> memref<16400xf32, #tpu.memory_space<hbm>>
              tpu.enqueue_indirect_dma source(%arg36 : memref<16xf32, #tpu.memory_space<vmem>>) target(%dma_start3A_333 : memref<16400xf32, #tpu.memory_space<hbm>>) offsets(%arg40 : memref<16xi32, #tpu.memory_space<vmem>>) semaphore(%arg45 : memref<!tpu.dma_semaphore, #tpu.memory_space<semaphore_mem>>)
              %dma_start3A_334 = arith.constant 0 : i32
              %dma_start3A_335 = tpu.memref_slice %arg12[%dma_start3A_334] : memref<16400xf32, #tpu.memory_space<hbm>> -> memref<16400xf32, #tpu.memory_space<hbm>>
              tpu.enqueue_indirect_dma source(%arg37 : memref<16xf32, #tpu.memory_space<vmem>>) target(%dma_start3A_335 : memref<16400xf32, #tpu.memory_space<hbm>>) offsets(%arg40 : memref<16xi32, #tpu.memory_space<vmem>>) semaphore(%arg45 : memref<!tpu.dma_semaphore, #tpu.memory_space<semaphore_mem>>)
              %dma_start3A_336 = arith.constant 0 : i32
              %dma_start3A_337 = tpu.memref_slice %arg13[%dma_start3A_336] : memref<16400xf32, #tpu.memory_space<hbm>> -> memref<16400xf32, #tpu.memory_space<hbm>>
              tpu.enqueue_indirect_dma source(%arg38 : memref<16xf32, #tpu.memory_space<vmem>>) target(%dma_start3A_337 : memref<16400xf32, #tpu.memory_space<hbm>>) offsets(%arg40 : memref<16xi32, #tpu.memory_space<vmem>>) semaphore(%arg45 : memref<!tpu.dma_semaphore, #tpu.memory_space<semaphore_mem>>)
              %dma_start3A_338 = arith.constant 0 : i32
              %dma_start3A_339 = tpu.memref_slice %arg14[%dma_start3A_338] : memref<16400xf32, #tpu.memory_space<hbm>> -> memref<16400xf32, #tpu.memory_space<hbm>>
              tpu.enqueue_indirect_dma source(%arg39 : memref<16xf32, #tpu.memory_space<vmem>>) target(%dma_start3A_339 : memref<16400xf32, #tpu.memory_space<hbm>>) offsets(%arg40 : memref<16xi32, #tpu.memory_space<vmem>>) semaphore(%arg45 : memref<!tpu.dma_semaphore, #tpu.memory_space<semaphore_mem>>)
              %dma_wait3A_340 = arith.constant 0 : i32
              %dma_wait3A_341 = tpu.memref_slice %arg10[%dma_wait3A_340] : memref<16400xf32, #tpu.memory_space<hbm>> -> memref<16400xf32, #tpu.memory_space<hbm>>
              tpu.wait_indirect_dma semaphore(%arg45 : memref<!tpu.dma_semaphore, #tpu.memory_space<semaphore_mem>>) src(%arg35 : memref<16xf32, #tpu.memory_space<vmem>>) dst(%dma_wait3A_341 : memref<16400xf32, #tpu.memory_space<hbm>>)
              %dma_wait3A_342 = arith.constant 0 : i32
              %dma_wait3A_343 = tpu.memref_slice %arg11[%dma_wait3A_342] : memref<16400xf32, #tpu.memory_space<hbm>> -> memref<16400xf32, #tpu.memory_space<hbm>>
              tpu.wait_indirect_dma semaphore(%arg45 : memref<!tpu.dma_semaphore, #tpu.memory_space<semaphore_mem>>) src(%arg36 : memref<16xf32, #tpu.memory_space<vmem>>) dst(%dma_wait3A_343 : memref<16400xf32, #tpu.memory_space<hbm>>)
              %dma_wait3A_344 = arith.constant 0 : i32
              %dma_wait3A_345 = tpu.memref_slice %arg12[%dma_wait3A_344] : memref<16400xf32, #tpu.memory_space<hbm>> -> memref<16400xf32, #tpu.memory_space<hbm>>
              tpu.wait_indirect_dma semaphore(%arg45 : memref<!tpu.dma_semaphore, #tpu.memory_space<semaphore_mem>>) src(%arg37 : memref<16xf32, #tpu.memory_space<vmem>>) dst(%dma_wait3A_345 : memref<16400xf32, #tpu.memory_space<hbm>>)
              %dma_wait3A_346 = arith.constant 0 : i32
              %dma_wait3A_347 = tpu.memref_slice %arg13[%dma_wait3A_346] : memref<16400xf32, #tpu.memory_space<hbm>> -> memref<16400xf32, #tpu.memory_space<hbm>>
              tpu.wait_indirect_dma semaphore(%arg45 : memref<!tpu.dma_semaphore, #tpu.memory_space<semaphore_mem>>) src(%arg38 : memref<16xf32, #tpu.memory_space<vmem>>) dst(%dma_wait3A_347 : memref<16400xf32, #tpu.memory_space<hbm>>)
              %dma_wait3A_348 = arith.constant 0 : i32
              %dma_wait3A_349 = tpu.memref_slice %arg14[%dma_wait3A_348] : memref<16400xf32, #tpu.memory_space<hbm>> -> memref<16400xf32, #tpu.memory_space<hbm>>
              tpu.wait_indirect_dma semaphore(%arg45 : memref<!tpu.dma_semaphore, #tpu.memory_space<semaphore_mem>>) src(%arg39 : memref<16xf32, #tpu.memory_space<vmem>>) dst(%dma_wait3A_349 : memref<16400xf32, #tpu.memory_space<hbm>>)
              %broadcast_in_dim3A_350 = arith.constant 16384 : i32
              %broadcast_in_dim3A_351 = vector.broadcast %broadcast_in_dim3A_350 : i32 to vector<16xi32>
              %iota3A_352 = tpu.iota {dimensions = array<i32: 0>} : vector<16xi32>
              %add3A_353 = arith.addi %broadcast_in_dim3A_351, %iota3A_352 : vector<16xi32>
              %swap3A_354 = arith.constant 0 : index
              %swap3A_355 = tpu.vector_load %arg40[%swap3A_354] {strides = array<i32>} : memref<16xi32, #tpu.memory_space<vmem>>, vector<16xi32>,
              tpu.vector_store %arg40[%swap3A_354], %add3A_353 {strides = array<i32>} : memref<16xi32, #tpu.memory_space<vmem>>, vector<16xi32>,
              %swap3A_356 = arith.constant 0 : i32
              %swap3A_357 = arith.constant 1 : i32
              %swap3A_358 = arith.index_cast %swap3A_357 : i32 to index
              %swap3A_359 = memref.load %arg42[%swap3A_358] : memref<8xi32, #tpu.memory_space<smem>>
              memref.store %swap3A_356, %arg42[%swap3A_358] : memref<8xi32, #tpu.memory_space<smem>>
            } else {
            }
          } else {
          }
          %broadcast_in_dim3A_235 = arith.constant 0.000000e+00 : f32
          %broadcast_in_dim3A_236 = vector.broadcast %broadcast_in_dim3A_235 : f32 to vector<16xf32>
          %swap3A_237 = arith.constant 0 : index
          %swap3A_238 = tpu.vector_load %arg30[%swap3A_237] {strides = array<i32>} : memref<16xf32, #tpu.memory_space<vmem>>, vector<16xf32>,
          tpu.vector_store %arg30[%swap3A_237], %broadcast_in_dim3A_236 {strides = array<i32>} : memref<16xf32, #tpu.memory_space<vmem>>, vector<16xf32>,
          %swap3A_239 = arith.constant 0 : index
          %swap3A_240 = tpu.vector_load %arg31[%swap3A_239] {strides = array<i32>} : memref<16xf32, #tpu.memory_space<vmem>>, vector<16xf32>,
          tpu.vector_store %arg31[%swap3A_239], %broadcast_in_dim3A_236 {strides = array<i32>} : memref<16xf32, #tpu.memory_space<vmem>>, vector<16xf32>,
          %swap3A_241 = arith.constant 0 : index
          %swap3A_242 = tpu.vector_load %arg32[%swap3A_241] {strides = array<i32>} : memref<16xf32, #tpu.memory_space<vmem>>, vector<16xf32>,
          tpu.vector_store %arg32[%swap3A_241], %broadcast_in_dim3A_236 {strides = array<i32>} : memref<16xf32, #tpu.memory_space<vmem>>, vector<16xf32>,
          %swap3A_243 = arith.constant 0 : index
          %swap3A_244 = tpu.vector_load %arg33[%swap3A_243] {strides = array<i32>} : memref<16xf32, #tpu.memory_space<vmem>>, vector<16xf32>,
          tpu.vector_store %arg33[%swap3A_243], %broadcast_in_dim3A_236 {strides = array<i32>} : memref<16xf32, #tpu.memory_space<vmem>>, vector<16xf32>,
          %swap3A_245 = arith.constant 0 : index
          %swap3A_246 = tpu.vector_load %arg34[%swap3A_245] {strides = array<i32>} : memref<16xf32, #tpu.memory_space<vmem>>, vector<16xf32>,
          tpu.vector_store %arg34[%swap3A_245], %broadcast_in_dim3A_236 {strides = array<i32>} : memref<16xf32, #tpu.memory_space<vmem>>, vector<16xf32>,
          %add3A_247 = arith.constant 1 : i32
          %add3A_248 = arith.addi %get3A_188, %add3A_247 : i32
          %swap3A_249 = arith.constant 0 : i32
          %swap3A_250 = arith.index_cast %swap3A_249 : i32 to index
          %swap3A_251 = memref.load %arg42[%swap3A_250] : memref<8xi32, #tpu.memory_space<smem>>
          memref.store %add3A_248, %arg42[%swap3A_250] : memref<8xi32, #tpu.memory_space<smem>>
        } else {
        }
        scf.yield %min3A : i32
      }
      %mul3A_174 = arith.constant 2048 : i32
      %mul3A_175 = arith.muli %add3A_144, %mul3A_174 : i32
      %add3A_176 = arith.addi %mul3A_2, %mul3A_175 : i32
      %dma_start3A_177 = tpu.memref_slice %arg9[%add3A_176] : memref<2097152xf32, #tpu.memory_space<hbm>> -> memref<2048xf32, #tpu.memory_space<hbm>>
      %dma_start3A_178 = tpu.memref_slice %arg9[%add3A_176] : memref<2097152xf32, #tpu.memory_space<hbm>> -> memref<2048xf32, #tpu.memory_space<hbm>>
      tpu.enqueue_dma source(%arg29 : memref<2048xf32, #tpu.memory_space<vmem>>) target(%dma_start3A_178 : memref<2048xf32, #tpu.memory_space<hbm>>) target_semaphore(%arg47 : memref<!tpu.dma_semaphore, #tpu.memory_space<semaphore_mem>>)
      %lt3A_179 = arith.constant 15 : i32
      %lt3A_180 = arith.cmpi slt, %scan3A_97, %lt3A_179 : i32
      %convert_element_type3A_181 = arith.extui %lt3A_180 : i1 to i32
      %cond3A_182 = arith.constant 0 : i32
      %cond3A_183 = arith.cmpi ne, %convert_element_type3A_181, %cond3A_182 : i32
      scf.if %cond3A_183 {
        %add3A_185 = arith.constant 2 : i32
        %add3A_186 = arith.addi %add3A_144, %add3A_185 : i32
        %mul3A_187 = arith.constant 2048 : i32
        %mul3A_188 = arith.muli %add3A_186, %mul3A_187 : i32
        %add3A_189 = arith.addi %mul3A_2, %mul3A_188 : i32
        %dma_start3A_190 = tpu.memref_slice %arg2[%add3A_189] : memref<2097152xf32, #tpu.memory_space<hbm>> -> memref<2048xf32, #tpu.memory_space<hbm>>
        %dma_start3A_191 = tpu.memref_slice %arg2[%add3A_189] : memref<2097152xf32, #tpu.memory_space<hbm>> -> memref<2048xf32, #tpu.memory_space<hbm>>
        tpu.enqueue_dma source(%dma_start3A_191 : memref<2048xf32, #tpu.memory_space<hbm>>) target(%arg24 : memref<2048xf32, #tpu.memory_space<vmem>>) target_semaphore(%arg44 : memref<!tpu.dma_semaphore, #tpu.memory_space<semaphore_mem>>)
        %dma_start3A_192 = tpu.memref_slice %arg3[%add3A_189] : memref<2097152xf32, #tpu.memory_space<hbm>> -> memref<2048xf32, #tpu.memory_space<hbm>>
        %dma_start3A_193 = tpu.memref_slice %arg3[%add3A_189] : memref<2097152xf32, #tpu.memory_space<hbm>> -> memref<2048xf32, #tpu.memory_space<hbm>>
        tpu.enqueue_dma source(%dma_start3A_193 : memref<2048xf32, #tpu.memory_space<hbm>>) target(%arg25 : memref<2048xf32, #tpu.memory_space<vmem>>) target_semaphore(%arg44 : memref<!tpu.dma_semaphore, #tpu.memory_space<semaphore_mem>>)
        %dma_start3A_194 = tpu.memref_slice %arg4[%add3A_189] : memref<2097152xf32, #tpu.memory_space<hbm>> -> memref<2048xf32, #tpu.memory_space<hbm>>
        %dma_start3A_195 = tpu.memref_slice %arg4[%add3A_189] : memref<2097152xf32, #tpu.memory_space<hbm>> -> memref<2048xf32, #tpu.memory_space<hbm>>
        tpu.enqueue_dma source(%dma_start3A_195 : memref<2048xf32, #tpu.memory_space<hbm>>) target(%arg26 : memref<2048xf32, #tpu.memory_space<vmem>>) target_semaphore(%arg44 : memref<!tpu.dma_semaphore, #tpu.memory_space<semaphore_mem>>)
        %dma_start3A_196 = tpu.memref_slice %arg5[%add3A_189] : memref<2097152xf32, #tpu.memory_space<hbm>> -> memref<2048xf32, #tpu.memory_space<hbm>>
        %dma_start3A_197 = tpu.memref_slice %arg5[%add3A_189] : memref<2097152xf32, #tpu.memory_space<hbm>> -> memref<2048xf32, #tpu.memory_space<hbm>>
        tpu.enqueue_dma source(%dma_start3A_197 : memref<2048xf32, #tpu.memory_space<hbm>>) target(%arg27 : memref<2048xf32, #tpu.memory_space<vmem>>) target_semaphore(%arg44 : memref<!tpu.dma_semaphore, #tpu.memory_space<semaphore_mem>>)
        %dma_start3A_198 = tpu.memref_slice %arg6[%add3A_189] : memref<2097152xf32, #tpu.memory_space<hbm>> -> memref<2048xf32, #tpu.memory_space<hbm>>
        %dma_start3A_199 = tpu.memref_slice %arg6[%add3A_189] : memref<2097152xf32, #tpu.memory_space<hbm>> -> memref<2048xf32, #tpu.memory_space<hbm>>
        tpu.enqueue_dma source(%dma_start3A_199 : memref<2048xf32, #tpu.memory_space<hbm>>) target(%arg28 : memref<2048xf32, #tpu.memory_space<vmem>>) target_semaphore(%arg44 : memref<!tpu.dma_semaphore, #tpu.memory_space<semaphore_mem>>)
      } else {
      }
      %scan3A_184 = arith.constant 0 : i32
      scf.yield %scan3A_184 : i32
    }
    %scan3A_58 = arith.constant 16 : i32
    %dma_wait3A = arith.constant 0 : i32
    %dma_wait3A_59 = tpu.memref_slice %arg2[%dma_wait3A] : memref<2097152xf32, #tpu.memory_space<hbm>> -> memref<2048xf32, #tpu.memory_space<hbm>>
    %dma_wait3A_60 = arith.constant 0 : i32
    %dma_wait3A_61 = tpu.memref_slice %arg2[%dma_wait3A_60] : memref<2097152xf32, #tpu.memory_space<hbm>> -> memref<2048xf32, #tpu.memory_space<hbm>>
    tpu.wait_dma2 semaphore(%arg46 : memref<!tpu.dma_semaphore, #tpu.memory_space<semaphore_mem>>) src(%dma_wait3A_61 : memref<2048xf32, #tpu.memory_space<hbm>>) dst(%arg23 : memref<2048xf32, #tpu.memory_space<vmem>>)
    %dma_wait3A_62 = arith.constant 0 : i32
    %dma_wait3A_63 = tpu.memref_slice %arg2[%dma_wait3A_62] : memref<2097152xf32, #tpu.memory_space<hbm>> -> memref<2048xf32, #tpu.memory_space<hbm>>
    %dma_wait3A_64 = arith.constant 0 : i32
    %dma_wait3A_65 = tpu.memref_slice %arg2[%dma_wait3A_64] : memref<2097152xf32, #tpu.memory_space<hbm>> -> memref<2048xf32, #tpu.memory_space<hbm>>
    tpu.wait_dma2 semaphore(%arg47 : memref<!tpu.dma_semaphore, #tpu.memory_space<semaphore_mem>>) src(%dma_wait3A_65 : memref<2048xf32, #tpu.memory_space<hbm>>) dst(%arg29 : memref<2048xf32, #tpu.memory_space<vmem>>)
    %get3A = arith.constant 0 : i32
    %get3A_66 = arith.index_cast %get3A : i32 to index
    %get3A_67 = memref.load %arg42[%get3A_66] : memref<8xi32, #tpu.memory_space<smem>>
    %broadcast_in_dim3A_68 = vector.broadcast %get3A_67 : i32 to vector<16xi32>
    %gather3A_69 = tpu.vector_load_idx %arg16[%broadcast_in_dim3A_68] : memref<16392xi32, #tpu.memory_space<vmem>>[vector<16xi32>], vector<16xi32>,
    %slice3A_70 = vector.extract_strided_slice %gather3A_69 {offsets = [0], sizes = [1], strides = [1]} : vector<16xi32> to vector<1xi32>
    %squeeze3A_71 = vector.extract %slice3A_70[0] : i32 from vector<1xi32>
    %add3A_72 = arith.constant 1 : i32
    %add3A_73 = arith.addi %get3A_67, %add3A_72 : i32
    %broadcast_in_dim3A_74 = vector.broadcast %add3A_73 : i32 to vector<16xi32>
    %gather3A_75 = tpu.vector_load_idx %arg16[%broadcast_in_dim3A_74] : memref<16392xi32, #tpu.memory_space<vmem>>[vector<16xi32>], vector<16xi32>,
    %slice3A_76 = vector.extract_strided_slice %gather3A_75 {offsets = [0], sizes = [1], strides = [1]} : vector<16xi32> to vector<1xi32>
    %squeeze3A_77 = vector.extract %slice3A_76[0] : i32 from vector<1xi32>
    %lt3A = arith.cmpi slt, %squeeze3A_71, %add3A_4 : i32
    %gt3A = arith.cmpi sgt, %squeeze3A_77, %add3A_4 : i32
    %and3A = arith.andi %lt3A, %gt3A : i1
    %ge3A = arith.cmpi sge, %squeeze3A_71, %mul3A_2 : i32
    %and3A_78 = arith.andi %and3A, %ge3A : i1
    %convert_element_type3A = arith.extui %and3A_78 : i1 to i32
    %cond3A = arith.constant 0 : i32
    %cond3A_79 = arith.cmpi ne, %convert_element_type3A, %cond3A : i32
    scf.if %cond3A_79 {
      %get3A_97 = arith.constant 0 : index
      %get3A_98 = tpu.vector_load %arg30[%get3A_97] {strides = array<i32>} : memref<16xf32, #tpu.memory_space<vmem>>, vector<16xf32>,
      %reduce_sum3A = arith.constant true
      %reduce_sum3A_99 = vector.broadcast %reduce_sum3A : i1 to vector<16xi1>
      %reduce_sum3A_100 = tpu.scan <sum>, %get3A_98 masked %reduce_sum3A_99 : vector<16xf32>, vector<16xi1> -> vector<16xf32>
      %reduce_sum3A_101 = vector.extract %reduce_sum3A_100[15] : f32 from vector<16xf32>
      %get3A_102 = arith.constant 0 : index
      %get3A_103 = tpu.vector_load %arg34[%get3A_102] {strides = array<i32>} : memref<16xf32, #tpu.memory_space<vmem>>, vector<16xf32>,
      %exp3A = math.exp %get3A_103 : vector<16xf32>
      %slice3A_104 = vector.extract_strided_slice %exp3A {offsets = [0], sizes = [1], strides = [1]} : vector<16xf32> to vector<1xf32>
      %squeeze3A_105 = vector.extract %slice3A_104[0] : f32 from vector<1xf32>
      %get3A_106 = arith.constant 0 : index
      %get3A_107 = tpu.vector_load %arg31[%get3A_106] {strides = array<i32>} : memref<16xf32, #tpu.memory_space<vmem>>, vector<16xf32>,
      %reduce_sum3A_108 = arith.constant true
      %reduce_sum3A_109 = vector.broadcast %reduce_sum3A_108 : i1 to vector<16xi1>
      %reduce_sum3A_110 = tpu.scan <sum>, %get3A_107 masked %reduce_sum3A_109 : vector<16xf32>, vector<16xi1> -> vector<16xf32>
      %reduce_sum3A_111 = vector.extract %reduce_sum3A_110[15] : f32 from vector<16xf32>
      %get3A_112 = arith.constant 0 : index
      %get3A_113 = tpu.vector_load %arg32[%get3A_112] {strides = array<i32>} : memref<16xf32, #tpu.memory_space<vmem>>, vector<16xf32>,
      %reduce_sum3A_114 = arith.constant true
      %reduce_sum3A_115 = vector.broadcast %reduce_sum3A_114 : i1 to vector<16xi1>
      %reduce_sum3A_116 = tpu.scan <sum>, %get3A_113 masked %reduce_sum3A_115 : vector<16xf32>, vector<16xi1> -> vector<16xf32>
      %reduce_sum3A_117 = vector.extract %reduce_sum3A_116[15] : f32 from vector<16xf32>
      %get3A_118 = arith.constant 0 : index
      %get3A_119 = tpu.vector_load %arg33[%get3A_118] {strides = array<i32>} : memref<16xf32, #tpu.memory_space<vmem>>, vector<16xf32>,
      %reduce_sum3A_120 = arith.constant true
      %reduce_sum3A_121 = vector.broadcast %reduce_sum3A_120 : i1 to vector<16xi1>
      %reduce_sum3A_122 = tpu.scan <sum>, %get3A_119 masked %reduce_sum3A_121 : vector<16xf32>, vector<16xi1> -> vector<16xf32>
      %reduce_sum3A_123 = vector.extract %reduce_sum3A_122[15] : f32 from vector<16xf32>
      %iota3A_124 = tpu.iota {dimensions = array<i32: 0>} : vector<16xi32>
      %eq3A_125 = arith.constant 7 : i32
      %eq3A_126 = vector.broadcast %eq3A_125 : i32 to vector<16xi32>
      %eq3A_127 = arith.cmpi eq, %iota3A_124, %eq3A_126 : vector<16xi32>
      %jit3A = arith.constant 1.000000e+00 : f32
      %jit3A_128 = arith.constant 0.000000e+00 : f32
      %broadcast_in_dim3A_129 = vector.broadcast %jit3A : f32 to vector<16xf32>
      %broadcast_in_dim3A_130 = vector.broadcast %jit3A_128 : f32 to vector<16xf32>
      %select_n3A = arith.select %eq3A_127, %broadcast_in_dim3A_129, %broadcast_in_dim3A_130 : vector<16xi1>, vector<16xf32>
      %eq3A_131 = arith.constant 8 : i32
      %eq3A_132 = vector.broadcast %eq3A_131 : i32 to vector<16xi32>
      %eq3A_133 = arith.cmpi eq, %iota3A_124, %eq3A_132 : vector<16xi32>
      %convert_element_type3A_134 = arith.sitofp %get3A_67 : i32 to f32
      %jit3A_135 = arith.constant 0.000000e+00 : f32
      %broadcast_in_dim3A_136 = vector.broadcast %convert_element_type3A_134 : f32 to vector<16xf32>
      %broadcast_in_dim3A_137 = vector.broadcast %jit3A_135 : f32 to vector<16xf32>
      %select_n3A_138 = arith.select %eq3A_133, %broadcast_in_dim3A_136, %broadcast_in_dim3A_137 : vector<16xi1>, vector<16xf32>
      %add3A_139 = arith.addf %select_n3A, %select_n3A_138 : vector<16xf32>
      %eq3A_140 = arith.constant 9 : i32
      %eq3A_141 = vector.broadcast %eq3A_140 : i32 to vector<16xi32>
      %eq3A_142 = arith.cmpi eq, %iota3A_124, %eq3A_141 : vector<16xi32>
      %jit3A_143 = arith.constant 0.000000e+00 : f32
      %broadcast_in_dim3A_144 = vector.broadcast %reduce_sum3A_101 : f32 to vector<16xf32>
      %broadcast_in_dim3A_145 = vector.broadcast %jit3A_143 : f32 to vector<16xf32>
      %select_n3A_146 = arith.select %eq3A_142, %broadcast_in_dim3A_144, %broadcast_in_dim3A_145 : vector<16xi1>, vector<16xf32>
      %add3A_147 = arith.addf %add3A_139, %select_n3A_146 : vector<16xf32>
      %eq3A_148 = arith.constant 10 : i32
      %eq3A_149 = vector.broadcast %eq3A_148 : i32 to vector<16xi32>
      %eq3A_150 = arith.cmpi eq, %iota3A_124, %eq3A_149 : vector<16xi32>
      %jit3A_151 = arith.constant 0.000000e+00 : f32
      %broadcast_in_dim3A_152 = vector.broadcast %reduce_sum3A_111 : f32 to vector<16xf32>
      %broadcast_in_dim3A_153 = vector.broadcast %jit3A_151 : f32 to vector<16xf32>
      %select_n3A_154 = arith.select %eq3A_150, %broadcast_in_dim3A_152, %broadcast_in_dim3A_153 : vector<16xi1>, vector<16xf32>
      %add3A_155 = arith.addf %add3A_147, %select_n3A_154 : vector<16xf32>
      %eq3A_156 = arith.constant 11 : i32
      %eq3A_157 = vector.broadcast %eq3A_156 : i32 to vector<16xi32>
      %eq3A_158 = arith.cmpi eq, %iota3A_124, %eq3A_157 : vector<16xi32>
      %jit3A_159 = arith.constant 0.000000e+00 : f32
      %broadcast_in_dim3A_160 = vector.broadcast %reduce_sum3A_117 : f32 to vector<16xf32>
      %broadcast_in_dim3A_161 = vector.broadcast %jit3A_159 : f32 to vector<16xf32>
      %select_n3A_162 = arith.select %eq3A_158, %broadcast_in_dim3A_160, %broadcast_in_dim3A_161 : vector<16xi1>, vector<16xf32>
      %add3A_163 = arith.addf %add3A_155, %select_n3A_162 : vector<16xf32>
      %eq3A_164 = arith.constant 12 : i32
      %eq3A_165 = vector.broadcast %eq3A_164 : i32 to vector<16xi32>
      %eq3A_166 = arith.cmpi eq, %iota3A_124, %eq3A_165 : vector<16xi32>
      %jit3A_167 = arith.constant 0.000000e+00 : f32
      %broadcast_in_dim3A_168 = vector.broadcast %reduce_sum3A_123 : f32 to vector<16xf32>
      %broadcast_in_dim3A_169 = vector.broadcast %jit3A_167 : f32 to vector<16xf32>
      %select_n3A_170 = arith.select %eq3A_166, %broadcast_in_dim3A_168, %broadcast_in_dim3A_169 : vector<16xi1>, vector<16xf32>
      %add3A_171 = arith.addf %add3A_163, %select_n3A_170 : vector<16xf32>
      %eq3A_172 = arith.constant 13 : i32
      %eq3A_173 = vector.broadcast %eq3A_172 : i32 to vector<16xi32>
      %eq3A_174 = arith.cmpi eq, %iota3A_124, %eq3A_173 : vector<16xi32>
      %get3A_175 = arith.constant 0 : index
      %get3A_176 = tpu.vector_load %arg34[%get3A_175] {strides = array<i32>} : memref<16xf32, #tpu.memory_space<vmem>>, vector<16xf32>,
      %slice3A_177 = vector.extract_strided_slice %get3A_176 {offsets = [0], sizes = [1], strides = [1]} : vector<16xf32> to vector<1xf32>
      %squeeze3A_178 = vector.extract %slice3A_177[0] : f32 from vector<1xf32>
      %jit3A_179 = arith.constant 0.000000e+00 : f32
      %broadcast_in_dim3A_180 = vector.broadcast %squeeze3A_178 : f32 to vector<16xf32>
      %broadcast_in_dim3A_181 = vector.broadcast %jit3A_179 : f32 to vector<16xf32>
      %select_n3A_182 = arith.select %eq3A_174, %broadcast_in_dim3A_180, %broadcast_in_dim3A_181 : vector<16xi1>, vector<16xf32>
      %add3A_183 = arith.addf %add3A_171, %select_n3A_182 : vector<16xf32>
      %get3A_184 = arith.constant 0 : index
      %get3A_185 = tpu.vector_load %arg41[%get3A_184] {strides = array<i32>} : memref<16xf32, #tpu.memory_space<vmem>>, vector<16xf32>,
      %add3A_186 = arith.addf %get3A_185, %add3A_183 : vector<16xf32>
      %swap3A_187 = arith.constant 0 : index
      %swap3A_188 = tpu.vector_load %arg41[%swap3A_187] {strides = array<i32>} : memref<16xf32, #tpu.memory_space<vmem>>, vector<16xf32>,
      tpu.vector_store %arg41[%swap3A_187], %add3A_186 {strides = array<i32>} : memref<16xf32, #tpu.memory_space<vmem>>, vector<16xf32>,
    } else {
    }
    %lt3A_80 = arith.cmpi slt, %squeeze3A_71, %mul3A_2 : i32
    %and3A_81 = arith.andi %and3A, %lt3A_80 : i1
    %convert_element_type3A_82 = arith.extui %and3A_81 : i1 to i32
    %cond3A_83 = arith.constant 0 : i32
    %cond3A_84 = arith.cmpi ne, %convert_element_type3A_82, %cond3A_83 : i32
    scf.if %cond3A_84 {
      %get3A_97 = arith.constant 0 : index
      %get3A_98 = tpu.vector_load %arg30[%get3A_97] {strides = array<i32>} : memref<16xf32, #tpu.memory_space<vmem>>, vector<16xf32>,
      %reduce_sum3A = arith.constant true
      %reduce_sum3A_99 = vector.broadcast %reduce_sum3A : i1 to vector<16xi1>
      %reduce_sum3A_100 = tpu.scan <sum>, %get3A_98 masked %reduce_sum3A_99 : vector<16xf32>, vector<16xi1> -> vector<16xf32>
      %reduce_sum3A_101 = vector.extract %reduce_sum3A_100[15] : f32 from vector<16xf32>
      %get3A_102 = arith.constant 0 : index
      %get3A_103 = tpu.vector_load %arg34[%get3A_102] {strides = array<i32>} : memref<16xf32, #tpu.memory_space<vmem>>, vector<16xf32>,
      %exp3A = math.exp %get3A_103 : vector<16xf32>
      %slice3A_104 = vector.extract_strided_slice %exp3A {offsets = [0], sizes = [1], strides = [1]} : vector<16xf32> to vector<1xf32>
      %squeeze3A_105 = vector.extract %slice3A_104[0] : f32 from vector<1xf32>
      %get3A_106 = arith.constant 0 : index
      %get3A_107 = tpu.vector_load %arg31[%get3A_106] {strides = array<i32>} : memref<16xf32, #tpu.memory_space<vmem>>, vector<16xf32>,
      %reduce_sum3A_108 = arith.constant true
      %reduce_sum3A_109 = vector.broadcast %reduce_sum3A_108 : i1 to vector<16xi1>
      %reduce_sum3A_110 = tpu.scan <sum>, %get3A_107 masked %reduce_sum3A_109 : vector<16xf32>, vector<16xi1> -> vector<16xf32>
      %reduce_sum3A_111 = vector.extract %reduce_sum3A_110[15] : f32 from vector<16xf32>
      %get3A_112 = arith.constant 0 : index
      %get3A_113 = tpu.vector_load %arg32[%get3A_112] {strides = array<i32>} : memref<16xf32, #tpu.memory_space<vmem>>, vector<16xf32>,
      %reduce_sum3A_114 = arith.constant true
      %reduce_sum3A_115 = vector.broadcast %reduce_sum3A_114 : i1 to vector<16xi1>
      %reduce_sum3A_116 = tpu.scan <sum>, %get3A_113 masked %reduce_sum3A_115 : vector<16xf32>, vector<16xi1> -> vector<16xf32>
      %reduce_sum3A_117 = vector.extract %reduce_sum3A_116[15] : f32 from vector<16xf32>
      %get3A_118 = arith.constant 0 : index
      %get3A_119 = tpu.vector_load %arg33[%get3A_118] {strides = array<i32>} : memref<16xf32, #tpu.memory_space<vmem>>, vector<16xf32>,
      %reduce_sum3A_120 = arith.constant true
      %reduce_sum3A_121 = vector.broadcast %reduce_sum3A_120 : i1 to vector<16xi1>
      %reduce_sum3A_122 = tpu.scan <sum>, %get3A_119 masked %reduce_sum3A_121 : vector<16xf32>, vector<16xi1> -> vector<16xf32>
      %reduce_sum3A_123 = vector.extract %reduce_sum3A_122[15] : f32 from vector<16xf32>
      %iota3A_124 = tpu.iota {dimensions = array<i32: 0>} : vector<16xi32>
      %eq3A_125 = arith.constant 0 : i32
      %eq3A_126 = vector.broadcast %eq3A_125 : i32 to vector<16xi32>
      %eq3A_127 = arith.cmpi eq, %iota3A_124, %eq3A_126 : vector<16xi32>
      %jit3A = arith.constant 1.000000e+00 : f32
      %jit3A_128 = arith.constant 0.000000e+00 : f32
      %broadcast_in_dim3A_129 = vector.broadcast %jit3A : f32 to vector<16xf32>
      %broadcast_in_dim3A_130 = vector.broadcast %jit3A_128 : f32 to vector<16xf32>
      %select_n3A = arith.select %eq3A_127, %broadcast_in_dim3A_129, %broadcast_in_dim3A_130 : vector<16xi1>, vector<16xf32>
      %eq3A_131 = arith.constant 1 : i32
      %eq3A_132 = vector.broadcast %eq3A_131 : i32 to vector<16xi32>
      %eq3A_133 = arith.cmpi eq, %iota3A_124, %eq3A_132 : vector<16xi32>
      %jit3A_134 = arith.constant false
      %jit3A_135 = arith.constant 1.000000e+00 : f32
      %jit3A_136 = arith.constant 0.000000e+00 : f32
      %select_n3A_137 = arith.select %jit3A_134, %jit3A_135, %jit3A_136 : f32
      %jit3A_138 = arith.constant 0.000000e+00 : f32
      %broadcast_in_dim3A_139 = vector.broadcast %select_n3A_137 : f32 to vector<16xf32>
      %broadcast_in_dim3A_140 = vector.broadcast %jit3A_138 : f32 to vector<16xf32>
      %select_n3A_141 = arith.select %eq3A_133, %broadcast_in_dim3A_139, %broadcast_in_dim3A_140 : vector<16xi1>, vector<16xf32>
      %add3A_142 = arith.addf %select_n3A, %select_n3A_141 : vector<16xf32>
      %eq3A_143 = arith.constant 2 : i32
      %eq3A_144 = vector.broadcast %eq3A_143 : i32 to vector<16xi32>
      %eq3A_145 = arith.cmpi eq, %iota3A_124, %eq3A_144 : vector<16xi32>
      %jit3A_146 = arith.constant 0.000000e+00 : f32
      %broadcast_in_dim3A_147 = vector.broadcast %reduce_sum3A_101 : f32 to vector<16xf32>
      %broadcast_in_dim3A_148 = vector.broadcast %jit3A_146 : f32 to vector<16xf32>
      %select_n3A_149 = arith.select %eq3A_145, %broadcast_in_dim3A_147, %broadcast_in_dim3A_148 : vector<16xi1>, vector<16xf32>
      %add3A_150 = arith.addf %add3A_142, %select_n3A_149 : vector<16xf32>
      %eq3A_151 = arith.constant 3 : i32
      %eq3A_152 = vector.broadcast %eq3A_151 : i32 to vector<16xi32>
      %eq3A_153 = arith.cmpi eq, %iota3A_124, %eq3A_152 : vector<16xi32>
      %jit3A_154 = arith.constant 0.000000e+00 : f32
      %broadcast_in_dim3A_155 = vector.broadcast %reduce_sum3A_111 : f32 to vector<16xf32>
      %broadcast_in_dim3A_156 = vector.broadcast %jit3A_154 : f32 to vector<16xf32>
      %select_n3A_157 = arith.select %eq3A_153, %broadcast_in_dim3A_155, %broadcast_in_dim3A_156 : vector<16xi1>, vector<16xf32>
      %add3A_158 = arith.addf %add3A_150, %select_n3A_157 : vector<16xf32>
      %eq3A_159 = arith.constant 4 : i32
      %eq3A_160 = vector.broadcast %eq3A_159 : i32 to vector<16xi32>
      %eq3A_161 = arith.cmpi eq, %iota3A_124, %eq3A_160 : vector<16xi32>
      %jit3A_162 = arith.constant 0.000000e+00 : f32
      %broadcast_in_dim3A_163 = vector.broadcast %reduce_sum3A_117 : f32 to vector<16xf32>
      %broadcast_in_dim3A_164 = vector.broadcast %jit3A_162 : f32 to vector<16xf32>
      %select_n3A_165 = arith.select %eq3A_161, %broadcast_in_dim3A_163, %broadcast_in_dim3A_164 : vector<16xi1>, vector<16xf32>
      %add3A_166 = arith.addf %add3A_158, %select_n3A_165 : vector<16xf32>
      %eq3A_167 = arith.constant 5 : i32
      %eq3A_168 = vector.broadcast %eq3A_167 : i32 to vector<16xi32>
      %eq3A_169 = arith.cmpi eq, %iota3A_124, %eq3A_168 : vector<16xi32>
      %jit3A_170 = arith.constant 0.000000e+00 : f32
      %broadcast_in_dim3A_171 = vector.broadcast %reduce_sum3A_123 : f32 to vector<16xf32>
      %broadcast_in_dim3A_172 = vector.broadcast %jit3A_170 : f32 to vector<16xf32>
      %select_n3A_173 = arith.select %eq3A_169, %broadcast_in_dim3A_171, %broadcast_in_dim3A_172 : vector<16xi1>, vector<16xf32>
      %add3A_174 = arith.addf %add3A_166, %select_n3A_173 : vector<16xf32>
      %eq3A_175 = arith.constant 6 : i32
      %eq3A_176 = vector.broadcast %eq3A_175 : i32 to vector<16xi32>
      %eq3A_177 = arith.cmpi eq, %iota3A_124, %eq3A_176 : vector<16xi32>
      %get3A_178 = arith.constant 0 : index
      %get3A_179 = tpu.vector_load %arg34[%get3A_178] {strides = array<i32>} : memref<16xf32, #tpu.memory_space<vmem>>, vector<16xf32>,
      %slice3A_180 = vector.extract_strided_slice %get3A_179 {offsets = [0], sizes = [1], strides = [1]} : vector<16xf32> to vector<1xf32>
      %squeeze3A_181 = vector.extract %slice3A_180[0] : f32 from vector<1xf32>
      %jit3A_182 = arith.constant 0.000000e+00 : f32
      %broadcast_in_dim3A_183 = vector.broadcast %squeeze3A_181 : f32 to vector<16xf32>
      %broadcast_in_dim3A_184 = vector.broadcast %jit3A_182 : f32 to vector<16xf32>
      %select_n3A_185 = arith.select %eq3A_177, %broadcast_in_dim3A_183, %broadcast_in_dim3A_184 : vector<16xi1>, vector<16xf32>
      %add3A_186 = arith.addf %add3A_174, %select_n3A_185 : vector<16xf32>
      %get3A_187 = arith.constant 0 : index
      %get3A_188 = tpu.vector_load %arg41[%get3A_187] {strides = array<i32>} : memref<16xf32, #tpu.memory_space<vmem>>, vector<16xf32>,
      %add3A_189 = arith.addf %get3A_188, %add3A_186 : vector<16xf32>
      %swap3A_190 = arith.constant 0 : index
      %swap3A_191 = tpu.vector_load %arg41[%swap3A_190] {strides = array<i32>} : memref<16xf32, #tpu.memory_space<vmem>>, vector<16xf32>,
      tpu.vector_store %arg41[%swap3A_190], %add3A_189 {strides = array<i32>} : memref<16xf32, #tpu.memory_space<vmem>>, vector<16xf32>,
    } else {
    }
    %eq3A = arith.constant 31 : i32
    %eq3A_85 = arith.cmpi eq, %add3A, %eq3A : i32
    %convert_element_type3A_86 = arith.extui %eq3A_85 : i1 to i32
    %cond3A_87 = arith.constant 0 : i32
    %cond3A_88 = arith.cmpi ne, %convert_element_type3A_86, %cond3A_87 : i32
    scf.if %cond3A_88 {
      %while3A = scf.while (%while3A_97 = %get3A_67) : (i32) -> i32 {
        %lt3A_98 = arith.constant 16384 : i32
        %lt3A_99 = arith.cmpi slt, %while3A_97, %lt3A_98 : i32
        scf.condition(%lt3A_99) %while3A_97 : i32
      } do {
      ^bb0(%while3A_97: i32):
        %get3A_98 = arith.constant 1 : i32
        %get3A_99 = arith.index_cast %get3A_98 : i32 to index
        %get3A_100 = memref.load %arg42[%get3A_99] : memref<8xi32, #tpu.memory_space<smem>>
        %broadcast_in_dim3A_101 = arith.constant 0.000000e+00 : f32
        %broadcast_in_dim3A_102 = vector.broadcast %broadcast_in_dim3A_101 : f32 to vector<16xf32>
        %broadcast_in_dim3A_103 = vector.broadcast %get3A_100 : i32 to vector<16xi32>
        %iota3A_104 = tpu.iota {dimensions = array<i32: 0>} : vector<16xi32>
        %eq3A_105 = arith.constant 0 : i32
        %eq3A_106 = vector.broadcast %eq3A_105 : i32 to vector<16xi32>
        %eq3A_107 = arith.cmpi eq, %iota3A_104, %eq3A_106 : vector<16xi32>
        tpu.vector_store_idx %arg35[%broadcast_in_dim3A_103], %broadcast_in_dim3A_102 masked %eq3A_107 : memref<16xf32, #tpu.memory_space<vmem>>[vector<16xi32>], vector<16xf32>, vector<16xi1>
        %broadcast_in_dim3A_108 = arith.constant 1.000000e+00 : f32
        %broadcast_in_dim3A_109 = vector.broadcast %broadcast_in_dim3A_108 : f32 to vector<16xf32>
        %broadcast_in_dim3A_110 = vector.broadcast %get3A_100 : i32 to vector<16xi32>
        %iota3A_111 = tpu.iota {dimensions = array<i32: 0>} : vector<16xi32>
        %eq3A_112 = arith.constant 0 : i32
        %eq3A_113 = vector.broadcast %eq3A_112 : i32 to vector<16xi32>
        %eq3A_114 = arith.cmpi eq, %iota3A_111, %eq3A_113 : vector<16xi32>
        tpu.vector_store_idx %arg36[%broadcast_in_dim3A_110], %broadcast_in_dim3A_109 masked %eq3A_114 : memref<16xf32, #tpu.memory_space<vmem>>[vector<16xi32>], vector<16xf32>, vector<16xi1>
        %broadcast_in_dim3A_115 = arith.constant 0.000000e+00 : f32
        %broadcast_in_dim3A_116 = vector.broadcast %broadcast_in_dim3A_115 : f32 to vector<16xf32>
        %broadcast_in_dim3A_117 = vector.broadcast %get3A_100 : i32 to vector<16xi32>
        %iota3A_118 = tpu.iota {dimensions = array<i32: 0>} : vector<16xi32>
        %eq3A_119 = arith.constant 0 : i32
        %eq3A_120 = vector.broadcast %eq3A_119 : i32 to vector<16xi32>
        %eq3A_121 = arith.cmpi eq, %iota3A_118, %eq3A_120 : vector<16xi32>
        tpu.vector_store_idx %arg37[%broadcast_in_dim3A_117], %broadcast_in_dim3A_116 masked %eq3A_121 : memref<16xf32, #tpu.memory_space<vmem>>[vector<16xi32>], vector<16xf32>, vector<16xi1>
        %broadcast_in_dim3A_122 = arith.constant 0.000000e+00 : f32
        %broadcast_in_dim3A_123 = vector.broadcast %broadcast_in_dim3A_122 : f32 to vector<16xf32>
        %broadcast_in_dim3A_124 = vector.broadcast %get3A_100 : i32 to vector<16xi32>
        %iota3A_125 = tpu.iota {dimensions = array<i32: 0>} : vector<16xi32>
        %eq3A_126 = arith.constant 0 : i32
        %eq3A_127 = vector.broadcast %eq3A_126 : i32 to vector<16xi32>
        %eq3A_128 = arith.cmpi eq, %iota3A_125, %eq3A_127 : vector<16xi32>
        tpu.vector_store_idx %arg38[%broadcast_in_dim3A_124], %broadcast_in_dim3A_123 masked %eq3A_128 : memref<16xf32, #tpu.memory_space<vmem>>[vector<16xi32>], vector<16xf32>, vector<16xi1>
        %broadcast_in_dim3A_129 = arith.constant 0.000000e+00 : f32
        %broadcast_in_dim3A_130 = vector.broadcast %broadcast_in_dim3A_129 : f32 to vector<16xf32>
        %broadcast_in_dim3A_131 = vector.broadcast %get3A_100 : i32 to vector<16xi32>
        %iota3A_132 = tpu.iota {dimensions = array<i32: 0>} : vector<16xi32>
        %eq3A_133 = arith.constant 0 : i32
        %eq3A_134 = vector.broadcast %eq3A_133 : i32 to vector<16xi32>
        %eq3A_135 = arith.cmpi eq, %iota3A_132, %eq3A_134 : vector<16xi32>
        tpu.vector_store_idx %arg39[%broadcast_in_dim3A_131], %broadcast_in_dim3A_130 masked %eq3A_135 : memref<16xf32, #tpu.memory_space<vmem>>[vector<16xi32>], vector<16xf32>, vector<16xi1>
        %broadcast_in_dim3A_136 = vector.broadcast %while3A_97 : i32 to vector<16xi32>
        %broadcast_in_dim3A_137 = vector.broadcast %get3A_100 : i32 to vector<16xi32>
        %iota3A_138 = tpu.iota {dimensions = array<i32: 0>} : vector<16xi32>
        %eq3A_139 = arith.constant 0 : i32
        %eq3A_140 = vector.broadcast %eq3A_139 : i32 to vector<16xi32>
        %eq3A_141 = arith.cmpi eq, %iota3A_138, %eq3A_140 : vector<16xi32>
        tpu.vector_store_idx %arg40[%broadcast_in_dim3A_137], %broadcast_in_dim3A_136 masked %eq3A_141 : memref<16xi32, #tpu.memory_space<vmem>>[vector<16xi32>], vector<16xi32>, vector<16xi1>
        %add3A_142 = arith.constant 1 : i32
        %add3A_143 = arith.addi %get3A_100, %add3A_142 : i32
        %swap3A_144 = arith.constant 1 : i32
        %swap3A_145 = arith.index_cast %swap3A_144 : i32 to index
        %swap3A_146 = memref.load %arg42[%swap3A_145] : memref<8xi32, #tpu.memory_space<smem>>
        memref.store %add3A_143, %arg42[%swap3A_145] : memref<8xi32, #tpu.memory_space<smem>>
        %add3A_147 = arith.constant 1 : i32
        %add3A_148 = arith.addi %get3A_100, %add3A_147 : i32
        %eq3A_149 = arith.constant 16 : i32
        %eq3A_150 = arith.cmpi eq, %add3A_148, %eq3A_149 : i32
        %convert_element_type3A_151 = arith.extui %eq3A_150 : i1 to i32
        %cond3A_152 = arith.constant 0 : i32
        %cond3A_153 = arith.cmpi ne, %convert_element_type3A_151, %cond3A_152 : i32
        scf.if %cond3A_153 {
          %dma_start3A_156 = arith.constant 0 : i32
          %dma_start3A_157 = tpu.memref_slice %arg10[%dma_start3A_156] : memref<16400xf32, #tpu.memory_space<hbm>> -> memref<16400xf32, #tpu.memory_space<hbm>>
          tpu.enqueue_indirect_dma source(%arg35 : memref<16xf32, #tpu.memory_space<vmem>>) target(%dma_start3A_157 : memref<16400xf32, #tpu.memory_space<hbm>>) offsets(%arg40 : memref<16xi32, #tpu.memory_space<vmem>>) semaphore(%arg45 : memref<!tpu.dma_semaphore, #tpu.memory_space<semaphore_mem>>)
          %dma_start3A_158 = arith.constant 0 : i32
          %dma_start3A_159 = tpu.memref_slice %arg11[%dma_start3A_158] : memref<16400xf32, #tpu.memory_space<hbm>> -> memref<16400xf32, #tpu.memory_space<hbm>>
          tpu.enqueue_indirect_dma source(%arg36 : memref<16xf32, #tpu.memory_space<vmem>>) target(%dma_start3A_159 : memref<16400xf32, #tpu.memory_space<hbm>>) offsets(%arg40 : memref<16xi32, #tpu.memory_space<vmem>>) semaphore(%arg45 : memref<!tpu.dma_semaphore, #tpu.memory_space<semaphore_mem>>)
          %dma_start3A_160 = arith.constant 0 : i32
          %dma_start3A_161 = tpu.memref_slice %arg12[%dma_start3A_160] : memref<16400xf32, #tpu.memory_space<hbm>> -> memref<16400xf32, #tpu.memory_space<hbm>>
          tpu.enqueue_indirect_dma source(%arg37 : memref<16xf32, #tpu.memory_space<vmem>>) target(%dma_start3A_161 : memref<16400xf32, #tpu.memory_space<hbm>>) offsets(%arg40 : memref<16xi32, #tpu.memory_space<vmem>>) semaphore(%arg45 : memref<!tpu.dma_semaphore, #tpu.memory_space<semaphore_mem>>)
          %dma_start3A_162 = arith.constant 0 : i32
          %dma_start3A_163 = tpu.memref_slice %arg13[%dma_start3A_162] : memref<16400xf32, #tpu.memory_space<hbm>> -> memref<16400xf32, #tpu.memory_space<hbm>>
          tpu.enqueue_indirect_dma source(%arg38 : memref<16xf32, #tpu.memory_space<vmem>>) target(%dma_start3A_163 : memref<16400xf32, #tpu.memory_space<hbm>>) offsets(%arg40 : memref<16xi32, #tpu.memory_space<vmem>>) semaphore(%arg45 : memref<!tpu.dma_semaphore, #tpu.memory_space<semaphore_mem>>)
          %dma_start3A_164 = arith.constant 0 : i32
          %dma_start3A_165 = tpu.memref_slice %arg14[%dma_start3A_164] : memref<16400xf32, #tpu.memory_space<hbm>> -> memref<16400xf32, #tpu.memory_space<hbm>>
          tpu.enqueue_indirect_dma source(%arg39 : memref<16xf32, #tpu.memory_space<vmem>>) target(%dma_start3A_165 : memref<16400xf32, #tpu.memory_space<hbm>>) offsets(%arg40 : memref<16xi32, #tpu.memory_space<vmem>>) semaphore(%arg45 : memref<!tpu.dma_semaphore, #tpu.memory_space<semaphore_mem>>)
          %dma_wait3A_166 = arith.constant 0 : i32
          %dma_wait3A_167 = tpu.memref_slice %arg10[%dma_wait3A_166] : memref<16400xf32, #tpu.memory_space<hbm>> -> memref<16400xf32, #tpu.memory_space<hbm>>
          tpu.wait_indirect_dma semaphore(%arg45 : memref<!tpu.dma_semaphore, #tpu.memory_space<semaphore_mem>>) src(%arg35 : memref<16xf32, #tpu.memory_space<vmem>>) dst(%dma_wait3A_167 : memref<16400xf32, #tpu.memory_space<hbm>>)
          %dma_wait3A_168 = arith.constant 0 : i32
          %dma_wait3A_169 = tpu.memref_slice %arg11[%dma_wait3A_168] : memref<16400xf32, #tpu.memory_space<hbm>> -> memref<16400xf32, #tpu.memory_space<hbm>>
          tpu.wait_indirect_dma semaphore(%arg45 : memref<!tpu.dma_semaphore, #tpu.memory_space<semaphore_mem>>) src(%arg36 : memref<16xf32, #tpu.memory_space<vmem>>) dst(%dma_wait3A_169 : memref<16400xf32, #tpu.memory_space<hbm>>)
          %dma_wait3A_170 = arith.constant 0 : i32
          %dma_wait3A_171 = tpu.memref_slice %arg12[%dma_wait3A_170] : memref<16400xf32, #tpu.memory_space<hbm>> -> memref<16400xf32, #tpu.memory_space<hbm>>
          tpu.wait_indirect_dma semaphore(%arg45 : memref<!tpu.dma_semaphore, #tpu.memory_space<semaphore_mem>>) src(%arg37 : memref<16xf32, #tpu.memory_space<vmem>>) dst(%dma_wait3A_171 : memref<16400xf32, #tpu.memory_space<hbm>>)
          %dma_wait3A_172 = arith.constant 0 : i32
          %dma_wait3A_173 = tpu.memref_slice %arg13[%dma_wait3A_172] : memref<16400xf32, #tpu.memory_space<hbm>> -> memref<16400xf32, #tpu.memory_space<hbm>>
          tpu.wait_indirect_dma semaphore(%arg45 : memref<!tpu.dma_semaphore, #tpu.memory_space<semaphore_mem>>) src(%arg38 : memref<16xf32, #tpu.memory_space<vmem>>) dst(%dma_wait3A_173 : memref<16400xf32, #tpu.memory_space<hbm>>)
          %dma_wait3A_174 = arith.constant 0 : i32
          %dma_wait3A_175 = tpu.memref_slice %arg14[%dma_wait3A_174] : memref<16400xf32, #tpu.memory_space<hbm>> -> memref<16400xf32, #tpu.memory_space<hbm>>
          tpu.wait_indirect_dma semaphore(%arg45 : memref<!tpu.dma_semaphore, #tpu.memory_space<semaphore_mem>>) src(%arg39 : memref<16xf32, #tpu.memory_space<vmem>>) dst(%dma_wait3A_175 : memref<16400xf32, #tpu.memory_space<hbm>>)
          %broadcast_in_dim3A_176 = arith.constant 16384 : i32
          %broadcast_in_dim3A_177 = vector.broadcast %broadcast_in_dim3A_176 : i32 to vector<16xi32>
          %iota3A_178 = tpu.iota {dimensions = array<i32: 0>} : vector<16xi32>
          %add3A_179 = arith.addi %broadcast_in_dim3A_177, %iota3A_178 : vector<16xi32>
          %swap3A_180 = arith.constant 0 : index
          %swap3A_181 = tpu.vector_load %arg40[%swap3A_180] {strides = array<i32>} : memref<16xi32, #tpu.memory_space<vmem>>, vector<16xi32>,
          tpu.vector_store %arg40[%swap3A_180], %add3A_179 {strides = array<i32>} : memref<16xi32, #tpu.memory_space<vmem>>, vector<16xi32>,
          %swap3A_182 = arith.constant 0 : i32
          %swap3A_183 = arith.constant 1 : i32
          %swap3A_184 = arith.index_cast %swap3A_183 : i32 to index
          %swap3A_185 = memref.load %arg42[%swap3A_184] : memref<8xi32, #tpu.memory_space<smem>>
          memref.store %swap3A_182, %arg42[%swap3A_184] : memref<8xi32, #tpu.memory_space<smem>>
        } else {
        }
        %add3A_154 = arith.constant 1 : i32
        %add3A_155 = arith.addi %while3A_97, %add3A_154 : i32
        scf.yield %add3A_155 : i32
      }
    } else {
    }
    %get3A_89 = arith.constant 1 : i32
    %get3A_90 = arith.index_cast %get3A_89 : i32 to index
    %get3A_91 = memref.load %arg42[%get3A_90] : memref<8xi32, #tpu.memory_space<smem>>
    %gt3A_92 = arith.constant 0 : i32
    %gt3A_93 = arith.cmpi sgt, %get3A_91, %gt3A_92 : i32
    %convert_element_type3A_94 = arith.extui %gt3A_93 : i1 to i32
    %cond3A_95 = arith.constant 0 : i32
    %cond3A_96 = arith.cmpi ne, %convert_element_type3A_94, %cond3A_95 : i32
    scf.if %cond3A_96 {
      %dma_start3A_97 = arith.constant 0 : i32
      %dma_start3A_98 = tpu.memref_slice %arg10[%dma_start3A_97] : memref<16400xf32, #tpu.memory_space<hbm>> -> memref<16400xf32, #tpu.memory_space<hbm>>
      tpu.enqueue_indirect_dma source(%arg35 : memref<16xf32, #tpu.memory_space<vmem>>) target(%dma_start3A_98 : memref<16400xf32, #tpu.memory_space<hbm>>) offsets(%arg40 : memref<16xi32, #tpu.memory_space<vmem>>) semaphore(%arg45 : memref<!tpu.dma_semaphore, #tpu.memory_space<semaphore_mem>>)
      %dma_start3A_99 = arith.constant 0 : i32
      %dma_start3A_100 = tpu.memref_slice %arg11[%dma_start3A_99] : memref<16400xf32, #tpu.memory_space<hbm>> -> memref<16400xf32, #tpu.memory_space<hbm>>
      tpu.enqueue_indirect_dma source(%arg36 : memref<16xf32, #tpu.memory_space<vmem>>) target(%dma_start3A_100 : memref<16400xf32, #tpu.memory_space<hbm>>) offsets(%arg40 : memref<16xi32, #tpu.memory_space<vmem>>) semaphore(%arg45 : memref<!tpu.dma_semaphore, #tpu.memory_space<semaphore_mem>>)
      %dma_start3A_101 = arith.constant 0 : i32
      %dma_start3A_102 = tpu.memref_slice %arg12[%dma_start3A_101] : memref<16400xf32, #tpu.memory_space<hbm>> -> memref<16400xf32, #tpu.memory_space<hbm>>
      tpu.enqueue_indirect_dma source(%arg37 : memref<16xf32, #tpu.memory_space<vmem>>) target(%dma_start3A_102 : memref<16400xf32, #tpu.memory_space<hbm>>) offsets(%arg40 : memref<16xi32, #tpu.memory_space<vmem>>) semaphore(%arg45 : memref<!tpu.dma_semaphore, #tpu.memory_space<semaphore_mem>>)
      %dma_start3A_103 = arith.constant 0 : i32
      %dma_start3A_104 = tpu.memref_slice %arg13[%dma_start3A_103] : memref<16400xf32, #tpu.memory_space<hbm>> -> memref<16400xf32, #tpu.memory_space<hbm>>
      tpu.enqueue_indirect_dma source(%arg38 : memref<16xf32, #tpu.memory_space<vmem>>) target(%dma_start3A_104 : memref<16400xf32, #tpu.memory_space<hbm>>) offsets(%arg40 : memref<16xi32, #tpu.memory_space<vmem>>) semaphore(%arg45 : memref<!tpu.dma_semaphore, #tpu.memory_space<semaphore_mem>>)
      %dma_start3A_105 = arith.constant 0 : i32
      %dma_start3A_106 = tpu.memref_slice %arg14[%dma_start3A_105] : memref<16400xf32, #tpu.memory_space<hbm>> -> memref<16400xf32, #tpu.memory_space<hbm>>
      tpu.enqueue_indirect_dma source(%arg39 : memref<16xf32, #tpu.memory_space<vmem>>) target(%dma_start3A_106 : memref<16400xf32, #tpu.memory_space<hbm>>) offsets(%arg40 : memref<16xi32, #tpu.memory_space<vmem>>) semaphore(%arg45 : memref<!tpu.dma_semaphore, #tpu.memory_space<semaphore_mem>>)
      %dma_wait3A_107 = arith.constant 0 : i32
      %dma_wait3A_108 = tpu.memref_slice %arg10[%dma_wait3A_107] : memref<16400xf32, #tpu.memory_space<hbm>> -> memref<16400xf32, #tpu.memory_space<hbm>>
      tpu.wait_indirect_dma semaphore(%arg45 : memref<!tpu.dma_semaphore, #tpu.memory_space<semaphore_mem>>) src(%arg35 : memref<16xf32, #tpu.memory_space<vmem>>) dst(%dma_wait3A_108 : memref<16400xf32, #tpu.memory_space<hbm>>)
      %dma_wait3A_109 = arith.constant 0 : i32
      %dma_wait3A_110 = tpu.memref_slice %arg11[%dma_wait3A_109] : memref<16400xf32, #tpu.memory_space<hbm>> -> memref<16400xf32, #tpu.memory_space<hbm>>
      tpu.wait_indirect_dma semaphore(%arg45 : memref<!tpu.dma_semaphore, #tpu.memory_space<semaphore_mem>>) src(%arg36 : memref<16xf32, #tpu.memory_space<vmem>>) dst(%dma_wait3A_110 : memref<16400xf32, #tpu.memory_space<hbm>>)
      %dma_wait3A_111 = arith.constant 0 : i32
      %dma_wait3A_112 = tpu.memref_slice %arg12[%dma_wait3A_111] : memref<16400xf32, #tpu.memory_space<hbm>> -> memref<16400xf32, #tpu.memory_space<hbm>>
      tpu.wait_indirect_dma semaphore(%arg45 : memref<!tpu.dma_semaphore, #tpu.memory_space<semaphore_mem>>) src(%arg37 : memref<16xf32, #tpu.memory_space<vmem>>) dst(%dma_wait3A_112 : memref<16400xf32, #tpu.memory_space<hbm>>)
      %dma_wait3A_113 = arith.constant 0 : i32
      %dma_wait3A_114 = tpu.memref_slice %arg13[%dma_wait3A_113] : memref<16400xf32, #tpu.memory_space<hbm>> -> memref<16400xf32, #tpu.memory_space<hbm>>
      tpu.wait_indirect_dma semaphore(%arg45 : memref<!tpu.dma_semaphore, #tpu.memory_space<semaphore_mem>>) src(%arg38 : memref<16xf32, #tpu.memory_space<vmem>>) dst(%dma_wait3A_114 : memref<16400xf32, #tpu.memory_space<hbm>>)
      %dma_wait3A_115 = arith.constant 0 : i32
      %dma_wait3A_116 = tpu.memref_slice %arg14[%dma_wait3A_115] : memref<16400xf32, #tpu.memory_space<hbm>> -> memref<16400xf32, #tpu.memory_space<hbm>>
      tpu.wait_indirect_dma semaphore(%arg45 : memref<!tpu.dma_semaphore, #tpu.memory_space<semaphore_mem>>) src(%arg39 : memref<16xf32, #tpu.memory_space<vmem>>) dst(%dma_wait3A_116 : memref<16400xf32, #tpu.memory_space<hbm>>)
    } else {
    }
    "tpu.region"() ({
      %run_scoped3A = tpu.sem_alloc : memref<!tpu.dma_semaphore, #tpu.memory_space<semaphore_mem>>
      %dma_start3A_97 = arith.constant 0 : i32
      %dma_start3A_98 = tpu.memref_slice %arg15[%add3A, %dma_start3A_97] : memref<32x16xf32, #tpu.memory_space<hbm>> -> memref<1x16xf32, #tpu.memory_space<hbm>>
      %dma_start3A_99 = tpu.memref_squeeze %dma_start3A_98 : memref<1x16xf32, #tpu.memory_space<hbm>> -> memref<16xf32, #tpu.memory_space<hbm>>
      %dma_start3A_100 = arith.constant 0 : i32
      %dma_start3A_101 = tpu.memref_slice %arg15[%add3A, %dma_start3A_100] : memref<32x16xf32, #tpu.memory_space<hbm>> -> memref<1x16xf32, #tpu.memory_space<hbm>>
      %dma_start3A_102 = tpu.memref_squeeze %dma_start3A_101 : memref<1x16xf32, #tpu.memory_space<hbm>> -> memref<16xf32, #tpu.memory_space<hbm>>
      tpu.enqueue_dma source(%arg41 : memref<16xf32, #tpu.memory_space<vmem>>) target(%dma_start3A_102 : memref<16xf32, #tpu.memory_space<hbm>>) target_semaphore(%run_scoped3A : memref<!tpu.dma_semaphore, #tpu.memory_space<semaphore_mem>>)
      %dma_wait3A_103 = arith.constant 0 : i32
      %dma_wait3A_104 = tpu.memref_slice %arg15[%add3A, %dma_wait3A_103] : memref<32x16xf32, #tpu.memory_space<hbm>> -> memref<1x16xf32, #tpu.memory_space<hbm>>
      %dma_wait3A_105 = tpu.memref_squeeze %dma_wait3A_104 : memref<1x16xf32, #tpu.memory_space<hbm>> -> memref<16xf32, #tpu.memory_space<hbm>>
      %dma_wait3A_106 = arith.constant 0 : i32
      %dma_wait3A_107 = tpu.memref_slice %arg15[%add3A, %dma_wait3A_106] : memref<32x16xf32, #tpu.memory_space<hbm>> -> memref<1x16xf32, #tpu.memory_space<hbm>>
      %dma_wait3A_108 = tpu.memref_squeeze %dma_wait3A_107 : memref<1x16xf32, #tpu.memory_space<hbm>> -> memref<16xf32, #tpu.memory_space<hbm>>
      tpu.wait_dma2 semaphore(%run_scoped3A : memref<!tpu.dma_semaphore, #tpu.memory_space<semaphore_mem>>) src(%arg41 : memref<16xf32, #tpu.memory_space<vmem>>) dst(%dma_wait3A_108 : memref<16xf32, #tpu.memory_space<hbm>>)
      tpu.yield
    }) : () -> ()
    return
  }
}

#map = affine_map<(d0, d1) -> (0)>
module attributes {stable_mosaic.version = 14 : i64} {
  func.func @body(%arg0: i32, %arg1: i32, %arg2: memref<2097152xf32, #tpu.memory_space<hbm>>, %arg3: memref<16392xi32, #tpu.memory_space<hbm>>, %arg4: memref<40xi32, #tpu.memory_space<hbm>>, %arg5: memref<16400xf32, #tpu.memory_space<hbm>>, %arg6: memref<32xf32, #tpu.memory_space<hbm>>, %arg7: memref<2097152xf32, #tpu.memory_space<hbm>>, %arg8: memref<2097152xf32, #tpu.memory_space<hbm>>, %arg9: memref<16392xi32, #tpu.memory_space<vmem>>, %arg10: memref<40xi32, #tpu.memory_space<vmem>>, %arg11: memref<16400xf32, #tpu.memory_space<vmem>>, %arg12: memref<32xf32, #tpu.memory_space<vmem>>, %arg13: memref<2048xf32, #tpu.memory_space<vmem>>, %arg14: memref<2048xf32, #tpu.memory_space<vmem>>, %arg15: memref<2048xf32, #tpu.memory_space<vmem>>, %arg16: memref<2048xf32, #tpu.memory_space<vmem>>, %arg17: memref<2048xf32, #tpu.memory_space<vmem>>, %arg18: memref<2048xf32, #tpu.memory_space<vmem>>, %arg19: memref<8xi32, #tpu.memory_space<smem>>, %arg20: memref<!tpu.dma_semaphore, #tpu.memory_space<semaphore_mem>>, %arg21: memref<!tpu.dma_semaphore, #tpu.memory_space<semaphore_mem>>, %arg22: memref<!tpu.dma_semaphore, #tpu.memory_space<semaphore_mem>>, %arg23: memref<!tpu.dma_semaphore, #tpu.memory_space<semaphore_mem>>) attributes {dimension_semantics = [#tpu.dimension_semantics<core_parallel>, #tpu.dimension_semantics<subcore_parallel>], iteration_bounds = array<i64: 2, 16>, scalar_prefetch = 0 : i64, scratch_operands = 15 : i64, tpu.core_type = #tpu.core_type<sc_vector_subcore>, window_params = [{transform_indices = #map}, {transform_indices = #map}, {transform_indices = #map}, {transform_indices = #map}, {transform_indices = #map}, {transform_indices = #map}, {transform_indices = #map}]} {
    %mul3A = arith.constant 2 : i32
    %mul3A_0 = arith.muli %arg1, %mul3A : i32
    %add3A = arith.addi %mul3A_0, %arg0 : i32
    %mul3A_1 = arith.constant 65536 : i32
    %mul3A_2 = arith.muli %add3A, %mul3A_1 : i32
    %add3A_3 = arith.constant 65536 : i32
    %add3A_4 = arith.addi %mul3A_2, %add3A_3 : i32
    "tpu.region"() ({
      %run_scoped3A = tpu.sem_alloc : memref<!tpu.dma_semaphore, #tpu.memory_space<semaphore_mem>>
      tpu.enqueue_dma source(%arg3 : memref<16392xi32, #tpu.memory_space<hbm>>) target(%arg9 : memref<16392xi32, #tpu.memory_space<vmem>>) target_semaphore(%run_scoped3A : memref<!tpu.dma_semaphore, #tpu.memory_space<semaphore_mem>>)
      tpu.wait_dma2 semaphore(%run_scoped3A : memref<!tpu.dma_semaphore, #tpu.memory_space<semaphore_mem>>) src(%arg3 : memref<16392xi32, #tpu.memory_space<hbm>>) dst(%arg9 : memref<16392xi32, #tpu.memory_space<vmem>>)
      tpu.yield
    }) : () -> ()
    "tpu.region"() ({
      %run_scoped3A = tpu.sem_alloc : memref<!tpu.dma_semaphore, #tpu.memory_space<semaphore_mem>>
      tpu.enqueue_dma source(%arg4 : memref<40xi32, #tpu.memory_space<hbm>>) target(%arg10 : memref<40xi32, #tpu.memory_space<vmem>>) target_semaphore(%run_scoped3A : memref<!tpu.dma_semaphore, #tpu.memory_space<semaphore_mem>>)
      tpu.wait_dma2 semaphore(%run_scoped3A : memref<!tpu.dma_semaphore, #tpu.memory_space<semaphore_mem>>) src(%arg4 : memref<40xi32, #tpu.memory_space<hbm>>) dst(%arg10 : memref<40xi32, #tpu.memory_space<vmem>>)
      tpu.yield
    }) : () -> ()
    "tpu.region"() ({
      %run_scoped3A = tpu.sem_alloc : memref<!tpu.dma_semaphore, #tpu.memory_space<semaphore_mem>>
      tpu.enqueue_dma source(%arg5 : memref<16400xf32, #tpu.memory_space<hbm>>) target(%arg11 : memref<16400xf32, #tpu.memory_space<vmem>>) target_semaphore(%run_scoped3A : memref<!tpu.dma_semaphore, #tpu.memory_space<semaphore_mem>>)
      tpu.wait_dma2 semaphore(%run_scoped3A : memref<!tpu.dma_semaphore, #tpu.memory_space<semaphore_mem>>) src(%arg5 : memref<16400xf32, #tpu.memory_space<hbm>>) dst(%arg11 : memref<16400xf32, #tpu.memory_space<vmem>>)
      tpu.yield
    }) : () -> ()
    "tpu.region"() ({
      %run_scoped3A = tpu.sem_alloc : memref<!tpu.dma_semaphore, #tpu.memory_space<semaphore_mem>>
      tpu.enqueue_dma source(%arg6 : memref<32xf32, #tpu.memory_space<hbm>>) target(%arg12 : memref<32xf32, #tpu.memory_space<vmem>>) target_semaphore(%run_scoped3A : memref<!tpu.dma_semaphore, #tpu.memory_space<semaphore_mem>>)
      tpu.wait_dma2 semaphore(%run_scoped3A : memref<!tpu.dma_semaphore, #tpu.memory_space<semaphore_mem>>) src(%arg6 : memref<32xf32, #tpu.memory_space<hbm>>) dst(%arg12 : memref<32xf32, #tpu.memory_space<vmem>>)
      tpu.yield
    }) : () -> ()
    %broadcast_in_dim3A = vector.broadcast %add3A : i32 to vector<16xi32>
    %gather3A = tpu.vector_load_idx %arg10[%broadcast_in_dim3A] : memref<40xi32, #tpu.memory_space<vmem>>[vector<16xi32>], vector<16xi32>,
    %slice3A = vector.extract_strided_slice %gather3A {offsets = [0], sizes = [1], strides = [1]} : vector<16xi32> to vector<1xi32>
    %squeeze3A = vector.extract %slice3A[0] : i32 from vector<1xi32>
    %swap3A = arith.constant 0 : i32
    %swap3A_5 = arith.index_cast %swap3A : i32 to index
    %swap3A_6 = memref.load %arg19[%swap3A_5] : memref<8xi32, #tpu.memory_space<smem>>
    memref.store %squeeze3A, %arg19[%swap3A_5] : memref<8xi32, #tpu.memory_space<smem>>
    %broadcast_in_dim3A_7 = vector.broadcast %add3A : i32 to vector<16xi32>
    %gather3A_8 = tpu.vector_load_idx %arg12[%broadcast_in_dim3A_7] : memref<32xf32, #tpu.memory_space<vmem>>[vector<16xi32>], vector<16xf32>,
    %broadcast_in_dim3A_9 = vector.broadcast %squeeze3A : i32 to vector<16xi32>
    %gather3A_10 = tpu.vector_load_idx %arg9[%broadcast_in_dim3A_9] : memref<16392xi32, #tpu.memory_space<vmem>>[vector<16xi32>], vector<16xi32>,
    %slice3A_11 = vector.extract_strided_slice %gather3A_10 {offsets = [0], sizes = [1], strides = [1]} : vector<16xi32> to vector<1xi32>
    %squeeze3A_12 = vector.extract %slice3A_11[0] : i32 from vector<1xi32>
    %add3A_13 = arith.constant 1 : i32
    %add3A_14 = arith.addi %squeeze3A, %add3A_13 : i32
    %broadcast_in_dim3A_15 = vector.broadcast %add3A_14 : i32 to vector<16xi32>
    %gather3A_16 = tpu.vector_load_idx %arg9[%broadcast_in_dim3A_15] : memref<16392xi32, #tpu.memory_space<vmem>>[vector<16xi32>], vector<16xi32>,
    %slice3A_17 = vector.extract_strided_slice %gather3A_16 {offsets = [0], sizes = [1], strides = [1]} : vector<16xi32> to vector<1xi32>
    %squeeze3A_18 = vector.extract %slice3A_17[0] : i32 from vector<1xi32>
    %lt3A = arith.cmpi slt, %squeeze3A_12, %mul3A_2 : i32
    %min3A = arith.minsi %squeeze3A_18, %add3A_4 : i32
    %select_n3A = arith.select %lt3A, %min3A, %mul3A_2 : i32
    %add3A_19 = arith.constant 0 : i32
    %add3A_20 = arith.addi %mul3A_2, %add3A_19 : i32
    %dma_start3A = tpu.memref_slice %arg2[%add3A_20] : memref<2097152xf32, #tpu.memory_space<hbm>> -> memref<2048xf32, #tpu.memory_space<hbm>>
    %dma_start3A_21 = tpu.memref_slice %arg2[%add3A_20] : memref<2097152xf32, #tpu.memory_space<hbm>> -> memref<2048xf32, #tpu.memory_space<hbm>>
    tpu.enqueue_dma source(%dma_start3A_21 : memref<2048xf32, #tpu.memory_space<hbm>>) target(%arg13 : memref<2048xf32, #tpu.memory_space<vmem>>) target_semaphore(%arg20 : memref<!tpu.dma_semaphore, #tpu.memory_space<semaphore_mem>>)
    %add3A_22 = arith.constant 2048 : i32
    %add3A_23 = arith.addi %mul3A_2, %add3A_22 : i32
    %dma_start3A_24 = tpu.memref_slice %arg2[%add3A_23] : memref<2097152xf32, #tpu.memory_space<hbm>> -> memref<2048xf32, #tpu.memory_space<hbm>>
    %dma_start3A_25 = tpu.memref_slice %arg2[%add3A_23] : memref<2097152xf32, #tpu.memory_space<hbm>> -> memref<2048xf32, #tpu.memory_space<hbm>>
    tpu.enqueue_dma source(%dma_start3A_25 : memref<2048xf32, #tpu.memory_space<hbm>>) target(%arg14 : memref<2048xf32, #tpu.memory_space<vmem>>) target_semaphore(%arg21 : memref<!tpu.dma_semaphore, #tpu.memory_space<semaphore_mem>>)
    %scan3A = arith.constant 0 : i32
    %scan3A_26 = arith.constant 0 : i32
    %scan3A_27 = arith.constant 16 : i32
    %scan3A_28 = arith.addi %scan3A_26, %scan3A_27 : i32
    %scan3A_29 = arith.constant 1 : i32
    %scan3A_30 = scf.for %scan3A_47 = %scan3A_26 to %scan3A_28 step %scan3A_29 iter_args(%scan3A_48 = %scan3A) -> (i32)  : i32 {
      %mul3A_49 = arith.constant 2 : i32
      %mul3A_50 = arith.muli %mul3A_49, %scan3A_47 : i32
      %add3A_51 = arith.constant 0 : i32
      %add3A_52 = arith.addi %mul3A_50, %add3A_51 : i32
      %dma_wait3A_53 = arith.constant 0 : i32
      %dma_wait3A_54 = tpu.memref_slice %arg2[%dma_wait3A_53] : memref<2097152xf32, #tpu.memory_space<hbm>> -> memref<2048xf32, #tpu.memory_space<hbm>>
      %dma_wait3A_55 = arith.constant 0 : i32
      %dma_wait3A_56 = tpu.memref_slice %arg2[%dma_wait3A_55] : memref<2097152xf32, #tpu.memory_space<hbm>> -> memref<2048xf32, #tpu.memory_space<hbm>>
      tpu.wait_dma2 semaphore(%arg20 : memref<!tpu.dma_semaphore, #tpu.memory_space<semaphore_mem>>) src(%dma_wait3A_56 : memref<2048xf32, #tpu.memory_space<hbm>>) dst(%arg13 : memref<2048xf32, #tpu.memory_space<vmem>>)
      %ge3A = arith.constant 1 : i32
      %ge3A_57 = arith.cmpi sge, %scan3A_47, %ge3A : i32
      %convert_element_type3A = arith.extui %ge3A_57 : i1 to i32
      %cond3A = arith.constant 0 : i32
      %cond3A_58 = arith.cmpi ne, %convert_element_type3A, %cond3A : i32
      scf.if %cond3A_58 {
        %dma_wait3A_118 = arith.constant 0 : i32
        %dma_wait3A_119 = tpu.memref_slice %arg2[%dma_wait3A_118] : memref<2097152xf32, #tpu.memory_space<hbm>> -> memref<2048xf32, #tpu.memory_space<hbm>>
        %dma_wait3A_120 = arith.constant 0 : i32
        %dma_wait3A_121 = tpu.memref_slice %arg2[%dma_wait3A_120] : memref<2097152xf32, #tpu.memory_space<hbm>> -> memref<2048xf32, #tpu.memory_space<hbm>>
        tpu.wait_dma2 semaphore(%arg22 : memref<!tpu.dma_semaphore, #tpu.memory_space<semaphore_mem>>) src(%dma_wait3A_121 : memref<2048xf32, #tpu.memory_space<hbm>>) dst(%arg15 : memref<2048xf32, #tpu.memory_space<vmem>>)
        %dma_wait3A_122 = arith.constant 0 : i32
        %dma_wait3A_123 = tpu.memref_slice %arg2[%dma_wait3A_122] : memref<2097152xf32, #tpu.memory_space<hbm>> -> memref<2048xf32, #tpu.memory_space<hbm>>
        %dma_wait3A_124 = arith.constant 0 : i32
        %dma_wait3A_125 = tpu.memref_slice %arg2[%dma_wait3A_124] : memref<2097152xf32, #tpu.memory_space<hbm>> -> memref<2048xf32, #tpu.memory_space<hbm>>
        tpu.wait_dma2 semaphore(%arg22 : memref<!tpu.dma_semaphore, #tpu.memory_space<semaphore_mem>>) src(%dma_wait3A_125 : memref<2048xf32, #tpu.memory_space<hbm>>) dst(%arg17 : memref<2048xf32, #tpu.memory_space<vmem>>)
      } else {
      }
      %mul3A_59 = arith.constant 2048 : i32
      %mul3A_60 = arith.muli %add3A_52, %mul3A_59 : i32
      %add3A_61 = arith.addi %mul3A_2, %mul3A_60 : i32
      %scan3A_62 = arith.constant 0 : i32
      %scan3A_63 = arith.constant 0 : i32
      %scan3A_64 = arith.constant 128 : i32
      %scan3A_65 = arith.addi %scan3A_63, %scan3A_64 : i32
      %scan3A_66 = arith.constant 1 : i32
      %scan3A_67 = scf.for %scan3A_118 = %scan3A_63 to %scan3A_65 step %scan3A_66 iter_args(%scan3A_119 = %scan3A_62) -> (i32)  : i32 {
        %mul3A_120 = arith.constant 16 : i32
        %mul3A_121 = arith.muli %scan3A_118, %mul3A_120 : i32
        %add3A_122 = arith.addi %add3A_61, %mul3A_121 : i32
        %iota3A = tpu.iota {dimensions = array<i32: 0>} : vector<16xi32>
        %add3A_123 = vector.broadcast %add3A_122 : i32 to vector<16xi32>
        %add3A_124 = arith.addi %add3A_123, %iota3A : vector<16xi32>
        %get3A = arith.index_cast %mul3A_121 : i32 to index
        %get3A_125 = tpu.vector_load %arg13[%get3A] {strides = array<i32>} : memref<2048xf32, #tpu.memory_space<vmem>>, vector<16xf32>,
        %lt3A_126 = vector.broadcast %select_n3A : i32 to vector<16xi32>
        %lt3A_127 = arith.cmpi slt, %add3A_124, %lt3A_126 : vector<16xi32>
        %mul3A_128 = arith.mulf %get3A_125, %gather3A_8 : vector<16xf32>
        %select_n3A_129 = arith.select %lt3A_127, %mul3A_128, %get3A_125 : vector<16xi1>, vector<16xf32>
        %swap3A_130 = arith.index_cast %mul3A_121 : i32 to index
        %swap3A_131 = tpu.vector_load %arg15[%swap3A_130] {strides = array<i32>} : memref<2048xf32, #tpu.memory_space<vmem>>, vector<16xf32>,
        tpu.vector_store %arg15[%swap3A_130], %select_n3A_129 {strides = array<i32>} : memref<2048xf32, #tpu.memory_space<vmem>>, vector<16xf32>,
        %scan3A_132 = arith.constant 0 : i32
        scf.yield %scan3A_132 : i32
      }
      %scan3A_68 = arith.constant 128 : i32
      %while3A = scf.while (%while3A_118 = %add3A_61) : (i32) -> i32 {
        %add3A_119 = arith.constant 2048 : i32
        %add3A_120 = arith.addi %add3A_61, %add3A_119 : i32
        %lt3A_121 = arith.cmpi slt, %while3A_118, %add3A_120 : i32
        scf.condition(%lt3A_121) %while3A_118 : i32
      } do {
      ^bb0(%while3A_118: i32):
        %get3A = arith.constant 0 : i32
        %get3A_119 = arith.index_cast %get3A : i32 to index
        %get3A_120 = memref.load %arg19[%get3A_119] : memref<8xi32, #tpu.memory_space<smem>>
        %add3A_121 = arith.constant 1 : i32
        %add3A_122 = arith.addi %get3A_120, %add3A_121 : i32
        %broadcast_in_dim3A_123 = vector.broadcast %add3A_122 : i32 to vector<16xi32>
        %gather3A_124 = tpu.vector_load_idx %arg9[%broadcast_in_dim3A_123] : memref<16392xi32, #tpu.memory_space<vmem>>[vector<16xi32>], vector<16xi32>,
        %slice3A_125 = vector.extract_strided_slice %gather3A_124 {offsets = [0], sizes = [1], strides = [1]} : vector<16xi32> to vector<1xi32>
        %squeeze3A_126 = vector.extract %slice3A_125[0] : i32 from vector<1xi32>
        %add3A_127 = arith.constant 2048 : i32
        %add3A_128 = arith.addi %add3A_61, %add3A_127 : i32
        %min3A_129 = arith.minsi %squeeze3A_126, %add3A_128 : i32
        %broadcast_in_dim3A_130 = vector.broadcast %get3A_120 : i32 to vector<16xi32>
        %gather3A_131 = tpu.vector_load_idx %arg11[%broadcast_in_dim3A_130] : memref<16400xf32, #tpu.memory_space<vmem>>[vector<16xi32>], vector<16xf32>,
        %rem3A = arith.constant 16 : i32
        %rem3A_132 = arith.remsi %while3A_118, %rem3A : i32
        %sub3A = arith.subi %while3A_118, %rem3A_132 : i32
        %while3A_133 = scf.while (%while3A_137 = %sub3A) : (i32) -> i32 {
          %lt3A_138 = arith.cmpi slt, %while3A_137, %min3A_129 : i32
          scf.condition(%lt3A_138) %while3A_137 : i32
        } do {
        ^bb0(%while3A_137: i32):
          %sub3A_138 = arith.subi %while3A_137, %add3A_61 : i32
          %iota3A = tpu.iota {dimensions = array<i32: 0>} : vector<16xi32>
          %add3A_139 = vector.broadcast %sub3A_138 : i32 to vector<16xi32>
          %add3A_140 = arith.addi %add3A_139, %iota3A : vector<16xi32>
          %iota3A_141 = tpu.iota {dimensions = array<i32: 0>} : vector<16xi32>
          %add3A_142 = vector.broadcast %while3A_137 : i32 to vector<16xi32>
          %add3A_143 = arith.addi %add3A_142, %iota3A_141 : vector<16xi32>
          %ge3A_144 = vector.broadcast %while3A_118 : i32 to vector<16xi32>
          %ge3A_145 = arith.cmpi sge, %add3A_143, %ge3A_144 : vector<16xi32>
          %lt3A_146 = vector.broadcast %min3A_129 : i32 to vector<16xi32>
          %lt3A_147 = arith.cmpi slt, %add3A_143, %lt3A_146 : vector<16xi32>
          %and3A = arith.andi %ge3A_145, %lt3A_147 : vector<16xi1>
          tpu.vector_store_idx %arg17[%add3A_140], %gather3A_131 masked %and3A : memref<2048xf32, #tpu.memory_space<vmem>>[vector<16xi32>], vector<16xf32>, vector<16xi1>
          %add3A_148 = arith.constant 16 : i32
          %add3A_149 = arith.addi %while3A_137, %add3A_148 : i32
          scf.yield %add3A_149 : i32
        }
        %eq3A = arith.cmpi eq, %min3A_129, %squeeze3A_126 : i32
        %convert_element_type3A_134 = arith.extui %eq3A : i1 to i32
        %cond3A_135 = arith.constant 0 : i32
        %cond3A_136 = arith.cmpi ne, %convert_element_type3A_134, %cond3A_135 : i32
        scf.if %cond3A_136 {
          %add3A_137 = arith.constant 1 : i32
          %add3A_138 = arith.addi %get3A_120, %add3A_137 : i32
          %swap3A_139 = arith.constant 0 : i32
          %swap3A_140 = arith.index_cast %swap3A_139 : i32 to index
          %swap3A_141 = memref.load %arg19[%swap3A_140] : memref<8xi32, #tpu.memory_space<smem>>
          memref.store %add3A_138, %arg19[%swap3A_140] : memref<8xi32, #tpu.memory_space<smem>>
        } else {
        }
        scf.yield %min3A_129 : i32
      }
      %mul3A_69 = arith.constant 2048 : i32
      %mul3A_70 = arith.muli %add3A_52, %mul3A_69 : i32
      %add3A_71 = arith.addi %mul3A_2, %mul3A_70 : i32
      %dma_start3A_72 = tpu.memref_slice %arg7[%add3A_71] : memref<2097152xf32, #tpu.memory_space<hbm>> -> memref<2048xf32, #tpu.memory_space<hbm>>
      %dma_start3A_73 = tpu.memref_slice %arg7[%add3A_71] : memref<2097152xf32, #tpu.memory_space<hbm>> -> memref<2048xf32, #tpu.memory_space<hbm>>
      tpu.enqueue_dma source(%arg15 : memref<2048xf32, #tpu.memory_space<vmem>>) target(%dma_start3A_73 : memref<2048xf32, #tpu.memory_space<hbm>>) target_semaphore(%arg22 : memref<!tpu.dma_semaphore, #tpu.memory_space<semaphore_mem>>)
      %dma_start3A_74 = tpu.memref_slice %arg8[%add3A_71] : memref<2097152xf32, #tpu.memory_space<hbm>> -> memref<2048xf32, #tpu.memory_space<hbm>>
      %dma_start3A_75 = tpu.memref_slice %arg8[%add3A_71] : memref<2097152xf32, #tpu.memory_space<hbm>> -> memref<2048xf32, #tpu.memory_space<hbm>>
      tpu.enqueue_dma source(%arg17 : memref<2048xf32, #tpu.memory_space<vmem>>) target(%dma_start3A_75 : memref<2048xf32, #tpu.memory_space<hbm>>) target_semaphore(%arg22 : memref<!tpu.dma_semaphore, #tpu.memory_space<semaphore_mem>>)
      %lt3A_76 = arith.constant 15 : i32
      %lt3A_77 = arith.cmpi slt, %scan3A_47, %lt3A_76 : i32
      %convert_element_type3A_78 = arith.extui %lt3A_77 : i1 to i32
      %cond3A_79 = arith.constant 0 : i32
      %cond3A_80 = arith.cmpi ne, %convert_element_type3A_78, %cond3A_79 : i32
      scf.if %cond3A_80 {
        %add3A_118 = arith.constant 2 : i32
        %add3A_119 = arith.addi %add3A_52, %add3A_118 : i32
        %mul3A_120 = arith.constant 2048 : i32
        %mul3A_121 = arith.muli %add3A_119, %mul3A_120 : i32
        %add3A_122 = arith.addi %mul3A_2, %mul3A_121 : i32
        %dma_start3A_123 = tpu.memref_slice %arg2[%add3A_122] : memref<2097152xf32, #tpu.memory_space<hbm>> -> memref<2048xf32, #tpu.memory_space<hbm>>
        %dma_start3A_124 = tpu.memref_slice %arg2[%add3A_122] : memref<2097152xf32, #tpu.memory_space<hbm>> -> memref<2048xf32, #tpu.memory_space<hbm>>
        tpu.enqueue_dma source(%dma_start3A_124 : memref<2048xf32, #tpu.memory_space<hbm>>) target(%arg13 : memref<2048xf32, #tpu.memory_space<vmem>>) target_semaphore(%arg20 : memref<!tpu.dma_semaphore, #tpu.memory_space<semaphore_mem>>)
      } else {
      }
      %mul3A_81 = arith.constant 2 : i32
      %mul3A_82 = arith.muli %mul3A_81, %scan3A_47 : i32
      %add3A_83 = arith.constant 1 : i32
      %add3A_84 = arith.addi %mul3A_82, %add3A_83 : i32
      %dma_wait3A_85 = arith.constant 0 : i32
      %dma_wait3A_86 = tpu.memref_slice %arg2[%dma_wait3A_85] : memref<2097152xf32, #tpu.memory_space<hbm>> -> memref<2048xf32, #tpu.memory_space<hbm>>
      %dma_wait3A_87 = arith.constant 0 : i32
      %dma_wait3A_88 = tpu.memref_slice %arg2[%dma_wait3A_87] : memref<2097152xf32, #tpu.memory_space<hbm>> -> memref<2048xf32, #tpu.memory_space<hbm>>
      tpu.wait_dma2 semaphore(%arg21 : memref<!tpu.dma_semaphore, #tpu.memory_space<semaphore_mem>>) src(%dma_wait3A_88 : memref<2048xf32, #tpu.memory_space<hbm>>) dst(%arg14 : memref<2048xf32, #tpu.memory_space<vmem>>)
      %ge3A_89 = arith.constant 1 : i32
      %ge3A_90 = arith.cmpi sge, %scan3A_47, %ge3A_89 : i32
      %convert_element_type3A_91 = arith.extui %ge3A_90 : i1 to i32
      %cond3A_92 = arith.constant 0 : i32
      %cond3A_93 = arith.cmpi ne, %convert_element_type3A_91, %cond3A_92 : i32
      scf.if %cond3A_93 {
        %dma_wait3A_118 = arith.constant 0 : i32
        %dma_wait3A_119 = tpu.memref_slice %arg2[%dma_wait3A_118] : memref<2097152xf32, #tpu.memory_space<hbm>> -> memref<2048xf32, #tpu.memory_space<hbm>>
        %dma_wait3A_120 = arith.constant 0 : i32
        %dma_wait3A_121 = tpu.memref_slice %arg2[%dma_wait3A_120] : memref<2097152xf32, #tpu.memory_space<hbm>> -> memref<2048xf32, #tpu.memory_space<hbm>>
        tpu.wait_dma2 semaphore(%arg23 : memref<!tpu.dma_semaphore, #tpu.memory_space<semaphore_mem>>) src(%dma_wait3A_121 : memref<2048xf32, #tpu.memory_space<hbm>>) dst(%arg16 : memref<2048xf32, #tpu.memory_space<vmem>>)
        %dma_wait3A_122 = arith.constant 0 : i32
        %dma_wait3A_123 = tpu.memref_slice %arg2[%dma_wait3A_122] : memref<2097152xf32, #tpu.memory_space<hbm>> -> memref<2048xf32, #tpu.memory_space<hbm>>
        %dma_wait3A_124 = arith.constant 0 : i32
        %dma_wait3A_125 = tpu.memref_slice %arg2[%dma_wait3A_124] : memref<2097152xf32, #tpu.memory_space<hbm>> -> memref<2048xf32, #tpu.memory_space<hbm>>
        tpu.wait_dma2 semaphore(%arg23 : memref<!tpu.dma_semaphore, #tpu.memory_space<semaphore_mem>>) src(%dma_wait3A_125 : memref<2048xf32, #tpu.memory_space<hbm>>) dst(%arg18 : memref<2048xf32, #tpu.memory_space<vmem>>)
      } else {
      }
      %mul3A_94 = arith.constant 2048 : i32
      %mul3A_95 = arith.muli %add3A_84, %mul3A_94 : i32
      %add3A_96 = arith.addi %mul3A_2, %mul3A_95 : i32
      %scan3A_97 = arith.constant 0 : i32
      %scan3A_98 = arith.constant 0 : i32
      %scan3A_99 = arith.constant 128 : i32
      %scan3A_100 = arith.addi %scan3A_98, %scan3A_99 : i32
      %scan3A_101 = arith.constant 1 : i32
      %scan3A_102 = scf.for %scan3A_118 = %scan3A_98 to %scan3A_100 step %scan3A_101 iter_args(%scan3A_119 = %scan3A_97) -> (i32)  : i32 {
        %mul3A_120 = arith.constant 16 : i32
        %mul3A_121 = arith.muli %scan3A_118, %mul3A_120 : i32
        %add3A_122 = arith.addi %add3A_96, %mul3A_121 : i32
        %iota3A = tpu.iota {dimensions = array<i32: 0>} : vector<16xi32>
        %add3A_123 = vector.broadcast %add3A_122 : i32 to vector<16xi32>
        %add3A_124 = arith.addi %add3A_123, %iota3A : vector<16xi32>
        %get3A = arith.index_cast %mul3A_121 : i32 to index
        %get3A_125 = tpu.vector_load %arg14[%get3A] {strides = array<i32>} : memref<2048xf32, #tpu.memory_space<vmem>>, vector<16xf32>,
        %lt3A_126 = vector.broadcast %select_n3A : i32 to vector<16xi32>
        %lt3A_127 = arith.cmpi slt, %add3A_124, %lt3A_126 : vector<16xi32>
        %mul3A_128 = arith.mulf %get3A_125, %gather3A_8 : vector<16xf32>
        %select_n3A_129 = arith.select %lt3A_127, %mul3A_128, %get3A_125 : vector<16xi1>, vector<16xf32>
        %swap3A_130 = arith.index_cast %mul3A_121 : i32 to index
        %swap3A_131 = tpu.vector_load %arg16[%swap3A_130] {strides = array<i32>} : memref<2048xf32, #tpu.memory_space<vmem>>, vector<16xf32>,
        tpu.vector_store %arg16[%swap3A_130], %select_n3A_129 {strides = array<i32>} : memref<2048xf32, #tpu.memory_space<vmem>>, vector<16xf32>,
        %scan3A_132 = arith.constant 0 : i32
        scf.yield %scan3A_132 : i32
      }
      %scan3A_103 = arith.constant 128 : i32
      %while3A_104 = scf.while (%while3A_118 = %add3A_96) : (i32) -> i32 {
        %add3A_119 = arith.constant 2048 : i32
        %add3A_120 = arith.addi %add3A_96, %add3A_119 : i32
        %lt3A_121 = arith.cmpi slt, %while3A_118, %add3A_120 : i32
        scf.condition(%lt3A_121) %while3A_118 : i32
      } do {
      ^bb0(%while3A_118: i32):
        %get3A = arith.constant 0 : i32
        %get3A_119 = arith.index_cast %get3A : i32 to index
        %get3A_120 = memref.load %arg19[%get3A_119] : memref<8xi32, #tpu.memory_space<smem>>
        %add3A_121 = arith.constant 1 : i32
        %add3A_122 = arith.addi %get3A_120, %add3A_121 : i32
        %broadcast_in_dim3A_123 = vector.broadcast %add3A_122 : i32 to vector<16xi32>
        %gather3A_124 = tpu.vector_load_idx %arg9[%broadcast_in_dim3A_123] : memref<16392xi32, #tpu.memory_space<vmem>>[vector<16xi32>], vector<16xi32>,
        %slice3A_125 = vector.extract_strided_slice %gather3A_124 {offsets = [0], sizes = [1], strides = [1]} : vector<16xi32> to vector<1xi32>
        %squeeze3A_126 = vector.extract %slice3A_125[0] : i32 from vector<1xi32>
        %add3A_127 = arith.constant 2048 : i32
        %add3A_128 = arith.addi %add3A_96, %add3A_127 : i32
        %min3A_129 = arith.minsi %squeeze3A_126, %add3A_128 : i32
        %broadcast_in_dim3A_130 = vector.broadcast %get3A_120 : i32 to vector<16xi32>
        %gather3A_131 = tpu.vector_load_idx %arg11[%broadcast_in_dim3A_130] : memref<16400xf32, #tpu.memory_space<vmem>>[vector<16xi32>], vector<16xf32>,
        %rem3A = arith.constant 16 : i32
        %rem3A_132 = arith.remsi %while3A_118, %rem3A : i32
        %sub3A = arith.subi %while3A_118, %rem3A_132 : i32
        %while3A_133 = scf.while (%while3A_137 = %sub3A) : (i32) -> i32 {
          %lt3A_138 = arith.cmpi slt, %while3A_137, %min3A_129 : i32
          scf.condition(%lt3A_138) %while3A_137 : i32
        } do {
        ^bb0(%while3A_137: i32):
          %sub3A_138 = arith.subi %while3A_137, %add3A_96 : i32
          %iota3A = tpu.iota {dimensions = array<i32: 0>} : vector<16xi32>
          %add3A_139 = vector.broadcast %sub3A_138 : i32 to vector<16xi32>
          %add3A_140 = arith.addi %add3A_139, %iota3A : vector<16xi32>
          %iota3A_141 = tpu.iota {dimensions = array<i32: 0>} : vector<16xi32>
          %add3A_142 = vector.broadcast %while3A_137 : i32 to vector<16xi32>
          %add3A_143 = arith.addi %add3A_142, %iota3A_141 : vector<16xi32>
          %ge3A_144 = vector.broadcast %while3A_118 : i32 to vector<16xi32>
          %ge3A_145 = arith.cmpi sge, %add3A_143, %ge3A_144 : vector<16xi32>
          %lt3A_146 = vector.broadcast %min3A_129 : i32 to vector<16xi32>
          %lt3A_147 = arith.cmpi slt, %add3A_143, %lt3A_146 : vector<16xi32>
          %and3A = arith.andi %ge3A_145, %lt3A_147 : vector<16xi1>
          tpu.vector_store_idx %arg18[%add3A_140], %gather3A_131 masked %and3A : memref<2048xf32, #tpu.memory_space<vmem>>[vector<16xi32>], vector<16xf32>, vector<16xi1>
          %add3A_148 = arith.constant 16 : i32
          %add3A_149 = arith.addi %while3A_137, %add3A_148 : i32
          scf.yield %add3A_149 : i32
        }
        %eq3A = arith.cmpi eq, %min3A_129, %squeeze3A_126 : i32
        %convert_element_type3A_134 = arith.extui %eq3A : i1 to i32
        %cond3A_135 = arith.constant 0 : i32
        %cond3A_136 = arith.cmpi ne, %convert_element_type3A_134, %cond3A_135 : i32
        scf.if %cond3A_136 {
          %add3A_137 = arith.constant 1 : i32
          %add3A_138 = arith.addi %get3A_120, %add3A_137 : i32
          %swap3A_139 = arith.constant 0 : i32
          %swap3A_140 = arith.index_cast %swap3A_139 : i32 to index
          %swap3A_141 = memref.load %arg19[%swap3A_140] : memref<8xi32, #tpu.memory_space<smem>>
          memref.store %add3A_138, %arg19[%swap3A_140] : memref<8xi32, #tpu.memory_space<smem>>
        } else {
        }
        scf.yield %min3A_129 : i32
      }
      %mul3A_105 = arith.constant 2048 : i32
      %mul3A_106 = arith.muli %add3A_84, %mul3A_105 : i32
      %add3A_107 = arith.addi %mul3A_2, %mul3A_106 : i32
      %dma_start3A_108 = tpu.memref_slice %arg7[%add3A_107] : memref<2097152xf32, #tpu.memory_space<hbm>> -> memref<2048xf32, #tpu.memory_space<hbm>>
      %dma_start3A_109 = tpu.memref_slice %arg7[%add3A_107] : memref<2097152xf32, #tpu.memory_space<hbm>> -> memref<2048xf32, #tpu.memory_space<hbm>>
      tpu.enqueue_dma source(%arg16 : memref<2048xf32, #tpu.memory_space<vmem>>) target(%dma_start3A_109 : memref<2048xf32, #tpu.memory_space<hbm>>) target_semaphore(%arg23 : memref<!tpu.dma_semaphore, #tpu.memory_space<semaphore_mem>>)
      %dma_start3A_110 = tpu.memref_slice %arg8[%add3A_107] : memref<2097152xf32, #tpu.memory_space<hbm>> -> memref<2048xf32, #tpu.memory_space<hbm>>
      %dma_start3A_111 = tpu.memref_slice %arg8[%add3A_107] : memref<2097152xf32, #tpu.memory_space<hbm>> -> memref<2048xf32, #tpu.memory_space<hbm>>
      tpu.enqueue_dma source(%arg18 : memref<2048xf32, #tpu.memory_space<vmem>>) target(%dma_start3A_111 : memref<2048xf32, #tpu.memory_space<hbm>>) target_semaphore(%arg23 : memref<!tpu.dma_semaphore, #tpu.memory_space<semaphore_mem>>)
      %lt3A_112 = arith.constant 15 : i32
      %lt3A_113 = arith.cmpi slt, %scan3A_47, %lt3A_112 : i32
      %convert_element_type3A_114 = arith.extui %lt3A_113 : i1 to i32
      %cond3A_115 = arith.constant 0 : i32
      %cond3A_116 = arith.cmpi ne, %convert_element_type3A_114, %cond3A_115 : i32
      scf.if %cond3A_116 {
        %add3A_118 = arith.constant 2 : i32
        %add3A_119 = arith.addi %add3A_84, %add3A_118 : i32
        %mul3A_120 = arith.constant 2048 : i32
        %mul3A_121 = arith.muli %add3A_119, %mul3A_120 : i32
        %add3A_122 = arith.addi %mul3A_2, %mul3A_121 : i32
        %dma_start3A_123 = tpu.memref_slice %arg2[%add3A_122] : memref<2097152xf32, #tpu.memory_space<hbm>> -> memref<2048xf32, #tpu.memory_space<hbm>>
        %dma_start3A_124 = tpu.memref_slice %arg2[%add3A_122] : memref<2097152xf32, #tpu.memory_space<hbm>> -> memref<2048xf32, #tpu.memory_space<hbm>>
        tpu.enqueue_dma source(%dma_start3A_124 : memref<2048xf32, #tpu.memory_space<hbm>>) target(%arg14 : memref<2048xf32, #tpu.memory_space<vmem>>) target_semaphore(%arg21 : memref<!tpu.dma_semaphore, #tpu.memory_space<semaphore_mem>>)
      } else {
      }
      %scan3A_117 = arith.constant 0 : i32
      scf.yield %scan3A_117 : i32
    }
    %scan3A_31 = arith.constant 16 : i32
    %dma_wait3A = arith.constant 0 : i32
    %dma_wait3A_32 = tpu.memref_slice %arg2[%dma_wait3A] : memref<2097152xf32, #tpu.memory_space<hbm>> -> memref<2048xf32, #tpu.memory_space<hbm>>
    %dma_wait3A_33 = arith.constant 0 : i32
    %dma_wait3A_34 = tpu.memref_slice %arg2[%dma_wait3A_33] : memref<2097152xf32, #tpu.memory_space<hbm>> -> memref<2048xf32, #tpu.memory_space<hbm>>
    tpu.wait_dma2 semaphore(%arg22 : memref<!tpu.dma_semaphore, #tpu.memory_space<semaphore_mem>>) src(%dma_wait3A_34 : memref<2048xf32, #tpu.memory_space<hbm>>) dst(%arg15 : memref<2048xf32, #tpu.memory_space<vmem>>)
    %dma_wait3A_35 = arith.constant 0 : i32
    %dma_wait3A_36 = tpu.memref_slice %arg2[%dma_wait3A_35] : memref<2097152xf32, #tpu.memory_space<hbm>> -> memref<2048xf32, #tpu.memory_space<hbm>>
    %dma_wait3A_37 = arith.constant 0 : i32
    %dma_wait3A_38 = tpu.memref_slice %arg2[%dma_wait3A_37] : memref<2097152xf32, #tpu.memory_space<hbm>> -> memref<2048xf32, #tpu.memory_space<hbm>>
    tpu.wait_dma2 semaphore(%arg22 : memref<!tpu.dma_semaphore, #tpu.memory_space<semaphore_mem>>) src(%dma_wait3A_38 : memref<2048xf32, #tpu.memory_space<hbm>>) dst(%arg17 : memref<2048xf32, #tpu.memory_space<vmem>>)
    %dma_wait3A_39 = arith.constant 0 : i32
    %dma_wait3A_40 = tpu.memref_slice %arg2[%dma_wait3A_39] : memref<2097152xf32, #tpu.memory_space<hbm>> -> memref<2048xf32, #tpu.memory_space<hbm>>
    %dma_wait3A_41 = arith.constant 0 : i32
    %dma_wait3A_42 = tpu.memref_slice %arg2[%dma_wait3A_41] : memref<2097152xf32, #tpu.memory_space<hbm>> -> memref<2048xf32, #tpu.memory_space<hbm>>
    tpu.wait_dma2 semaphore(%arg23 : memref<!tpu.dma_semaphore, #tpu.memory_space<semaphore_mem>>) src(%dma_wait3A_42 : memref<2048xf32, #tpu.memory_space<hbm>>) dst(%arg16 : memref<2048xf32, #tpu.memory_space<vmem>>)
    %dma_wait3A_43 = arith.constant 0 : i32
    %dma_wait3A_44 = tpu.memref_slice %arg2[%dma_wait3A_43] : memref<2097152xf32, #tpu.memory_space<hbm>> -> memref<2048xf32, #tpu.memory_space<hbm>>
    %dma_wait3A_45 = arith.constant 0 : i32
    %dma_wait3A_46 = tpu.memref_slice %arg2[%dma_wait3A_45] : memref<2097152xf32, #tpu.memory_space<hbm>> -> memref<2048xf32, #tpu.memory_space<hbm>>
    tpu.wait_dma2 semaphore(%arg23 : memref<!tpu.dma_semaphore, #tpu.memory_space<semaphore_mem>>) src(%dma_wait3A_46 : memref<2048xf32, #tpu.memory_space<hbm>>) dst(%arg18 : memref<2048xf32, #tpu.memory_space<vmem>>)
    return
  }
}

#map = affine_map<(d0, d1) -> (0, 0)>
#map1 = affine_map<(d0, d1) -> (0)>
module attributes {stable_mosaic.version = 14 : i64} {
  func.func @body(%arg0: i32, %arg1: i32, %arg2: memref<32x16xf32, #tpu.memory_space<hbm>>, %arg3: memref<16400xf32, #tpu.memory_space<hbm>>, %arg4: memref<16400xf32, #tpu.memory_space<hbm>>, %arg5: memref<16400xf32, #tpu.memory_space<hbm>>, %arg6: memref<16400xf32, #tpu.memory_space<hbm>>, %arg7: memref<16400xf32, #tpu.memory_space<hbm>>, %arg8: memref<16400xf32, #tpu.memory_space<hbm>>, %arg9: memref<16400xf32, #tpu.memory_space<hbm>>, %arg10: memref<16400xf32, #tpu.memory_space<hbm>>, %arg11: memref<16400xf32, #tpu.memory_space<hbm>>, %arg12: memref<16400xf32, #tpu.memory_space<hbm>>, %arg13: memref<32xf32, #tpu.memory_space<hbm>>, %arg14: memref<16400xf32, #tpu.memory_space<vmem>>, %arg15: memref<16400xf32, #tpu.memory_space<vmem>>, %arg16: memref<16400xf32, #tpu.memory_space<vmem>>, %arg17: memref<16400xf32, #tpu.memory_space<vmem>>, %arg18: memref<16400xf32, #tpu.memory_space<vmem>>, %arg19: memref<32x16xf32, #tpu.memory_space<vmem>>, %arg20: memref<32xf32, #tpu.memory_space<vmem>>, %arg21: memref<8xi32, #tpu.memory_space<smem>>) attributes {dimension_semantics = [#tpu.dimension_semantics<core_parallel>, #tpu.dimension_semantics<subcore_parallel>], iteration_bounds = array<i64: 2, 16>, scalar_prefetch = 0 : i64, scratch_operands = 8 : i64, tpu.core_type = #tpu.core_type<sc_vector_subcore>, window_params = [{transform_indices = #map}, {transform_indices = #map1}, {transform_indices = #map1}, {transform_indices = #map1}, {transform_indices = #map1}, {transform_indices = #map1}, {transform_indices = #map1}, {transform_indices = #map1}, {transform_indices = #map1}, {transform_indices = #map1}, {transform_indices = #map1}, {transform_indices = #map1}]} {
    %mul3A = arith.constant 2 : i32
    %mul3A_0 = arith.muli %arg1, %mul3A : i32
    %add3A = arith.addi %mul3A_0, %arg0 : i32
    %eq3A = arith.constant 0 : i32
    %eq3A_1 = arith.cmpi eq, %add3A, %eq3A : i32
    %convert_element_type3A = arith.extui %eq3A_1 : i1 to i32
    %cond3A = arith.constant 0 : i32
    %cond3A_2 = arith.cmpi ne, %convert_element_type3A, %cond3A : i32
    scf.if %cond3A_2 {
      "tpu.region"() ({
        %run_scoped3A = tpu.sem_alloc : memref<!tpu.dma_semaphore, #tpu.memory_space<semaphore_mem>>
        tpu.enqueue_dma source(%arg3 : memref<16400xf32, #tpu.memory_space<hbm>>) target(%arg14 : memref<16400xf32, #tpu.memory_space<vmem>>) target_semaphore(%run_scoped3A : memref<!tpu.dma_semaphore, #tpu.memory_space<semaphore_mem>>)
        tpu.wait_dma2 semaphore(%run_scoped3A : memref<!tpu.dma_semaphore, #tpu.memory_space<semaphore_mem>>) src(%arg3 : memref<16400xf32, #tpu.memory_space<hbm>>) dst(%arg14 : memref<16400xf32, #tpu.memory_space<vmem>>)
        tpu.yield
      }) : () -> ()
      "tpu.region"() ({
        %run_scoped3A = tpu.sem_alloc : memref<!tpu.dma_semaphore, #tpu.memory_space<semaphore_mem>>
        tpu.enqueue_dma source(%arg4 : memref<16400xf32, #tpu.memory_space<hbm>>) target(%arg15 : memref<16400xf32, #tpu.memory_space<vmem>>) target_semaphore(%run_scoped3A : memref<!tpu.dma_semaphore, #tpu.memory_space<semaphore_mem>>)
        tpu.wait_dma2 semaphore(%run_scoped3A : memref<!tpu.dma_semaphore, #tpu.memory_space<semaphore_mem>>) src(%arg4 : memref<16400xf32, #tpu.memory_space<hbm>>) dst(%arg15 : memref<16400xf32, #tpu.memory_space<vmem>>)
        tpu.yield
      }) : () -> ()
      "tpu.region"() ({
        %run_scoped3A = tpu.sem_alloc : memref<!tpu.dma_semaphore, #tpu.memory_space<semaphore_mem>>
        tpu.enqueue_dma source(%arg5 : memref<16400xf32, #tpu.memory_space<hbm>>) target(%arg16 : memref<16400xf32, #tpu.memory_space<vmem>>) target_semaphore(%run_scoped3A : memref<!tpu.dma_semaphore, #tpu.memory_space<semaphore_mem>>)
        tpu.wait_dma2 semaphore(%run_scoped3A : memref<!tpu.dma_semaphore, #tpu.memory_space<semaphore_mem>>) src(%arg5 : memref<16400xf32, #tpu.memory_space<hbm>>) dst(%arg16 : memref<16400xf32, #tpu.memory_space<vmem>>)
        tpu.yield
      }) : () -> ()
      "tpu.region"() ({
        %run_scoped3A = tpu.sem_alloc : memref<!tpu.dma_semaphore, #tpu.memory_space<semaphore_mem>>
        tpu.enqueue_dma source(%arg6 : memref<16400xf32, #tpu.memory_space<hbm>>) target(%arg17 : memref<16400xf32, #tpu.memory_space<vmem>>) target_semaphore(%run_scoped3A : memref<!tpu.dma_semaphore, #tpu.memory_space<semaphore_mem>>)
        tpu.wait_dma2 semaphore(%run_scoped3A : memref<!tpu.dma_semaphore, #tpu.memory_space<semaphore_mem>>) src(%arg6 : memref<16400xf32, #tpu.memory_space<hbm>>) dst(%arg17 : memref<16400xf32, #tpu.memory_space<vmem>>)
        tpu.yield
      }) : () -> ()
      "tpu.region"() ({
        %run_scoped3A = tpu.sem_alloc : memref<!tpu.dma_semaphore, #tpu.memory_space<semaphore_mem>>
        tpu.enqueue_dma source(%arg7 : memref<16400xf32, #tpu.memory_space<hbm>>) target(%arg18 : memref<16400xf32, #tpu.memory_space<vmem>>) target_semaphore(%run_scoped3A : memref<!tpu.dma_semaphore, #tpu.memory_space<semaphore_mem>>)
        tpu.wait_dma2 semaphore(%run_scoped3A : memref<!tpu.dma_semaphore, #tpu.memory_space<semaphore_mem>>) src(%arg7 : memref<16400xf32, #tpu.memory_space<hbm>>) dst(%arg18 : memref<16400xf32, #tpu.memory_space<vmem>>)
        tpu.yield
      }) : () -> ()
      "tpu.region"() ({
        %run_scoped3A = tpu.sem_alloc : memref<!tpu.dma_semaphore, #tpu.memory_space<semaphore_mem>>
        tpu.enqueue_dma source(%arg2 : memref<32x16xf32, #tpu.memory_space<hbm>>) target(%arg19 : memref<32x16xf32, #tpu.memory_space<vmem>>) target_semaphore(%run_scoped3A : memref<!tpu.dma_semaphore, #tpu.memory_space<semaphore_mem>>)
        tpu.wait_dma2 semaphore(%run_scoped3A : memref<!tpu.dma_semaphore, #tpu.memory_space<semaphore_mem>>) src(%arg2 : memref<32x16xf32, #tpu.memory_space<hbm>>) dst(%arg19 : memref<32x16xf32, #tpu.memory_space<vmem>>)
        tpu.yield
      }) : () -> ()
      %broadcast_in_dim3A = arith.constant 0.000000e+00 : f32
      %broadcast_in_dim3A_3 = vector.broadcast %broadcast_in_dim3A : f32 to vector<16xf32>
      %broadcast_in_dim3A_4 = arith.constant 1.000000e+00 : f32
      %broadcast_in_dim3A_5 = vector.broadcast %broadcast_in_dim3A_4 : f32 to vector<16xf32>
      %scan3A = arith.constant 0 : i32
      %scan3A_6 = arith.constant 0 : i32
      %scan3A_7 = arith.constant 32 : i32
      %scan3A_8 = arith.addi %scan3A_6, %scan3A_7 : i32
      %scan3A_9 = arith.constant 1 : i32
      %scan3A_10:3 = scf.for %scan3A_12 = %scan3A_6 to %scan3A_8 step %scan3A_9 iter_args(%scan3A_13 = %scan3A, %scan3A_14 = %broadcast_in_dim3A_3, %scan3A_15 = %broadcast_in_dim3A_5) -> (i32, vector<16xf32>, vector<16xf32>)  : i32 {
        %broadcast_in_dim3A_16 = vector.broadcast %scan3A_12 : i32 to vector<16xi32>
        %iota3A = tpu.iota {dimensions = array<i32: 0>} : vector<16xi32>
        %gather3A = tpu.vector_load_idx %arg19[%broadcast_in_dim3A_16, %iota3A] : memref<32x16xf32, #tpu.memory_space<vmem>>[vector<16xi32>, vector<16xi32>], vector<16xf32>,
        %exp3A = math.exp %gather3A : vector<16xf32>
        %slice3A = vector.extract_strided_slice %gather3A {offsets = [0], sizes = [1], strides = [1]} : vector<16xf32> to vector<1xf32>
        %squeeze3A = vector.extract %slice3A[0] : f32 from vector<1xf32>
        %broadcast_in_dim3A_17 = vector.broadcast %squeeze3A : f32 to vector<16xf32>
        %gt3A = arith.constant 5.000000e-01 : f32
        %gt3A_18 = vector.broadcast %gt3A : f32 to vector<16xf32>
        %gt3A_19 = arith.cmpf ogt, %broadcast_in_dim3A_17, %gt3A_18 : vector<16xf32>
        %slice3A_20 = vector.extract_strided_slice %gather3A {offsets = [1], sizes = [1], strides = [1]} : vector<16xf32> to vector<1xf32>
        %squeeze3A_21 = vector.extract %slice3A_20[0] : f32 from vector<1xf32>
        %broadcast_in_dim3A_22 = vector.broadcast %squeeze3A_21 : f32 to vector<16xf32>
        %gt3A_23 = arith.constant 5.000000e-01 : f32
        %gt3A_24 = vector.broadcast %gt3A_23 : f32 to vector<16xf32>
        %gt3A_25 = arith.cmpf ogt, %broadcast_in_dim3A_22, %gt3A_24 : vector<16xf32>
        %slice3A_26 = vector.extract_strided_slice %gather3A {offsets = [7], sizes = [1], strides = [1]} : vector<16xf32> to vector<1xf32>
        %squeeze3A_27 = vector.extract %slice3A_26[0] : f32 from vector<1xf32>
        %broadcast_in_dim3A_28 = vector.broadcast %squeeze3A_27 : f32 to vector<16xf32>
        %gt3A_29 = arith.constant 5.000000e-01 : f32
        %gt3A_30 = vector.broadcast %gt3A_29 : f32 to vector<16xf32>
        %gt3A_31 = arith.cmpf ogt, %broadcast_in_dim3A_28, %gt3A_30 : vector<16xf32>
        %iota3A_32 = tpu.iota {dimensions = array<i32: 0>} : vector<16xi32>
        %lt3A = arith.constant 4 : i32
        %lt3A_33 = vector.broadcast %lt3A : i32 to vector<16xi32>
        %lt3A_34 = arith.cmpi slt, %iota3A_32, %lt3A_33 : vector<16xi32>
        %iota3A_35 = tpu.iota {dimensions = array<i32: 0>} : vector<16xi32>
        %add3A_36 = arith.constant 2 : i32
        %add3A_37 = vector.broadcast %add3A_36 : i32 to vector<16xi32>
        %add3A_38 = arith.addi %iota3A_35, %add3A_37 : vector<16xi32>
        %jit3A = arith.constant 0 : i32
        %broadcast_in_dim3A_39 = vector.broadcast %jit3A : i32 to vector<16xi32>
        %select_n3A = arith.select %lt3A_34, %add3A_38, %broadcast_in_dim3A_39 : vector<16xi1>, vector<16xi32>
        %iota3A_40 = tpu.iota {dimensions = array<i32: 0>} : vector<16xi32>
        %lt3A_41 = arith.constant 4 : i32
        %lt3A_42 = vector.broadcast %lt3A_41 : i32 to vector<16xi32>
        %lt3A_43 = arith.cmpi slt, %iota3A_40, %lt3A_42 : vector<16xi32>
        %iota3A_44 = tpu.iota {dimensions = array<i32: 0>} : vector<16xi32>
        %add3A_45 = arith.constant 9 : i32
        %add3A_46 = vector.broadcast %add3A_45 : i32 to vector<16xi32>
        %add3A_47 = arith.addi %iota3A_44, %add3A_46 : vector<16xi32>
        %jit3A_48 = arith.constant 0 : i32
        %broadcast_in_dim3A_49 = vector.broadcast %jit3A_48 : i32 to vector<16xi32>
        %select_n3A_50 = arith.select %lt3A_43, %add3A_47, %broadcast_in_dim3A_49 : vector<16xi1>, vector<16xi32>
        %broadcast_in_dim3A_51 = vector.broadcast %scan3A_12 : i32 to vector<16xi32>
        %gather3A_52 = tpu.vector_load_idx %arg19[%broadcast_in_dim3A_51, %select_n3A] : memref<32x16xf32, #tpu.memory_space<vmem>>[vector<16xi32>, vector<16xi32>], vector<16xf32>,
        %broadcast_in_dim3A_53 = vector.broadcast %scan3A_12 : i32 to vector<16xi32>
        %gather3A_54 = tpu.vector_load_idx %arg19[%broadcast_in_dim3A_53, %select_n3A_50] : memref<32x16xf32, #tpu.memory_space<vmem>>[vector<16xi32>, vector<16xi32>], vector<16xf32>,
        %jit3A_55 = arith.constant 1.000000e+00 : f32
        %broadcast_in_dim3A_56 = vector.broadcast %jit3A_55 : f32 to vector<16xf32>
        %select_n3A_57 = arith.select %gt3A_19, %scan3A_15, %broadcast_in_dim3A_56 : vector<16xi1>, vector<16xf32>
        %slice3A_58 = vector.extract_strided_slice %select_n3A_57 {offsets = [0], sizes = [1], strides = [1]} : vector<16xf32> to vector<1xf32>
        %squeeze3A_59 = vector.extract %slice3A_58[0] : f32 from vector<1xf32>
        %broadcast_in_dim3A_60 = vector.broadcast %squeeze3A_59 : f32 to vector<16xf32>
        %broadcast_in_dim3A_61 = vector.broadcast %scan3A_12 : i32 to vector<16xi32>
        %iota3A_62 = tpu.iota {dimensions = array<i32: 0>} : vector<16xi32>
        %eq3A_63 = arith.constant 0 : i32
        %eq3A_64 = vector.broadcast %eq3A_63 : i32 to vector<16xi32>
        %eq3A_65 = arith.cmpi eq, %iota3A_62, %eq3A_64 : vector<16xi32>
        tpu.vector_store_idx %arg20[%broadcast_in_dim3A_61], %broadcast_in_dim3A_60 masked %eq3A_65 : memref<32xf32, #tpu.memory_space<vmem>>[vector<16xi32>], vector<16xf32>, vector<16xi1>
        %mul3A_66 = arith.mulf %scan3A_15, %gather3A_52 : vector<16xf32>
        %jit3A_67 = arith.constant 0.000000e+00 : f32
        %broadcast_in_dim3A_68 = vector.broadcast %jit3A_67 : f32 to vector<16xf32>
        %select_n3A_69 = arith.select %gt3A_19, %mul3A_66, %broadcast_in_dim3A_68 : vector<16xi1>, vector<16xf32>
        %add3A_70 = arith.addf %scan3A_14, %select_n3A_69 : vector<16xf32>
        %slice3A_71 = vector.extract_strided_slice %exp3A {offsets = [6], sizes = [1], strides = [1]} : vector<16xf32> to vector<1xf32>
        %squeeze3A_72 = vector.extract %slice3A_71[0] : f32 from vector<1xf32>
        %broadcast_in_dim3A_73 = vector.broadcast %squeeze3A_72 : f32 to vector<16xf32>
        %mul3A_74 = arith.mulf %scan3A_15, %broadcast_in_dim3A_73 : vector<16xf32>
        %and3A = arith.andi %gt3A_19, %gt3A_25 : vector<16xi1>
        %iota3A_75 = tpu.iota {dimensions = array<i32: 0>} : vector<16xi32>
        %eq3A_76 = arith.constant 0 : i32
        %eq3A_77 = vector.broadcast %eq3A_76 : i32 to vector<16xi32>
        %eq3A_78 = arith.cmpi eq, %iota3A_75, %eq3A_77 : vector<16xi32>
        %slice3A_79 = vector.extract_strided_slice %add3A_70 {offsets = [0], sizes = [1], strides = [1]} : vector<16xf32> to vector<1xf32>
        %squeeze3A_80 = vector.extract %slice3A_79[0] : f32 from vector<1xf32>
        %broadcast_in_dim3A_81 = vector.broadcast %squeeze3A_80 : f32 to vector<16xf32>
        %broadcast_in_dim3A_82 = vector.broadcast %scan3A_13 : i32 to vector<16xi32>
        %and3A_83 = arith.andi %eq3A_78, %and3A : vector<16xi1>
        tpu.vector_store_idx %arg14[%broadcast_in_dim3A_82], %broadcast_in_dim3A_81 masked %and3A_83 : memref<16400xf32, #tpu.memory_space<vmem>>[vector<16xi32>], vector<16xf32>, vector<16xi1>
        %broadcast_in_dim3A_84 = vector.broadcast %scan3A_13 : i32 to vector<16xi32>
        %and3A_85 = arith.andi %eq3A_78, %and3A : vector<16xi1>
        tpu.vector_store_idx %arg15[%broadcast_in_dim3A_84], %mul3A_74 masked %and3A_85 : memref<16400xf32, #tpu.memory_space<vmem>>[vector<16xi32>], vector<16xf32>, vector<16xi1>
        %slice3A_86 = vector.extract_strided_slice %add3A_70 {offsets = [1], sizes = [1], strides = [1]} : vector<16xf32> to vector<1xf32>
        %squeeze3A_87 = vector.extract %slice3A_86[0] : f32 from vector<1xf32>
        %broadcast_in_dim3A_88 = vector.broadcast %squeeze3A_87 : f32 to vector<16xf32>
        %broadcast_in_dim3A_89 = vector.broadcast %scan3A_13 : i32 to vector<16xi32>
        %and3A_90 = arith.andi %eq3A_78, %and3A : vector<16xi1>
        tpu.vector_store_idx %arg16[%broadcast_in_dim3A_89], %broadcast_in_dim3A_88 masked %and3A_90 : memref<16400xf32, #tpu.memory_space<vmem>>[vector<16xi32>], vector<16xf32>, vector<16xi1>
        %slice3A_91 = vector.extract_strided_slice %add3A_70 {offsets = [2], sizes = [1], strides = [1]} : vector<16xf32> to vector<1xf32>
        %squeeze3A_92 = vector.extract %slice3A_91[0] : f32 from vector<1xf32>
        %broadcast_in_dim3A_93 = vector.broadcast %squeeze3A_92 : f32 to vector<16xf32>
        %broadcast_in_dim3A_94 = vector.broadcast %scan3A_13 : i32 to vector<16xi32>
        %and3A_95 = arith.andi %eq3A_78, %and3A : vector<16xi1>
        tpu.vector_store_idx %arg17[%broadcast_in_dim3A_94], %broadcast_in_dim3A_93 masked %and3A_95 : memref<16400xf32, #tpu.memory_space<vmem>>[vector<16xi32>], vector<16xf32>, vector<16xi1>
        %slice3A_96 = vector.extract_strided_slice %add3A_70 {offsets = [3], sizes = [1], strides = [1]} : vector<16xf32> to vector<1xf32>
        %squeeze3A_97 = vector.extract %slice3A_96[0] : f32 from vector<1xf32>
        %broadcast_in_dim3A_98 = vector.broadcast %squeeze3A_97 : f32 to vector<16xf32>
        %broadcast_in_dim3A_99 = vector.broadcast %scan3A_13 : i32 to vector<16xi32>
        %and3A_100 = arith.andi %eq3A_78, %and3A : vector<16xi1>
        tpu.vector_store_idx %arg18[%broadcast_in_dim3A_99], %broadcast_in_dim3A_98 masked %and3A_100 : memref<16400xf32, #tpu.memory_space<vmem>>[vector<16xi32>], vector<16xf32>, vector<16xi1>
        %not3A = arith.constant dense<true> : vector<16xi1>
        %not3A_101 = arith.xori %gt3A_25, %not3A : vector<16xi1>
        %and3A_102 = arith.andi %gt3A_19, %not3A_101 : vector<16xi1>
        %slice3A_103 = vector.extract_strided_slice %exp3A {offsets = [6], sizes = [1], strides = [1]} : vector<16xf32> to vector<1xf32>
        %squeeze3A_104 = vector.extract %slice3A_103[0] : f32 from vector<1xf32>
        %broadcast_in_dim3A_105 = vector.broadcast %squeeze3A_104 : f32 to vector<16xf32>
        %mul3A_106 = arith.mulf %scan3A_15, %broadcast_in_dim3A_105 : vector<16xf32>
        %select_n3A_107 = arith.select %and3A_102, %mul3A_106, %scan3A_15 : vector<16xi1>, vector<16xf32>
        %broadcast_in_dim3A_108 = arith.constant 0.000000e+00 : f32
        %broadcast_in_dim3A_109 = vector.broadcast %broadcast_in_dim3A_108 : f32 to vector<16xf32>
        %select_n3A_110 = arith.select %and3A, %broadcast_in_dim3A_109, %add3A_70 : vector<16xi1>, vector<16xf32>
        %select_n3A_111 = arith.select %gt3A_31, %gather3A_54, %select_n3A_110 : vector<16xi1>, vector<16xf32>
        %slice3A_112 = vector.extract_strided_slice %exp3A {offsets = [13], sizes = [1], strides = [1]} : vector<16xf32> to vector<1xf32>
        %squeeze3A_113 = vector.extract %slice3A_112[0] : f32 from vector<1xf32>
        %broadcast_in_dim3A_114 = vector.broadcast %squeeze3A_113 : f32 to vector<16xf32>
        %select_n3A_115 = arith.select %gt3A_31, %broadcast_in_dim3A_114, %select_n3A_107 : vector<16xi1>, vector<16xf32>
        %convert_element_type3A_116 = arith.fptosi %gather3A : vector<16xf32> to vector<16xi32>
        %slice3A_117 = vector.extract_strided_slice %convert_element_type3A_116 {offsets = [8], sizes = [1], strides = [1]} : vector<16xi32> to vector<1xi32>
        %squeeze3A_118 = vector.extract %slice3A_117[0] : i32 from vector<1xi32>
        %convert_element_type3A_119 = arith.fptosi %gather3A : vector<16xf32> to vector<16xi32>
        %slice3A_120 = vector.extract_strided_slice %convert_element_type3A_119 {offsets = [7], sizes = [1], strides = [1]} : vector<16xi32> to vector<1xi32>
        %squeeze3A_121 = vector.extract %slice3A_120[0] : i32 from vector<1xi32>
        %eq3A_122 = arith.constant 1 : i32
        %eq3A_123 = arith.cmpi eq, %squeeze3A_121, %eq3A_122 : i32
        %select_n3A_124 = arith.select %eq3A_123, %squeeze3A_118, %scan3A_13 : i32
        scf.yield %select_n3A_124, %select_n3A_111, %select_n3A_115 : i32, vector<16xf32>, vector<16xf32>
      }
      %scan3A_11 = arith.constant 32 : i32
      "tpu.region"() ({
        %run_scoped3A = tpu.sem_alloc : memref<!tpu.dma_semaphore, #tpu.memory_space<semaphore_mem>>
        tpu.enqueue_dma source(%arg14 : memref<16400xf32, #tpu.memory_space<vmem>>) target(%arg8 : memref<16400xf32, #tpu.memory_space<hbm>>) target_semaphore(%run_scoped3A : memref<!tpu.dma_semaphore, #tpu.memory_space<semaphore_mem>>)
        tpu.wait_dma2 semaphore(%run_scoped3A : memref<!tpu.dma_semaphore, #tpu.memory_space<semaphore_mem>>) src(%arg14 : memref<16400xf32, #tpu.memory_space<vmem>>) dst(%arg8 : memref<16400xf32, #tpu.memory_space<hbm>>)
        tpu.yield
      }) : () -> ()
      "tpu.region"() ({
        %run_scoped3A = tpu.sem_alloc : memref<!tpu.dma_semaphore, #tpu.memory_space<semaphore_mem>>
        tpu.enqueue_dma source(%arg15 : memref<16400xf32, #tpu.memory_space<vmem>>) target(%arg9 : memref<16400xf32, #tpu.memory_space<hbm>>) target_semaphore(%run_scoped3A : memref<!tpu.dma_semaphore, #tpu.memory_space<semaphore_mem>>)
        tpu.wait_dma2 semaphore(%run_scoped3A : memref<!tpu.dma_semaphore, #tpu.memory_space<semaphore_mem>>) src(%arg15 : memref<16400xf32, #tpu.memory_space<vmem>>) dst(%arg9 : memref<16400xf32, #tpu.memory_space<hbm>>)
        tpu.yield
      }) : () -> ()
      "tpu.region"() ({
        %run_scoped3A = tpu.sem_alloc : memref<!tpu.dma_semaphore, #tpu.memory_space<semaphore_mem>>
        tpu.enqueue_dma source(%arg16 : memref<16400xf32, #tpu.memory_space<vmem>>) target(%arg10 : memref<16400xf32, #tpu.memory_space<hbm>>) target_semaphore(%run_scoped3A : memref<!tpu.dma_semaphore, #tpu.memory_space<semaphore_mem>>)
        tpu.wait_dma2 semaphore(%run_scoped3A : memref<!tpu.dma_semaphore, #tpu.memory_space<semaphore_mem>>) src(%arg16 : memref<16400xf32, #tpu.memory_space<vmem>>) dst(%arg10 : memref<16400xf32, #tpu.memory_space<hbm>>)
        tpu.yield
      }) : () -> ()
      "tpu.region"() ({
        %run_scoped3A = tpu.sem_alloc : memref<!tpu.dma_semaphore, #tpu.memory_space<semaphore_mem>>
        tpu.enqueue_dma source(%arg17 : memref<16400xf32, #tpu.memory_space<vmem>>) target(%arg11 : memref<16400xf32, #tpu.memory_space<hbm>>) target_semaphore(%run_scoped3A : memref<!tpu.dma_semaphore, #tpu.memory_space<semaphore_mem>>)
        tpu.wait_dma2 semaphore(%run_scoped3A : memref<!tpu.dma_semaphore, #tpu.memory_space<semaphore_mem>>) src(%arg17 : memref<16400xf32, #tpu.memory_space<vmem>>) dst(%arg11 : memref<16400xf32, #tpu.memory_space<hbm>>)
        tpu.yield
      }) : () -> ()
      "tpu.region"() ({
        %run_scoped3A = tpu.sem_alloc : memref<!tpu.dma_semaphore, #tpu.memory_space<semaphore_mem>>
        tpu.enqueue_dma source(%arg18 : memref<16400xf32, #tpu.memory_space<vmem>>) target(%arg12 : memref<16400xf32, #tpu.memory_space<hbm>>) target_semaphore(%run_scoped3A : memref<!tpu.dma_semaphore, #tpu.memory_space<semaphore_mem>>)
        tpu.wait_dma2 semaphore(%run_scoped3A : memref<!tpu.dma_semaphore, #tpu.memory_space<semaphore_mem>>) src(%arg18 : memref<16400xf32, #tpu.memory_space<vmem>>) dst(%arg12 : memref<16400xf32, #tpu.memory_space<hbm>>)
        tpu.yield
      }) : () -> ()
      "tpu.region"() ({
        %run_scoped3A = tpu.sem_alloc : memref<!tpu.dma_semaphore, #tpu.memory_space<semaphore_mem>>
        tpu.enqueue_dma source(%arg20 : memref<32xf32, #tpu.memory_space<vmem>>) target(%arg13 : memref<32xf32, #tpu.memory_space<hbm>>) target_semaphore(%run_scoped3A : memref<!tpu.dma_semaphore, #tpu.memory_space<semaphore_mem>>)
        tpu.wait_dma2 semaphore(%run_scoped3A : memref<!tpu.dma_semaphore, #tpu.memory_space<semaphore_mem>>) src(%arg20 : memref<32xf32, #tpu.memory_space<vmem>>) dst(%arg13 : memref<32xf32, #tpu.memory_space<hbm>>)
        tpu.yield
      }) : () -> ()
    } else {
    }
    return
  }
}

module attributes {stable_mosaic.version = 14 : i64} {
  func.func @_tc_body(%arg0: i32, %arg1: memref<1xf32, #tpu.memory_space<smem>>, %arg2: memref<3x131072xf32, #tpu.memory_space<vmem>>, %arg3: memref<3x131072xf32, #tpu.memory_space<vmem>>, %arg4: memref<131072xf32, #tpu.memory_space<vmem>>, %arg5: memref<131072xf32, #tpu.memory_space<vmem>>, %arg6: memref<131072xf32, #tpu.memory_space<vmem>>, %arg7: memref<131072xf32, #tpu.memory_space<vmem>>, %arg8: memref<1xf32, #tpu.memory_space<smem>>) attributes {dimension_semantics = [#tpu.dimension_semantics<arbitrary>], iteration_bounds = array<i64: 16>, scalar_prefetch = 0 : i64, scratch_operands = 0 : i64, tpu.core_type = #tpu.core_type<tc>, window_params = [{transform_indices = @transform_0, window_bounds = array<i64: 1>}, {transform_indices = @transform_1, window_bounds = array<i64: 3, 131072>}, {transform_indices = @transform_2, window_bounds = array<i64: 3, 131072>}, {transform_indices = @transform_3, window_bounds = array<i64: 131072>}, {transform_indices = @transform_4, window_bounds = array<i64: 131072>}, {transform_indices = @transform_5, window_bounds = array<i64: 131072>}, {transform_indices = @transform_6, window_bounds = array<i64: 131072>}, {transform_indices = @transform_7, window_bounds = array<i64: 1>}]} {
    %get3A = arith.constant 0 : index
    %get3A_0 = memref.load %arg1[%get3A] : memref<1xf32, #tpu.memory_space<smem>>
    %mul3A = arith.constant 1.000000e+01 : f32
    %mul3A_1 = arith.mulf %get3A_0, %mul3A : f32
    %exp3A = math.exp %mul3A_1 : f32
    %jit3A = arith.constant 9.99999997E-7 : f32
    %jit3A_2 = arith.constant 1.000000e+06 : f32
    %max3A = arith.maximumf %jit3A, %exp3A : f32
    %min3A = arith.minimumf %jit3A_2, %max3A : f32
    %swap3A = arith.constant 0 : index
    %swap3A_3 = memref.load %arg8[%swap3A] : memref<1xf32, #tpu.memory_space<smem>>
    memref.store %min3A, %arg8[%swap3A] : memref<1xf32, #tpu.memory_space<smem>>
    %get3A_4 = arith.constant 0 : index
    %get3A_5 = arith.constant 0 : index
    %get3A_6 = vector.load %arg2[%get3A_4, %get3A_5] : memref<3x131072xf32, #tpu.memory_space<vmem>>, vector<1x131072xf32>
    %get3A_7 = vector.shape_cast %get3A_6 : vector<1x131072xf32> to vector<131072xf32>
    %get3A_8 = arith.constant 0 : index
    %get3A_9 = arith.constant 0 : index
    %get3A_10 = vector.load %arg3[%get3A_8, %get3A_9] : memref<3x131072xf32, #tpu.memory_space<vmem>>, vector<1x131072xf32>
    %get3A_11 = vector.shape_cast %get3A_10 : vector<1x131072xf32> to vector<131072xf32>
    %mul3A_12 = arith.mulf %get3A_7, %get3A_11 : vector<131072xf32>
    %get3A_13 = arith.constant 1 : index
    %get3A_14 = arith.constant 0 : index
    %get3A_15 = vector.load %arg2[%get3A_13, %get3A_14] : memref<3x131072xf32, #tpu.memory_space<vmem>>, vector<1x131072xf32>
    %get3A_16 = vector.shape_cast %get3A_15 : vector<1x131072xf32> to vector<131072xf32>
    %get3A_17 = arith.constant 1 : index
    %get3A_18 = arith.constant 0 : index
    %get3A_19 = vector.load %arg3[%get3A_17, %get3A_18] : memref<3x131072xf32, #tpu.memory_space<vmem>>, vector<1x131072xf32>
    %get3A_20 = vector.shape_cast %get3A_19 : vector<1x131072xf32> to vector<131072xf32>
    %mul3A_21 = arith.mulf %get3A_16, %get3A_20 : vector<131072xf32>
    %add3A = arith.addf %mul3A_12, %mul3A_21 : vector<131072xf32>
    %get3A_22 = arith.constant 2 : index
    %get3A_23 = arith.constant 0 : index
    %get3A_24 = vector.load %arg2[%get3A_22, %get3A_23] : memref<3x131072xf32, #tpu.memory_space<vmem>>, vector<1x131072xf32>
    %get3A_25 = vector.shape_cast %get3A_24 : vector<1x131072xf32> to vector<131072xf32>
    %get3A_26 = arith.constant 2 : index
    %get3A_27 = arith.constant 0 : index
    %get3A_28 = vector.load %arg3[%get3A_26, %get3A_27] : memref<3x131072xf32, #tpu.memory_space<vmem>>, vector<1x131072xf32>
    %get3A_29 = vector.shape_cast %get3A_28 : vector<1x131072xf32> to vector<131072xf32>
    %mul3A_30 = arith.mulf %get3A_25, %get3A_29 : vector<131072xf32>
    %add3A_31 = arith.addf %add3A, %mul3A_30 : vector<131072xf32>
    %mul3A_32 = arith.constant 5.000000e-01 : f32
    %mul3A_33 = vector.broadcast %mul3A_32 : f32 to vector<131072xf32>
    %mul3A_34 = arith.mulf %add3A_31, %mul3A_33 : vector<131072xf32>
    %sub3A = arith.constant 5.000000e-01 : f32
    %sub3A_35 = vector.broadcast %sub3A : f32 to vector<131072xf32>
    %sub3A_36 = arith.subf %sub3A_35, %mul3A_34 : vector<131072xf32>
    %max3A_37 = arith.constant 0.000000e+00 : f32
    %max3A_38 = vector.broadcast %max3A_37 : f32 to vector<131072xf32>
    %max3A_39 = arith.maximumf %sub3A_36, %max3A_38 : vector<131072xf32>
    %mul3A_40 = arith.constant 5.000000e-01 : f32
    %mul3A_41 = vector.broadcast %mul3A_40 : f32 to vector<131072xf32>
    %mul3A_42 = arith.mulf %max3A_39, %mul3A_41 : vector<131072xf32>
    %neg3A = arith.constant 0.000000e+00 : f32
    %neg3A_43 = vector.broadcast %neg3A : f32 to vector<131072xf32>
    %neg3A_44 = arith.subf %neg3A_43, %add3A_31 : vector<131072xf32>
    %max3A_45 = arith.constant 0.000000e+00 : f32
    %max3A_46 = vector.broadcast %max3A_45 : f32 to vector<131072xf32>
    %max3A_47 = arith.maximumf %neg3A_44, %max3A_46 : vector<131072xf32>
    %mul3A_48 = arith.constant 5.000000e-01 : f32
    %mul3A_49 = vector.broadcast %mul3A_48 : f32 to vector<131072xf32>
    %mul3A_50 = arith.mulf %max3A_47, %mul3A_49 : vector<131072xf32>
    %add3A_51 = arith.addf %mul3A_42, %mul3A_50 : vector<131072xf32>
    %neg3A_52 = arith.constant 0.000000e+00 : f32
    %neg3A_53 = vector.broadcast %neg3A_52 : f32 to vector<131072xf32>
    %neg3A_54 = arith.subf %neg3A_53, %add3A_51 : vector<131072xf32>
    %get3A_55 = arith.constant 0 : index
    %get3A_56 = vector.load %arg5[%get3A_55] : memref<131072xf32, #tpu.memory_space<vmem>>, vector<131072xf32>
    %mul3A_57 = arith.mulf %neg3A_54, %get3A_56 : vector<131072xf32>
    %mul3A_58 = arith.constant 5.000000e-01 : f32
    %mul3A_59 = vector.broadcast %mul3A_58 : f32 to vector<131072xf32>
    %mul3A_60 = arith.mulf %mul3A_57, %mul3A_59 : vector<131072xf32>
    %get3A_61 = arith.constant 0 : index
    %get3A_62 = vector.load %arg4[%get3A_61] : memref<131072xf32, #tpu.memory_space<vmem>>, vector<131072xf32>
    %sub3A_63 = arith.subf %get3A_62, %mul3A_60 : vector<131072xf32>
    %mul3A_64 = vector.broadcast %min3A : f32 to vector<131072xf32>
    %mul3A_65 = arith.mulf %sub3A_63, %mul3A_64 : vector<131072xf32>
    %logistic3A = arith.negf %mul3A_65 : vector<131072xf32>
    %logistic3A_66 = math.exp %logistic3A : vector<131072xf32>
    %logistic3A_67 = arith.constant 1.000000e+00 : f32
    %logistic3A_68 = vector.broadcast %logistic3A_67 : f32 to vector<131072xf32>
    %logistic3A_69 = arith.addf %logistic3A_68, %logistic3A_66 : vector<131072xf32>
    %logistic3A_70 = arith.divf %logistic3A_68, %logistic3A_69 : vector<131072xf32>
    %add3A_71 = arith.addf %get3A_62, %mul3A_60 : vector<131072xf32>
    %mul3A_72 = vector.broadcast %min3A : f32 to vector<131072xf32>
    %mul3A_73 = arith.mulf %add3A_71, %mul3A_72 : vector<131072xf32>
    %logistic3A_74 = arith.negf %mul3A_73 : vector<131072xf32>
    %logistic3A_75 = math.exp %logistic3A_74 : vector<131072xf32>
    %logistic3A_76 = arith.constant 1.000000e+00 : f32
    %logistic3A_77 = vector.broadcast %logistic3A_76 : f32 to vector<131072xf32>
    %logistic3A_78 = arith.addf %logistic3A_77, %logistic3A_75 : vector<131072xf32>
    %logistic3A_79 = arith.divf %logistic3A_77, %logistic3A_78 : vector<131072xf32>
    %sub3A_80 = arith.subf %logistic3A_70, %logistic3A_79 : vector<131072xf32>
    %add3A_81 = arith.constant 9.99999974E-6 : f32
    %add3A_82 = vector.broadcast %add3A_81 : f32 to vector<131072xf32>
    %add3A_83 = arith.addf %sub3A_80, %add3A_82 : vector<131072xf32>
    %add3A_84 = arith.constant 9.99999974E-6 : f32
    %add3A_85 = vector.broadcast %add3A_84 : f32 to vector<131072xf32>
    %add3A_86 = arith.addf %logistic3A_70, %add3A_85 : vector<131072xf32>
    %div3A = arith.divf %add3A_83, %add3A_86 : vector<131072xf32>
    %jit3A_87 = arith.constant 0.000000e+00 : f32
    %jit3A_88 = arith.constant 1.000000e+00 : f32
    %max3A_89 = vector.broadcast %jit3A_87 : f32 to vector<131072xf32>
    %max3A_90 = arith.maximumf %max3A_89, %div3A : vector<131072xf32>
    %min3A_91 = vector.broadcast %jit3A_88 : f32 to vector<131072xf32>
    %min3A_92 = arith.minimumf %min3A_91, %max3A_90 : vector<131072xf32>
    %swap3A_93 = arith.constant 0 : index
    %swap3A_94 = vector.load %arg6[%swap3A_93] : memref<131072xf32, #tpu.memory_space<vmem>>, vector<131072xf32>
    tpu.vector_store %arg6[%swap3A_93], %min3A_92 {strides = array<i32>} : memref<131072xf32, #tpu.memory_space<vmem>>, vector<131072xf32>,
    %sub3A_95 = arith.constant 1.000000e+00 : f32
    %sub3A_96 = vector.broadcast %sub3A_95 : f32 to vector<131072xf32>
    %sub3A_97 = arith.subf %sub3A_96, %min3A_92 : vector<131072xf32>
    %add3A_98 = arith.constant 1.000000e-07 : f32
    %add3A_99 = vector.broadcast %add3A_98 : f32 to vector<131072xf32>
    %add3A_100 = arith.addf %sub3A_97, %add3A_99 : vector<131072xf32>
    %log3A = math.log %add3A_100 : vector<131072xf32>
    %swap3A_101 = arith.constant 0 : index
    %swap3A_102 = vector.load %arg7[%swap3A_101] : memref<131072xf32, #tpu.memory_space<vmem>>, vector<131072xf32>
    tpu.vector_store %arg7[%swap3A_101], %log3A {strides = array<i32>} : memref<131072xf32, #tpu.memory_space<vmem>>, vector<131072xf32>,
    return
  }
  func.func @transform_0(%arg0: i32) -> i32 {
    %c0_i32 = arith.constant 0 : i32
    %c0_i32_0 = arith.constant 0 : i32
    return %c0_i32 : i32
  }
  func.func @transform_1(%arg0: i32) -> (i32, i32) {
    %c0_i32 = arith.constant 0 : i32
    %c0_i32_0 = arith.constant 0 : i32
    return %c0_i32, %arg0 : i32, i32
  }
  func.func @transform_2(%arg0: i32) -> (i32, i32) {
    %c0_i32 = arith.constant 0 : i32
    %c0_i32_0 = arith.constant 0 : i32
    return %c0_i32, %arg0 : i32, i32
  }
  func.func @transform_3(%arg0: i32) -> i32 {
    %c0_i32 = arith.constant 0 : i32
    return %arg0 : i32
  }
  func.func @transform_4(%arg0: i32) -> i32 {
    %c0_i32 = arith.constant 0 : i32
    return %arg0 : i32
  }
  func.func @transform_5(%arg0: i32) -> i32 {
    %c0_i32 = arith.constant 0 : i32
    return %arg0 : i32
  }
  func.func @transform_6(%arg0: i32) -> i32 {
    %c0_i32 = arith.constant 0 : i32
    return %arg0 : i32
  }
  func.func @transform_7(%arg0: i32) -> i32 {
    %c0_i32 = arith.constant 0 : i32
    %c0_i32_0 = arith.constant 0 : i32
    return %c0_i32 : i32
  }
}

</mosaic_0001>

<sc_bundles>
// kernel: kernel.12.cloned.1.call-start
scs
__scs_entry_jumppad:
0x0: {  	(pc) =	sbr.rel $0x88, $3  }
0x1: {  	(tag) =	ssettag $0x0;
	lr =	simm.s32 $0x1  }
0x2: {  	[smem:$0x3F9A] =	sst lr;
	_ =	strace $0xD0000000  }
0x3: {  	_ = 	snop  }
0x4: {  	_ = 	snop  }
0x5: {  	_ = 	snop  }
0x6: {  	_ = 	snop  }
0x7: {  	_ = 	snop  }
__scs_overlays_trampoline_lowered:
0x8: {  	[smem:$0x3FA9] =	sst s0  }
0x9: {  	[smem:$0x3FAA] =	sst s1  }
0xa: {  	[smem:$0x3FAB] =	sst s2  }
0xb: {  	[smem:$0x3FAC] =	sst s3  }
0xc: {  	[smem:$0x3FAD] =	sst s4  }
0xd: {  	[smem:$0x3FAE] =	sst s5  }
0xe: {  	[smem:$0x3FAF] =	sst s6  }
0xf: {  	[smem:$0x3FB0] =	sst s7  }
0x10: {  	[smem:$0x3FB1] =	sst s8  }
0x11: {  	[smem:$0x3FB2] =	sst s9;
	s0 =	simm.s32 @!p0 $0x0  }
0x12: {  	s1 =	sld [smem:$0x3F98];
	s0 =	simm.s32 @p0 $0x1  }
0x13: {  	[smem:$0x3FB3] =	sst s0;
	s0 =	simm.s32 @!p1 $0x0  }
0x14: {  	s2 =	sld [smem:$0x3F97];
	s0 =	simm.s32 @p1 $0x1  }
0x15: {  	[smem:$0x3FB4] =	sst s0;
	s0 =	simm.s32 @!p2 $0x0  }
0x16: {  	s3 =	sld [smem:$0x3FDB];
	s0 =	simm.s32 @p2 $0x1  }
0x17: {  	s4 =	simm.s32 $0x1BF5;
	[smem:$0x3FB6] =	sst s0  }
0x18: {  	s0 =	sld [smem:$0x3F99];
	_ =	swait.ge [sflag:s4], $0x0  }
0x19: {  	s7 =	sld [smem:$0x3F9A]  }
0x1a: {  	s8 =	sadd.s32 $0xFFFFE003, lr  }
0x1b: {  	s9 =	sadd.s32 $0xFFFFFEF7, lr;
	s5 =	simm.s32 $0xFFFFFFFF;
	p2 =	slt.u32 s8, $0xFFFFF086  }
0x1c: {  	p1 =	slt.u32 s9, $0xF7A;
	s5 =	simm.s32 @!p2 $0x0  }
0x1d: {  	s5 =	simm.s32 @p1 $0x1;
	p0 =	seq.s32 s7, s2  }
0x1e: {  	s7 =	smul.u32 @!p0 $0xF7A, s2;
	p2 =	seq.s32 @!p0 s5, $0x0  }
0x1f: {  	s9 =	smul.u32 $0xF7A, s1;
	s8 =	simm.s32 @!p0 $0x1BF5;
	p2 =	por !p2, p0  }
0x20: {  	[sflag:s8] =	ssyncset.s32 @!p0 $0xFFFFF086;
	s6 =	sadd.s32 @!p0 s3, s7;
	s7 =	simm.s32 @!p0 $0x108  }
0x21: {  	s3 =	sadd.s32 s3, s9;
	s6 =	sadd.s32 @!p0 $0x88, s6;
	s7 =	simm.s32 @p2 $0x1082  }
0x22: {  	[simem:s7], [sflag:s8] =	dma.local @!p0 [hbm:s6], $0xF7A  }
0x23: {  	s9 =	sor.u32 $0xD0000000, s2;
	s6 =	simm.s32 $0x108;
	_ =	swait.ge @!p0 [sflag:s8], $0x0  }
0x24: {  	s3 =	sadd.s32 $0x88, s3;
	s6 =	simm.s32 @!p1 $0x1082;
	[sflag:s4] =	ssyncset.s32 $0xFFFFF086  }
0x25: {  	[simem:s6], [sflag:s4] =	dma.local [hbm:s3], $0xF7A  }
0x26: {  	[smem:$0x3F9A] =	sst s1;
	(tag) =	ssettag s2;
	_ =	strace s9  }
0x27: {  	s1 =	sld [smem:$0x3FAA]  }
0x28: {  	s2 =	sld [smem:$0x3FAB]  }
0x29: {  	s4 =	sld [smem:$0x3FAD]  }
0x2a: {  	p0 =	seq.s32 s5, $0x0;
	s5 =	sld [smem:$0x3FAE]  }
0x2b: {  	s6 =	sld [smem:$0x3FAF]  }
0x2c: {  	s7 =	sld [smem:$0x3FB0]  }
0x2d: {  	s3 =	simm.s32 $0x108;
	s8 =	sld [smem:$0x3FB1]  }
0x2e: {  	s3 =	simm.s32 @!p0 $0x1082;
	s9 =	sld [smem:$0x3FB2]  }
0x2f: {  	lr =	sadd.s32 s0, s3;
	s0 =	sld [smem:$0x3FA9]  }
0x30: {  	s3 =	sld [smem:$0x3FAC]  }
0x31: {  	[smem:$0x3FB5] =	sst s10  }
0x32: {  	s10 =	sld [smem:$0x3FB3];
	_ =	sdelay $0x3  }
0x33: {  	p0 =	seq.s32 s10, $0x1;
	s10 =	sld [smem:$0x3FB5];
	_ =	sdelay $0x3  }
0x34: {  	[smem:$0x3FB5] =	sst s10  }
0x35: {  	s10 =	sld [smem:$0x3FB4];
	_ =	sdelay $0x3  }
0x36: {  	p1 =	seq.s32 s10, $0x1;
	s10 =	sld [smem:$0x3FB5];
	_ =	sdelay $0x3  }
0x37: {  	[smem:$0x3FB5] =	sst s10  }
0x38: {  	s10 =	sld [smem:$0x3FB6]  }
0x39: {  	_ = 	snop;
	(pc) =	sbr.ind lr, $3  }
0x3a: {  	_ = 	snop  }
0x3b: {  	_ = 	snop  }
0x3c: {  	p2 =	seq.s32 s10, $0x1;
	s10 =	sld [smem:$0x3FB5]  }
0x3d: {  	_ =	shalt  }
0x3e: {  	_ =	shalt  }
0x3f: {  	_ =	shalt  }
0x40: {  	_ =	shalt  }
0x41: {  	_ =	shalt  }
0x42: {  	_ =	shalt  }
0x43: {  	_ =	shalt  }
0x44: {  	_ =	shalt  }
0x45: {  	_ =	shalt  }
0x46: {  	_ =	shalt  }
0x47: {  	_ =	shalt  }
0x48: {  	_ =	shalt  }
0x49: {  	_ =	shalt  }
0x4a: {  	_ =	shalt  }
0x4b: {  	_ =	shalt  }
0x4c: {  	_ =	shalt  }
0x4d: {  	_ =	shalt  }
0x4e: {  	_ =	shalt  }
0x4f: {  	_ =	shalt  }
0x50: {  	_ =	shalt  }
0x51: {  	_ =	shalt  }
0x52: {  	_ =	shalt  }
0x53: {  	_ =	shalt  }
0x54: {  	_ =	shalt  }
0x55: {  	_ =	shalt  }
0x56: {  	_ =	shalt  }
0x57: {  	_ =	shalt  }
0x58: {  	_ =	shalt  }
0x59: {  	_ =	shalt  }
0x5a: {  	_ =	shalt  }
0x5b: {  	_ =	shalt  }
0x5c: {  	_ =	shalt  }
0x5d: {  	_ =	shalt  }
0x5e: {  	_ =	shalt  }
0x5f: {  	_ =	shalt  }
0x60: {  	_ =	shalt  }
0x61: {  	_ =	shalt  }
0x62: {  	_ =	shalt  }
0x63: {  	_ =	shalt  }
0x64: {  	_ =	shalt  }
0x65: {  	_ =	shalt  }
0x66: {  	_ =	shalt  }
0x67: {  	_ =	shalt  }
0x68: {  	_ =	shalt  }
0x69: {  	_ =	shalt  }
0x6a: {  	_ =	shalt  }
0x6b: {  	_ =	shalt  }
0x6c: {  	_ =	shalt  }
0x6d: {  	_ =	shalt  }
0x6e: {  	_ =	shalt  }
0x6f: {  	_ =	shalt  }
0x70: {  	_ =	shalt  }
0x71: {  	_ =	shalt  }
0x72: {  	_ =	shalt  }
0x73: {  	_ =	shalt  }
0x74: {  	_ =	shalt  }
0x75: {  	_ =	shalt  }
0x76: {  	_ =	shalt  }
0x77: {  	_ =	shalt  }
0x78: {  	_ =	shalt  }
0x79: {  	_ =	shalt  }
0x7a: {  	_ =	shalt  }
0x7b: {  	_ =	shalt  }
0x7c: {  	_ =	shalt  }
0x7d: {  	_ =	shalt  }
0x7e: {  	_ =	shalt  }
0x7f: {  	_ =	shalt  }
0x80: {  	_ =	shalt  }
0x81: {  	_ =	shalt  }
0x82: {  	_ =	shalt  }
0x83: {  	_ =	shalt  }
0x84: {  	_ =	shalt  }
0x85: {  	_ =	shalt  }
0x86: {  	_ =	shalt  }
0x87: {  	_ =	shalt  }
.Lfunc_end0:
.L_simem_size_0:
called_computation.2_lowered:
.L_overlay_start_0:
0x88: {  	s2 =	sld [smem:$0x3FD9]  }
0x89: {  	s3 =	sld [smem:$0x3FFE];
	_ =	sdelay $0x1  }
0x8a: {  	s1 =	srdreg.scid  }
0x8b: {  	s0 =	sand.u32 $0x1, s1  }
0x8c: {  	s14 =	sshll.u32 s0, $0xA;
	s2 =	sadd.s32 s3, s2  }
0x8d: {  	s2 =	sadd.s32 s2, s14  }
0x8e: {  	[smem:$0x3FC1] =	sst s2  }
0x8f: {  	_ = 	snop  }
0x90: {  	s2 =	sld [smem:$0x3FD0];
	_ =	sdelay $0x2  }
0x91: {  	s15 =	simm.s32 $0xA;
	s4 =	simm.s32 $0x10  }
0x92: {  	[smem:s4], [sflag:s15] =	dma.local [hbm:s2], $0x1  }
0x93: {  	_ =	swait.eq [sflag:s15], $0x1  }
0x94: {  	[sflag:s15] =	ssyncset.done $0x0  }
0x95: {  	s16 =	sld [smem:$0x11];
	[sflag:s15] =	ssyncadd.s32 $0xFFFFFFFF  }
0x96: {  	s17 =	sld [smem:$0x13];
	(tm) =	ssettm $0x1  }
0x97: {  	s18 =	sld [smem:$0x3FFB];
	_ =	sdelay $0x3  }
0x98: {  	_ =	strace s18  }
0x99: {  	s4 =	sld [smem:$0x3FFC];
	_ =	sdelay $0x3  }
0x9a: {  	_ =	strace s4  }
0x9b: {  	s4 =	sld [smem:$0x3FFD];
	_ =	sdelay $0x3  }
0x9c: {  	_ =	strace s4  }
0x9d: {  	_ =	strace $0x8FFFFFFF  }
0x9e: {  	s19 =	sld [smem:$0x3FDB];
	_ =	sdelay $0x1  }
0x9f: {  	s5 =	simm.s32 $_scs_section_size  }
0xa0: {  	s6 =	simm.s32 $_size__tile_overlayer_lowered;
	s7 =	simm.s32 $_tile_overlayer_lowered  }
0xa1: {  	s22 =	simm.s32 $0x1BFF;
	s21 =	sshll.u32 s7, $0x1;
	s4 =	sadd.s32 s5, s19  }
0xa2: {  	s8 =	simm.s32 $0x0;
	s20 =	sshll.u32 s6, $0x1;
	s6 =	sadd.s32 s21, s4  }
0xa3: {  	[timem:s8], [sflag:s22] =	dma.local [hbm:s6], s20  }
0xa4: {  	_ =	swait.ge [sflag:s22], s20  }
0xa5: {  	s5 =	ssub.s32 $0x0, s20;
	[sflag:s22] =	ssyncset.done $0x0  }
0xa6: {  	[sflag:s22] =	ssyncadd.s32 s5;
	_ =	sdelay $0x1  }
0xa7: {  	s23 =	simm.s32 $0x1B8B  }
0xa8: {  	_ =	swait.ge [sflag:s23], $0x1  }
0xa9: {  	[sflag:s23] =	ssyncset.done $0x0  }
0xaa: {  	s25 =	simm.s32 $0x1B8E;
	s24 =	sld [smem:$0x3FFE];
	[sflag:s23] =	ssyncadd.s32 $0xFFFFFFFF  }
0xab: {  	s26 =	simm.s32 $execute0_lowered;
	[smem:$0x3FD2] =	sst s25  }
0xac: {  	s6 =	sshll.u32 s26, $0x1;
	_ =	strace $0x8000004C;
	[dreg:$0x1] =	wrdreg $0xFFFFFFFF  }
0xad: {  	s28 =	simm.s32 $_size_execute0_lowered;
	s4 =	sadd.s32 s4, s6;
	[dreg:$0x0] =	wrdreg $0x0  }
0xae: {  	s6 =	sshll.u32 s28, $0x1;
	[dreg:$0x2] =	wrdreg s4  }
0xaf: {  	[dreg:$0x3] =	wrdreg s6  }
0xb0: {  	[dreg:$0x4] =	wrdreg $0xC0  }
0xb1: {  	_ =	task [dreg:s8], $0x5FFFF  }
0xb2: {  	[dreg:$0x1] =	wrdreg $0xFFFFFFFF  }
0xb3: {  	[dreg:$0x0] =	wrdreg $0x60  }
0xb4: {  	[dreg:$0x2] =	wrdreg s24  }
0xb5: {  	[dreg:$0x3] =	wrdreg s16  }
0xb6: {  	[dreg:$0x4] =	wrdreg s17  }
0xb7: {  	[dreg:$0x5] =	wrdreg $0x9  }
0xb8: {  	_ =	task.clear_ibuf [dreg:s8], $0x6FFFF;
	_ =	strace $0x9000004C  }
0xb9: {  	s29 =	simm.s32 $0x9;
	_ =	strace $0x8000004E  }
0xba: {  	_ =	swait.ge [sflag:s29], $0x1  }
0xbb: {  	[sflag:s29] =	ssyncadd.s32 $0xFFFFFFFF  }
0xbc: {  	_ =	strace $0x9000004E  }
0xbd: {  	_ =	sfence  }
0xbe: {  	s30 =	sld [smem:$0x0];
	_ =	sdelay $0x2  }
0xbf: {  	s31 =	sshll.u32 s1, $0xD;
	s1 =	sshrl.u32 s1, $0x2  }
0xc0: {  	s3 =	sand.u32 $0x4000, s31;
	s1 =	sadd.s32 s1, s30  }
0xc1: {  	s0 =	sor.u32 s3, s0;
	s1 =	sshll.u32 s1, $0x11  }
0xc2: {  	s0 =	sor.u32 s1, s0  }
0xc3: {  	s0 =	sadd.s32 $0x8F2B, s0  }
0xc4: {  	[sflag:s0] =	ssyncadd.remote.s32 $0x1  }
0xc5: {  	_ =	sfence.sel $0xFFFF  }
0xc6: {  	[dreg:$0x0] =	wrdreg $0xFFFFFFFF;
	(pc) =	sbr.abs _section_cstart, $3  }
0xc7: {  	[dreg:$0x1] =	wrdreg $0xFFFFFFFF  }
0xc8: {  	_ =	task.clear_ibuf [dreg:s8], $0x2FFFF;
	_ =	strace $0x9FFFFFFF  }
0xc9: {  	(tm) =	ssettm $0x7FFFFFFF  }
tec
execute0_lowered:
.L_overlay_start_1:
0x0: {  	(tag) =	ssettag $0x1  }
0x1: {  	s0 =	rddreg [dreg:$0x0]  }
0x2: {  	s1 =	rddreg [dreg:$0x1]  }
0x3: {  	s2 =	rddreg [dreg:$0x2];
	s3 =	simm.s32 $0x0;
	s4 =	srdreg.scid  }
0x4: {  	s9 =	stileid.u32;
	s28 =	simm.s32 $0x1;
	s29 =	simm.s32 $0xA200  }
0x5: {  	s30 =	simm.s32 $0x9200;
	s31 =	simm.s32 $0x2;
	[smem:$0x7FF] =	sst s3  }
0x6: {  	s5 =	sadd.s32 $0xC7000, s0;
	s6 =	sadd.s32 $0x3200, s0;
	s4 =	sand.u32 $0x1, s4  }
0x7: {  	s7 =	sadd.s32 $0x3C00, s0;
	_ =	strace $0x8000004D;
	[dreg:$0x4] =	wrdreg s6  }
0x8: {  	s18 =	sshll.u32 s9, $0x1;
	s19 =	sadd.s32 $0x5C00, s0;
	[dreg:$0x5] =	wrdreg s7  }
0x9: {  	s0 =	sadd.s32 $0x6600, s0;
	s24 =	sshll.u32 s9, $0x11;
	[dreg:$0x6] =	wrdreg s19  }
0xa: {  	s6 =	sor.u32 s4, s18;
	s20 =	ssub.s32 $0x2, s4;
	s4 =	sshll.u32 s4, $0x10  }
0xb: {  	[dreg:$0x7] =	wrdreg s0;
	s10 =	sshll.u32 s6, $0x10;
	s25 =	sor.u32 s24, s4  }
0xc: {  	s21 =	sshll.u32 s6, $0xD;
	s22 =	sadd.s32 $0x10000, s10;
	[dreg:$0xd] =	wrdreg s25  }
0xd: {  	s8 =	sshrl.u32 s20, $0x1;
	s7 =	sadd.s32 s5, s21;
	[dreg:$0x9] =	wrdreg s22  }
0xe: {  	v0 =	vmov s6;
	s6 =	simm.s32 $0x9A00;
	s23 =	sor.u32 $0x1000, s10;
	[dreg:$0x8] =	wrdreg s7  }
0xf: {  	s0 =	ssub.s32 s20, s8;
	s4 =	ssub.s32 $0x0, s25;
	[dreg:$0xb] =	wrdreg s23  }
.Ltmp0:
0x10: {  	s26 =	sor.u32 $0x800, s25;
	[dreg:$0xe] =	wrdreg s4;
	(pc) =	sbr.rel .LBB2_1-.Ltmp0, $4  }
0x11: {  	s15 =	sor.u32 $0x1800, s10;
	s7 =	sadd.s32 $0x100, s7;
	[dreg:$0xf] =	wrdreg s26  }
0x12: {  	s8 =	simm.s32 $0x0;
	s0 =	smax.u32 s0, $0x1;
	[dreg:$0xa] =	wrdreg s7  }
0x13: {  	s23 =	simm.s32 $0x4100;
	[dreg:$0xc] =	wrdreg s0;
	s0 =	sxor.u32 $0xFFFFF800, s25  }
0x14: {  	v1 =	vlaneseq.u32;
	s4 =	simm.s32 $0xAA00;
	[dreg:$0x10] =	wrdreg s0;
	s0 =	simm.s32 $0x4  }
.LBB2_32:
0x15: {  	s7 =	simm.s32 $0x3  }
0x16: {  	_ =	swait.ge [sflag:s7], $0x800  }
0x17: {  	[sflag:s7] =	ssyncset.done $0x0  }
0x18: {  	[sflag:s7] =	ssyncadd.s32 $0xFFFFF800  }
0x19: {  	_ =	swait.ge [sflag:s7], $0x800  }
0x1a: {  	[sflag:s7] =	ssyncset.done $0x0  }
0x1b: {  	[sflag:s7] =	ssyncadd.s32 $0xFFFFF800  }
0x1c: {  	_ =	swait.ge [sflag:s0], $0x800  }
0x1d: {  	[sflag:s0] =	ssyncset.done $0x0  }
0x1e: {  	[sflag:s0] =	ssyncadd.s32 $0xFFFFF800  }
0x1f: {  	_ =	swait.ge [sflag:s0], $0x800  }
0x20: {  	s8 =	rddreg [dreg:$0x11]  }
0x21: {  	s26 =	rddreg [dreg:$0xc];
	s8 =	sadd.s32 $0x1, s8  }
0x22: {  	p0 =	sne.s32 s8, s26  }
.Ltmp1:
0x23: {  	_ = 	snop;
	(pc) =	sbr.rel @!p0 .LBB2_33-.Ltmp1, $3  }
0x24: {  	_ =	sdelay $0x1  }
0x25: {  	[sflag:s0] =	ssyncset.done $0x0  }
0x26: {  	[sflag:s0] =	ssyncadd.s32 $0xFFFFF800  }
.LBB2_1:
0x27: {  	[dreg:$0x11] =	wrdreg s8  }
0x28: {  	s7 =	rddreg [dreg:$0x4];
	s17 =	simm.s32 $0x5  }
0x29: {  	[tilespmem:s3], [sflag:$0x5] =	stream.linear.gather [hbm4b:s7+s3], $0x4080, $0x38;
	[tilespmem:$0xB200] =	vst v63  }
0x2a: {  	_ =	swait.ge [sflag:s17], $0x4080  }
0x2b: {  	[sflag:s17] =	ssyncset.done $0x0  }
0x2c: {  	s9 =	simm.s32 $0x4080;
	s18 =	rddreg [dreg:$0x5];
	[sflag:s17] =	ssyncadd.s32 $0xFFFFBF80  }
0x2d: {  	[tilespmem:s9], [sflag:$0x5] =	stream.linear.gather [hbm4b:s18+s3], $0x80, $0x38;
	[tilespmem:$0xB200] =	vst v63  }
0x2e: {  	_ =	swait.ge [sflag:s17], $0x80  }
0x2f: {  	[sflag:s17] =	ssyncset.done $0x0  }
0x30: {  	s19 =	rddreg [dreg:$0x6];
	[sflag:s17] =	ssyncadd.s32 $0xFFFFFF80  }
0x31: {  	[tilespmem:s23], [sflag:$0x5] =	stream.linear.gather [hbm4b:s19+s3], $0x4080, $0x38;
	[tilespmem:$0xB200] =	vst v63  }
0x32: {  	_ =	swait.ge [sflag:s17], $0x4080  }
0x33: {  	[sflag:s17] =	ssyncset.done $0x0  }
0x34: {  	s11 =	simm.s32 $0x8180;
	s20 =	rddreg [dreg:$0x7];
	[sflag:s17] =	ssyncadd.s32 $0xFFFFBF80  }
0x35: {  	[tilespmem:s11], [sflag:$0x5] =	stream.linear.gather [hbm4b:s20+s3], $0x80, $0x38;
	[tilespmem:$0xB200] =	vst v63  }
0x36: {  	_ =	swait.ge [sflag:s17], $0x80  }
0x37: {  	[sflag:s17] =	ssyncset.done $0x0  }
0x38: {  	[sflag:s17] =	ssyncadd.s32 $0xFFFFFF80  }
0x39: {  	v2 =	vld.idx.msk [tilespmem:v0+s9+$0x0], $0xffff;
	_ =	sdelay $0x4  }
0x3a: {  	(v2sf) =	vpush v2, $0x0;
	_ =	sdelay $0xe  }
0x3b: {  	v2 =	vbroadcast v2, $0x0;
	s16 =	spop (v2sf)  }
0x3c: {  	s21 =	sadd.s32 $0x1, s16  }
0x3d: {  	v3 =	vmov s21;
	_ =	sdelay $0x3  }
0x3e: {  	v2 =	vld.idx.msk [tilespmem:v2+s3+$0x0], $0xffff  }
0x3f: {  	v3 =	vld.idx.msk [tilespmem:v3+s3+$0x0], $0xffff;
	_ =	sdelay $0x3  }
0x40: {  	(v2sf) =	vpush v2, $0x0  }
0x41: {  	(v2sf) =	vpush v3, $0x0;
	_ =	sdelay $0x8  }
0x42: {  	s24 =	rddreg [dreg:$0x8]  }
0x43: {  	s25 =	rddreg [dreg:$0xa]  }
0x44: {  	s20 =	rddreg [dreg:$0x10]  }
0x45: {  	s12 =	simm.s32 $0x8200;
	s19 =	rddreg [dreg:$0xf]  }
0x46: {  	v2 =	vld.idx.msk [tilespmem:v0+s11+$0x0], $0xffff;
	[tilespmem:s12], [sflag:$0x1] =	stream.linear.gather [hbm4b:s24+s3], $0x800, $0x38  }
0x47: {  	s18 =	rddreg [dreg:$0xe];
	s22 =	spop (v2sf)  }
0x48: {  	s26 =	simm.s32 $0x8A00;
	s9 =	rddreg [dreg:$0x9];
	s8 =	spop (v2sf)  }
0x49: {  	s7 =	smov.u32 s10;
	s17 =	rddreg [dreg:$0xd];
	p0 =	slt.s32 s8, s9  }
0x4a: {  	[smem:$0x0] =	sst s16;
	p1 =	slt.s32 s22, s10;
	s9 =	smov.u32 @p0 s8  }
0x4b: {  	s12 =	smov.u32 s16;
	s24 =	simm.s32 $0x0;
	s7 =	smov.u32 @p1 s9  }
0x4c: {  	[tilespmem:s26], [sflag:$0x2] =	stream.linear.gather [hbm4b:s25+s3], $0x800, $0x38;
	v3 =	vmov s7;
	[tilespmem:$0xB200] =	vst v63  }
.LBB2_2:
0x4d: {  	_ =	swait.ge [sflag:s28], $0x800  }
0x4e: {  	p0 =	seq.s32 s24, $0x0;
	[sflag:s28] =	ssyncset.done $0x0  }
0x4f: {  	s7 =	simm.s32 @!p0 $0x3;
	[sflag:s28] =	ssyncadd.s32 $0xFFFFF800  }
0x50: {  	_ =	swait.ge @!p0 [sflag:s7], $0x800  }
0x51: {  	[sflag:s7] =	ssyncset.done @!p0 $0x0  }
0x52: {  	[sflag:s7] =	ssyncadd.s32 @!p0 $0xFFFFF800  }
0x53: {  	_ =	swait.ge @!p0 [sflag:s7], $0x800  }
0x54: {  	[sflag:s7] =	ssyncset.done @!p0 $0x0  }
0x55: {  	[sflag:s7] =	ssyncadd.s32 @!p0 $0xFFFFF800;
	s7 =	simm.s32 $0x0  }
0x56: {  	v4 =	vld [tilespmem:s7+$0x8200];
	_ =	sdelay $0x2  }
0x57: {  	s11 =	sshll.u32 s24, $0xC  }
0x58: {  	s8 =	simm.s32 $0x40;
	s13 =	smov.u32 s17;
	s9 =	sor.u32 s10, s11  }
.LBB2_3:
0x59: {  	s14 =	sshra.s32 s8, $0x2;
	p0 =	seq.s32 s8, $0x1FC0;
	s8 =	sadd.s32 $0x40, s8;
	v5 =	vor.u32 s13, v1;
	v6 =	vmul.f32 v4, v2;
	v7 =	vmov v4  }
.Ltmp2:
0x5a: {  	v4 =	vld [tilespmem:s14+$0x8200];
	vm0 =	vlt.s32 v5, v3;
	(pc) =	sbr.rel @!p0 .LBB2_3-.Ltmp2, $3  }
0x5b: {  	v5 =	vsel vm0, v6, v7  }
0x5c: {  	[tilespmem:s7+$0x9200] =	vst v5;
	s7 =	smov.u32 s14;
	_ =	sdelay $0x1  }
0x5d: {  	s13 =	sadd.s32 $0x10, s13  }
.Ltmp3:
0x5e: {  	(pc) =	sbr.rel .LBB2_5-.Ltmp3, $4  }
0x5f: {  	v5 =	vor.u32 s13, v1;
	v6 =	vmul.f32 v4, v2  }
0x60: {  	vm0 =	vlt.s32 v5, v3  }
0x61: {  	v4 =	vsel vm0, v6, v4  }
0x62: {  	s21 =	sor.u32 $0x800, s9;
	s25 =	smov.u32 s9;
	[tilespmem:s7+$0x9200] =	vst v4  }
.LBB2_7:
0x63: {  	_ = 	snop  }
.LBB2_12:
0x64: {  	s8 =	sadd.s32 s14, s18;
	vm1 =	vmand vm1, vm2  }
0x65: {  	v5 =	vadd.s32 s8, v1;
	_ =	sdelay $0x3  }
0x66: {  	[tilespmem:v7+s29+$0x0] =	vst.idx.msk @p1 vm0, v4  }
0x67: {  	[tilespmem:v5+s29+$0x0] =	vst.idx.msk vm1, v4  }
.LBB2_13:
.Ltmp4:
0x68: {  	(pc) =	sbr.rel @!p0 .LBB2_14-.Ltmp4, $4  }
0x69: {  	_ = 	snop  }
0x6a: {  	p1 =	sgt.s32 s13, s21;
	s13 =	smov.u32 s7  }
0x6b: {  	[smem:$0x0] =	sst @!p1 s7;
	s13 =	smov.u32 @p1 s16;
	s7 =	smov.u32 @p1 s12  }
0x6c: {  	s25 =	smov.u32 s22;
	s16 =	smov.u32 s13;
	s12 =	smov.u32 s7  }
.LBB2_5:
0x6d: {  	s7 =	sadd.s32 $0x1, s12  }
0x6e: {  	v4 =	vmov s7;
	_ =	sdelay $0x4  }
0x6f: {  	v4 =	vld.idx.msk [tilespmem:v4+s3+$0x0], $0xffff;
	_ =	sdelay $0x4  }
0x70: {  	(v2sf) =	vpush v4, $0x0;
	_ =	sdelay $0xd  }
0x71: {  	s8 =	sshra.s32 s25, $0x1F  }
0x72: {  	s8 =	sshrl.u32 s8, $0x1C;
	s13 =	spop (v2sf)  }
0x73: {  	s22 =	smov.u32 s21;
	s8 =	sadd.s32 s8, s25;
	p0 =	slt.s32 s13, s21  }
0x74: {  	s14 =	sand.u32 $0xFFFFFFF0, s8;
	s22 =	smov.u32 @p0 s13  }
0x75: {  	p1 =	sge.s32 s14, s22  }
.Ltmp5:
0x76: {  	_ = 	snop;
	(pc) =	sbr.rel @p1 .LBB2_13-.Ltmp5, $1  }
0x77: {  	_ =	sdelay $0x3  }
0x78: {  	v4 =	vmov s12;
	_ =	sdelay $0x1  }
0x79: {  	s8 =	sadd.s32 $0x10, s14  }
0x7a: {  	p2 =	slt.s32 s8, s22  }
.Ltmp6:
0x7b: {  	_ = 	snop;
	(pc) =	sbr.rel @!p2 .LBB2_7-.Ltmp6, $3  }
0x7c: {  	v4 =	vld.idx.msk [tilespmem:v4+s23+$0x0], $0xffff;
	_ =	sdelay $0x1  }
0x7d: {  	v5 =	vmov s25;
	v6 =	vmov s22;
	v7 =	vadd.s32 s14, v1  }
0x7e: {  	p1 =	por $0x0, $0x0;
	vm1 =	vge.s32 v7, v5;
	vm2 =	vlt.s32 v7, v6  }
0x7f: {  	s25 =	sadd.s32 $0x10, s8  }
0x80: {  	p2 =	slt.s32 s25, s22  }
.Ltmp7:
0x81: {  	s14 =	sadd.s32 s14, s18;
	vm0 =	vmand vm1, vm2;
	(pc) =	sbr.rel @!p2 .LBB2_9-.Ltmp7, $3  }
0x82: {  	v7 =	vadd.s32 s14, v1;
	_ =	sdelay $0x1  }
0x83: {  	v8 =	vadd.s32 s8, v1  }
0x84: {  	p1 =	por $0x1, $0x1;
	vm1 =	vge.s32 v8, v5;
	vm2 =	vlt.s32 v8, v6  }
.LBB2_10:
0x85: {  	s14 =	sadd.s32 s8, s18;
	s8 =	smov.u32 s25;
	s25 =	sadd.s32 $0x10, s25  }
0x86: {  	[tilespmem:v7+s29+$0x0] =	vst.idx.msk vm0, v4;
	vm0 =	vmand vm1, vm2;
	p2 =	slt.s32 s25, s22  }
.Ltmp8:
0x87: {  	v7 =	vadd.s32 s14, v1;
	(pc) =	sbr.rel @p2 .LBB2_10-.Ltmp8, $3  }
0x88: {  	_ =	sdelay $0x1  }
0x89: {  	v8 =	vadd.s32 s8, v1  }
0x8a: {  	vm1 =	vge.s32 v8, v5;
	vm2 =	vlt.s32 v8, v6  }
.Ltmp9:
0x8b: {  	(pc) =	sbr.rel .LBB2_12-.Ltmp9, $2  }
0x8c: {  	_ =	sdelay $0x2  }
0x8d: {  	s14 =	smov.u32 s8  }
.LBB2_9:
.Ltmp10:
0x8e: {  	(pc) =	sbr.rel .LBB2_12-.Ltmp10, $2  }
0x8f: {  	_ =	sdelay $0x2  }
0x90: {  	s14 =	smov.u32 s8  }
.LBB2_14:
0x91: {  	p0 =	sne.s32 s24, $0xF  }
.Ltmp11:
0x92: {  	s7 =	sshrl.u32 s9, $0x3;
	(pc) =	sbr.rel @p0 .LBB2_16-.Ltmp11, $4  }
0x93: {  	s8 =	sadd.s32 s1, s7  }
0x94: {  	[hbm4b:s8+s3] =	stream.linear.scatter [tilespmem:s30], [sflag:$0x3], $0x800, $0x38;
	[tilespmem:$0xB200] =	vst v63  }
0x95: {  	s7 =	sadd.s32 s2, s7  }
0x96: {  	[hbm4b:s7+s3] =	stream.linear.scatter [tilespmem:s29], [sflag:$0x3], $0x800, $0x38;
	[tilespmem:$0xB200] =	vst v63  }
.Ltmp12:
0x97: {  	(pc) =	sbr.rel .LBB2_17-.Ltmp12, $4  }
0x98: {  	_ = 	snop  }
0x99: {  	_ =	swait.ge [sflag:s31], $0x800  }
0x9a: {  	[sflag:s31] =	ssyncset.done $0x0  }
0x9b: {  	[sflag:s31] =	ssyncadd.s32 $0xFFFFF800  }
.LBB2_16:
0x9c: {  	s7 =	rddreg [dreg:$0xb]  }
0x9d: {  	s7 =	sadd.s32 s11, s7  }
0x9e: {  	p0 =	sne.s32 s24, $0x0;
	s7 =	sshrl.u32 s7, $0x3  }
.Ltmp13:
0x9f: {  	s8 =	simm.s32 $0x8200;
	s7 =	sadd.s32 s5, s7;
	(pc) =	sbr.rel @!p0 .LBB2_18-.Ltmp13, $4  }
0xa0: {  	[tilespmem:s8], [sflag:$0x1] =	stream.linear.gather [hbm4b:s7+s3], $0x800, $0x38;
	[tilespmem:$0xB200] =	vst v63  }
0xa1: {  	_ =	swait.ge [sflag:s31], $0x800  }
0xa2: {  	[sflag:s31] =	ssyncset.done $0x0  }
0xa3: {  	[sflag:s31] =	ssyncadd.s32 $0xFFFFF800  }
.LBB2_17:
0xa4: {  	_ =	swait.ge [sflag:s0], $0x800  }
0xa5: {  	[sflag:s0] =	ssyncset.done $0x0  }
0xa6: {  	[sflag:s0] =	ssyncadd.s32 $0xFFFFF800  }
0xa7: {  	_ =	swait.ge [sflag:s0], $0x800  }
0xa8: {  	[sflag:s0] =	ssyncset.done $0x0  }
0xa9: {  	[sflag:s0] =	ssyncadd.s32 $0xFFFFF800  }
.LBB2_18:
0xaa: {  	s7 =	simm.s32 $0x0  }
0xab: {  	v4 =	vld [tilespmem:s7+$0x8A00];
	_ =	sdelay $0x3  }
0xac: {  	s8 =	simm.s32 $0x40;
	s12 =	smov.u32 s19  }
.LBB2_19:
0xad: {  	s14 =	sshra.s32 s8, $0x2;
	p0 =	seq.s32 s8, $0x1FC0;
	s8 =	sadd.s32 $0x40, s8;
	v5 =	vor.u32 s12, v1;
	v6 =	vmul.f32 v4, v2;
	v7 =	vmov v4  }
.Ltmp14:
0xae: {  	v4 =	vld [tilespmem:s14+$0x8A00];
	vm0 =	vlt.s32 v5, v3;
	(pc) =	sbr.rel @!p0 .LBB2_19-.Ltmp14, $3  }
0xaf: {  	v5 =	vsel vm0, v6, v7  }
0xb0: {  	[tilespmem:s7+$0x9A00] =	vst v5;
	s7 =	smov.u32 s14;
	_ =	sdelay $0x1  }
0xb1: {  	s12 =	sadd.s32 $0x10, s12  }
.Ltmp15:
0xb2: {  	(pc) =	sbr.rel .LBB2_21-.Ltmp15, $4  }
0xb3: {  	v5 =	vor.u32 s12, v1;
	v6 =	vmul.f32 v4, v2  }
0xb4: {  	vm0 =	vlt.s32 v5, v3  }
0xb5: {  	v4 =	vsel vm0, v6, v4  }
0xb6: {  	s9 =	sadd.s32 $0x1000, s9;
	s14 =	smov.u32 s21;
	[tilespmem:s7+$0x9A00] =	vst v4;
	s7 =	smov.u32 s13  }
.LBB2_23:
0xb7: {  	_ = 	snop  }
.LBB2_28:
0xb8: {  	s8 =	sadd.s32 s26, s20;
	vm1 =	vmand vm1, vm2  }
0xb9: {  	v5 =	vadd.s32 s8, v1;
	_ =	sdelay $0x3  }
0xba: {  	[tilespmem:v7+s4+$0x0] =	vst.idx.msk @p1 vm0, v4  }
0xbb: {  	[tilespmem:v5+s4+$0x0] =	vst.idx.msk vm1, v4  }
.LBB2_29:
.Ltmp16:
0xbc: {  	(pc) =	sbr.rel @!p0 .LBB2_30-.Ltmp16, $4  }
0xbd: {  	_ = 	snop  }
0xbe: {  	p1 =	sgt.s32 s16, s9;
	s16 =	smov.u32 s12  }
0xbf: {  	[smem:$0x0] =	sst @!p1 s12;
	s16 =	smov.u32 @p1 s13;
	s12 =	smov.u32 @p1 s7  }
0xc0: {  	s14 =	smov.u32 s22;
	s13 =	smov.u32 s16;
	s7 =	smov.u32 s12  }
.LBB2_21:
0xc1: {  	s12 =	sadd.s32 $0x1, s7  }
0xc2: {  	v4 =	vmov s12;
	_ =	sdelay $0x4  }
0xc3: {  	v4 =	vld.idx.msk [tilespmem:v4+s3+$0x0], $0xffff;
	_ =	sdelay $0x4  }
0xc4: {  	(v2sf) =	vpush v4, $0x0;
	_ =	sdelay $0xd  }
0xc5: {  	s8 =	sshra.s32 s14, $0x1F  }
0xc6: {  	s8 =	sshrl.u32 s8, $0x1C;
	s16 =	spop (v2sf)  }
0xc7: {  	s22 =	smov.u32 s9;
	s8 =	sadd.s32 s8, s14;
	p0 =	slt.s32 s16, s9  }
0xc8: {  	s26 =	sand.u32 $0xFFFFFFF0, s8;
	s22 =	smov.u32 @p0 s16  }
0xc9: {  	p1 =	sge.s32 s26, s22  }
.Ltmp17:
0xca: {  	_ = 	snop;
	(pc) =	sbr.rel @p1 .LBB2_29-.Ltmp17, $1  }
0xcb: {  	_ =	sdelay $0x3  }
0xcc: {  	v4 =	vmov s7;
	_ =	sdelay $0x1  }
0xcd: {  	s8 =	sadd.s32 $0x10, s26  }
0xce: {  	p2 =	slt.s32 s8, s22  }
.Ltmp18:
0xcf: {  	_ = 	snop;
	(pc) =	sbr.rel @!p2 .LBB2_23-.Ltmp18, $3  }
0xd0: {  	v4 =	vld.idx.msk [tilespmem:v4+s23+$0x0], $0xffff;
	_ =	sdelay $0x1  }
0xd1: {  	v5 =	vmov s14;
	v6 =	vmov s22;
	v7 =	vadd.s32 s26, v1  }
0xd2: {  	p1 =	por $0x0, $0x0;
	vm1 =	vge.s32 v7, v5;
	vm2 =	vlt.s32 v7, v6  }
0xd3: {  	s25 =	sadd.s32 $0x10, s8  }
0xd4: {  	p2 =	slt.s32 s25, s22  }
.Ltmp19:
0xd5: {  	s14 =	sadd.s32 s26, s20;
	vm0 =	vmand vm1, vm2;
	(pc) =	sbr.rel @!p2 .LBB2_25-.Ltmp19, $3  }
0xd6: {  	v7 =	vadd.s32 s14, v1;
	_ =	sdelay $0x1  }
0xd7: {  	v8 =	vadd.s32 s8, v1  }
0xd8: {  	p1 =	por $0x1, $0x1;
	vm1 =	vge.s32 v8, v5;
	vm2 =	vlt.s32 v8, v6  }
.LBB2_26:
0xd9: {  	s14 =	sadd.s32 s8, s20;
	s8 =	smov.u32 s25;
	s25 =	sadd.s32 $0x10, s25  }
0xda: {  	[tilespmem:v7+s4+$0x0] =	vst.idx.msk vm0, v4;
	vm0 =	vmand vm1, vm2;
	p2 =	slt.s32 s25, s22  }
.Ltmp20:
0xdb: {  	v7 =	vadd.s32 s14, v1;
	(pc) =	sbr.rel @p2 .LBB2_26-.Ltmp20, $3  }
0xdc: {  	_ =	sdelay $0x1  }
0xdd: {  	v8 =	vadd.s32 s8, v1  }
0xde: {  	vm1 =	vge.s32 v8, v5;
	vm2 =	vlt.s32 v8, v6  }
.Ltmp21:
0xdf: {  	(pc) =	sbr.rel .LBB2_28-.Ltmp21, $2  }
0xe0: {  	_ =	sdelay $0x2  }
0xe1: {  	s26 =	smov.u32 s8  }
.LBB2_25:
.Ltmp22:
0xe2: {  	(pc) =	sbr.rel .LBB2_28-.Ltmp22, $2  }
0xe3: {  	_ =	sdelay $0x2  }
0xe4: {  	s26 =	smov.u32 s8  }
.LBB2_30:
0xe5: {  	p0 =	seq.s32 s24, $0xF  }
.Ltmp23:
0xe6: {  	s7 =	sshrl.u32 s21, $0x3;
	(pc) =	sbr.rel @p0 .LBB2_32-.Ltmp23, $4  }
0xe7: {  	s8 =	sadd.s32 s1, s7  }
0xe8: {  	[hbm4b:s8+s3] =	stream.linear.scatter [tilespmem:s6], [sflag:$0x4], $0x800, $0x38;
	[tilespmem:$0xB200] =	vst v63  }
0xe9: {  	s7 =	sadd.s32 s2, s7  }
0xea: {  	[hbm4b:s7+s3] =	stream.linear.scatter [tilespmem:s4], [sflag:$0x4], $0x800, $0x38;
	[tilespmem:$0xB200] =	vst v63  }
.Ltmp24:
0xeb: {  	(pc) =	sbr.rel .LBB2_2-.Ltmp24, $4  }
0xec: {  	s7 =	sadd.s32 s11, s15;
	s8 =	simm.s32 $0x8A00;
	s24 =	sadd.s32 $0x1, s24  }
0xed: {  	s17 =	sadd.s32 $0x1000, s17;
	s18 =	sadd.s32 $0xFFFFF000, s18;
	s7 =	sshrl.u32 s7, $0x3  }
0xee: {  	s19 =	sadd.s32 $0x1000, s19;
	s20 =	sadd.s32 $0xFFFFF000, s20;
	s7 =	sadd.s32 s5, s7  }
0xef: {  	[tilespmem:s8], [sflag:$0x2] =	stream.linear.gather [hbm4b:s7+s3], $0x800, $0x38;
	[tilespmem:$0xB200] =	vst v63  }
.LBB2_33:
0xf0: {  	_ =	sfence.sel $0x180000  }
0xf1: {  	[bflag:$0x0] =	sbarrier.arrive $0xFFFF  }
0xf2: {  	_ =	strace $0x9000004D  }
0xf3: {  	s0 =	stileid.u32;
	[bflag:$0x2] =	sbarrier.arrive $0xFFFF  }
0xf4: {  	p0 =	sne.s32 s0, $0x0;
	s0 =	rddreg [dreg:$0x3]  }
0xf5: {  	s0 =	sadd.s32 @!p0 $0x100000, s0  }
0xf6: {  	[sflag:s0] =	ssyncadd.tile.s32 @!p0 $0x1;
	_ =	shalt  }
.Lfunc_end2:
_tile_overlayer_lowered:
.L_overlay_start_2:
0xf7: {  	(tag) =	ssettag $0x2  }
0xf8: {  	s0 =	rddreg [dreg:$0x0];
	s2 =	stileid.u32  }
0xf9: {  	s1 =	rddreg [dreg:$0x1];
	p0 =	sne.s32 s2, $0x0  }
0xfa: {  	s3 =	rddreg [dreg:$0x2];
	[bflag:$0x3] =	sbarrier.arrive $0xFFFF;
	s2 =	simm.s32 @!p0 $0x1C05  }
0xfb: {  	[timem:s3], [sflag:s2] =	dma.local @!p0 [hbm:s0], s1  }
0xfc: {  	s0 =	simm.s32 @!p0 $0x5  }
0xfd: {  	_ =	swait.ge @!p0 [sflag:s0], s1  }
0xfe: {  	s1 =	ssub.s32 @!p0 $0x0, s1;
	[sflag:s0] =	ssyncset.done @!p0 $0x0  }
0xff: {  	[sflag:s0] =	ssyncadd.s32 @!p0 s1  }
0x100: {  	[bflag:$0x3] =	sbarrier.arrive $0xFFFF  }
0x101: {  	_ =	shalt  }

// kernel: kernel.6.cloned.1.call-start
scs
__scs_entry_jumppad:
0x0: {  	(pc) =	sbr.rel $0x88, $3  }
0x1: {  	(tag) =	ssettag $0x0;
	lr =	simm.s32 $0x1  }
0x2: {  	[smem:$0x3F9A] =	sst lr;
	_ =	strace $0xD0000000  }
0x3: {  	_ = 	snop  }
0x4: {  	_ = 	snop  }
0x5: {  	_ = 	snop  }
0x6: {  	_ = 	snop  }
0x7: {  	_ = 	snop  }
__scs_overlays_trampoline_lowered:
0x8: {  	[smem:$0x3FA9] =	sst s0  }
0x9: {  	[smem:$0x3FAA] =	sst s1  }
0xa: {  	[smem:$0x3FAB] =	sst s2  }
0xb: {  	[smem:$0x3FAC] =	sst s3  }
0xc: {  	[smem:$0x3FAD] =	sst s4  }
0xd: {  	[smem:$0x3FAE] =	sst s5  }
0xe: {  	[smem:$0x3FAF] =	sst s6  }
0xf: {  	[smem:$0x3FB0] =	sst s7  }
0x10: {  	[smem:$0x3FB1] =	sst s8  }
0x11: {  	[smem:$0x3FB2] =	sst s9;
	s0 =	simm.s32 @!p0 $0x0  }
0x12: {  	s1 =	sld [smem:$0x3F98];
	s0 =	simm.s32 @p0 $0x1  }
0x13: {  	[smem:$0x3FB3] =	sst s0;
	s0 =	simm.s32 @!p1 $0x0  }
0x14: {  	s2 =	sld [smem:$0x3F97];
	s0 =	simm.s32 @p1 $0x1  }
0x15: {  	[smem:$0x3FB4] =	sst s0;
	s0 =	simm.s32 @!p2 $0x0  }
0x16: {  	s3 =	sld [smem:$0x3FDB];
	s0 =	simm.s32 @p2 $0x1  }
0x17: {  	s4 =	simm.s32 $0x1BF5;
	[smem:$0x3FB6] =	sst s0  }
0x18: {  	s0 =	sld [smem:$0x3F99];
	_ =	swait.ge [sflag:s4], $0x0  }
0x19: {  	s7 =	sld [smem:$0x3F9A]  }
0x1a: {  	s8 =	sadd.s32 $0xFFFFE003, lr  }
0x1b: {  	s9 =	sadd.s32 $0xFFFFFEF7, lr;
	s5 =	simm.s32 $0xFFFFFFFF;
	p2 =	slt.u32 s8, $0xFFFFF086  }
0x1c: {  	p1 =	slt.u32 s9, $0xF7A;
	s5 =	simm.s32 @!p2 $0x0  }
0x1d: {  	s5 =	simm.s32 @p1 $0x1;
	p0 =	seq.s32 s7, s2  }
0x1e: {  	s7 =	smul.u32 @!p0 $0xF7A, s2;
	p2 =	seq.s32 @!p0 s5, $0x0  }
0x1f: {  	s9 =	smul.u32 $0xF7A, s1;
	s8 =	simm.s32 @!p0 $0x1BF5;
	p2 =	por !p2, p0  }
0x20: {  	[sflag:s8] =	ssyncset.s32 @!p0 $0xFFFFF086;
	s6 =	sadd.s32 @!p0 s3, s7;
	s7 =	simm.s32 @!p0 $0x108  }
0x21: {  	s3 =	sadd.s32 s3, s9;
	s6 =	sadd.s32 @!p0 $0x88, s6;
	s7 =	simm.s32 @p2 $0x1082  }
0x22: {  	[simem:s7], [sflag:s8] =	dma.local @!p0 [hbm:s6], $0xF7A  }
0x23: {  	s9 =	sor.u32 $0xD0000000, s2;
	s6 =	simm.s32 $0x108;
	_ =	swait.ge @!p0 [sflag:s8], $0x0  }
0x24: {  	s3 =	sadd.s32 $0x88, s3;
	s6 =	simm.s32 @!p1 $0x1082;
	[sflag:s4] =	ssyncset.s32 $0xFFFFF086  }
0x25: {  	[simem:s6], [sflag:s4] =	dma.local [hbm:s3], $0xF7A  }
0x26: {  	[smem:$0x3F9A] =	sst s1;
	(tag) =	ssettag s2;
	_ =	strace s9  }
0x27: {  	s1 =	sld [smem:$0x3FAA]  }
0x28: {  	s2 =	sld [smem:$0x3FAB]  }
0x29: {  	s4 =	sld [smem:$0x3FAD]  }
0x2a: {  	p0 =	seq.s32 s5, $0x0;
	s5 =	sld [smem:$0x3FAE]  }
0x2b: {  	s6 =	sld [smem:$0x3FAF]  }
0x2c: {  	s7 =	sld [smem:$0x3FB0]  }
0x2d: {  	s3 =	simm.s32 $0x108;
	s8 =	sld [smem:$0x3FB1]  }
0x2e: {  	s3 =	simm.s32 @!p0 $0x1082;
	s9 =	sld [smem:$0x3FB2]  }
0x2f: {  	lr =	sadd.s32 s0, s3;
	s0 =	sld [smem:$0x3FA9]  }
0x30: {  	s3 =	sld [smem:$0x3FAC]  }
0x31: {  	[smem:$0x3FB5] =	sst s10  }
0x32: {  	s10 =	sld [smem:$0x3FB3];
	_ =	sdelay $0x3  }
0x33: {  	p0 =	seq.s32 s10, $0x1;
	s10 =	sld [smem:$0x3FB5];
	_ =	sdelay $0x3  }
0x34: {  	[smem:$0x3FB5] =	sst s10  }
0x35: {  	s10 =	sld [smem:$0x3FB4];
	_ =	sdelay $0x3  }
0x36: {  	p1 =	seq.s32 s10, $0x1;
	s10 =	sld [smem:$0x3FB5];
	_ =	sdelay $0x3  }
0x37: {  	[smem:$0x3FB5] =	sst s10  }
0x38: {  	s10 =	sld [smem:$0x3FB6]  }
0x39: {  	_ = 	snop;
	(pc) =	sbr.ind lr, $3  }
0x3a: {  	_ = 	snop  }
0x3b: {  	_ = 	snop  }
0x3c: {  	p2 =	seq.s32 s10, $0x1;
	s10 =	sld [smem:$0x3FB5]  }
0x3d: {  	_ =	shalt  }
0x3e: {  	_ =	shalt  }
0x3f: {  	_ =	shalt  }
0x40: {  	_ =	shalt  }
0x41: {  	_ =	shalt  }
0x42: {  	_ =	shalt  }
0x43: {  	_ =	shalt  }
0x44: {  	_ =	shalt  }
0x45: {  	_ =	shalt  }
0x46: {  	_ =	shalt  }
0x47: {  	_ =	shalt  }
0x48: {  	_ =	shalt  }
0x49: {  	_ =	shalt  }
0x4a: {  	_ =	shalt  }
0x4b: {  	_ =	shalt  }
0x4c: {  	_ =	shalt  }
0x4d: {  	_ =	shalt  }
0x4e: {  	_ =	shalt  }
0x4f: {  	_ =	shalt  }
0x50: {  	_ =	shalt  }
0x51: {  	_ =	shalt  }
0x52: {  	_ =	shalt  }
0x53: {  	_ =	shalt  }
0x54: {  	_ =	shalt  }
0x55: {  	_ =	shalt  }
0x56: {  	_ =	shalt  }
0x57: {  	_ =	shalt  }
0x58: {  	_ =	shalt  }
0x59: {  	_ =	shalt  }
0x5a: {  	_ =	shalt  }
0x5b: {  	_ =	shalt  }
0x5c: {  	_ =	shalt  }
0x5d: {  	_ =	shalt  }
0x5e: {  	_ =	shalt  }
0x5f: {  	_ =	shalt  }
0x60: {  	_ =	shalt  }
0x61: {  	_ =	shalt  }
0x62: {  	_ =	shalt  }
0x63: {  	_ =	shalt  }
0x64: {  	_ =	shalt  }
0x65: {  	_ =	shalt  }
0x66: {  	_ =	shalt  }
0x67: {  	_ =	shalt  }
0x68: {  	_ =	shalt  }
0x69: {  	_ =	shalt  }
0x6a: {  	_ =	shalt  }
0x6b: {  	_ =	shalt  }
0x6c: {  	_ =	shalt  }
0x6d: {  	_ =	shalt  }
0x6e: {  	_ =	shalt  }
0x6f: {  	_ =	shalt  }
0x70: {  	_ =	shalt  }
0x71: {  	_ =	shalt  }
0x72: {  	_ =	shalt  }
0x73: {  	_ =	shalt  }
0x74: {  	_ =	shalt  }
0x75: {  	_ =	shalt  }
0x76: {  	_ =	shalt  }
0x77: {  	_ =	shalt  }
0x78: {  	_ =	shalt  }
0x79: {  	_ =	shalt  }
0x7a: {  	_ =	shalt  }
0x7b: {  	_ =	shalt  }
0x7c: {  	_ =	shalt  }
0x7d: {  	_ =	shalt  }
0x7e: {  	_ =	shalt  }
0x7f: {  	_ =	shalt  }
0x80: {  	_ =	shalt  }
0x81: {  	_ =	shalt  }
0x82: {  	_ =	shalt  }
0x83: {  	_ =	shalt  }
0x84: {  	_ =	shalt  }
0x85: {  	_ =	shalt  }
0x86: {  	_ =	shalt  }
0x87: {  	_ =	shalt  }
.Lfunc_end0:
.L_simem_size_0:
called_computation_lowered:
.L_overlay_start_0:
0x88: {  	s2 =	sld [smem:$0x3FD9]  }
0x89: {  	s3 =	sld [smem:$0x3FFE];
	_ =	sdelay $0x1  }
0x8a: {  	s1 =	srdreg.scid  }
0x8b: {  	s0 =	sand.u32 $0x1, s1  }
0x8c: {  	s14 =	sshll.u32 s0, $0xA;
	s2 =	sadd.s32 s3, s2  }
0x8d: {  	s2 =	sadd.s32 s2, s14  }
0x8e: {  	[smem:$0x3FC1] =	sst s2  }
0x8f: {  	_ = 	snop  }
0x90: {  	s2 =	sld [smem:$0x3FD0];
	_ =	sdelay $0x2  }
0x91: {  	s15 =	simm.s32 $0xA;
	s4 =	simm.s32 $0x10  }
0x92: {  	[smem:s4], [sflag:s15] =	dma.local [hbm:s2], $0x1  }
0x93: {  	_ =	swait.eq [sflag:s15], $0x1  }
0x94: {  	s16 =	sld [smem:$0x11];
	[sflag:s15] =	ssyncset.done $0x0  }
0x95: {  	s17 =	sld [smem:$0x13];
	[sflag:s15] =	ssyncadd.s32 $0xFFFFFFFF  }
0x96: {  	s18 =	sld [smem:$0x14];
	(tm) =	ssettm $0x1  }
0x97: {  	s5 =	sld [smem:$0x3FFB];
	_ =	sdelay $0x3  }
0x98: {  	_ =	strace s5  }
0x99: {  	s5 =	sld [smem:$0x3FFC];
	_ =	sdelay $0x3  }
0x9a: {  	_ =	strace s5  }
0x9b: {  	s5 =	sld [smem:$0x3FFD];
	_ =	sdelay $0x3  }
0x9c: {  	_ =	strace s5  }
0x9d: {  	_ =	strace $0x8FFFFFFF  }
0x9e: {  	s19 =	sld [smem:$0x3FDB];
	_ =	sdelay $0x1  }
0x9f: {  	s6 =	simm.s32 $_scs_section_size  }
0xa0: {  	s7 =	simm.s32 $_size__tile_overlayer_lowered;
	s8 =	simm.s32 $_tile_overlayer_lowered  }
0xa1: {  	s22 =	simm.s32 $0x1BFF;
	s21 =	sshll.u32 s8, $0x1;
	s5 =	sadd.s32 s6, s19  }
0xa2: {  	s9 =	simm.s32 $0x0;
	s20 =	sshll.u32 s7, $0x1;
	s7 =	sadd.s32 s21, s5  }
0xa3: {  	[timem:s9], [sflag:s22] =	dma.local [hbm:s7], s20  }
0xa4: {  	_ =	swait.ge [sflag:s22], s20  }
0xa5: {  	s6 =	ssub.s32 $0x0, s20;
	[sflag:s22] =	ssyncset.done $0x0  }
0xa6: {  	[sflag:s22] =	ssyncadd.s32 s6;
	_ =	sdelay $0x1  }
0xa7: {  	s23 =	simm.s32 $0x1B8B  }
0xa8: {  	_ =	swait.ge [sflag:s23], $0x1  }
0xa9: {  	[sflag:s23] =	ssyncset.done $0x0  }
0xaa: {  	s25 =	simm.s32 $0x1B8E;
	s24 =	sld [smem:$0x3FFE];
	[sflag:s23] =	ssyncadd.s32 $0xFFFFFFFF  }
0xab: {  	s26 =	simm.s32 $execute0_lowered;
	[smem:$0x3FD2] =	sst s25  }
0xac: {  	s7 =	sshll.u32 s26, $0x1;
	_ =	strace $0x80000046;
	[dreg:$0x1] =	wrdreg $0xFFFFFFFF  }
0xad: {  	s28 =	simm.s32 $_size_execute0_lowered;
	s5 =	sadd.s32 s5, s7;
	[dreg:$0x0] =	wrdreg $0x0  }
0xae: {  	s7 =	sshll.u32 s28, $0x1;
	[dreg:$0x2] =	wrdreg s5  }
0xaf: {  	[dreg:$0x3] =	wrdreg s7  }
0xb0: {  	[dreg:$0x4] =	wrdreg $0xC0  }
0xb1: {  	_ =	task [dreg:s9], $0x5FFFF  }
0xb2: {  	[dreg:$0x1] =	wrdreg $0xFFFFFFFF  }
0xb3: {  	[dreg:$0x0] =	wrdreg $0x60  }
0xb4: {  	[dreg:$0x2] =	wrdreg s17  }
0xb5: {  	[dreg:$0x3] =	wrdreg s16  }
0xb6: {  	[dreg:$0x4] =	wrdreg s24  }
0xb7: {  	[dreg:$0x5] =	wrdreg s18  }
0xb8: {  	[dreg:$0x6] =	wrdreg $0x9  }
0xb9: {  	_ =	task.clear_ibuf [dreg:s9], $0x7FFFF;
	_ =	strace $0x90000046  }
0xba: {  	s29 =	simm.s32 $0x9;
	_ =	strace $0x80000048  }
0xbb: {  	_ =	swait.ge [sflag:s29], $0x1  }
0xbc: {  	[sflag:s29] =	ssyncadd.s32 $0xFFFFFFFF  }
0xbd: {  	_ =	strace $0x90000048  }
0xbe: {  	_ =	sfence  }
0xbf: {  	s30 =	sld [smem:$0x0];
	_ =	sdelay $0x2  }
0xc0: {  	s31 =	sshll.u32 s1, $0xD;
	s1 =	sshrl.u32 s1, $0x2  }
0xc1: {  	s3 =	sand.u32 $0x4000, s31;
	s1 =	sadd.s32 s1, s30  }
0xc2: {  	s0 =	sor.u32 s3, s0;
	s1 =	sshll.u32 s1, $0x11  }
0xc3: {  	s0 =	sor.u32 s1, s0  }
0xc4: {  	s0 =	sadd.s32 $0x8F2B, s0  }
0xc5: {  	[sflag:s0] =	ssyncadd.remote.s32 $0x1  }
0xc6: {  	_ =	sfence.sel $0xFFFF  }
0xc7: {  	[dreg:$0x0] =	wrdreg $0xFFFFFFFF;
	(pc) =	sbr.abs _section_cstart, $3  }
0xc8: {  	[dreg:$0x1] =	wrdreg $0xFFFFFFFF  }
0xc9: {  	_ =	task.clear_ibuf [dreg:s9], $0x2FFFF;
	_ =	strace $0x9FFFFFFF  }
0xca: {  	(tm) =	ssettm $0x7FFFFFFF  }
0xcb: {  	_ =	shalt  }
tec
execute0_lowered:
.L_overlay_start_1:
0x0: {  	(tag) =	ssettag $0x1  }
0x1: {  	s7 =	rddreg [dreg:$0x0]  }
0x2: {  	s8 =	rddreg [dreg:$0x1]  }
0x3: {  	s0 =	rddreg [dreg:$0x2]  }
0x4: {  	s1 =	rddreg [dreg:$0x3];
	s3 =	simm.s32 $0x0;
	s19 =	srdreg.scid  }
0x5: {  	s28 =	simm.s32 $0xA380;
	s29 =	simm.s32 $0xA400;
	s30 =	simm.s32 $0xA480  }
0x6: {  	[smem:$0x7FF] =	sst s3;
	s9 =	sadd.s32 $0x83E00, s0;
	s10 =	sadd.s32 $0x43E00, s0  }
0x7: {  	s16 =	sadd.s32 $0x3E00, s0;
	s2 =	sadd.s32 $0x3200, s0;
	s17 =	sadd.s32 $0x3C00, s0  }
0x8: {  	s18 =	sadd.s32 $0xC7000, s0;
	_ =	strace $0x80000047;
	[dreg:$0x8] =	wrdreg s2  }
0x9: {  	s11 =	sadd.s32 $0xC3E00, s0;
	s12 =	sadd.s32 $0xC4800, s0;
	[dreg:$0x9] =	wrdreg s17  }
0xa: {  	s13 =	sadd.s32 $0xC5200, s0;
	[dreg:$0xa] =	wrdreg s18;
	s17 =	stileid.u32  }
0xb: {  	s2 =	sand.u32 $0x1, s19;
	[dreg:$0x5] =	wrdreg s9;
	s4 =	sshll.u32 s17, $0x1  }
0xc: {  	s14 =	sadd.s32 $0xC5C00, s0;
	[dreg:$0x6] =	wrdreg s10;
	s4 =	sor.u32 s2, s4  }
0xd: {  	s15 =	sadd.s32 $0xC6600, s0;
	[dreg:$0x7] =	wrdreg s16;
	s6 =	sshll.u32 s4, $0xD  }
0xe: {  	s5 =	ssub.s32 $0x2, s2;
	s26 =	sshll.u32 s17, $0x11;
	s21 =	sadd.s32 s7, s6  }
0xf: {  	s20 =	sshrl.u32 s5, $0x1;
	s22 =	sadd.s32 s8, s6;
	[dreg:$0xb] =	wrdreg s21  }
0x10: {  	s2 =	sshll.u32 s2, $0x10;
	s23 =	sadd.s32 s9, s6;
	[dreg:$0xc] =	wrdreg s22  }
0x11: {  	s25 =	sshll.u32 s4, $0x4;
	s24 =	sadd.s32 s10, s6;
	[dreg:$0xd] =	wrdreg s23  }
0x12: {  	s0 =	ssub.s32 s5, s20;
	s1 =	sadd.s32 s1, s25;
	[dreg:$0xe] =	wrdreg s24  }
0x13: {  	s31 =	sshll.u32 s4, $0x10;
	s5 =	sadd.s32 s16, s6;
	[dreg:$0xf] =	wrdreg s1  }
0x14: {  	p0 =	sne.s32 s4, $0x1F;
	s0 =	smax.u32 s0, $0x1;
	[dreg:$0x10] =	wrdreg s5  }
0x15: {  	s6 =	sor.u32 $0x100, s6;
	s25 =	sor.u32 $0x1000, s31;
	[dreg:$0x16] =	wrdreg s0  }
0x16: {  	s20 =	sadd.s32 $0x10000, s31;
	s1 =	sor.u32 s26, s2;
	[dreg:$0x1a] =	wrdreg s25  }
0x17: {  	s7 =	sadd.s32 s7, s6;
	s8 =	sadd.s32 s8, s6;
	[dreg:$0x19] =	wrdreg s20  }
0x18: {  	s9 =	sadd.s32 s9, s6;
	s17 =	sadd.s32 s10, s6;
	[dreg:$0x11] =	wrdreg s7  }
0x19: {  	s2 =	sadd.s32 s16, s6;
	s26 =	sor.u32 $0x1800, s31;
	[dreg:$0x12] =	wrdreg s8  }
0x1a: {  	s21 =	simm.s32 $0x1;
	s22 =	simm.s32 $0x6900;
	[dreg:$0x13] =	wrdreg s9  }
.Ltmp0:
0x1b: {  	s23 =	simm.s32 $0x2;
	[dreg:$0x14] =	wrdreg s17;
	(pc) =	sbr.rel .LBB2_1-.Ltmp0, $4  }
0x1c: {  	v1 =	vimm.f32 $0.0e+00;
	v2 =	vlaneseq.u32;
	v4 =	vimm.f32 $1.000000000e+00;
	s24 =	simm.s32 $0x9900;
	s25 =	simm.s32 $0xA500;
	[dreg:$0x15] =	wrdreg s2  }
0x1d: {  	vm1 =	vcmask $0x700;
	vm0 =	vcmask $0xB08;
	vm2 =	vcmask $0x1310;
	s0 =	simm.s32 $0xA600;
	s18 =	ssub.s32 $0x0, s1;
	[dreg:$0x1b] =	wrdreg s26  }
0x1e: {  	vm3 =	vcmask $0x1714;
	vm4 =	vcmask $0x1B18;
	v3 =	vor.u32 $0x4000, v2;
	s5 =	simm.s32 $0x0;
	s19 =	sxor.u32 $0xFFFFF800, s1;
	[dreg:$0x17] =	wrdreg s18  }
0x1f: {  	v5 =	vsel vm1, $0x3F800000, v1;
	vm1 =	vcmask $0xF0C;
	v0 =	vmov s4;
	s2 =	simm.s32 $0x6;
	s26 =	simm.s32 $0xA580;
	[dreg:$0x18] =	wrdreg s19  }
.LBB2_29:
0x20: {  	s8 =	smov.u32 @p0 s8;
	s5 =	rddreg [dreg:$0x1c]  }
.LBB2_37:
0x21: {  	p1 =	slt.s32 s8, $0x1  }
0x22: {  	s1 =	simm.s32 @!p1 $0x10;
	s2 =	simm.s32 @!p1 $0xA600;
	s4 =	simm.s32 @!p1 $0xA380  }
0x23: {  	[hbm4b:s11+s1] =	stream.indirect.scatter @!p1 [tilespmem:s4], [sflag:$0x3], $0x1, s2, s1, $0xb8;
	[tilespmem:$0xA700] =	vst v63  }
0x24: {  	s4 =	simm.s32 @!p1 $0xA400  }
0x25: {  	[hbm4b:s12+s1] =	stream.indirect.scatter @!p1 [tilespmem:s4], [sflag:$0x3], $0x1, s2, s1, $0xb8;
	[tilespmem:$0xA700] =	vst v63  }
0x26: {  	s4 =	simm.s32 @!p1 $0xA480  }
0x27: {  	[hbm4b:s13+s1] =	stream.indirect.scatter @!p1 [tilespmem:s4], [sflag:$0x3], $0x1, s2, s1, $0xb8;
	[tilespmem:$0xA700] =	vst v63  }
0x28: {  	s4 =	simm.s32 @!p1 $0xA500  }
0x29: {  	[hbm4b:s14+s1] =	stream.indirect.scatter @!p1 [tilespmem:s4], [sflag:$0x3], $0x1, s2, s1, $0xb8;
	[tilespmem:$0xA700] =	vst v63  }
0x2a: {  	s4 =	simm.s32 @!p1 $0xA580  }
0x2b: {  	[hbm4b:s15+s1] =	stream.indirect.scatter @!p1 [tilespmem:s4], [sflag:$0x3], $0x1, s2, s1, $0xb8;
	[tilespmem:$0xA700] =	vst v63  }
0x2c: {  	s1 =	simm.s32 @!p1 $0x3  }
0x2d: {  	_ =	swait.ge @!p1 [sflag:s1], $0x10  }
0x2e: {  	[sflag:s1] =	ssyncset.done @!p1 $0x0  }
0x2f: {  	[sflag:s1] =	ssyncadd.s32 @!p1 $0xFFFFFFF0  }
0x30: {  	_ =	swait.ge @!p1 [sflag:s1], $0x10  }
0x31: {  	[sflag:s1] =	ssyncset.done @!p1 $0x0  }
0x32: {  	[sflag:s1] =	ssyncadd.s32 @!p1 $0xFFFFFFF0  }
0x33: {  	_ =	swait.ge @!p1 [sflag:s1], $0x10  }
0x34: {  	[sflag:s1] =	ssyncset.done @!p1 $0x0  }
0x35: {  	[sflag:s1] =	ssyncadd.s32 @!p1 $0xFFFFFFF0  }
0x36: {  	_ =	swait.ge @!p1 [sflag:s1], $0x10  }
0x37: {  	[sflag:s1] =	ssyncset.done @!p1 $0x0  }
0x38: {  	[sflag:s1] =	ssyncadd.s32 @!p1 $0xFFFFFFF0  }
0x39: {  	_ =	swait.ge @!p1 [sflag:s1], $0x10  }
0x3a: {  	s19 =	simm.s32 $0xA680;
	[sflag:s1] =	ssyncset.done @!p1 $0x0  }
0x3b: {  	s2 =	simm.s32 $0x6;
	s18 =	rddreg [dreg:$0xf];
	[sflag:s1] =	ssyncadd.s32 @!p1 $0xFFFFFFF0  }
0x3c: {  	[hbm4b:s18+s3] =	stream.linear.scatter [tilespmem:s19], [sflag:$0x6], $0x80, $0x38;
	[tilespmem:$0xA700] =	vst v63  }
0x3d: {  	_ =	swait.ge [sflag:s2], $0x80  }
0x3e: {  	s5 =	sadd.s32 $0x1, s5;
	s20 =	rddreg [dreg:$0x16]  }
0x3f: {  	p1 =	sne.s32 s5, s20  }
.Ltmp1:
0x40: {  	_ = 	snop;
	(pc) =	sbr.rel @!p1 .LBB2_38-.Ltmp1, $3  }
0x41: {  	_ =	sdelay $0x1  }
0x42: {  	[sflag:s2] =	ssyncset.done $0x0  }
0x43: {  	[sflag:s2] =	ssyncadd.s32 $0xFFFFFF80  }
.LBB2_1:
0x44: {  	[dreg:$0x1c] =	wrdreg s5  }
0x45: {  	s1 =	rddreg [dreg:$0x8]  }
0x46: {  	[tilespmem:s3], [sflag:$0x6] =	stream.linear.gather [hbm4b:s1+s3], $0x4080, $0x38;
	[tilespmem:$0xA700] =	vst v63  }
0x47: {  	_ =	swait.ge [sflag:s2], $0x4080  }
0x48: {  	[sflag:s2] =	ssyncset.done $0x0  }
0x49: {  	s4 =	simm.s32 $0x4080;
	s7 =	rddreg [dreg:$0x9];
	[sflag:s2] =	ssyncadd.s32 $0xFFFFBF80  }
0x4a: {  	[tilespmem:s4], [sflag:$0x6] =	stream.linear.gather [hbm4b:s7+s3], $0x80, $0x38;
	[tilespmem:$0xA700] =	vst v63  }
0x4b: {  	_ =	swait.ge [sflag:s2], $0x80  }
0x4c: {  	[sflag:s2] =	ssyncset.done $0x0  }
0x4d: {  	[sflag:s2] =	ssyncadd.s32 $0xFFFFFF80  }
0x4e: {  	v6 =	vld.idx.msk [tilespmem:v0+s4+$0x0], $0xffff;
	[tilespmem:$0xA100] =	vst v1  }
0x4f: {  	[tilespmem:$0xA180] =	vst v1  }
0x50: {  	[tilespmem:$0xA200] =	vst v1  }
0x51: {  	[tilespmem:$0xA280] =	vst v1  }
0x52: {  	[tilespmem:$0xA300] =	vst v1  }
0x53: {  	s8 =	rddreg [dreg:$0xb];
	[tilespmem:$0xA680] =	vst v1  }
0x54: {  	s9 =	simm.s32 $0x4100;
	s10 =	rddreg [dreg:$0xc];
	[tilespmem:$0xA600] =	vst v3  }
0x55: {  	[tilespmem:s9], [sflag:$0x1] =	stream.linear.gather [hbm4b:s8+s3], $0x800, $0x38;
	[tilespmem:$0xA700] =	vst v63  }
0x56: {  	s16 =	simm.s32 $0x4900;
	s17 =	rddreg [dreg:$0xd]  }
0x57: {  	[tilespmem:s16], [sflag:$0x1] =	stream.linear.gather [hbm4b:s10+s3], $0x800, $0x38;
	[tilespmem:$0xA700] =	vst v63  }
0x58: {  	s18 =	simm.s32 $0x5100;
	s19 =	rddreg [dreg:$0xe]  }
0x59: {  	(v2sf) =	vpush v6, $0x0;
	[tilespmem:s18], [sflag:$0x1] =	stream.linear.gather [hbm4b:s17+s3], $0x800, $0x38;
	[tilespmem:$0xA700] =	vst v63  }
0x5a: {  	s20 =	simm.s32 $0x5900;
	s6 =	rddreg [dreg:$0x11]  }
0x5b: {  	[tilespmem:s20], [sflag:$0x1] =	stream.linear.gather [hbm4b:s19+s3], $0x800, $0x38;
	[tilespmem:$0xA700] =	vst v63  }
0x5c: {  	s5 =	simm.s32 $0x6100;
	s4 =	rddreg [dreg:$0x10]  }
0x5d: {  	[tilespmem:s5], [sflag:$0x1] =	stream.linear.gather [hbm4b:s4+s3], $0x800, $0x38;
	[tilespmem:$0xA700] =	vst v63  }
0x5e: {  	s7 =	simm.s32 $0x7100;
	s8 =	rddreg [dreg:$0x12]  }
0x5f: {  	[tilespmem:s7], [sflag:$0x2] =	stream.linear.gather [hbm4b:s6+s3], $0x800, $0x38;
	[tilespmem:$0xA700] =	vst v63  }
0x60: {  	s9 =	simm.s32 $0x7900;
	s10 =	rddreg [dreg:$0x13]  }
0x61: {  	[tilespmem:s9], [sflag:$0x2] =	stream.linear.gather [hbm4b:s8+s3], $0x800, $0x38;
	[tilespmem:$0xA700] =	vst v63  }
0x62: {  	s16 =	simm.s32 $0x8100;
	s17 =	rddreg [dreg:$0x14]  }
0x63: {  	[tilespmem:s16], [sflag:$0x2] =	stream.linear.gather [hbm4b:s10+s3], $0x800, $0x38;
	[tilespmem:$0xA700] =	vst v63  }
0x64: {  	s18 =	simm.s32 $0x8900;
	s19 =	rddreg [dreg:$0x15]  }
0x65: {  	[tilespmem:s18], [sflag:$0x2] =	stream.linear.gather [hbm4b:s17+s3], $0x800, $0x38;
	[tilespmem:$0xA700] =	vst v63  }
0x66: {  	s20 =	simm.s32 $0x9100;
	s17 =	rddreg [dreg:$0x18]  }
0x67: {  	[tilespmem:s20], [sflag:$0x2] =	stream.linear.gather [hbm4b:s19+s3], $0x800, $0x38;
	[tilespmem:$0xA700] =	vst v63  }
0x68: {  	s18 =	rddreg [dreg:$0x17];
	s7 =	spop (v2sf)  }
0x69: {  	[smem:$0x0] =	sst s7  }
0x6a: {  	s8 =	simm.s32 $0x0;
	s19 =	simm.s32 $0x0;
	[smem:$0x1] =	sst s3  }
.LBB2_2:
0x6b: {  	_ =	swait.ge [sflag:s21], $0x800  }
0x6c: {  	[sflag:s21] =	ssyncset.done $0x0  }
0x6d: {  	[sflag:s21] =	ssyncadd.s32 $0xFFFFF800  }
0x6e: {  	_ =	swait.ge [sflag:s21], $0x800  }
0x6f: {  	[sflag:s21] =	ssyncset.done $0x0  }
0x70: {  	[sflag:s21] =	ssyncadd.s32 $0xFFFFF800  }
0x71: {  	_ =	swait.ge [sflag:s21], $0x800  }
0x72: {  	[sflag:s21] =	ssyncset.done $0x0  }
0x73: {  	[sflag:s21] =	ssyncadd.s32 $0xFFFFF800  }
0x74: {  	_ =	swait.ge [sflag:s21], $0x800  }
0x75: {  	[sflag:s21] =	ssyncset.done $0x0  }
0x76: {  	[sflag:s21] =	ssyncadd.s32 $0xFFFFF800  }
0x77: {  	_ =	swait.ge [sflag:s21], $0x800  }
.Ltmp2:
0x78: {  	p1 =	seq.s32 s19, $0x0;
	v6 =	vmov s18;
	[sflag:s21] =	ssyncset.done $0x0;
	(pc) =	sbr.rel .LBB2_3-.Ltmp2, $4  }
0x79: {  	s1 =	simm.s32 @!p1 $0x4;
	[sflag:s21] =	ssyncadd.s32 $0xFFFFF800  }
0x7a: {  	s20 =	sshll.u32 s19, $0xC;
	_ =	swait.ge @!p1 [sflag:s1], $0x800  }
0x7b: {  	s2 =	sor.u32 s31, s20;
	[sflag:s1] =	ssyncset.done @!p1 $0x0  }
0x7c: {  	s9 =	sor.u32 $0x800, s2;
	s6 =	smov.u32 s2;
	[sflag:s1] =	ssyncadd.s32 @!p1 $0xFFFFF800  }
.LBB2_10:
0x7d: {  	v10 =	vld [tilespmem:$0xA180]  }
0x7e: {  	v11 =	vld [tilespmem:$0xA200]  }
0x7f: {  	v12 =	vld [tilespmem:$0xA280]  }
0x80: {  	v7 =	vmul.f32 $1.442695020e+00, v7;
	_ =	sdelay $0x1  }
0x81: {  	(erf) = vpow2.f32 v7;
	(xrf2) =	vadd.scan.msk.f32 $0xffff, v10  }
0x82: {  	(xrf2) =	vadd.scan.msk.f32 $0xffff, v11  }
0x83: {  	(xrf2) =	vadd.scan.msk.f32 $0xffff, v12;
	_ =	sdelay $0x3  }
0x84: {  	v7 =	vmov s8;
	_ =	sdelay $0x2  }
0x85: {  	v9 =	vbroadcast v9, $0xF;
	v57 =	vpop (erf)  }
0x86: {  	v10 =	vbroadcast v57, $0x0;
	v58, _, _ =	vpop (xrf2)  }
0x87: {  	[tilespmem:v7+s28+$0x0] =	vst.idx.msk $0x1, v9;
	v59, _, _ =	vpop (xrf2);
	v60 =	vbroadcast v58, $0xF  }
0x88: {  	[tilespmem:v7+s29+$0x0] =	vst.idx.msk $0x1, v10;
	v61, _, _ =	vpop (xrf2);
	v62 =	vbroadcast v59, $0xF  }
0x89: {  	[tilespmem:v7+s30+$0x0] =	vst.idx.msk $0x1, v60;
	v63 =	vbroadcast v61, $0xF  }
0x8a: {  	s8 =	sadd.s32 $0x1, s8;
	[tilespmem:v7+s25+$0x0] =	vst.idx.msk $0x1, v62  }
0x8b: {  	p3 =	sne.s32 s8, $0x10;
	[tilespmem:v7+s26+$0x0] =	vst.idx.msk $0x1, v63  }
0x8c: {  	s4 =	simm.s32 @!p3 $0x10;
	s5 =	simm.s32 @!p3 $0xA600;
	s6 =	simm.s32 @!p3 $0xA380;
	[tilespmem:v7+s0+$0x0] =	vst.idx.msk $0x1, v8  }
0x8d: {  	[hbm4b:s11+s4] =	stream.indirect.scatter @!p3 [tilespmem:s6], [sflag:$0x3], $0x1, s5, s4, $0xb8;
	[tilespmem:$0xA700] =	vst v63  }
0x8e: {  	s6 =	simm.s32 @!p3 $0xA400  }
0x8f: {  	[hbm4b:s12+s4] =	stream.indirect.scatter @!p3 [tilespmem:s6], [sflag:$0x3], $0x1, s5, s4, $0xb8;
	[tilespmem:$0xA700] =	vst v63  }
0x90: {  	s6 =	simm.s32 @!p3 $0xA480  }
0x91: {  	[hbm4b:s13+s4] =	stream.indirect.scatter @!p3 [tilespmem:s6], [sflag:$0x3], $0x1, s5, s4, $0xb8;
	[tilespmem:$0xA700] =	vst v63  }
0x92: {  	s6 =	simm.s32 @!p3 $0xA500  }
0x93: {  	[hbm4b:s14+s4] =	stream.indirect.scatter @!p3 [tilespmem:s6], [sflag:$0x3], $0x1, s5, s4, $0xb8;
	[tilespmem:$0xA700] =	vst v63  }
0x94: {  	s6 =	simm.s32 @!p3 $0xA580  }
0x95: {  	[hbm4b:s15+s4] =	stream.indirect.scatter @!p3 [tilespmem:s6], [sflag:$0x3], $0x1, s5, s4, $0xb8;
	[tilespmem:$0xA700] =	vst v63  }
0x96: {  	[smem:$0x1] =	sst s8;
	s4 =	simm.s32 @!p3 $0x3  }
0x97: {  	_ =	swait.ge @!p3 [sflag:s4], $0x10  }
0x98: {  	[sflag:s4] =	ssyncset.done @!p3 $0x0  }
0x99: {  	[sflag:s4] =	ssyncadd.s32 @!p3 $0xFFFFFFF0  }
0x9a: {  	_ =	swait.ge @!p3 [sflag:s4], $0x10  }
0x9b: {  	[sflag:s4] =	ssyncset.done @!p3 $0x0  }
0x9c: {  	[sflag:s4] =	ssyncadd.s32 @!p3 $0xFFFFFFF0  }
0x9d: {  	_ =	swait.ge @!p3 [sflag:s4], $0x10  }
0x9e: {  	[sflag:s4] =	ssyncset.done @!p3 $0x0  }
0x9f: {  	[sflag:s4] =	ssyncadd.s32 @!p3 $0xFFFFFFF0  }
0xa0: {  	_ =	swait.ge @!p3 [sflag:s4], $0x10  }
0xa1: {  	[sflag:s4] =	ssyncset.done @!p3 $0x0  }
0xa2: {  	[sflag:s4] =	ssyncadd.s32 @!p3 $0xFFFFFFF0  }
0xa3: {  	_ =	swait.ge @!p3 [sflag:s4], $0x10  }
0xa4: {  	v7 =	vlaneseq.u32 @!p3;
	[sflag:s4] =	ssyncset.done @!p3 $0x0  }
0xa5: {  	v7 =	vor.u32 @!p3 $0x4000, v7;
	[sflag:s4] =	ssyncadd.s32 @!p3 $0xFFFFFFF0;
	s4 =	simm.s32 @!p3 $0x0  }
0xa6: {  	s8 =	simm.s32 @!p3 $0x0;
	[tilespmem:$0xA600] =	vst @!p3 v7;
	[smem:$0x1] =	sst @!p3 s4  }
.LBB2_11:
0xa7: {  	[tilespmem:$0xA100] =	vst v1  }
0xa8: {  	[tilespmem:$0xA180] =	vst v1  }
0xa9: {  	[tilespmem:$0xA200] =	vst v1  }
0xaa: {  	[tilespmem:$0xA280] =	vst v1  }
0xab: {  	[tilespmem:$0xA300] =	vst v1;
	[smem:$0x0] =	sst s1;
	s7 =	smov.u32 s1  }
.LBB2_12:
.Ltmp3:
0xac: {  	(pc) =	sbr.rel @!p2 .LBB2_13-.Ltmp3, $2  }
0xad: {  	_ =	sdelay $0x2  }
0xae: {  	s6 =	smov.u32 s16  }
.LBB2_3:
0xaf: {  	s1 =	sadd.s32 $0x1, s7  }
0xb0: {  	v7 =	vmov s1;
	_ =	sdelay $0x4  }
0xb1: {  	v7 =	vld.idx.msk [tilespmem:v7+s3+$0x0], $0xffff;
	_ =	sdelay $0x4  }
0xb2: {  	(v2sf) =	vpush v7, $0x0;
	_ =	sdelay $0xd  }
0xb3: {  	s5 =	sshra.s32 s6, $0x1F  }
0xb4: {  	s5 =	sshrl.u32 s5, $0x1C;
	s4 =	spop (v2sf)  }
0xb5: {  	s16 =	smov.u32 s9;
	s5 =	sadd.s32 s5, s6;
	p2 =	slt.s32 s4, s9  }
0xb6: {  	s5 =	sand.u32 $0xFFFFFFF0, s5;
	s16 =	smov.u32 @p2 s4  }
0xb7: {  	p3 =	sge.s32 s5, s16  }
.Ltmp4:
0xb8: {  	v8 =	vld [tilespmem:$0xA100];
	(pc) =	sbr.rel @p3 .LBB2_7-.Ltmp4, $4  }
0xb9: {  	v9 =	vld [tilespmem:$0xA180]  }
0xba: {  	v10 =	vld [tilespmem:$0xA200]  }
0xbb: {  	v7 =	vld [tilespmem:$0xA300]  }
0xbc: {  	v11 =	vld [tilespmem:$0xA280]  }
0xbd: {  	_ =	sdelay $0x3  }
0xbe: {  	v14 =	vld.idx.msk [tilespmem:v6+s5+$0x4900 ss:$0x1], $0xffff;
	_ =	sdelay $0x1  }
0xbf: {  	v12 =	vmov s6;
	v13 =	vmov s16;
	v15 =	vadd.s32 s5, v2  }
0xc0: {  	vm5 =	vge.s32 v15, v12;
	vm6 =	vlt.s32 v15, v13  }
0xc1: {  	vm5 =	vmand vm5, vm6  }
0xc2: {  	v14 =	vnsel vm5, $0x0, v14  }
0xc3: {  	(xrf2) =	vadd.scan.msk.f32 $0xffff, v14;
	_ =	sdelay $0x9  }
0xc4: {  	v15, _, _ =	vpop (xrf2)  }
0xc5: {  	v14 =	vsub.f32 v15, v14;
	_ =	sdelay $0x1  }
0xc6: {  	v14 =	vadd.f32 v14, v7;
	_ =	sdelay $0x1  }
0xc7: {  	v14 =	vmul.f32 $1.442695020e+00, v14;
	_ =	sdelay $0x1  }
0xc8: {  	(erf) = vpow2.f32 v14;
	_ =	sdelay $0x4  }
0xc9: {  	v14 =	vld.idx.msk [tilespmem:v6+s5+$0x4100 ss:$0x1], $0xffff;
	_ =	sdelay $0x1  }
0xca: {  	s10 =	sadd.s32 s5, s18;
	s6 =	sadd.s32 $0x10, s5  }
0xcb: {  	v16 =	vadd.s32 s10, v2;
	p3 =	slt.s32 s6, s16  }
.Ltmp5:
0xcc: {  	v17 =	vpop (erf);
	(pc) =	sbr.rel @!p3 .LBB2_6-.Ltmp5, $4  }
0xcd: {  	v14 =	vmul.f32 v17, v14  }
0xce: {  	v15 =	vbroadcast v15, $0xF  }
0xcf: {  	v14 =	vnsel vm5, $0x0, v14  }
0xd0: {  	v7 =	vadd.f32 v15, v7;
	[tilespmem:v16+s22+$0x0] =	vst.idx.msk vm5, v14;
	v8 =	vadd.f32 v14, v8  }
.LBB2_5:
0xd1: {  	v15 =	vld.idx.msk [tilespmem:v6+s6+$0x4900 ss:$0x1], $0xffff;
	s10 =	smov.u32 s6;
	s6 =	sadd.s32 $0x10, s6  }
0xd2: {  	v16 =	vld.idx.msk [tilespmem:v6+s10+$0x4100 ss:$0x1], $0xffff;
	p3 =	slt.s32 s6, s16  }
0xd3: {  	v17 =	vld.idx.msk [tilespmem:v6+s5+$0x5100 ss:$0x1], $0xffff  }
0xd4: {  	v18 =	vadd.s32 s10, v2;
	v19 =	vld.idx.msk [tilespmem:v6+s5+$0x5900 ss:$0x1], $0xffff  }
0xd5: {  	vm5 =	vge.s32 v18, v12;
	vm6 =	vlt.s32 v18, v13;
	v18 =	vld.idx.msk [tilespmem:v6+s5+$0x6100 ss:$0x1], $0xffff;
	s5 =	smov.u32 s10  }
0xd6: {  	vm5 =	vmand vm5, vm6  }
0xd7: {  	v15 =	vnsel vm5, $0x0, v15  }
0xd8: {  	(xrf2) =	vadd.scan.msk.f32 $0xffff, v15  }
0xd9: {  	v17 =	vmul.f32 v14, v17  }
0xda: {  	v19 =	vmul.f32 v14, v19  }
0xdb: {  	v9 =	vadd.f32 v17, v9;
	v14 =	vmul.f32 v14, v18  }
0xdc: {  	v10 =	vadd.f32 v19, v10  }
0xdd: {  	v11 =	vadd.f32 v14, v11;
	_ =	sdelay $0x4  }
0xde: {  	v14, _, _ =	vpop (xrf2)  }
0xdf: {  	v15 =	vsub.f32 v14, v15;
	v14 =	vbroadcast v14, $0xF;
	_ =	sdelay $0x1  }
0xe0: {  	v15 =	vadd.f32 v15, v7;
	v7 =	vadd.f32 v14, v7;
	_ =	sdelay $0x1  }
0xe1: {  	v14 =	vmul.f32 $1.442695020e+00, v15;
	_ =	sdelay $0x1  }
0xe2: {  	(erf) = vpow2.f32 v14;
	_ =	sdelay $0x6  }
0xe3: {  	s10 =	sadd.s32 s5, s18  }
0xe4: {  	v15 =	vadd.s32 s10, v2  }
.Ltmp6:
0xe5: {  	v14 =	vpop (erf);
	(pc) =	sbr.rel @p3 .LBB2_5-.Ltmp6, $3  }
0xe6: {  	v14 =	vmul.f32 v14, v16;
	_ =	sdelay $0x1  }
0xe7: {  	v14 =	vnsel vm5, $0x0, v14  }
0xe8: {  	[tilespmem:v15+s22+$0x0] =	vst.idx.msk vm5, v14;
	v8 =	vadd.f32 v14, v8  }
.LBB2_6:
0xe9: {  	_ =	sdelay $0x3  }
0xea: {  	v12 =	vld.idx.msk [tilespmem:v6+s5+$0x5100 ss:$0x1], $0xffff  }
0xeb: {  	v13 =	vld.idx.msk [tilespmem:v6+s5+$0x5900 ss:$0x1], $0xffff  }
0xec: {  	v15 =	vld.idx.msk [tilespmem:v6+s5+$0x6100 ss:$0x1], $0xffff;
	_ =	sdelay $0x3  }
0xed: {  	v12 =	vmul.f32 v14, v12  }
0xee: {  	v13 =	vmul.f32 v14, v13;
	v63 =	vmul.f32 v14, v15  }
0xef: {  	v9 =	vadd.f32 v12, v9  }
0xf0: {  	v10 =	vadd.f32 v13, v10;
	v11 =	vadd.f32 v63, v11  }
.LBB2_7:
0xf1: {  	p3 =	sgt.s32 s4, s9  }
.Ltmp7:
0xf2: {  	[tilespmem:$0xA100] =	vst v8;
	(pc) =	sbr.rel @p3 .LBB2_12-.Ltmp7, $4  }
0xf3: {  	[tilespmem:$0xA180] =	vst v9  }
0xf4: {  	[tilespmem:$0xA200] =	vst v10  }
0xf5: {  	[tilespmem:$0xA300] =	vst v7  }
0xf6: {  	[tilespmem:$0xA280] =	vst v11  }
0xf7: {  	v8 =	vmov s7;
	_ =	sdelay $0x4  }
0xf8: {  	v9 =	vld.idx.msk [tilespmem:v8+s3+$0x0], $0xffff;
	_ =	sdelay $0x4  }
0xf9: {  	(v2sf) =	vpush v9, $0x0;
	_ =	sdelay $0x5  }
0xfa: {  	v9 =	vld [tilespmem:$0xA100];
	_ =	sdelay $0x4  }
0xfb: {  	(xrf2) =	vadd.scan.msk.f32 $0xffff, v9;
	_ =	sdelay $0x3  }
0xfc: {  	s4 =	spop (v2sf)  }
0xfd: {  	p3 =	sge.s32 s4, s31  }
.Ltmp8:
0xfe: {  	_ = 	snop;
	(pc) =	sbr.rel @p3 .LBB2_10-.Ltmp8, $2  }
0xff: {  	_ =	sdelay $0x2  }
0x100: {  	v9, _, _ =	vpop (xrf2)  }
0x101: {  	v8 =	vld [tilespmem:$0xA180];
	_ =	sdelay $0x1  }
0x102: {  	v10 =	vld [tilespmem:$0xA200];
	_ =	sdelay $0x1  }
0x103: {  	v11 =	vld [tilespmem:$0xA280]  }
0x104: {  	(xrf2) =	vadd.scan.msk.f32 $0xffff, v8;
	_ =	sdelay $0x1  }
0x105: {  	(xrf2) =	vadd.scan.msk.f32 $0xffff, v10;
	_ =	sdelay $0x1  }
0x106: {  	(xrf2) =	vadd.scan.msk.f32 $0xffff, v11;
	_ =	sdelay $0x4  }
0x107: {  	v8 =	vbroadcast v9, $0xF  }
0x108: {  	v59, _, _ =	vpop (xrf2)  }
0x109: {  	v8 =	vnsel vm0, $0x0, v8;
	v9 =	vbroadcast v59, $0xF  }
0x10a: {  	v8 =	vadd.f32 v5, v8;
	v10, _, _ =	vpop (xrf2)  }
0x10b: {  	v10 =	vbroadcast v10, $0xF;
	v9 =	vnsel vm1, $0x0, v9  }
0x10c: {  	v11, _, _ =	vpop (xrf2);
	v8 =	vadd.f32 v9, v8  }
0x10d: {  	v61 =	vbroadcast v11, $0xF;
	v60 =	vnsel vm2, $0x0, v10  }
0x10e: {  	v8 =	vadd.f32 v60, v8  }
0x10f: {  	v7 =	vbroadcast v7, $0x0;
	v63 =	vld [tilespmem:$0xA680];
	v62 =	vnsel vm3, $0x0, v61  }
0x110: {  	v8 =	vadd.f32 v62, v8  }
0x111: {  	v7 =	vnsel vm4, $0x0, v7  }
.Ltmp9:
0x112: {  	v7 =	vadd.f32 v8, v7;
	(pc) =	sbr.rel .LBB2_11-.Ltmp9, $3  }
0x113: {  	_ = 	snop  }
0x114: {  	v7 =	vadd.f32 v7, v63;
	_ =	sdelay $0x1  }
0x115: {  	[tilespmem:$0xA680] =	vst v7  }
.LBB2_13:
0x116: {  	s1 =	sshrl.u32 s2, $0x3;
	s4 =	rddreg [dreg:$0xa]  }
0x117: {  	s1 =	sadd.s32 s4, s1  }
0x118: {  	[hbm4b:s1+s3] =	stream.linear.scatter [tilespmem:s22], [sflag:$0x4], $0x800, $0x38;
	[tilespmem:$0xA700] =	vst v63  }
0x119: {  	p2 =	seq.s32 s19, $0xF;
	s1 =	rddreg [dreg:$0x1a]  }
0x11a: {  	s1 =	sadd.s32 @!p2 s20, s1  }
0x11b: {  	s4 =	rddreg [dreg:$0x0];
	s1 =	sshrl.u32 @!p2 s1, $0x3  }
0x11c: {  	s5 =	simm.s32 @!p2 $0x0;
	s6 =	simm.s32 @!p2 $0x4100;
	s4 =	sadd.s32 @!p2 s4, s1  }
0x11d: {  	[tilespmem:s6], [sflag:$0x1] =	stream.linear.gather @!p2 [hbm4b:s4+s5], $0x800, $0x38;
	[tilespmem:$0xA700] =	vst v63  }
0x11e: {  	s4 =	rddreg [dreg:$0x1]  }
0x11f: {  	s6 =	simm.s32 @!p2 $0x4900;
	s4 =	sadd.s32 @!p2 s4, s1  }
0x120: {  	[tilespmem:s6], [sflag:$0x1] =	stream.linear.gather @!p2 [hbm4b:s4+s5], $0x800, $0x38;
	[tilespmem:$0xA700] =	vst v63  }
0x121: {  	s4 =	rddreg [dreg:$0x5]  }
0x122: {  	s6 =	simm.s32 @!p2 $0x5100;
	s4 =	sadd.s32 @!p2 s4, s1  }
0x123: {  	[tilespmem:s6], [sflag:$0x1] =	stream.linear.gather @!p2 [hbm4b:s4+s5], $0x800, $0x38;
	[tilespmem:$0xA700] =	vst v63  }
0x124: {  	s4 =	rddreg [dreg:$0x6]  }
0x125: {  	s6 =	simm.s32 @!p2 $0x5900;
	s4 =	sadd.s32 @!p2 s4, s1  }
0x126: {  	[tilespmem:s6], [sflag:$0x1] =	stream.linear.gather @!p2 [hbm4b:s4+s5], $0x800, $0x38;
	[tilespmem:$0xA700] =	vst v63  }
0x127: {  	s4 =	rddreg [dreg:$0x7]  }
0x128: {  	s1 =	sadd.s32 @!p2 s4, s1;
	s4 =	simm.s32 @!p2 $0x6100  }
0x129: {  	[tilespmem:s4], [sflag:$0x1] =	stream.linear.gather @!p2 [hbm4b:s1+s5], $0x800, $0x38;
	[tilespmem:$0xA700] =	vst v63  }
0x12a: {  	_ =	swait.ge [sflag:s23], $0x800  }
0x12b: {  	[sflag:s23] =	ssyncset.done $0x0  }
0x12c: {  	[sflag:s23] =	ssyncadd.s32 $0xFFFFF800  }
0x12d: {  	_ =	swait.ge [sflag:s23], $0x800  }
0x12e: {  	[sflag:s23] =	ssyncset.done $0x0  }
0x12f: {  	[sflag:s23] =	ssyncadd.s32 $0xFFFFF800  }
0x130: {  	_ =	swait.ge [sflag:s23], $0x800  }
0x131: {  	[sflag:s23] =	ssyncset.done $0x0  }
0x132: {  	[sflag:s23] =	ssyncadd.s32 $0xFFFFF800  }
0x133: {  	_ =	swait.ge [sflag:s23], $0x800  }
0x134: {  	[sflag:s23] =	ssyncset.done $0x0  }
0x135: {  	[sflag:s23] =	ssyncadd.s32 $0xFFFFF800  }
0x136: {  	_ =	swait.ge [sflag:s23], $0x800  }
.Ltmp10:
0x137: {  	v6 =	vmov s17;
	[sflag:s23] =	ssyncset.done $0x0;
	(pc) =	sbr.rel .LBB2_14-.Ltmp10, $4  }
0x138: {  	s1 =	simm.s32 @!p1 $0x5;
	[sflag:s23] =	ssyncadd.s32 $0xFFFFF800  }
0x139: {  	_ =	swait.ge @!p1 [sflag:s1], $0x800  }
0x13a: {  	[sflag:s1] =	ssyncset.done @!p1 $0x0  }
0x13b: {  	s2 =	sadd.s32 $0x1000, s2;
	s6 =	smov.u32 s9;
	[sflag:s1] =	ssyncadd.s32 @!p1 $0xFFFFF800  }
.LBB2_21:
0x13c: {  	v10 =	vld [tilespmem:$0xA180]  }
0x13d: {  	v11 =	vld [tilespmem:$0xA200]  }
0x13e: {  	v12 =	vld [tilespmem:$0xA280]  }
0x13f: {  	v7 =	vmul.f32 $1.442695020e+00, v7;
	_ =	sdelay $0x1  }
0x140: {  	(erf) = vpow2.f32 v7;
	(xrf2) =	vadd.scan.msk.f32 $0xffff, v10  }
0x141: {  	(xrf2) =	vadd.scan.msk.f32 $0xffff, v11  }
0x142: {  	(xrf2) =	vadd.scan.msk.f32 $0xffff, v12;
	_ =	sdelay $0x3  }
0x143: {  	v7 =	vmov s8;
	_ =	sdelay $0x2  }
0x144: {  	v9 =	vbroadcast v9, $0xF;
	v57 =	vpop (erf)  }
0x145: {  	v10 =	vbroadcast v57, $0x0;
	v58, _, _ =	vpop (xrf2)  }
0x146: {  	[tilespmem:v7+s28+$0x0] =	vst.idx.msk $0x1, v9;
	v59, _, _ =	vpop (xrf2);
	v60 =	vbroadcast v58, $0xF  }
0x147: {  	[tilespmem:v7+s29+$0x0] =	vst.idx.msk $0x1, v10;
	v61, _, _ =	vpop (xrf2);
	v62 =	vbroadcast v59, $0xF  }
0x148: {  	[tilespmem:v7+s30+$0x0] =	vst.idx.msk $0x1, v60;
	v63 =	vbroadcast v61, $0xF  }
0x149: {  	s8 =	sadd.s32 $0x1, s8;
	[tilespmem:v7+s25+$0x0] =	vst.idx.msk $0x1, v62  }
0x14a: {  	p3 =	sne.s32 s8, $0x10;
	[tilespmem:v7+s26+$0x0] =	vst.idx.msk $0x1, v63  }
0x14b: {  	s4 =	simm.s32 @!p3 $0x10;
	s5 =	simm.s32 @!p3 $0xA600;
	s6 =	simm.s32 @!p3 $0xA380;
	[tilespmem:v7+s0+$0x0] =	vst.idx.msk $0x1, v8  }
0x14c: {  	[hbm4b:s11+s4] =	stream.indirect.scatter @!p3 [tilespmem:s6], [sflag:$0x3], $0x1, s5, s4, $0xb8;
	[tilespmem:$0xA700] =	vst v63  }
0x14d: {  	s6 =	simm.s32 @!p3 $0xA400  }
0x14e: {  	[hbm4b:s12+s4] =	stream.indirect.scatter @!p3 [tilespmem:s6], [sflag:$0x3], $0x1, s5, s4, $0xb8;
	[tilespmem:$0xA700] =	vst v63  }
0x14f: {  	s6 =	simm.s32 @!p3 $0xA480  }
0x150: {  	[hbm4b:s13+s4] =	stream.indirect.scatter @!p3 [tilespmem:s6], [sflag:$0x3], $0x1, s5, s4, $0xb8;
	[tilespmem:$0xA700] =	vst v63  }
0x151: {  	s6 =	simm.s32 @!p3 $0xA500  }
0x152: {  	[hbm4b:s14+s4] =	stream.indirect.scatter @!p3 [tilespmem:s6], [sflag:$0x3], $0x1, s5, s4, $0xb8;
	[tilespmem:$0xA700] =	vst v63  }
0x153: {  	s6 =	simm.s32 @!p3 $0xA580  }
0x154: {  	[hbm4b:s15+s4] =	stream.indirect.scatter @!p3 [tilespmem:s6], [sflag:$0x3], $0x1, s5, s4, $0xb8;
	[tilespmem:$0xA700] =	vst v63  }
0x155: {  	[smem:$0x1] =	sst s8;
	s4 =	simm.s32 @!p3 $0x3  }
0x156: {  	_ =	swait.ge @!p3 [sflag:s4], $0x10  }
0x157: {  	[sflag:s4] =	ssyncset.done @!p3 $0x0  }
0x158: {  	[sflag:s4] =	ssyncadd.s32 @!p3 $0xFFFFFFF0  }
0x159: {  	_ =	swait.ge @!p3 [sflag:s4], $0x10  }
0x15a: {  	[sflag:s4] =	ssyncset.done @!p3 $0x0  }
0x15b: {  	[sflag:s4] =	ssyncadd.s32 @!p3 $0xFFFFFFF0  }
0x15c: {  	_ =	swait.ge @!p3 [sflag:s4], $0x10  }
0x15d: {  	[sflag:s4] =	ssyncset.done @!p3 $0x0  }
0x15e: {  	[sflag:s4] =	ssyncadd.s32 @!p3 $0xFFFFFFF0  }
0x15f: {  	_ =	swait.ge @!p3 [sflag:s4], $0x10  }
0x160: {  	[sflag:s4] =	ssyncset.done @!p3 $0x0  }
0x161: {  	[sflag:s4] =	ssyncadd.s32 @!p3 $0xFFFFFFF0  }
0x162: {  	_ =	swait.ge @!p3 [sflag:s4], $0x10  }
0x163: {  	v7 =	vlaneseq.u32 @!p3;
	[sflag:s4] =	ssyncset.done @!p3 $0x0  }
0x164: {  	v7 =	vor.u32 @!p3 $0x4000, v7;
	[sflag:s4] =	ssyncadd.s32 @!p3 $0xFFFFFFF0;
	s4 =	simm.s32 @!p3 $0x0  }
0x165: {  	s8 =	simm.s32 @!p3 $0x0;
	[tilespmem:$0xA600] =	vst @!p3 v7;
	[smem:$0x1] =	sst @!p3 s4  }
.LBB2_22:
0x166: {  	[tilespmem:$0xA100] =	vst v1  }
0x167: {  	[tilespmem:$0xA180] =	vst v1  }
0x168: {  	[tilespmem:$0xA200] =	vst v1  }
0x169: {  	[tilespmem:$0xA280] =	vst v1  }
0x16a: {  	[tilespmem:$0xA300] =	vst v1;
	[smem:$0x0] =	sst s1;
	s7 =	smov.u32 s1  }
.LBB2_23:
.Ltmp11:
0x16b: {  	(pc) =	sbr.rel @!p1 .LBB2_24-.Ltmp11, $2  }
0x16c: {  	_ =	sdelay $0x2  }
0x16d: {  	s6 =	smov.u32 s16  }
.LBB2_14:
0x16e: {  	s1 =	sadd.s32 $0x1, s7  }
0x16f: {  	v7 =	vmov s1;
	_ =	sdelay $0x4  }
0x170: {  	v7 =	vld.idx.msk [tilespmem:v7+s3+$0x0], $0xffff;
	_ =	sdelay $0x4  }
0x171: {  	(v2sf) =	vpush v7, $0x0;
	_ =	sdelay $0xd  }
0x172: {  	s5 =	sshra.s32 s6, $0x1F  }
0x173: {  	s5 =	sshrl.u32 s5, $0x1C;
	s4 =	spop (v2sf)  }
0x174: {  	s16 =	smov.u32 s2;
	s5 =	sadd.s32 s5, s6;
	p1 =	slt.s32 s4, s2  }
0x175: {  	s5 =	sand.u32 $0xFFFFFFF0, s5;
	s16 =	smov.u32 @p1 s4  }
0x176: {  	p3 =	sge.s32 s5, s16  }
.Ltmp12:
0x177: {  	v8 =	vld [tilespmem:$0xA100];
	(pc) =	sbr.rel @p3 .LBB2_18-.Ltmp12, $4  }
0x178: {  	v9 =	vld [tilespmem:$0xA180]  }
0x179: {  	v10 =	vld [tilespmem:$0xA200]  }
0x17a: {  	v7 =	vld [tilespmem:$0xA300]  }
0x17b: {  	v11 =	vld [tilespmem:$0xA280]  }
0x17c: {  	_ =	sdelay $0x3  }
0x17d: {  	v14 =	vld.idx.msk [tilespmem:v6+s5+$0x7900 ss:$0x1], $0xffff;
	_ =	sdelay $0x1  }
0x17e: {  	v12 =	vmov s6;
	v13 =	vmov s16;
	v15 =	vadd.s32 s5, v2  }
0x17f: {  	vm5 =	vge.s32 v15, v12;
	vm6 =	vlt.s32 v15, v13  }
0x180: {  	vm5 =	vmand vm5, vm6  }
0x181: {  	v14 =	vnsel vm5, $0x0, v14  }
0x182: {  	(xrf2) =	vadd.scan.msk.f32 $0xffff, v14;
	_ =	sdelay $0x9  }
0x183: {  	v15, _, _ =	vpop (xrf2)  }
0x184: {  	v14 =	vsub.f32 v15, v14;
	_ =	sdelay $0x1  }
0x185: {  	v14 =	vadd.f32 v14, v7;
	_ =	sdelay $0x1  }
0x186: {  	v14 =	vmul.f32 $1.442695020e+00, v14;
	_ =	sdelay $0x1  }
0x187: {  	(erf) = vpow2.f32 v14;
	_ =	sdelay $0x4  }
0x188: {  	v14 =	vld.idx.msk [tilespmem:v6+s5+$0x7100 ss:$0x1], $0xffff;
	_ =	sdelay $0x1  }
0x189: {  	s10 =	sadd.s32 s5, s17;
	s6 =	sadd.s32 $0x10, s5  }
0x18a: {  	v16 =	vadd.s32 s10, v2;
	p3 =	slt.s32 s6, s16  }
.Ltmp13:
0x18b: {  	v17 =	vpop (erf);
	(pc) =	sbr.rel @!p3 .LBB2_17-.Ltmp13, $4  }
0x18c: {  	v14 =	vmul.f32 v17, v14  }
0x18d: {  	v15 =	vbroadcast v15, $0xF  }
0x18e: {  	v14 =	vnsel vm5, $0x0, v14  }
0x18f: {  	v7 =	vadd.f32 v15, v7;
	[tilespmem:v16+s24+$0x0] =	vst.idx.msk vm5, v14;
	v8 =	vadd.f32 v14, v8  }
.LBB2_16:
0x190: {  	v15 =	vld.idx.msk [tilespmem:v6+s6+$0x7900 ss:$0x1], $0xffff;
	s10 =	smov.u32 s6;
	s6 =	sadd.s32 $0x10, s6  }
0x191: {  	v16 =	vld.idx.msk [tilespmem:v6+s10+$0x7100 ss:$0x1], $0xffff;
	p3 =	slt.s32 s6, s16  }
0x192: {  	v17 =	vld.idx.msk [tilespmem:v6+s5+$0x8100 ss:$0x1], $0xffff  }
0x193: {  	v18 =	vadd.s32 s10, v2;
	v19 =	vld.idx.msk [tilespmem:v6+s5+$0x8900 ss:$0x1], $0xffff  }
0x194: {  	vm5 =	vge.s32 v18, v12;
	vm6 =	vlt.s32 v18, v13;
	v18 =	vld.idx.msk [tilespmem:v6+s5+$0x9100 ss:$0x1], $0xffff;
	s5 =	smov.u32 s10  }
0x195: {  	vm5 =	vmand vm5, vm6  }
0x196: {  	v15 =	vnsel vm5, $0x0, v15  }
0x197: {  	(xrf2) =	vadd.scan.msk.f32 $0xffff, v15  }
0x198: {  	v17 =	vmul.f32 v14, v17  }
0x199: {  	v19 =	vmul.f32 v14, v19  }
0x19a: {  	v9 =	vadd.f32 v17, v9;
	v14 =	vmul.f32 v14, v18  }
0x19b: {  	v10 =	vadd.f32 v19, v10  }
0x19c: {  	v11 =	vadd.f32 v14, v11;
	_ =	sdelay $0x4  }
0x19d: {  	v14, _, _ =	vpop (xrf2)  }
0x19e: {  	v15 =	vsub.f32 v14, v15;
	v14 =	vbroadcast v14, $0xF;
	_ =	sdelay $0x1  }
0x19f: {  	v15 =	vadd.f32 v15, v7;
	v7 =	vadd.f32 v14, v7;
	_ =	sdelay $0x1  }
0x1a0: {  	v14 =	vmul.f32 $1.442695020e+00, v15;
	_ =	sdelay $0x1  }
0x1a1: {  	(erf) = vpow2.f32 v14;
	_ =	sdelay $0x6  }
0x1a2: {  	s10 =	sadd.s32 s5, s17  }
0x1a3: {  	v15 =	vadd.s32 s10, v2  }
.Ltmp14:
0x1a4: {  	v14 =	vpop (erf);
	(pc) =	sbr.rel @p3 .LBB2_16-.Ltmp14, $3  }
0x1a5: {  	v14 =	vmul.f32 v14, v16;
	_ =	sdelay $0x1  }
0x1a6: {  	v14 =	vnsel vm5, $0x0, v14  }
0x1a7: {  	[tilespmem:v15+s24+$0x0] =	vst.idx.msk vm5, v14;
	v8 =	vadd.f32 v14, v8  }
.LBB2_17:
0x1a8: {  	_ =	sdelay $0x3  }
0x1a9: {  	v12 =	vld.idx.msk [tilespmem:v6+s5+$0x8100 ss:$0x1], $0xffff  }
0x1aa: {  	v13 =	vld.idx.msk [tilespmem:v6+s5+$0x8900 ss:$0x1], $0xffff  }
0x1ab: {  	v15 =	vld.idx.msk [tilespmem:v6+s5+$0x9100 ss:$0x1], $0xffff;
	_ =	sdelay $0x3  }
0x1ac: {  	v12 =	vmul.f32 v14, v12  }
0x1ad: {  	v13 =	vmul.f32 v14, v13;
	v63 =	vmul.f32 v14, v15  }
0x1ae: {  	v9 =	vadd.f32 v12, v9  }
0x1af: {  	v10 =	vadd.f32 v13, v10;
	v11 =	vadd.f32 v63, v11  }
.LBB2_18:
0x1b0: {  	p3 =	sgt.s32 s4, s2  }
.Ltmp15:
0x1b1: {  	[tilespmem:$0xA100] =	vst v8;
	(pc) =	sbr.rel @p3 .LBB2_23-.Ltmp15, $4  }
0x1b2: {  	[tilespmem:$0xA180] =	vst v9  }
0x1b3: {  	[tilespmem:$0xA200] =	vst v10  }
0x1b4: {  	[tilespmem:$0xA300] =	vst v7  }
0x1b5: {  	[tilespmem:$0xA280] =	vst v11  }
0x1b6: {  	v8 =	vmov s7;
	_ =	sdelay $0x4  }
0x1b7: {  	v9 =	vld.idx.msk [tilespmem:v8+s3+$0x0], $0xffff;
	_ =	sdelay $0x4  }
0x1b8: {  	(v2sf) =	vpush v9, $0x0;
	_ =	sdelay $0x5  }
0x1b9: {  	v9 =	vld [tilespmem:$0xA100];
	_ =	sdelay $0x4  }
0x1ba: {  	(xrf2) =	vadd.scan.msk.f32 $0xffff, v9;
	_ =	sdelay $0x3  }
0x1bb: {  	s4 =	spop (v2sf)  }
0x1bc: {  	p3 =	sge.s32 s4, s31  }
.Ltmp16:
0x1bd: {  	_ = 	snop;
	(pc) =	sbr.rel @p3 .LBB2_21-.Ltmp16, $2  }
0x1be: {  	_ =	sdelay $0x2  }
0x1bf: {  	v9, _, _ =	vpop (xrf2)  }
0x1c0: {  	v8 =	vld [tilespmem:$0xA180];
	_ =	sdelay $0x1  }
0x1c1: {  	v10 =	vld [tilespmem:$0xA200];
	_ =	sdelay $0x1  }
0x1c2: {  	v11 =	vld [tilespmem:$0xA280]  }
0x1c3: {  	(xrf2) =	vadd.scan.msk.f32 $0xffff, v8;
	_ =	sdelay $0x1  }
0x1c4: {  	(xrf2) =	vadd.scan.msk.f32 $0xffff, v10;
	_ =	sdelay $0x1  }
0x1c5: {  	(xrf2) =	vadd.scan.msk.f32 $0xffff, v11;
	_ =	sdelay $0x4  }
0x1c6: {  	v8 =	vbroadcast v9, $0xF  }
0x1c7: {  	v59, _, _ =	vpop (xrf2)  }
0x1c8: {  	v8 =	vnsel vm0, $0x0, v8;
	v9 =	vbroadcast v59, $0xF  }
0x1c9: {  	v8 =	vadd.f32 v5, v8;
	v10, _, _ =	vpop (xrf2)  }
0x1ca: {  	v10 =	vbroadcast v10, $0xF;
	v9 =	vnsel vm1, $0x0, v9  }
0x1cb: {  	v11, _, _ =	vpop (xrf2);
	v8 =	vadd.f32 v9, v8  }
0x1cc: {  	v61 =	vbroadcast v11, $0xF;
	v60 =	vnsel vm2, $0x0, v10  }
0x1cd: {  	v8 =	vadd.f32 v60, v8  }
0x1ce: {  	v7 =	vbroadcast v7, $0x0;
	v63 =	vld [tilespmem:$0xA680];
	v62 =	vnsel vm3, $0x0, v61  }
0x1cf: {  	v8 =	vadd.f32 v62, v8  }
0x1d0: {  	v7 =	vnsel vm4, $0x0, v7  }
.Ltmp17:
0x1d1: {  	v7 =	vadd.f32 v8, v7;
	(pc) =	sbr.rel .LBB2_22-.Ltmp17, $3  }
0x1d2: {  	_ = 	snop  }
0x1d3: {  	v7 =	vadd.f32 v7, v63;
	_ =	sdelay $0x1  }
0x1d4: {  	[tilespmem:$0xA680] =	vst v7  }
.LBB2_24:
.Ltmp18:
0x1d5: {  	(pc) =	sbr.rel @p2 .LBB2_26-.Ltmp18, $4  }
0x1d6: {  	_ = 	snop  }
0x1d7: {  	s1 =	sshrl.u32 s9, $0x3;
	s2 =	rddreg [dreg:$0xa]  }
0x1d8: {  	s1 =	sadd.s32 s2, s1  }
0x1d9: {  	[hbm4b:s1+s3] =	stream.linear.scatter [tilespmem:s24], [sflag:$0x5], $0x800, $0x38;
	[tilespmem:$0xA700] =	vst v63  }
0x1da: {  	s1 =	rddreg [dreg:$0x1b]  }
0x1db: {  	s1 =	sadd.s32 s20, s1  }
0x1dc: {  	s2 =	rddreg [dreg:$0x0];
	s1 =	sshrl.u32 s1, $0x3  }
0x1dd: {  	s4 =	simm.s32 $0x7100;
	s16 =	rddreg [dreg:$0x1];
	s2 =	sadd.s32 s2, s1  }
0x1de: {  	[tilespmem:s4], [sflag:$0x2] =	stream.linear.gather [hbm4b:s2+s3], $0x800, $0x38;
	[tilespmem:$0xA700] =	vst v63  }
0x1df: {  	s5 =	rddreg [dreg:$0x5];
	s20 =	simm.s32 $0x7900;
	s2 =	sadd.s32 s16, s1  }
0x1e0: {  	[tilespmem:s20], [sflag:$0x2] =	stream.linear.gather [hbm4b:s2+s3], $0x800, $0x38;
	[tilespmem:$0xA700] =	vst v63  }
0x1e1: {  	s6 =	simm.s32 $0x8100;
	s9 =	rddreg [dreg:$0x6];
	s2 =	sadd.s32 s5, s1  }
0x1e2: {  	[tilespmem:s6], [sflag:$0x2] =	stream.linear.gather [hbm4b:s2+s3], $0x800, $0x38;
	[tilespmem:$0xA700] =	vst v63  }
.Ltmp19:
0x1e3: {  	s10 =	simm.s32 $0x8900;
	s19 =	sadd.s32 $0x1, s19;
	(pc) =	sbr.rel .LBB2_2-.Ltmp19, $4  }
0x1e4: {  	s18 =	sadd.s32 $0xFFFFF000, s18;
	s16 =	rddreg [dreg:$0x7];
	s2 =	sadd.s32 s9, s1  }
0x1e5: {  	[tilespmem:s10], [sflag:$0x2] =	stream.linear.gather [hbm4b:s2+s3], $0x800, $0x38;
	[tilespmem:$0xA700] =	vst v63  }
0x1e6: {  	s17 =	sadd.s32 $0xFFFFF000, s17;
	s20 =	simm.s32 $0x9100;
	s1 =	sadd.s32 s16, s1  }
0x1e7: {  	[tilespmem:s20], [sflag:$0x2] =	stream.linear.gather [hbm4b:s1+s3], $0x800, $0x38;
	[tilespmem:$0xA700] =	vst v63  }
.LBB2_26:
0x1e8: {  	s1 =	simm.s32 $0x4  }
0x1e9: {  	_ =	swait.ge [sflag:s1], $0x800  }
0x1ea: {  	v6 =	vmov s7;
	[sflag:s1] =	ssyncset.done $0x0  }
0x1eb: {  	s2 =	simm.s32 $0x5;
	[sflag:s1] =	ssyncadd.s32 $0xFFFFF800  }
0x1ec: {  	_ =	swait.ge [sflag:s2], $0x800  }
0x1ed: {  	[sflag:s2] =	ssyncset.done $0x0  }
0x1ee: {  	[sflag:s2] =	ssyncadd.s32 $0xFFFFF800  }
0x1ef: {  	s1 =	sadd.s32 $0x1, s7;
	v6 =	vld.idx.msk [tilespmem:v6+s3+$0x0], $0xffff  }
0x1f0: {  	v7 =	vmov s1;
	_ =	sdelay $0x3  }
0x1f1: {  	(v2sf) =	vpush v6, $0x0  }
0x1f2: {  	v7 =	vld.idx.msk [tilespmem:v7+s3+$0x0], $0xffff;
	_ =	sdelay $0x4  }
0x1f3: {  	(v2sf) =	vpush v7, $0x0;
	_ =	sdelay $0x8  }
0x1f4: {  	s9 =	rddreg [dreg:$0x19];
	s2 =	spop (v2sf)  }
0x1f5: {  	p1 =	sge.s32 s2, s9  }
.Ltmp20:
0x1f6: {  	_ = 	snop;
	(pc) =	sbr.rel @p1 .LBB2_28-.Ltmp20, $2  }
0x1f7: {  	_ =	sdelay $0x2  }
0x1f8: {  	s4 =	spop (v2sf)  }
0x1f9: {  	p1 =	slt.s32 s2, s31  }
0x1fa: {  	p2 =	sle.s32 @!p1 s4, s9  }
0x1fb: {  	p1 =	por p2, p1  }
0x1fc: {  	v6 =	vld @!p1 [tilespmem:$0xA100];
	_ =	sdelay $0x1  }
0x1fd: {  	v7 =	vld @!p1 [tilespmem:$0xA180];
	_ =	sdelay $0x1  }
0x1fe: {  	v8 =	vld @!p1 [tilespmem:$0xA200]  }
0x1ff: {  	(xrf2) =	vadd.scan.msk.f32 @!p1 $0xffff, v6  }
0x200: {  	v6 =	vld @!p1 [tilespmem:$0xA280]  }
0x201: {  	(xrf2) =	vadd.scan.msk.f32 @!p1 $0xffff, v7;
	_ =	sdelay $0x1  }
0x202: {  	(xrf2) =	vadd.scan.msk.f32 @!p1 $0xffff, v8;
	_ =	sdelay $0x1  }
0x203: {  	(xrf2) =	vadd.scan.msk.f32 @!p1 $0xffff, v6;
	_ =	sdelay $0x1  }
0x204: {  	s5 =	scvt.s32.f32 @!p1 s7  }
0x205: {  	vm5 =	vcmask @!p1 $0x2320  }
0x206: {  	vm6 =	vcmask @!p1 $0x1F1C;
	v8 =	vimm.f32 @!p1 $0.0e+00;
	v6 =	vmov @!p1 s5;
	v7, _, _ =	vpop @!p1 (xrf2)  }
0x207: {  	v8 =	vsel @!p1 vm6, $0x3F800000, v8;
	v6 =	vnsel @!p1 vm5, $0x0, v6;
	v7 =	vbroadcast @!p1 v7, $0xF  }
0x208: {  	vm5 =	vcmask @!p1 $0x2724;
	v6 =	vadd.f32 @!p1 v8, v6;
	v9, _, _ =	vpop @!p1 (xrf2)  }
0x209: {  	v8 =	vbroadcast @!p1 v9, $0xF;
	v7 =	vnsel @!p1 vm5, $0x0, v7  }
0x20a: {  	v9, _, _ =	vpop @!p1 (xrf2);
	vm5 =	vcmask @!p1 $0x2B28;
	v6 =	vadd.f32 @!p1 v7, v6  }
0x20b: {  	v7 =	vnsel @!p1 vm5, $0x0, v8;
	v8 =	vbroadcast @!p1 v9, $0xF  }
0x20c: {  	vm5 =	vcmask @!p1 $0x2F2C;
	v9, _, _ =	vpop @!p1 (xrf2);
	v6 =	vadd.f32 @!p1 v7, v6;
	v7 =	vld.msk @!p1 [tilespmem:$0xA300 ss:$0x0], $0xffff  }
0x20d: {  	v8 =	vnsel @!p1 vm5, $0x0, v8;
	v9 =	vbroadcast @!p1 v9, $0xF  }
0x20e: {  	vm5 =	vcmask @!p1 $0x3330;
	v6 =	vadd.f32 @!p1 v8, v6  }
0x20f: {  	v8 =	vnsel @!p1 vm5, $0x0, v9;
	v9 =	vld @!p1 [tilespmem:$0xA680]  }
0x210: {  	vm5 =	vcmask @!p1 $0x3734;
	v6 =	vadd.f32 @!p1 v8, v6  }
0x211: {  	v7 =	vnsel @!p1 vm5, $0x0, v7  }
0x212: {  	v6 =	vadd.f32 @!p1 v6, v7;
	_ =	sdelay $0x1  }
0x213: {  	v6 =	vadd.f32 @!p1 v6, v9;
	_ =	sdelay $0x1  }
0x214: {  	[tilespmem:$0xA680] =	vst @!p1 v6  }
.LBB2_28:
0x215: {  	p1 =	sge.s32 s2, s31  }
0x216: {  	p2 =	sle.s32 @!p1 s4, s9  }
0x217: {  	p1 =	por p2, p1  }
0x218: {  	v6 =	vld @!p1 [tilespmem:$0xA100];
	_ =	sdelay $0x1  }
0x219: {  	v7 =	vld @!p1 [tilespmem:$0xA180];
	_ =	sdelay $0x1  }
0x21a: {  	v8 =	vld @!p1 [tilespmem:$0xA200]  }
0x21b: {  	(xrf2) =	vadd.scan.msk.f32 @!p1 $0xffff, v6  }
0x21c: {  	v6 =	vld @!p1 [tilespmem:$0xA280]  }
0x21d: {  	(xrf2) =	vadd.scan.msk.f32 @!p1 $0xffff, v7;
	_ =	sdelay $0x1  }
0x21e: {  	(xrf2) =	vadd.scan.msk.f32 @!p1 $0xffff, v8;
	_ =	sdelay $0x1  }
0x21f: {  	(xrf2) =	vadd.scan.msk.f32 @!p1 $0xffff, v6;
	_ =	sdelay $0x3  }
0x220: {  	v6, _, _ =	vpop @!p1 (xrf2)  }
0x221: {  	v6 =	vbroadcast @!p1 v6, $0xF  }
0x222: {  	vm5 =	vcmask @!p1 $0xB08;
	vm6 =	vcmask @!p1 $0x300;
	v8 =	vimm.f32 @!p1 $0.0e+00;
	v7, _, _ =	vpop @!p1 (xrf2)  }
0x223: {  	v8 =	vsel @!p1 vm6, $0x3F800000, v8;
	v7 =	vbroadcast @!p1 v7, $0xF;
	v6 =	vnsel @!p1 vm5, $0x0, v6  }
0x224: {  	v9, _, _ =	vpop @!p1 (xrf2);
	vm5 =	vcmask @!p1 $0xF0C;
	v6 =	vadd.f32 @!p1 v8, v6  }
0x225: {  	v7 =	vnsel @!p1 vm5, $0x0, v7;
	v8 =	vbroadcast @!p1 v9, $0xF  }
0x226: {  	vm5 =	vcmask @!p1 $0x1310;
	v9, _, _ =	vpop @!p1 (xrf2);
	v6 =	vadd.f32 @!p1 v7, v6;
	v7 =	vld.msk @!p1 [tilespmem:$0xA300 ss:$0x0], $0xffff  }
0x227: {  	v8 =	vnsel @!p1 vm5, $0x0, v8;
	v9 =	vbroadcast @!p1 v9, $0xF  }
0x228: {  	vm5 =	vcmask @!p1 $0x1714;
	v6 =	vadd.f32 @!p1 v8, v6  }
0x229: {  	v8 =	vnsel @!p1 vm5, $0x0, v9;
	v9 =	vld @!p1 [tilespmem:$0xA680]  }
0x22a: {  	p2 =	sgt.s32 @!p0 s7, $0x3FFF;
	vm5 =	vcmask @!p1 $0x1B18;
	v6 =	vadd.f32 @!p1 v8, v6  }
0x22b: {  	p2 =	por p0, p2;
	v7 =	vnsel @!p1 vm5, $0x0, v7  }
.Ltmp21:
0x22c: {  	v6 =	vadd.f32 @!p1 v6, v7;
	(pc) =	sbr.rel @p2 .LBB2_29-.Ltmp21, $3  }
0x22d: {  	_ = 	snop  }
0x22e: {  	v6 =	vadd.f32 @!p1 v6, v9;
	_ =	sdelay $0x1  }
0x22f: {  	[tilespmem:$0xA680] =	vst @!p1 v6  }
0x230: {  	p1 =	sne.s32 s1, $0x4000  }
.Ltmp22:
0x231: {  	_ = 	snop;
	(pc) =	sbr.rel @!p1 .LBB2_31-.Ltmp22, $2  }
0x232: {  	_ =	sdelay $0x2  }
0x233: {  	v7 =	vmov s8;
	p2 =	por $0x0, $0x0  }
0x234: {  	_ =	sdelay $0x3  }
0x235: {  	[tilespmem:v7+s28+$0x0] =	vst.idx.msk $0x1, v1  }
0x236: {  	[tilespmem:v7+s29+$0x0] =	vst.idx.msk $0x1, v4  }
0x237: {  	[tilespmem:v7+s30+$0x0] =	vst.idx.msk $0x1, v1  }
0x238: {  	s8 =	sadd.s32 $0x1, s8;
	[tilespmem:v7+s25+$0x0] =	vst.idx.msk $0x1, v1  }
0x239: {  	v6 =	vmov s7;
	p1 =	sne.s32 s8, $0x10;
	[tilespmem:v7+s26+$0x0] =	vst.idx.msk $0x1, v1  }
0x23a: {  	s2 =	simm.s32 @!p1 $0x10;
	s4 =	simm.s32 @!p1 $0xA600;
	s5 =	simm.s32 @!p1 $0xA380;
	[tilespmem:v7+s0+$0x0] =	vst.idx.msk $0x1, v6  }
0x23b: {  	[hbm4b:s11+s2] =	stream.indirect.scatter @!p1 [tilespmem:s5], [sflag:$0x3], $0x1, s4, s2, $0xb8;
	[tilespmem:$0xA700] =	vst v63  }
0x23c: {  	s5 =	simm.s32 @!p1 $0xA400  }
0x23d: {  	[hbm4b:s12+s2] =	stream.indirect.scatter @!p1 [tilespmem:s5], [sflag:$0x3], $0x1, s4, s2, $0xb8;
	[tilespmem:$0xA700] =	vst v63  }
0x23e: {  	s5 =	simm.s32 @!p1 $0xA480  }
0x23f: {  	[hbm4b:s13+s2] =	stream.indirect.scatter @!p1 [tilespmem:s5], [sflag:$0x3], $0x1, s4, s2, $0xb8;
	[tilespmem:$0xA700] =	vst v63  }
0x240: {  	s5 =	simm.s32 @!p1 $0xA500  }
0x241: {  	[hbm4b:s14+s2] =	stream.indirect.scatter @!p1 [tilespmem:s5], [sflag:$0x3], $0x1, s4, s2, $0xb8;
	[tilespmem:$0xA700] =	vst v63  }
0x242: {  	[smem:$0x1] =	sst s8;
	s6 =	simm.s32 @!p1 $0x3;
	s5 =	simm.s32 @!p1 $0xA580  }
0x243: {  	[hbm4b:s15+s2] =	stream.indirect.scatter @!p1 [tilespmem:s5], [sflag:$0x3], $0x1, s4, s2, $0xb8;
	[tilespmem:$0xA700] =	vst v63  }
0x244: {  	_ =	swait.ge @!p1 [sflag:s6], $0x10  }
0x245: {  	[sflag:s6] =	ssyncset.done @!p1 $0x0  }
0x246: {  	[sflag:s6] =	ssyncadd.s32 @!p1 $0xFFFFFFF0  }
0x247: {  	_ =	swait.ge @!p1 [sflag:s6], $0x10  }
0x248: {  	[sflag:s6] =	ssyncset.done @!p1 $0x0  }
0x249: {  	[sflag:s6] =	ssyncadd.s32 @!p1 $0xFFFFFFF0  }
0x24a: {  	_ =	swait.ge @!p1 [sflag:s6], $0x10  }
0x24b: {  	[sflag:s6] =	ssyncset.done @!p1 $0x0  }
0x24c: {  	s2 =	sadd.s32 $0x1, s1;
	[sflag:s6] =	ssyncadd.s32 @!p1 $0xFFFFFFF0  }
0x24d: {  	p3 =	sne.s32 s2, $0x4000;
	_ =	swait.ge @!p1 [sflag:s6], $0x10  }
.Ltmp23:
0x24e: {  	s8 =	simm.s32 @!p1 $0x0;
	[sflag:s6] =	ssyncset.done @!p1 $0x0;
	(pc) =	sbr.rel @!p3 .LBB2_33-.Ltmp23, $4  }
0x24f: {  	v7 =	vmov s8;
	[sflag:s6] =	ssyncadd.s32 @!p1 $0xFFFFFFF0  }
0x250: {  	_ =	swait.ge @!p1 [sflag:s6], $0x10  }
0x251: {  	v6 =	vlaneseq.u32 @!p1;
	[sflag:s6] =	ssyncset.done @!p1 $0x0  }
0x252: {  	p2 =	por $0x1, $0x1;
	v6 =	vor.u32 @!p1 $0x4000, v6;
	s4 =	simm.s32 @!p1 $0x0;
	[sflag:s6] =	ssyncadd.s32 @!p1 $0xFFFFFFF0  }
.LBB2_34:
0x253: {  	[tilespmem:$0xA600] =	vst @!p1 v6;
	[smem:$0x1] =	sst @!p1 s4;
	s4 =	smov.u32 s2;
	s2 =	sadd.s32 $0x1, s2  }
0x254: {  	p3 =	sne.s32 s2, $0x4000;
	[tilespmem:v7+s28+$0x0] =	vst.idx.msk $0x1, v1  }
0x255: {  	[tilespmem:v7+s29+$0x0] =	vst.idx.msk $0x1, v4  }
0x256: {  	[tilespmem:v7+s30+$0x0] =	vst.idx.msk $0x1, v1  }
0x257: {  	s5 =	sadd.s32 $0x1, s8;
	[tilespmem:v7+s25+$0x0] =	vst.idx.msk $0x1, v1  }
0x258: {  	v6 =	vmov s1;
	p1 =	sne.s32 s5, $0x10;
	s1 =	smov.u32 s4;
	s8 =	smov.u32 s5;
	[tilespmem:v7+s26+$0x0] =	vst.idx.msk $0x1, v1  }
0x259: {  	s4 =	simm.s32 @!p1 $0x10;
	s6 =	simm.s32 @!p1 $0xA600;
	s7 =	simm.s32 @!p1 $0xA380;
	[tilespmem:v7+s0+$0x0] =	vst.idx.msk $0x1, v6;
	v6 =	vlaneseq.u32 @!p1  }
0x25a: {  	[hbm4b:s11+s4] =	stream.indirect.scatter @!p1 [tilespmem:s7], [sflag:$0x3], $0x1, s6, s4, $0xb8;
	v6 =	vor.u32 @!p1 $0x4000, v6;
	[tilespmem:$0xA700] =	vst v63  }
0x25b: {  	s8 =	simm.s32 @!p1 $0x0;
	s7 =	simm.s32 @!p1 $0xA400  }
0x25c: {  	[hbm4b:s12+s4] =	stream.indirect.scatter @!p1 [tilespmem:s7], [sflag:$0x3], $0x1, s6, s4, $0xb8;
	[tilespmem:$0xA700] =	vst v63  }
0x25d: {  	s7 =	simm.s32 @!p1 $0xA480  }
0x25e: {  	[hbm4b:s13+s4] =	stream.indirect.scatter @!p1 [tilespmem:s7], [sflag:$0x3], $0x1, s6, s4, $0xb8;
	[tilespmem:$0xA700] =	vst v63  }
0x25f: {  	s7 =	simm.s32 @!p1 $0xA500  }
0x260: {  	[hbm4b:s14+s4] =	stream.indirect.scatter @!p1 [tilespmem:s7], [sflag:$0x3], $0x1, s6, s4, $0xb8;
	[tilespmem:$0xA700] =	vst v63  }
0x261: {  	s7 =	simm.s32 @!p1 $0x3;
	[smem:$0x1] =	sst s5;
	s5 =	simm.s32 @!p1 $0xA580  }
0x262: {  	[hbm4b:s15+s4] =	stream.indirect.scatter @!p1 [tilespmem:s5], [sflag:$0x3], $0x1, s6, s4, $0xb8;
	[tilespmem:$0xA700] =	vst v63  }
0x263: {  	_ =	swait.ge @!p1 [sflag:s7], $0x10  }
0x264: {  	[sflag:s7] =	ssyncset.done @!p1 $0x0  }
0x265: {  	[sflag:s7] =	ssyncadd.s32 @!p1 $0xFFFFFFF0  }
0x266: {  	_ =	swait.ge @!p1 [sflag:s7], $0x10  }
0x267: {  	[sflag:s7] =	ssyncset.done @!p1 $0x0  }
0x268: {  	[sflag:s7] =	ssyncadd.s32 @!p1 $0xFFFFFFF0  }
0x269: {  	_ =	swait.ge @!p1 [sflag:s7], $0x10  }
0x26a: {  	[sflag:s7] =	ssyncset.done @!p1 $0x0  }
0x26b: {  	[sflag:s7] =	ssyncadd.s32 @!p1 $0xFFFFFFF0  }
0x26c: {  	_ =	swait.ge @!p1 [sflag:s7], $0x10  }
.Ltmp24:
0x26d: {  	[sflag:s7] =	ssyncset.done @!p1 $0x0;
	(pc) =	sbr.rel @p3 .LBB2_34-.Ltmp24, $4  }
0x26e: {  	v7 =	vmov s8;
	[sflag:s7] =	ssyncadd.s32 @!p1 $0xFFFFFFF0  }
0x26f: {  	_ =	swait.ge @!p1 [sflag:s7], $0x10  }
0x270: {  	[sflag:s7] =	ssyncset.done @!p1 $0x0  }
0x271: {  	s4 =	simm.s32 @!p1 $0x0;
	[sflag:s7] =	ssyncadd.s32 @!p1 $0xFFFFFFF0  }
0x272: {  	s7 =	smov.u32 s1  }
.LBB2_36:
0x273: {  	_ =	sdelay $0x1  }
0x274: {  	p2 =	por p1, !p2  }
0x275: {  	[tilespmem:$0xA600] =	vst @!p2 v6  }
0x276: {  	[tilespmem:v7+s28+$0x0] =	vst.idx.msk $0x1, v1  }
0x277: {  	[tilespmem:v7+s29+$0x0] =	vst.idx.msk $0x1, v4  }
0x278: {  	[tilespmem:v7+s30+$0x0] =	vst.idx.msk $0x1, v1  }
0x279: {  	s8 =	sadd.s32 $0x1, s8;
	[tilespmem:v7+s25+$0x0] =	vst.idx.msk $0x1, v1  }
0x27a: {  	v6 =	vmov s7;
	p1 =	sne.s32 s8, $0x10;
	[tilespmem:v7+s26+$0x0] =	vst.idx.msk $0x1, v1  }
0x27b: {  	s1 =	simm.s32 @!p1 $0x10;
	s2 =	simm.s32 @!p1 $0xA600;
	s5 =	simm.s32 @!p1 $0xA380;
	[tilespmem:v7+s0+$0x0] =	vst.idx.msk $0x1, v6  }
0x27c: {  	[hbm4b:s11+s1] =	stream.indirect.scatter @!p1 [tilespmem:s5], [sflag:$0x3], $0x1, s2, s1, $0xb8;
	[tilespmem:$0xA700] =	vst v63  }
0x27d: {  	s5 =	simm.s32 @!p1 $0xA400  }
0x27e: {  	[hbm4b:s12+s1] =	stream.indirect.scatter @!p1 [tilespmem:s5], [sflag:$0x3], $0x1, s2, s1, $0xb8;
	[tilespmem:$0xA700] =	vst v63  }
0x27f: {  	s5 =	simm.s32 @!p1 $0xA480  }
0x280: {  	[hbm4b:s13+s1] =	stream.indirect.scatter @!p1 [tilespmem:s5], [sflag:$0x3], $0x1, s2, s1, $0xb8;
	[tilespmem:$0xA700] =	vst v63  }
0x281: {  	[smem:$0x1] =	sst @!p2 s4;
	s4 =	simm.s32 @!p1 $0xA500  }
0x282: {  	[hbm4b:s14+s1] =	stream.indirect.scatter @!p1 [tilespmem:s4], [sflag:$0x3], $0x1, s2, s1, $0xb8;
	[tilespmem:$0xA700] =	vst v63  }
0x283: {  	[smem:$0x1] =	sst s8;
	s5 =	simm.s32 @!p1 $0x3;
	s4 =	simm.s32 @!p1 $0xA580  }
0x284: {  	[hbm4b:s15+s1] =	stream.indirect.scatter @!p1 [tilespmem:s4], [sflag:$0x3], $0x1, s2, s1, $0xb8;
	[tilespmem:$0xA700] =	vst v63  }
0x285: {  	_ =	swait.ge @!p1 [sflag:s5], $0x10  }
0x286: {  	[sflag:s5] =	ssyncset.done @!p1 $0x0  }
0x287: {  	[sflag:s5] =	ssyncadd.s32 @!p1 $0xFFFFFFF0  }
0x288: {  	_ =	swait.ge @!p1 [sflag:s5], $0x10  }
0x289: {  	[sflag:s5] =	ssyncset.done @!p1 $0x0  }
0x28a: {  	[sflag:s5] =	ssyncadd.s32 @!p1 $0xFFFFFFF0  }
0x28b: {  	_ =	swait.ge @!p1 [sflag:s5], $0x10  }
0x28c: {  	[sflag:s5] =	ssyncset.done @!p1 $0x0  }
0x28d: {  	[sflag:s5] =	ssyncadd.s32 @!p1 $0xFFFFFFF0  }
0x28e: {  	_ =	swait.ge @!p1 [sflag:s5], $0x10  }
0x28f: {  	[sflag:s5] =	ssyncset.done @!p1 $0x0  }
.Ltmp25:
0x290: {  	[sflag:s5] =	ssyncadd.s32 @!p1 $0xFFFFFFF0;
	(pc) =	sbr.rel .LBB2_37-.Ltmp25, $4  }
0x291: {  	_ =	swait.ge @!p1 [sflag:s5], $0x10  }
0x292: {  	v6 =	vlaneseq.u32 @!p1;
	[sflag:s5] =	ssyncset.done @!p1 $0x0  }
0x293: {  	v6 =	vor.u32 @!p1 $0x4000, v6;
	s1 =	simm.s32 @!p1 $0x0;
	[sflag:s5] =	ssyncadd.s32 @!p1 $0xFFFFFFF0;
	s5 =	rddreg [dreg:$0x1c]  }
0x294: {  	s8 =	simm.s32 @!p1 $0x0;
	[tilespmem:$0xA600] =	vst @!p1 v6;
	[smem:$0x1] =	sst @!p1 s1  }
.LBB2_31:
.Ltmp26:
0x295: {  	(pc) =	sbr.rel .LBB2_36-.Ltmp26, $2  }
0x296: {  	_ =	sdelay $0x2  }
0x297: {  	_ = 	snop  }
.LBB2_33:
.Ltmp27:
0x298: {  	(pc) =	sbr.rel .LBB2_36-.Ltmp27, $2  }
0x299: {  	_ =	sdelay $0x2  }
0x29a: {  	s7 =	smov.u32 s1  }
.LBB2_38:
0x29b: {  	_ =	sfence.sel $0x180000  }
0x29c: {  	[bflag:$0x0] =	sbarrier.arrive $0xFFFF  }
0x29d: {  	_ =	strace $0x90000047  }
0x29e: {  	s0 =	stileid.u32;
	[bflag:$0x2] =	sbarrier.arrive $0xFFFF  }
0x29f: {  	p0 =	sne.s32 s0, $0x0;
	s0 =	rddreg [dreg:$0x4]  }
0x2a0: {  	s0 =	sadd.s32 @!p0 $0x100000, s0  }
0x2a1: {  	[sflag:s0] =	ssyncadd.tile.s32 @!p0 $0x1;
	_ =	shalt  }
.Lfunc_end2:
_tile_overlayer_lowered:
.L_overlay_start_2:
0x2a2: {  	(tag) =	ssettag $0x2  }
0x2a3: {  	s0 =	rddreg [dreg:$0x0];
	s2 =	stileid.u32  }
0x2a4: {  	s1 =	rddreg [dreg:$0x1];
	p0 =	sne.s32 s2, $0x0  }
0x2a5: {  	s3 =	rddreg [dreg:$0x2];
	[bflag:$0x3] =	sbarrier.arrive $0xFFFF;
	s2 =	simm.s32 @!p0 $0x1C06  }
0x2a6: {  	[timem:s3], [sflag:s2] =	dma.local @!p0 [hbm:s0], s1  }
0x2a7: {  	s0 =	simm.s32 @!p0 $0x6  }
0x2a8: {  	_ =	swait.ge @!p0 [sflag:s0], s1  }
0x2a9: {  	s1 =	ssub.s32 @!p0 $0x0, s1;
	[sflag:s0] =	ssyncset.done @!p0 $0x0  }
0x2aa: {  	[sflag:s0] =	ssyncadd.s32 @!p0 s1  }
0x2ab: {  	[bflag:$0x3] =	sbarrier.arrive $0xFFFF  }
0x2ac: {  	_ =	shalt  }

// kernel: kernel.9.cloned.1.call-start
scs
__scs_entry_jumppad:
0x0: {  	(pc) =	sbr.rel $0x88, $3  }
0x1: {  	(tag) =	ssettag $0x0;
	lr =	simm.s32 $0x1  }
0x2: {  	[smem:$0x3F9A] =	sst lr;
	_ =	strace $0xD0000000  }
0x3: {  	_ = 	snop  }
0x4: {  	_ = 	snop  }
0x5: {  	_ = 	snop  }
0x6: {  	_ = 	snop  }
0x7: {  	_ = 	snop  }
__scs_overlays_trampoline_lowered:
0x8: {  	[smem:$0x3FA9] =	sst s0  }
0x9: {  	[smem:$0x3FAA] =	sst s1  }
0xa: {  	[smem:$0x3FAB] =	sst s2  }
0xb: {  	[smem:$0x3FAC] =	sst s3  }
0xc: {  	[smem:$0x3FAD] =	sst s4  }
0xd: {  	[smem:$0x3FAE] =	sst s5  }
0xe: {  	[smem:$0x3FAF] =	sst s6  }
0xf: {  	[smem:$0x3FB0] =	sst s7  }
0x10: {  	[smem:$0x3FB1] =	sst s8  }
0x11: {  	[smem:$0x3FB2] =	sst s9;
	s0 =	simm.s32 @!p0 $0x0  }
0x12: {  	s1 =	sld [smem:$0x3F98];
	s0 =	simm.s32 @p0 $0x1  }
0x13: {  	[smem:$0x3FB3] =	sst s0;
	s0 =	simm.s32 @!p1 $0x0  }
0x14: {  	s2 =	sld [smem:$0x3F97];
	s0 =	simm.s32 @p1 $0x1  }
0x15: {  	[smem:$0x3FB4] =	sst s0;
	s0 =	simm.s32 @!p2 $0x0  }
0x16: {  	s3 =	sld [smem:$0x3FDB];
	s0 =	simm.s32 @p2 $0x1  }
0x17: {  	s4 =	simm.s32 $0x1BF5;
	[smem:$0x3FB6] =	sst s0  }
0x18: {  	s0 =	sld [smem:$0x3F99];
	_ =	swait.ge [sflag:s4], $0x0  }
0x19: {  	s7 =	sld [smem:$0x3F9A]  }
0x1a: {  	s8 =	sadd.s32 $0xFFFFE003, lr  }
0x1b: {  	s9 =	sadd.s32 $0xFFFFFEF7, lr;
	s5 =	simm.s32 $0xFFFFFFFF;
	p2 =	slt.u32 s8, $0xFFFFF086  }
0x1c: {  	p1 =	slt.u32 s9, $0xF7A;
	s5 =	simm.s32 @!p2 $0x0  }
0x1d: {  	s5 =	simm.s32 @p1 $0x1;
	p0 =	seq.s32 s7, s2  }
0x1e: {  	s7 =	smul.u32 @!p0 $0xF7A, s2;
	p2 =	seq.s32 @!p0 s5, $0x0  }
0x1f: {  	s9 =	smul.u32 $0xF7A, s1;
	s8 =	simm.s32 @!p0 $0x1BF5;
	p2 =	por !p2, p0  }
0x20: {  	[sflag:s8] =	ssyncset.s32 @!p0 $0xFFFFF086;
	s6 =	sadd.s32 @!p0 s3, s7;
	s7 =	simm.s32 @!p0 $0x108  }
0x21: {  	s3 =	sadd.s32 s3, s9;
	s6 =	sadd.s32 @!p0 $0x88, s6;
	s7 =	simm.s32 @p2 $0x1082  }
0x22: {  	[simem:s7], [sflag:s8] =	dma.local @!p0 [hbm:s6], $0xF7A  }
0x23: {  	s9 =	sor.u32 $0xD0000000, s2;
	s6 =	simm.s32 $0x108;
	_ =	swait.ge @!p0 [sflag:s8], $0x0  }
0x24: {  	s3 =	sadd.s32 $0x88, s3;
	s6 =	simm.s32 @!p1 $0x1082;
	[sflag:s4] =	ssyncset.s32 $0xFFFFF086  }
0x25: {  	[simem:s6], [sflag:s4] =	dma.local [hbm:s3], $0xF7A  }
0x26: {  	[smem:$0x3F9A] =	sst s1;
	(tag) =	ssettag s2;
	_ =	strace s9  }
0x27: {  	s1 =	sld [smem:$0x3FAA]  }
0x28: {  	s2 =	sld [smem:$0x3FAB]  }
0x29: {  	s4 =	sld [smem:$0x3FAD]  }
0x2a: {  	p0 =	seq.s32 s5, $0x0;
	s5 =	sld [smem:$0x3FAE]  }
0x2b: {  	s6 =	sld [smem:$0x3FAF]  }
0x2c: {  	s7 =	sld [smem:$0x3FB0]  }
0x2d: {  	s3 =	simm.s32 $0x108;
	s8 =	sld [smem:$0x3FB1]  }
0x2e: {  	s3 =	simm.s32 @!p0 $0x1082;
	s9 =	sld [smem:$0x3FB2]  }
0x2f: {  	lr =	sadd.s32 s0, s3;
	s0 =	sld [smem:$0x3FA9]  }
0x30: {  	s3 =	sld [smem:$0x3FAC]  }
0x31: {  	[smem:$0x3FB5] =	sst s10  }
0x32: {  	s10 =	sld [smem:$0x3FB3];
	_ =	sdelay $0x3  }
0x33: {  	p0 =	seq.s32 s10, $0x1;
	s10 =	sld [smem:$0x3FB5];
	_ =	sdelay $0x3  }
0x34: {  	[smem:$0x3FB5] =	sst s10  }
0x35: {  	s10 =	sld [smem:$0x3FB4];
	_ =	sdelay $0x3  }
0x36: {  	p1 =	seq.s32 s10, $0x1;
	s10 =	sld [smem:$0x3FB5];
	_ =	sdelay $0x3  }
0x37: {  	[smem:$0x3FB5] =	sst s10  }
0x38: {  	s10 =	sld [smem:$0x3FB6]  }
0x39: {  	_ = 	snop;
	(pc) =	sbr.ind lr, $3  }
0x3a: {  	_ = 	snop  }
0x3b: {  	_ = 	snop  }
0x3c: {  	p2 =	seq.s32 s10, $0x1;
	s10 =	sld [smem:$0x3FB5]  }
0x3d: {  	_ =	shalt  }
0x3e: {  	_ =	shalt  }
0x3f: {  	_ =	shalt  }
0x40: {  	_ =	shalt  }
0x41: {  	_ =	shalt  }
0x42: {  	_ =	shalt  }
0x43: {  	_ =	shalt  }
0x44: {  	_ =	shalt  }
0x45: {  	_ =	shalt  }
0x46: {  	_ =	shalt  }
0x47: {  	_ =	shalt  }
0x48: {  	_ =	shalt  }
0x49: {  	_ =	shalt  }
0x4a: {  	_ =	shalt  }
0x4b: {  	_ =	shalt  }
0x4c: {  	_ =	shalt  }
0x4d: {  	_ =	shalt  }
0x4e: {  	_ =	shalt  }
0x4f: {  	_ =	shalt  }
0x50: {  	_ =	shalt  }
0x51: {  	_ =	shalt  }
0x52: {  	_ =	shalt  }
0x53: {  	_ =	shalt  }
0x54: {  	_ =	shalt  }
0x55: {  	_ =	shalt  }
0x56: {  	_ =	shalt  }
0x57: {  	_ =	shalt  }
0x58: {  	_ =	shalt  }
0x59: {  	_ =	shalt  }
0x5a: {  	_ =	shalt  }
0x5b: {  	_ =	shalt  }
0x5c: {  	_ =	shalt  }
0x5d: {  	_ =	shalt  }
0x5e: {  	_ =	shalt  }
0x5f: {  	_ =	shalt  }
0x60: {  	_ =	shalt  }
0x61: {  	_ =	shalt  }
0x62: {  	_ =	shalt  }
0x63: {  	_ =	shalt  }
0x64: {  	_ =	shalt  }
0x65: {  	_ =	shalt  }
0x66: {  	_ =	shalt  }
0x67: {  	_ =	shalt  }
0x68: {  	_ =	shalt  }
0x69: {  	_ =	shalt  }
0x6a: {  	_ =	shalt  }
0x6b: {  	_ =	shalt  }
0x6c: {  	_ =	shalt  }
0x6d: {  	_ =	shalt  }
0x6e: {  	_ =	shalt  }
0x6f: {  	_ =	shalt  }
0x70: {  	_ =	shalt  }
0x71: {  	_ =	shalt  }
0x72: {  	_ =	shalt  }
0x73: {  	_ =	shalt  }
0x74: {  	_ =	shalt  }
0x75: {  	_ =	shalt  }
0x76: {  	_ =	shalt  }
0x77: {  	_ =	shalt  }
0x78: {  	_ =	shalt  }
0x79: {  	_ =	shalt  }
0x7a: {  	_ =	shalt  }
0x7b: {  	_ =	shalt  }
0x7c: {  	_ =	shalt  }
0x7d: {  	_ =	shalt  }
0x7e: {  	_ =	shalt  }
0x7f: {  	_ =	shalt  }
0x80: {  	_ =	shalt  }
0x81: {  	_ =	shalt  }
0x82: {  	_ =	shalt  }
0x83: {  	_ =	shalt  }
0x84: {  	_ =	shalt  }
0x85: {  	_ =	shalt  }
0x86: {  	_ =	shalt  }
0x87: {  	_ =	shalt  }
.Lfunc_end0:
.L_simem_size_0:
called_computation.1_lowered:
.L_overlay_start_0:
0x88: {  	s2 =	sld [smem:$0x3FD9]  }
0x89: {  	s3 =	sld [smem:$0x3FFE];
	_ =	sdelay $0x1  }
0x8a: {  	s1 =	srdreg.scid  }
0x8b: {  	s0 =	sand.u32 $0x1, s1  }
0x8c: {  	s14 =	sshll.u32 s0, $0xA;
	s2 =	sadd.s32 s3, s2  }
0x8d: {  	s2 =	sadd.s32 s2, s14  }
0x8e: {  	[smem:$0x3FC1] =	sst s2  }
0x8f: {  	_ = 	snop  }
0x90: {  	s2 =	sld [smem:$0x3FD0];
	_ =	sdelay $0x2  }
0x91: {  	s15 =	simm.s32 $0xA;
	s4 =	simm.s32 $0x10  }
0x92: {  	[smem:s4], [sflag:s15] =	dma.local [hbm:s2], $0x1  }
0x93: {  	_ =	swait.eq [sflag:s15], $0x1  }
0x94: {  	[sflag:s15] =	ssyncset.done $0x0  }
0x95: {  	s16 =	sld [smem:$0x10];
	[sflag:s15] =	ssyncadd.s32 $0xFFFFFFFF  }
0x96: {  	s17 =	sld [smem:$0x14];
	(tm) =	ssettm $0x1  }
0x97: {  	s18 =	sld [smem:$0x3FFB];
	_ =	sdelay $0x3  }
0x98: {  	_ =	strace s18  }
0x99: {  	s4 =	sld [smem:$0x3FFC];
	_ =	sdelay $0x3  }
0x9a: {  	_ =	strace s4  }
0x9b: {  	s4 =	sld [smem:$0x3FFD];
	_ =	sdelay $0x3  }
0x9c: {  	_ =	strace s4  }
0x9d: {  	_ =	strace $0x8FFFFFFF  }
0x9e: {  	s19 =	sld [smem:$0x3FDB];
	_ =	sdelay $0x1  }
0x9f: {  	s5 =	simm.s32 $_scs_section_size  }
0xa0: {  	s6 =	simm.s32 $_size__tile_overlayer_lowered;
	s7 =	simm.s32 $_tile_overlayer_lowered  }
0xa1: {  	s22 =	simm.s32 $0x1BFF;
	s21 =	sshll.u32 s7, $0x1;
	s4 =	sadd.s32 s5, s19  }
0xa2: {  	s8 =	simm.s32 $0x0;
	s20 =	sshll.u32 s6, $0x1;
	s6 =	sadd.s32 s21, s4  }
0xa3: {  	[timem:s8], [sflag:s22] =	dma.local [hbm:s6], s20  }
0xa4: {  	_ =	swait.ge [sflag:s22], s20  }
0xa5: {  	s5 =	ssub.s32 $0x0, s20;
	[sflag:s22] =	ssyncset.done $0x0  }
0xa6: {  	[sflag:s22] =	ssyncadd.s32 s5;
	_ =	sdelay $0x1  }
0xa7: {  	s23 =	simm.s32 $0x1B8B  }
0xa8: {  	_ =	swait.ge [sflag:s23], $0x1  }
0xa9: {  	[sflag:s23] =	ssyncset.done $0x0  }
0xaa: {  	s25 =	simm.s32 $0x1B8E;
	s24 =	sld [smem:$0x3FFE];
	[sflag:s23] =	ssyncadd.s32 $0xFFFFFFFF  }
0xab: {  	s26 =	simm.s32 $execute0_lowered;
	[smem:$0x3FD2] =	sst s25  }
0xac: {  	s6 =	sshll.u32 s26, $0x1;
	_ =	strace $0x80000049;
	[dreg:$0x1] =	wrdreg $0xFFFFFFFF  }
0xad: {  	s28 =	simm.s32 $_size_execute0_lowered;
	s4 =	sadd.s32 s4, s6;
	[dreg:$0x0] =	wrdreg $0x0  }
0xae: {  	s6 =	sshll.u32 s28, $0x1;
	[dreg:$0x2] =	wrdreg s4  }
0xaf: {  	[dreg:$0x3] =	wrdreg s6  }
0xb0: {  	[dreg:$0x4] =	wrdreg $0xC0  }
0xb1: {  	_ =	task [dreg:s8], $0x5FFFF  }
0xb2: {  	[dreg:$0x1] =	wrdreg $0xFFFFFFFF  }
0xb3: {  	[dreg:$0x0] =	wrdreg $0x60  }
0xb4: {  	[dreg:$0x2] =	wrdreg s17  }
0xb5: {  	[dreg:$0x3] =	wrdreg s24  }
0xb6: {  	[dreg:$0x4] =	wrdreg s16  }
0xb7: {  	[dreg:$0x5] =	wrdreg $0x9  }
0xb8: {  	_ =	task.clear_ibuf [dreg:s8], $0x6FFFF;
	_ =	strace $0x90000049  }
0xb9: {  	s29 =	simm.s32 $0x9;
	_ =	strace $0x8000004B  }
0xba: {  	_ =	swait.ge [sflag:s29], $0x1  }
0xbb: {  	[sflag:s29] =	ssyncadd.s32 $0xFFFFFFFF  }
0xbc: {  	_ =	strace $0x9000004B  }
0xbd: {  	_ =	sfence  }
0xbe: {  	s30 =	sld [smem:$0x0];
	_ =	sdelay $0x2  }
0xbf: {  	s31 =	sshll.u32 s1, $0xD;
	s1 =	sshrl.u32 s1, $0x2  }
0xc0: {  	s3 =	sand.u32 $0x4000, s31;
	s1 =	sadd.s32 s1, s30  }
0xc1: {  	s0 =	sor.u32 s3, s0;
	s1 =	sshll.u32 s1, $0x11  }
0xc2: {  	s0 =	sor.u32 s1, s0  }
0xc3: {  	s0 =	sadd.s32 $0x8F2B, s0  }
0xc4: {  	[sflag:s0] =	ssyncadd.remote.s32 $0x1  }
0xc5: {  	_ =	sfence.sel $0xFFFF  }
0xc6: {  	[dreg:$0x0] =	wrdreg $0xFFFFFFFF;
	(pc) =	sbr.abs _section_cstart, $3  }
0xc7: {  	[dreg:$0x1] =	wrdreg $0xFFFFFFFF  }
0xc8: {  	_ =	task.clear_ibuf [dreg:s8], $0x2FFFF;
	_ =	strace $0x9FFFFFFF  }
0xc9: {  	(tm) =	ssettm $0x7FFFFFFF  }
tec
execute0_lowered:
.L_overlay_start_1:
0x0: {  	(tag) =	ssettag $0x1  }
0x1: {  	s0 =	srdreg.scid  }
0x2: {  	s8 =	sand.u32 $0x1, s0;
	s0 =	stileid.u32  }
0x3: {  	s4 =	sshll.u32 s0, $0x1;
	s5 =	ssub.s32 $0x0, s8  }
0x4: {  	p0 =	sne.s32 s4, s5  }
.Ltmp0:
0x5: {  	_ = 	snop;
	(pc) =	sbr.rel @p0 .LBB2_5-.Ltmp0, $4  }
0x6: {  	s1 =	rddreg [dreg:$0x0]  }
0x7: {  	s13 =	rddreg [dreg:$0x1]  }
0x8: {  	s3 =	rddreg [dreg:$0x2]  }
0x9: {  	s2 =	rddreg [dreg:$0x3];
	_ =	strace $0x8000004A  }
0xa: {  	s4 =	sadd.s32 $0xC3E00, s13;
	s5 =	sadd.s32 $0xC4800, s13  }
0xb: {  	s6 =	sadd.s32 $0xC5200, s13;
	s7 =	sadd.s32 $0xC5C00, s13;
	s12 =	ssub.s32 $0x2, s8  }
0xc: {  	s8 =	sadd.s32 $0xC6600, s13;
	s9 =	sadd.s32 $0x5C00, s13;
	s10 =	sadd.s32 $0x3E00, s13  }
0xd: {  	s11 =	sadd.s32 $0x4800, s13;
	v0 =	vimm.s32 $0x5040302;
	s15 =	simm.s32 $0x0;
	s16 =	simm.s32 $0x1  }
0xe: {  	v1 =	vimm.s32 $0xC0B0A09;
	s17 =	simm.s32 $0x4080;
	s18 =	simm.s32 $0x8100;
	s19 =	simm.s32 $0xC180  }
0xf: {  	s20 =	simm.s32 $0x10200;
	s21 =	simm.s32 $0x14280;
	s14 =	sshrl.u32 s12, $0x1;
	v2 =	vunpack.c.0.s8.s32 v0;
	v3 =	vunpack.c.0.s8.s32 v1  }
0x10: {  	vm0 =	vcmask $0xF00;
	s22 =	simm.s32 $0x15280;
	s23 =	simm.s32 $0x0;
	v0 =	vlaneseq.u32;
	v1 =	vimm.s32 $0x0;
	s14 =	ssub.s32 s12, s14  }
0x11: {  	s12 =	sadd.s32 $0x5200, s13;
	s13 =	sadd.s32 $0x6600, s13;
	s14 =	smax.u32 s14, $0x1;
	v2 =	vnsel vm0, $0x0, v2;
	v3 =	vnsel vm0, $0x0, v3;
	vm0 =	vmmov $0x1  }
.LBB2_2:
0x12: {  	[tilespmem:s15], [sflag:$0x1] =	stream.linear.gather [hbm4b:s4+s15], $0x4080, $0x38;
	[tilespmem:$0x15300] =	vst v63  }
0x13: {  	_ =	swait.ge [sflag:s16], $0x4080  }
0x14: {  	[sflag:s16] =	ssyncset.done $0x0  }
0x15: {  	[sflag:s16] =	ssyncadd.s32 $0xFFFFBF80  }
0x16: {  	[tilespmem:s17], [sflag:$0x1] =	stream.linear.gather [hbm4b:s5+s15], $0x4080, $0x38;
	[tilespmem:$0x15300] =	vst v63  }
0x17: {  	_ =	swait.ge [sflag:s16], $0x4080  }
0x18: {  	[sflag:s16] =	ssyncset.done $0x0  }
0x19: {  	[sflag:s16] =	ssyncadd.s32 $0xFFFFBF80  }
0x1a: {  	[tilespmem:s18], [sflag:$0x1] =	stream.linear.gather [hbm4b:s6+s15], $0x4080, $0x38;
	[tilespmem:$0x15300] =	vst v63  }
0x1b: {  	_ =	swait.ge [sflag:s16], $0x4080  }
0x1c: {  	[sflag:s16] =	ssyncset.done $0x0  }
0x1d: {  	[sflag:s16] =	ssyncadd.s32 $0xFFFFBF80  }
0x1e: {  	[tilespmem:s19], [sflag:$0x1] =	stream.linear.gather [hbm4b:s7+s15], $0x4080, $0x38;
	[tilespmem:$0x15300] =	vst v63  }
0x1f: {  	_ =	swait.ge [sflag:s16], $0x4080  }
0x20: {  	[sflag:s16] =	ssyncset.done $0x0  }
0x21: {  	[sflag:s16] =	ssyncadd.s32 $0xFFFFBF80  }
0x22: {  	[tilespmem:s20], [sflag:$0x1] =	stream.linear.gather [hbm4b:s8+s15], $0x4080, $0x38;
	[tilespmem:$0x15300] =	vst v63  }
0x23: {  	v4 =	vmov s15;
	_ =	swait.ge [sflag:s16], $0x4080  }
0x24: {  	v5 =	vshll.u32 v4, $0x7;
	[sflag:s16] =	ssyncset.done $0x0  }
0x25: {  	v6 =	vor.u32 v0, v5;
	[sflag:s16] =	ssyncadd.s32 $0xFFFFBF80  }
0x26: {  	[tilespmem:s21], [sflag:$0x1] =	stream.linear.gather [hbm4b:s1+s15], $0x1000, $0x38;
	[tilespmem:$0x15300] =	vst v63  }
0x27: {  	_ =	swait.ge [sflag:s16], $0x1000  }
0x28: {  	[sflag:s16] =	ssyncset.done $0x0  }
0x29: {  	[sflag:s16] =	ssyncadd.s32 $0xFFFFF000  }
0x2a: {  	v6 =	vld.idx.msk [tilespmem:v6+s21+$0x0], $0xffff;
	_ =	sdelay $0x2  }
0x2b: {  	v7 =	vor.u32 v2, v5;
	_ =	sdelay $0x1  }
0x2c: {  	v8 =	vmul.f32 $1.442695020e+00, v6;
	v9 =	vtrunc.f32 v6  }
0x2d: {  	v9 =	vcvt.f32.s32 v9  }
0x2e: {  	vm1 =	vgt.f32 v6, $5.000000000e-01;
	(erf) = vpow2.f32 v8  }
0x2f: {  	v6 =	vld.idx.msk [tilespmem:v7+s21+$0x0], $0xffff;
	v7 =	vsel vm1, $0x1, v1;
	(v2sf) =	vpush v9, $0x7  }
0x30: {  	v8 =	vbroadcast v7, $0x0;
	v10 =	vbroadcast v7, $0x1;
	(v2sf) =	vpush v9, $0x8;
	_ =	sdelay $0x1  }
0x31: {  	v5 =	vor.u32 v3, v5;
	v8 =	vand.u32 $0x1, v8;
	v9 =	vand.u32 $0x1, v10  }
0x32: {  	v10 =	vimm.f32 $1.000000000e+00;
	vm2 =	veq.s32 v8, $0x1;
	vm3 =	veq.s32 v9, $0x1  }
0x33: {  	v6 =	vmul.f32 v6, v10;
	v8 =	vimm.f32 $0.0e+00;
	vm4 =	vmand vm2, vm3  }
0x34: {  	vm1 =	vmand vm4, vm0  }
0x35: {  	v11 =	vmov s15;
	v6 =	vnsel vm2, $0x0, v6  }
0x36: {  	v5 =	vld.idx.msk [tilespmem:v5+s21+$0x0], $0xffff;
	v7 =	vbroadcast v7, $0x7;
	v9 =	vnsel vm2, $0x3F800000, v10;
	v6 =	vadd.f32 v6, v8;
	v8 =	vpop (erf)  }
0x37: {  	vm3 =	vmneg vm3;
	v9 =	vbroadcast v9, $0x0;
	v12 =	vbroadcast v8, $0x6  }
0x38: {  	s24 =	simm.s32 $0x1;
	v7 =	vand.u32 $0x1, v7;
	vm2 =	vmand vm2, vm3;
	v13 =	vbroadcast v6, $0x0  }
0x39: {  	vm3 =	veq.s32 v7, $0x1;
	[tilespmem:v4+s22+$0x0] =	vst.idx.msk $0x1, v9;
	v4 =	vmov s24;
	v7 =	vmul.f32 v12, v10  }
0x3a: {  	v9 =	vsel vm4, $0x0, v6;
	v61 =	vbroadcast v6, $0x1;
	v62 =	vshll.u32 v4, $0x7;
	[tilespmem:v11+s15+$0x0] =	vst.idx.msk vm1, v13  }
0x3b: {  	v14 =	vbroadcast v6, $0x2;
	v5 =	vsel vm3, v5, v9;
	v9 =	vor.u32 v0, v62;
	[tilespmem:v11+s17+$0x0] =	vst.idx.msk vm1, v7  }
0x3c: {  	v63 =	vbroadcast v6, $0x3;
	v15 =	vbroadcast v8, $0xD;
	[tilespmem:v11+s18+$0x0] =	vst.idx.msk vm1, v61  }
0x3d: {  	s25 =	simm.s32 $0x2;
	v8 =	vor.u32 v2, v62;
	v6 =	vsel vm2, v7, v10;
	[tilespmem:v11+s19+$0x0] =	vst.idx.msk vm1, v14;
	s31 =	spop (v2sf)  }
0x3e: {  	s24 =	simm.s32 $0x0;
	v7 =	vor.u32 v3, v62;
	v6 =	vsel vm3, v15, v6;
	[tilespmem:v11+s20+$0x0] =	vst.idx.msk vm1, v63;
	p1 =	seq.s32 s31, $0x1;
	s26 =	spop (v2sf)  }
.LBB2_3:
0x3f: {  	p0 =	sne.s32 s25, $0x1F  }
0x40: {  	v9 =	vld.idx.msk [tilespmem:v9+s21+$0x0], $0xffff;
	s24 =	smov.u32 @p1 s26;
	s26 =	smov.u32 s25;
	s25 =	sadd.s32 $0x1, s25  }
0x41: {  	_ =	sdelay $0x3  }
0x42: {  	v8 =	vld.idx.msk [tilespmem:v8+s21+$0x0], $0xffff  }
0x43: {  	v10 =	vmul.f32 $1.442695020e+00, v9;
	vm1 =	vgt.f32 v9, $5.000000000e-01;
	v9 =	vtrunc.f32 v9  }
0x44: {  	v11 =	vsel vm1, $0x1, v1;
	v9 =	vcvt.f32.s32 v9  }
0x45: {  	v12 =	vbroadcast v11, $0x0;
	(erf) = vpow2.f32 v10  }
0x46: {  	v10 =	vbroadcast v11, $0x1;
	v11 =	vbroadcast v11, $0x7;
	(v2sf) =	vpush v9, $0x7  }
0x47: {  	v12 =	vand.u32 $0x1, v12;
	(v2sf) =	vpush v9, $0x8  }
0x48: {  	v9 =	vand.u32 $0x1, v10;
	v10 =	vand.u32 $0x1, v11;
	v8 =	vmul.f32 v8, v6;
	v7 =	vld.idx.msk [tilespmem:v7+s21+$0x0], $0xffff  }
0x49: {  	vm2 =	veq.s32 v12, $0x1;
	vm1 =	veq.s32 v9, $0x1  }
0x4a: {  	v9 =	vnsel vm2, $0x3F800000, v6;
	v8 =	vnsel vm2, $0x0, v8;
	vm3 =	vmand vm2, vm1  }
0x4b: {  	v9 =	vbroadcast v9, $0x0;
	vm4 =	vmneg vm1;
	v11 =	vadd.f32 v8, v5  }
0x4c: {  	vm1 =	vmand vm3, vm0;
	vm2 =	vmand vm2, vm4  }
0x4d: {  	vm4 =	veq.s32 v10, $0x1;
	v10 =	vmov s24;
	v5 =	vsel vm3, $0x0, v11  }
0x4e: {  	v5 =	vsel vm4, v7, v5;
	v7 =	vpop (erf)  }
0x4f: {  	v8 =	vbroadcast v7, $0x6  }
0x50: {  	v12 =	vmov s26;
	v13 =	vbroadcast v11, $0x0  }
0x51: {  	v14 =	vshll.u32 v12, $0x7;
	[tilespmem:v4+s22+$0x0] =	vst.idx.msk $0x1, v9;
	v15 =	vmul.f32 v8, v6;
	v4 =	vmov v12  }
.Ltmp1:
0x52: {  	v9 =	vor.u32 v0, v14;
	v12 =	vbroadcast v11, $0x1;
	[tilespmem:v10+s15+$0x0] =	vst.idx.msk vm1, v13;
	v13 =	vbroadcast v7, $0xD;
	(pc) =	sbr.rel @p0 .LBB2_3-.Ltmp1, $4  }
0x53: {  	v16 =	vbroadcast v11, $0x2;
	v8 =	vor.u32 v2, v14;
	[tilespmem:v10+s17+$0x0] =	vst.idx.msk vm1, v15;
	v6 =	vsel vm2, v15, v6  }
0x54: {  	v11 =	vbroadcast v11, $0x3;
	v7 =	vor.u32 v3, v14;
	[tilespmem:v10+s18+$0x0] =	vst.idx.msk vm1, v12;
	v6 =	vsel vm4, v13, v6  }
0x55: {  	[tilespmem:v10+s19+$0x0] =	vst.idx.msk vm1, v16;
	s26 =	spop (v2sf)  }
0x56: {  	[tilespmem:v10+s20+$0x0] =	vst.idx.msk vm1, v11;
	p1 =	seq.s32 s26, $0x1;
	s26 =	spop (v2sf)  }
0x57: {  	_ =	sdelay $0x3  }
0x58: {  	v7 =	vld.idx.msk [tilespmem:v9+s21+$0x0], $0xffff;
	_ =	sdelay $0x4  }
0x59: {  	v9 =	vmul.f32 $1.442695020e+00, v7;
	v10 =	vtrunc.f32 v7  }
0x5a: {  	v10 =	vcvt.f32.s32 v10  }
0x5b: {  	vm1 =	vgt.f32 v7, $5.000000000e-01;
	(erf) = vpow2.f32 v9  }
0x5c: {  	v57 =	vld.idx.msk [tilespmem:v8+s21+$0x0], $0xffff;
	v58 =	vsel vm1, $0x1, v1;
	(v2sf) =	vpush v10, $0x7  }
0x5d: {  	v59 =	vbroadcast v58, $0x0;
	v8 =	vbroadcast v58, $0x1;
	(v2sf) =	vpush v10, $0x8;
	_ =	sdelay $0x1  }
0x5e: {  	v9 =	vand.u32 $0x1, v59;
	v8 =	vand.u32 $0x1, v8  }
0x5f: {  	vm1 =	veq.s32 v9, $0x1;
	vm2 =	veq.s32 v8, $0x1  }
0x60: {  	v7 =	vmul.f32 v57, v6;
	vm2 =	vmand vm1, vm2  }
0x61: {  	s24 =	smov.u32 @p1 s26;
	vm2 =	vmand vm2, vm0  }
0x62: {  	v60 =	vmov s24;
	v7 =	vnsel vm1, $0x0, v7  }
0x63: {  	v9 =	vnsel vm1, $0x3F800000, v6;
	v5 =	vadd.f32 v7, v5;
	v61 =	vpop (erf)  }
0x64: {  	v9 =	vbroadcast v9, $0x0;
	v7 =	vbroadcast v61, $0x6  }
0x65: {  	v62 =	vbroadcast v5, $0x0  }
0x66: {  	[tilespmem:v4+s22+$0x0] =	vst.idx.msk $0x1, v9;
	v4 =	vmul.f32 v7, v6  }
0x67: {  	v63 =	vbroadcast v5, $0x1;
	[tilespmem:v60+s15+$0x0] =	vst.idx.msk vm2, v62  }
0x68: {  	[tilespmem:v60+s17+$0x0] =	vst.idx.msk vm2, v4;
	v4 =	vbroadcast v5, $0x2  }
0x69: {  	v5 =	vbroadcast v5, $0x3;
	[tilespmem:v60+s18+$0x0] =	vst.idx.msk vm2, v63  }
0x6a: {  	[tilespmem:v60+s19+$0x0] =	vst.idx.msk vm2, v4;
	s30 =	spop (v2sf)  }
0x6b: {  	[tilespmem:v60+s20+$0x0] =	vst.idx.msk vm2, v5;
	s31 =	spop (v2sf)  }
0x6c: {  	[hbm4b:s9+s15] =	stream.linear.scatter [tilespmem:s15], [sflag:$0x1], $0x4080, $0x38;
	[tilespmem:$0x15300] =	vst v63  }
0x6d: {  	_ =	swait.ge [sflag:s16], $0x4080  }
0x6e: {  	[sflag:s16] =	ssyncset.done $0x0  }
0x6f: {  	[sflag:s16] =	ssyncadd.s32 $0xFFFFBF80  }
0x70: {  	[hbm4b:s3+s15] =	stream.linear.scatter [tilespmem:s17], [sflag:$0x1], $0x4080, $0x38;
	[tilespmem:$0x15300] =	vst v63  }
0x71: {  	_ =	swait.ge [sflag:s16], $0x4080  }
0x72: {  	[sflag:s16] =	ssyncset.done $0x0  }
0x73: {  	[sflag:s16] =	ssyncadd.s32 $0xFFFFBF80  }
0x74: {  	[hbm4b:s10+s15] =	stream.linear.scatter [tilespmem:s18], [sflag:$0x1], $0x4080, $0x38;
	[tilespmem:$0x15300] =	vst v63  }
0x75: {  	_ =	swait.ge [sflag:s16], $0x4080  }
0x76: {  	[sflag:s16] =	ssyncset.done $0x0  }
0x77: {  	[sflag:s16] =	ssyncadd.s32 $0xFFFFBF80  }
0x78: {  	[hbm4b:s11+s15] =	stream.linear.scatter [tilespmem:s19], [sflag:$0x1], $0x4080, $0x38;
	[tilespmem:$0x15300] =	vst v63  }
0x79: {  	_ =	swait.ge [sflag:s16], $0x4080  }
0x7a: {  	[sflag:s16] =	ssyncset.done $0x0  }
0x7b: {  	[sflag:s16] =	ssyncadd.s32 $0xFFFFBF80  }
0x7c: {  	[hbm4b:s12+s15] =	stream.linear.scatter [tilespmem:s20], [sflag:$0x1], $0x4080, $0x38;
	[tilespmem:$0x15300] =	vst v63  }
0x7d: {  	s23 =	sadd.s32 $0x1, s23;
	_ =	swait.ge [sflag:s16], $0x4080  }
0x7e: {  	p0 =	sne.s32 s23, s14;
	[sflag:s16] =	ssyncset.done $0x0  }
.Ltmp2:
0x7f: {  	[sflag:s16] =	ssyncadd.s32 $0xFFFFBF80;
	(pc) =	sbr.rel @p0 .LBB2_2-.Ltmp2, $4  }
0x80: {  	[hbm4b:s13+s15] =	stream.linear.scatter [tilespmem:s22], [sflag:$0x1], $0x80, $0x38;
	[tilespmem:$0x15300] =	vst v63  }
0x81: {  	_ =	swait.ge [sflag:s16], $0x80  }
0x82: {  	[sflag:s16] =	ssyncset.done $0x0  }
0x83: {  	[sflag:s16] =	ssyncadd.s32 $0xFFFFFF80  }
.LBB2_5:
0x84: {  	_ =	sfence.sel $0x180000  }
0x85: {  	[bflag:$0x0] =	sbarrier.arrive $0xFFFF  }
0x86: {  	p0 =	sne.s32 s0, $0x0;
	_ =	strace $0x9000004A  }
0x87: {  	s0 =	sadd.s32 @!p0 $0x100000, s2;
	[bflag:$0x2] =	sbarrier.arrive $0xFFFF  }
0x88: {  	[sflag:s0] =	ssyncadd.tile.s32 @!p0 $0x1;
	_ =	shalt  }
.Lfunc_end2:
_tile_overlayer_lowered:
.L_overlay_start_2:
0x89: {  	(tag) =	ssettag $0x2  }
0x8a: {  	s0 =	rddreg [dreg:$0x0];
	s2 =	stileid.u32  }
0x8b: {  	s1 =	rddreg [dreg:$0x1];
	p0 =	sne.s32 s2, $0x0  }
0x8c: {  	s3 =	rddreg [dreg:$0x2];
	[bflag:$0x3] =	sbarrier.arrive $0xFFFF;
	s2 =	simm.s32 @!p0 $0x1C01  }
0x8d: {  	[timem:s3], [sflag:s2] =	dma.local @!p0 [hbm:s0], s1  }
0x8e: {  	s0 =	simm.s32 @!p0 $0x1  }
0x8f: {  	_ =	swait.ge @!p0 [sflag:s0], s1  }
0x90: {  	s1 =	ssub.s32 @!p0 $0x0, s1;
	[sflag:s0] =	ssyncset.done @!p0 $0x0  }
0x91: {  	[sflag:s0] =	ssyncadd.s32 @!p0 s1  }
0x92: {  	[bflag:$0x3] =	sbarrier.arrive $0xFFFF  }
0x93: {  	_ =	shalt  }

</sc_bundles>
